<compile_context>
chip_gen: v7x
topology: tpu7x:2x2x1
jax: 0.10.2.dev20260603
libtpu: 0.0.44.dev20260713+nightly
codegen_flags: <defaults>
</compile_context>

<pallas_src>
import functools

import jax
import jax.numpy as jnp
from jax import lax
from jax.experimental import pallas as pl
from jax.experimental.pallas import tpu as pltpu
from jax.experimental.pallas import tpu_sc as plsc

F32 = jnp.float32


def _silu(v):
    return v * jax.nn.sigmoid(v)




def _matmul_bias(x, w, b, block_rows):
    m, k = x.shape
    h = w.shape[1]
    grid = m // block_rows

    def body(x_ref, w_ref, b_ref, o_ref):
        o_ref[...] = (
            jnp.dot(x_ref[...], w_ref[...], preferred_element_type=F32)
            + b_ref[...]
        )

    return pl.pallas_call(
        body,
        grid=(grid,),
        in_specs=[
            pl.BlockSpec((block_rows, k), lambda i: (i, 0)),
            pl.BlockSpec((k, h), lambda i: (0, 0)),
            pl.BlockSpec((1, h), lambda i: (0, 0)),
        ],
        out_specs=pl.BlockSpec((block_rows, h), lambda i: (i, 0)),
        out_shape=jax.ShapeDtypeStruct((m, h), F32),
    )(x, w, b.reshape(1, -1))


def _node_mlp(h, agg2, scale_row, w1, b1, w2, b2, w3, b3, block_rows):
    m, hh = h.shape
    grid = m // block_rows
    apply_out = w3 is not None

    def body(h_ref, a0_ref, a1_ref, s_ref, w1_ref, b1_ref, w2_ref, b2_ref,
             *rest):
        o_ref = rest[-1]
        z = h_ref[...] * s_ref[...] + a0_ref[...] + a1_ref[...]
        t = jnp.dot(z, w1_ref[...], preferred_element_type=F32) + b1_ref[...]
        t = _silu(t)
        u = jnp.dot(t, w2_ref[...], preferred_element_type=F32) + b2_ref[...]
        u = _silu(u)
        if apply_out:
            u = (jnp.dot(u, rest[0][...], preferred_element_type=F32)
                 + rest[1][...])
        o_ref[...] = u

    in_specs = [
        pl.BlockSpec((block_rows, hh), lambda i: (i, 0)),
        pl.BlockSpec((block_rows, hh), lambda i: (i, 0)),
        pl.BlockSpec((block_rows, hh), lambda i, g=grid: (i + g, 0)),
        pl.BlockSpec((1, hh), lambda i: (0, 0)),
        pl.BlockSpec((hh, hh), lambda i: (0, 0)),
        pl.BlockSpec((1, hh), lambda i: (0, 0)),
        pl.BlockSpec((hh, hh), lambda i: (0, 0)),
        pl.BlockSpec((1, hh), lambda i: (0, 0)),
    ]
    args = [h, agg2, agg2, scale_row, w1, b1.reshape(1, -1), w2,
            b2.reshape(1, -1)]
    if apply_out:
        in_specs += [
            pl.BlockSpec((hh, hh), lambda i: (0, 0)),
            pl.BlockSpec((1, hh), lambda i: (0, 0)),
        ]
        args += [w3, b3.reshape(1, -1)]

    return pl.pallas_call(
        body,
        grid=(grid,),
        in_specs=in_specs,
        out_specs=pl.BlockSpec((block_rows, hh), lambda i: (i, 0)),
        out_shape=jax.ShapeDtypeStruct((m, hh), F32),
    )(*args)


def _predictor(hs, he, hagg2, pp_w1, pp_b1, pp_w2, pp_b2,
               pr_w1, pr_b1, pr_w2, pr_b2, pr_w3p, pr_b3p):
    g, hh = hs.shape

    def body(hs_ref, he_ref, hagg_ref, pw1, pb1, pw2, pb2,
             rw1, rb1, rw2, rb2, rw3, rb3, o_ref):
        hagg = hagg_ref[:g, :] + hagg_ref[g:, :]
        a = jnp.concatenate([hs_ref[...], he_ref[...]], axis=1)
        b = jnp.concatenate([he_ref[...], hs_ref[...]], axis=1)

        def pp(v):
            t = _silu(jnp.dot(v, pw1[...], preferred_element_type=F32)
                      + pb1[...])
            return jnp.dot(t, pw2[...], preferred_element_type=F32) + pb2[...]

        h_bond = pp(a) + pp(b)
        hout = jnp.concatenate([h_bond, hagg], axis=1)
        t = _silu(jnp.dot(hout, rw1[...], preferred_element_type=F32)
                  + rb1[...])
        t = _silu(jnp.dot(t, rw2[...], preferred_element_type=F32)
                  + rb2[...])
        o_ref[...] = (jnp.dot(t, rw3[...], preferred_element_type=F32)
                      + rb3[...])

    return pl.pallas_call(
        body,
        out_shape=jax.ShapeDtypeStruct((g, hh), F32),
    )(hs, he, hagg2, pp_w1, pp_b1.reshape(1, -1), pp_w2, pp_b2.reshape(1, -1),
      pr_w1, pr_b1.reshape(1, -1), pr_w2, pr_b2.reshape(1, -1),
      pr_w3p, pr_b3p.reshape(1, -1))



_NC = 2
_NS = 16
_NW = _NC * _NS


def _make_sc_message(n_nodes, n_edges, hh):
    epw = n_edges // _NW
    ch = 80
    steps = epw // ch
    rstride = ((n_nodes // _NS) // 8) * 8
    rlast = n_nodes - (_NS - 1) * rstride
    nj = hh // 16

    mesh = plsc.VectorSubcoreMesh(core_axis_name="c", subcore_axis_name="s",
                                  num_cores=_NC, num_subcores=_NS)

    @functools.partial(
        pl.kernel,
        mesh=mesh,
        out_type=jax.ShapeDtypeStruct((2 * n_nodes, hh), F32),
        scratch_types=[
            pltpu.VMEM((ch,), jnp.int32),
            pltpu.VMEM((ch,), jnp.int32),
            pltpu.VMEM((ch, hh), F32),
            pltpu.VMEM((ch, hh), F32),
            pltpu.VMEM_SHARED((n_nodes, hh), F32),
            pltpu.SemaphoreType.DMA,
        ],
    )
    def k(h_hbm, src_hbm, dst_hbm, e_hbm, out_hbm,
          sidx, didx, rows, ebuf, acc, sem):
        c = lax.axis_index("c")
        s = lax.axis_index("s")
        wid = c * _NS + s

        def zbody(i, _):
            for j in range(nj):
                rows[i, pl.ds(j * 16, 16)] = jnp.zeros((16,), F32)
            return 0

        lax.fori_loop(0, ch, zbody, 0)
        for r in range(rlast // ch):
            pltpu.sync_copy(rows, acc.at[pl.ds(s * rstride + r * ch, ch)])
        plsc.subcore_barrier()

        base0 = wid * epw

        def step(t, _):
            base = base0 + t * ch
            pltpu.sync_copy(src_hbm.at[pl.ds(base, ch)], sidx)
            pltpu.sync_copy(dst_hbm.at[pl.ds(base, ch)], didx)
            pltpu.async_copy(h_hbm.at[sidx], rows, sem).wait()
            pltpu.sync_copy(e_hbm.at[pl.ds(base, ch)], ebuf)

            def comp(i, __):
                for j in range(nj):
                    sl = pl.ds(j * 16, 16)
                    rows[i, sl] = jnp.maximum(rows[i, sl] + ebuf[i, sl], 0.0)
                return 0

            lax.fori_loop(0, ch, comp, 0)
            pltpu.sync_copy(rows, acc.at[didx], add=True)
            return 0

        lax.fori_loop(0, steps, step, 0)
        plsc.subcore_barrier()

        @pl.when(s < _NS - 1)
        def _():
            pltpu.sync_copy(
                acc.at[pl.ds(s * rstride, rstride)],
                out_hbm.at[pl.ds(c * n_nodes + s * rstride, rstride)])

        @pl.when(s == _NS - 1)
        def _():
            off = (_NS - 1) * rstride
            pltpu.sync_copy(
                acc.at[pl.ds(off, rlast)],
                out_hbm.at[pl.ds(c * n_nodes + off, rlast)])

    return k


def _make_sc_readout(n_nodes, g, hh):
    n_pad = ((n_nodes + _NW * 64 - 1) // (_NW * 64)) * (_NW * 64)
    npw = n_pad // _NW
    ch = 64
    steps = npw // ch
    gpw = g // _NW
    zpt = ((g + 1 + 8 * _NS - 1) // (8 * _NS)) * 8
    nacc = zpt * _NS
    cpt = g // _NS
    nj = hh // 16

    mesh = plsc.VectorSubcoreMesh(core_axis_name="c", subcore_axis_name="s",
                                  num_cores=_NC, num_subcores=_NS)

    @functools.partial(
        pl.kernel,
        mesh=mesh,
        out_type=(
            jax.ShapeDtypeStruct((g, hh), F32),
            jax.ShapeDtypeStruct((g, hh), F32),
            jax.ShapeDtypeStruct((2 * g, hh), F32),
        ),
        scratch_types=[
            pltpu.VMEM((gpw,), jnp.int32),
            pltpu.VMEM((gpw, hh), F32),
            pltpu.VMEM((ch,), jnp.int32),
            pltpu.VMEM((ch,), jnp.int32),
            pltpu.VMEM((ch, hh), F32),
            pltpu.VMEM_SHARED((nacc, hh), F32),
            pltpu.SemaphoreType.DMA,
        ],
    )
    def k(h_hbm, sidx_hbm, eidx_hbm, nidx_hbm, batch_hbm,
          hs_hbm, he_hbm, hagg_hbm,
          bidx, brows, nidx, gids, hrows, acc, sem):
        c = lax.axis_index("c")
        s = lax.axis_index("s")
        wid = c * _NS + s

        def zbody(i, _):
            for j in range(nj):
                hrows[i, pl.ds(j * 16, 16)] = jnp.zeros((16,), F32)
            return 0

        lax.fori_loop(0, ch, zbody, 0)
        pltpu.sync_copy(hrows.at[pl.ds(0, zpt)], acc.at[pl.ds(s * zpt, zpt)])
        plsc.subcore_barrier()

        gb = wid * gpw
        pltpu.sync_copy(sidx_hbm.at[pl.ds(gb, gpw)], bidx)
        pltpu.async_copy(h_hbm.at[bidx], brows, sem).wait()
        pltpu.sync_copy(brows, hs_hbm.at[pl.ds(gb, gpw)])
        pltpu.sync_copy(eidx_hbm.at[pl.ds(gb, gpw)], bidx)
        pltpu.async_copy(h_hbm.at[bidx], brows, sem).wait()
        pltpu.sync_copy(brows, he_hbm.at[pl.ds(gb, gpw)])

        base0 = wid * npw

        def step(t, _):
            base = base0 + t * ch
            pltpu.sync_copy(nidx_hbm.at[pl.ds(base, ch)], nidx)
            pltpu.async_copy(h_hbm.at[nidx], hrows, sem).wait()
            pltpu.sync_copy(batch_hbm.at[pl.ds(base, ch)], gids)
            pltpu.sync_copy(hrows, acc.at[gids], add=True)
            return 0

        lax.fori_loop(0, steps, step, 0)
        plsc.subcore_barrier()
        pltpu.sync_copy(acc.at[pl.ds(s * cpt, cpt)],
                        hagg_hbm.at[pl.ds(c * g + s * cpt, cpt)])

    return k




def kernel(x, edge_index, edge_attr, batch, select_bond_start_atom_index,
           select_bond_end_atom_index, atom_W, atom_b, edge_W, edge_b,
           mlp_W1, mlp_b1, mlp_W2, mlp_b2, eps, out_W, out_b,
           pp_W1, pp_b1, pp_W2, pp_b2, pr_W1, pr_b1, pr_W2, pr_b2,
           pr_W3, pr_b3):
    n, _ = x.shape
    e = edge_index.shape[1]
    g = select_bond_start_atom_index.shape[0]
    hh = atom_W.shape[1]
    nl = edge_W.shape[0]

    src = edge_index[0]
    dst = edge_index[1]

    sc_message = _make_sc_message(n, e, hh)
    sc_readout = _make_sc_readout(n, g, hh)

    n_pad = ((n + _NW * 64 - 1) // (_NW * 64)) * (_NW * 64)
    ar = jnp.arange(n_pad, dtype=jnp.int32)
    nidx_pad = jnp.where(ar < n, ar, 0)
    batch_pad = jnp.concatenate(
        [batch, jnp.full((n_pad - n,), g, jnp.int32)])

    h = _matmul_bias(x, atom_W, atom_b, block_rows=n // 5)
    ones_row = jnp.ones((1, hh), F32)

    for l in range(nl):
        e_feat = _matmul_bias(edge_attr, edge_W[l], edge_b[l],
                              block_rows=e // 40)
        agg2 = sc_message(h, src, dst, e_feat)
        scale_row = (1.0 + eps[l]) * ones_row
        last = l == nl - 1
        h = _node_mlp(h, agg2, scale_row, mlp_W1[l], mlp_b1[l],
                      mlp_W2[l], mlp_b2[l],
                      out_W if last else None, out_b if last else None,
                      block_rows=n // 5)

    hs, he, hagg2 = sc_readout(h, select_bond_start_atom_index,
                               select_bond_end_atom_index, nidx_pad,
                               batch_pad)

    pr_w3p = jnp.pad(pr_W3, ((0, 0), (0, hh - pr_W3.shape[1])))
    pr_b3p = jnp.pad(pr_b3, (0, hh - pr_b3.shape[0]))
    outp = _predictor(hs, he, hagg2, pp_W1, pp_b1, pp_W2, pp_b2,
                      pr_W1, pr_b1, pr_W2, pr_b2, pr_w3p, pr_b3p)
    out = outp[:, :1]
    return out, h

# --- scband reference (transcript-rebuilt; emitter-appended) ---
"""Pipeline reference for scband-gnn2-d-24146306138677 (READ-ONLY COPY).

The authoritative reference and input builder live on the scoring server;
editing this copy changes nothing except your own understanding.
"""

import jax, jax.numpy as jnp
import numpy as np

def _silu(x):
    return x * jax.nn.sigmoid(x)

def setup_inputs(seed: int = 0):
    key = jax.random.key(seed)
    ks = jax.random.split(key, 32)
    N, E, G, H, L = 10000, 320000, 512, 128, 4
    w = lambda k, s: (jax.random.normal(k, s, dtype=jnp.float32) * 0.05)
    inp = {}
    inp["x"] = jax.random.normal(ks[0], (N, 53), dtype=jnp.float32)
    inp["edge_index"] = jax.random.randint(ks[1], (2, E), 0, N, dtype=jnp.int32)
    inp["edge_attr"] = jax.random.normal(ks[2], (E, 14), dtype=jnp.float32)
    inp["batch"] = jnp.sort(jax.random.randint(ks[3], (N,), 0, G, dtype=jnp.int32))
    inp["select_bond_start_atom_index"] = jax.random.randint(ks[4], (G,), 0, N, dtype=jnp.int32)
    inp["select_bond_end_atom_index"] = jax.random.randint(ks[5], (G,), 0, N, dtype=jnp.int32)
    inp["atom_W"] = w(ks[6], (53, H)); inp["atom_b"] = jnp.zeros((H,), jnp.float32)
    inp["edge_W"] = w(ks[7], (L, 14, H)); inp["edge_b"] = jnp.zeros((L, H), jnp.float32)
    inp["mlp_W1"] = w(ks[8], (L, H, H)); inp["mlp_b1"] = jnp.zeros((L, H), jnp.float32)
    inp["mlp_W2"] = w(ks[9], (L, H, H)); inp["mlp_b2"] = jnp.zeros((L, H), jnp.float32)
    inp["eps"] = jnp.zeros((L,), jnp.float32)
    inp["out_W"] = w(ks[10], (H, H)); inp["out_b"] = jnp.zeros((H,), jnp.float32)
    inp["pp_W1"] = w(ks[11], (2 * H, H)); inp["pp_b1"] = jnp.zeros((H,), jnp.float32)
    inp["pp_W2"] = w(ks[12], (H, H)); inp["pp_b2"] = jnp.zeros((H,), jnp.float32)
    inp["pr_W1"] = w(ks[13], (2 * H, H)); inp["pr_b1"] = jnp.zeros((H,), jnp.float32)
    inp["pr_W2"] = w(ks[14], (H, H)); inp["pr_b2"] = jnp.zeros((H,), jnp.float32)
    inp["pr_W3"] = w(ks[15], (H, 1)); inp["pr_b3"] = jnp.zeros((1,), jnp.float32)
    return inp

def _forward(x, edge_attr, atom_W, atom_b, edge_W, edge_b, mlp_W1, mlp_b1, mlp_W2, mlp_b2, eps, out_W, out_b, pp_W1, pp_b1, pp_W2, pp_b2, pr_W1, pr_b1, pr_W2, pr_b2, pr_W3, pr_b3, edge_index, batch, s_idx, e_idx, G=512):
    N = x.shape[0]
    src, dst = edge_index[0], edge_index[1]
    h = x @ atom_W + atom_b
    for l in range(edge_W.shape[0]):
        e = edge_attr @ edge_W[l] + edge_b[l]
        m = jax.nn.relu(h[src] + e)
        agg = jax.ops.segment_sum(m, dst, num_segments=N)
        z = (1.0 + eps[l]) * h + agg
        h = _silu(_silu(z @ mlp_W1[l] + mlp_b1[l]) @ mlp_W2[l] + mlp_b2[l])
    h = h @ out_W + out_b
    h_start = h[s_idx]
    h_end = h[e_idx]
    h_agg = jax.ops.segment_sum(h, batch, num_segments=G)
    def pp(a):
        return _silu(a @ pp_W1 + pp_b1) @ pp_W2 + pp_b2
    h_bond = pp(jnp.concatenate([h_start, h_end], axis=1)) + pp(jnp.concatenate([h_end, h_start], axis=1))
    h_out = jnp.concatenate([h_bond, h_agg], axis=1)
    t = _silu(h_out @ pr_W1 + pr_b1)
    t = _silu(t @ pr_W2 + pr_b2)
    out = t @ pr_W3 + pr_b3
    return out, h

def reference(x, edge_index, edge_attr, batch, select_bond_start_atom_index, select_bond_end_atom_index, atom_W, atom_b, edge_W, edge_b, mlp_W1, mlp_b1, mlp_W2, mlp_b2, eps, out_W, out_b, pp_W1, pp_b1, pp_W2, pp_b2, pr_W1, pr_b1, pr_W2, pr_b2, pr_W3, pr_b3):
    return _forward(x, edge_attr, atom_W, atom_b, edge_W, edge_b, mlp_W1, mlp_b1, mlp_W2, mlp_b2, eps, out_W, out_b, pp_W1, pp_b1, pp_W2, pp_b2, pr_W1, pr_b1, pr_W2, pr_b2, pr_W3, pr_b3, edge_index, batch, select_bond_start_atom_index, select_bond_end_atom_index)

if __name__ == "__main__":
    import jax
    _d = setup_inputs()
    print(jax.jit(kernel)(*tuple(_d.values())))

</pallas_src>

<mosaic_0001>
#map = affine_map<(d0, d1) -> (0, 0)>
#map1 = affine_map<(d0, d1) -> (0)>
module attributes {stable_mosaic.version = 14 : i64} {
  func.func @k(%arg0: i32, %arg1: i32, %arg2: memref<10000x128xf32, #tpu.memory_space<hbm>>, %arg3: memref<320000xi32, #tpu.memory_space<hbm>>, %arg4: memref<320000xi32, #tpu.memory_space<hbm>>, %arg5: memref<320000x128xf32, #tpu.memory_space<hbm>>, %arg6: memref<20000x128xf32, #tpu.memory_space<hbm>>, %arg7: memref<80xi32, #tpu.memory_space<vmem>>, %arg8: memref<80xi32, #tpu.memory_space<vmem>>, %arg9: memref<80x128xf32, #tpu.memory_space<vmem>>, %arg10: memref<80x128xf32, #tpu.memory_space<vmem>>, %arg11: memref<10000x128xf32, #tpu.memory_space<vmem_shared>>, %arg12: memref<!tpu.dma_semaphore, #tpu.memory_space<semaphore_mem>>) attributes {dimension_semantics = [#tpu.dimension_semantics<core_parallel>, #tpu.dimension_semantics<subcore_parallel>], iteration_bounds = array<i64: 2, 16>, scalar_prefetch = 0 : i64, scratch_operands = 6 : i64, tpu.core_type = #tpu.core_type<sc_vector_subcore>, window_params = [{transform_indices = #map}, {transform_indices = #map1}, {transform_indices = #map1}, {transform_indices = #map}, {transform_indices = #map}]} {
    %mul3A = arith.constant 16 : i32
    %mul3A_0 = arith.muli %arg0, %mul3A : i32
    %add3A = arith.addi %mul3A_0, %arg1 : i32
    %scan3A = arith.constant 0 : i32
    %scan3A_1 = arith.constant 0 : i32
    %scan3A_2 = arith.constant 80 : i32
    %scan3A_3 = arith.addi %scan3A_1, %scan3A_2 : i32
    %scan3A_4 = arith.constant 1 : i32
    %scan3A_5 = scf.for %scan3A_55 = %scan3A_1 to %scan3A_3 step %scan3A_4 iter_args(%scan3A_56 = %scan3A) -> (i32)  : i32 {
      %broadcast_in_dim3A = arith.constant 0.000000e+00 : f32
      %broadcast_in_dim3A_57 = vector.broadcast %broadcast_in_dim3A : f32 to vector<16xf32>
      %swap3A = arith.index_cast %scan3A_55 : i32 to index
      %swap3A_58 = arith.constant 0 : index
      %swap3A_59 = tpu.vector_load %arg9[%swap3A, %swap3A_58] {strides = array<i32>} : memref<80x128xf32, #tpu.memory_space<vmem>>, vector<1x16xf32>,
      %swap3A_60 = vector.shape_cast %swap3A_59 : vector<1x16xf32> to vector<16xf32>
      %swap3A_61 = vector.shape_cast %broadcast_in_dim3A_57 : vector<16xf32> to vector<1x16xf32>
      tpu.vector_store %arg9[%swap3A, %swap3A_58], %swap3A_61 {strides = array<i32>} : memref<80x128xf32, #tpu.memory_space<vmem>>, vector<1x16xf32>,
      %broadcast_in_dim3A_62 = arith.constant 0.000000e+00 : f32
      %broadcast_in_dim3A_63 = vector.broadcast %broadcast_in_dim3A_62 : f32 to vector<16xf32>
      %swap3A_64 = arith.index_cast %scan3A_55 : i32 to index
      %swap3A_65 = arith.constant 16 : index
      %swap3A_66 = tpu.vector_load %arg9[%swap3A_64, %swap3A_65] {strides = array<i32>} : memref<80x128xf32, #tpu.memory_space<vmem>>, vector<1x16xf32>,
      %swap3A_67 = vector.shape_cast %swap3A_66 : vector<1x16xf32> to vector<16xf32>
      %swap3A_68 = vector.shape_cast %broadcast_in_dim3A_63 : vector<16xf32> to vector<1x16xf32>
      tpu.vector_store %arg9[%swap3A_64, %swap3A_65], %swap3A_68 {strides = array<i32>} : memref<80x128xf32, #tpu.memory_space<vmem>>, vector<1x16xf32>,
      %broadcast_in_dim3A_69 = arith.constant 0.000000e+00 : f32
      %broadcast_in_dim3A_70 = vector.broadcast %broadcast_in_dim3A_69 : f32 to vector<16xf32>
      %swap3A_71 = arith.index_cast %scan3A_55 : i32 to index
      %swap3A_72 = arith.constant 32 : index
      %swap3A_73 = tpu.vector_load %arg9[%swap3A_71, %swap3A_72] {strides = array<i32>} : memref<80x128xf32, #tpu.memory_space<vmem>>, vector<1x16xf32>,
      %swap3A_74 = vector.shape_cast %swap3A_73 : vector<1x16xf32> to vector<16xf32>
      %swap3A_75 = vector.shape_cast %broadcast_in_dim3A_70 : vector<16xf32> to vector<1x16xf32>
      tpu.vector_store %arg9[%swap3A_71, %swap3A_72], %swap3A_75 {strides = array<i32>} : memref<80x128xf32, #tpu.memory_space<vmem>>, vector<1x16xf32>,
      %broadcast_in_dim3A_76 = arith.constant 0.000000e+00 : f32
      %broadcast_in_dim3A_77 = vector.broadcast %broadcast_in_dim3A_76 : f32 to vector<16xf32>
      %swap3A_78 = arith.index_cast %scan3A_55 : i32 to index
      %swap3A_79 = arith.constant 48 : index
      %swap3A_80 = tpu.vector_load %arg9[%swap3A_78, %swap3A_79] {strides = array<i32>} : memref<80x128xf32, #tpu.memory_space<vmem>>, vector<1x16xf32>,
      %swap3A_81 = vector.shape_cast %swap3A_80 : vector<1x16xf32> to vector<16xf32>
      %swap3A_82 = vector.shape_cast %broadcast_in_dim3A_77 : vector<16xf32> to vector<1x16xf32>
      tpu.vector_store %arg9[%swap3A_78, %swap3A_79], %swap3A_82 {strides = array<i32>} : memref<80x128xf32, #tpu.memory_space<vmem>>, vector<1x16xf32>,
      %broadcast_in_dim3A_83 = arith.constant 0.000000e+00 : f32
      %broadcast_in_dim3A_84 = vector.broadcast %broadcast_in_dim3A_83 : f32 to vector<16xf32>
      %swap3A_85 = arith.index_cast %scan3A_55 : i32 to index
      %swap3A_86 = arith.constant 64 : index
      %swap3A_87 = tpu.vector_load %arg9[%swap3A_85, %swap3A_86] {strides = array<i32>} : memref<80x128xf32, #tpu.memory_space<vmem>>, vector<1x16xf32>,
      %swap3A_88 = vector.shape_cast %swap3A_87 : vector<1x16xf32> to vector<16xf32>
      %swap3A_89 = vector.shape_cast %broadcast_in_dim3A_84 : vector<16xf32> to vector<1x16xf32>
      tpu.vector_store %arg9[%swap3A_85, %swap3A_86], %swap3A_89 {strides = array<i32>} : memref<80x128xf32, #tpu.memory_space<vmem>>, vector<1x16xf32>,
      %broadcast_in_dim3A_90 = arith.constant 0.000000e+00 : f32
      %broadcast_in_dim3A_91 = vector.broadcast %broadcast_in_dim3A_90 : f32 to vector<16xf32>
      %swap3A_92 = arith.index_cast %scan3A_55 : i32 to index
      %swap3A_93 = arith.constant 80 : index
      %swap3A_94 = tpu.vector_load %arg9[%swap3A_92, %swap3A_93] {strides = array<i32>} : memref<80x128xf32, #tpu.memory_space<vmem>>, vector<1x16xf32>,
      %swap3A_95 = vector.shape_cast %swap3A_94 : vector<1x16xf32> to vector<16xf32>
      %swap3A_96 = vector.shape_cast %broadcast_in_dim3A_91 : vector<16xf32> to vector<1x16xf32>
      tpu.vector_store %arg9[%swap3A_92, %swap3A_93], %swap3A_96 {strides = array<i32>} : memref<80x128xf32, #tpu.memory_space<vmem>>, vector<1x16xf32>,
      %broadcast_in_dim3A_97 = arith.constant 0.000000e+00 : f32
      %broadcast_in_dim3A_98 = vector.broadcast %broadcast_in_dim3A_97 : f32 to vector<16xf32>
      %swap3A_99 = arith.index_cast %scan3A_55 : i32 to index
      %swap3A_100 = arith.constant 96 : index
      %swap3A_101 = tpu.vector_load %arg9[%swap3A_99, %swap3A_100] {strides = array<i32>} : memref<80x128xf32, #tpu.memory_space<vmem>>, vector<1x16xf32>,
      %swap3A_102 = vector.shape_cast %swap3A_101 : vector<1x16xf32> to vector<16xf32>
      %swap3A_103 = vector.shape_cast %broadcast_in_dim3A_98 : vector<16xf32> to vector<1x16xf32>
      tpu.vector_store %arg9[%swap3A_99, %swap3A_100], %swap3A_103 {strides = array<i32>} : memref<80x128xf32, #tpu.memory_space<vmem>>, vector<1x16xf32>,
      %broadcast_in_dim3A_104 = arith.constant 0.000000e+00 : f32
      %broadcast_in_dim3A_105 = vector.broadcast %broadcast_in_dim3A_104 : f32 to vector<16xf32>
      %swap3A_106 = arith.index_cast %scan3A_55 : i32 to index
      %swap3A_107 = arith.constant 112 : index
      %swap3A_108 = tpu.vector_load %arg9[%swap3A_106, %swap3A_107] {strides = array<i32>} : memref<80x128xf32, #tpu.memory_space<vmem>>, vector<1x16xf32>,
      %swap3A_109 = vector.shape_cast %swap3A_108 : vector<1x16xf32> to vector<16xf32>
      %swap3A_110 = vector.shape_cast %broadcast_in_dim3A_105 : vector<16xf32> to vector<1x16xf32>
      tpu.vector_store %arg9[%swap3A_106, %swap3A_107], %swap3A_110 {strides = array<i32>} : memref<80x128xf32, #tpu.memory_space<vmem>>, vector<1x16xf32>,
      %scan3A_111 = arith.constant 0 : i32
      scf.yield %scan3A_111 : i32
    }
    %scan3A_6 = arith.constant 80 : i32
    %mul3A_7 = arith.constant 624 : i32
    %mul3A_8 = arith.muli %arg1, %mul3A_7 : i32
    %add3A_9 = arith.constant 0 : i32
    %add3A_10 = arith.addi %mul3A_8, %add3A_9 : i32
    "tpu.region"() ({
      %run_scoped3A = tpu.sem_alloc : memref<!tpu.dma_semaphore, #tpu.memory_space<semaphore_mem>>
      %dma_start3A = arith.constant 0 : i32
      %dma_start3A_55 = tpu.memref_slice %arg11[%add3A_10, %dma_start3A] : memref<10000x128xf32, #tpu.memory_space<vmem_shared>> -> memref<80x128xf32, #tpu.memory_space<vmem_shared>>
      %dma_start3A_56 = arith.constant 0 : i32
      %dma_start3A_57 = tpu.memref_slice %arg11[%add3A_10, %dma_start3A_56] : memref<10000x128xf32, #tpu.memory_space<vmem_shared>> -> memref<80x128xf32, #tpu.memory_space<vmem_shared>>
      tpu.enqueue_dma source(%arg9 : memref<80x128xf32, #tpu.memory_space<vmem>>) target(%dma_start3A_57 : memref<80x128xf32, #tpu.memory_space<vmem_shared>>) target_semaphore(%run_scoped3A : memref<!tpu.dma_semaphore, #tpu.memory_space<semaphore_mem>>)
      %dma_wait3A = arith.constant 0 : i32
      %dma_wait3A_58 = tpu.memref_slice %arg11[%add3A_10, %dma_wait3A] : memref<10000x128xf32, #tpu.memory_space<vmem_shared>> -> memref<80x128xf32, #tpu.memory_space<vmem_shared>>
      %dma_wait3A_59 = arith.constant 0 : i32
      %dma_wait3A_60 = tpu.memref_slice %arg11[%add3A_10, %dma_wait3A_59] : memref<10000x128xf32, #tpu.memory_space<vmem_shared>> -> memref<80x128xf32, #tpu.memory_space<vmem_shared>>
      tpu.wait_dma2 semaphore(%run_scoped3A : memref<!tpu.dma_semaphore, #tpu.memory_space<semaphore_mem>>) src(%arg9 : memref<80x128xf32, #tpu.memory_space<vmem>>) dst(%dma_wait3A_60 : memref<80x128xf32, #tpu.memory_space<vmem_shared>>)
      tpu.yield
    }) : () -> ()
    %mul3A_11 = arith.constant 624 : i32
    %mul3A_12 = arith.muli %arg1, %mul3A_11 : i32
    %add3A_13 = arith.constant 80 : i32
    %add3A_14 = arith.addi %mul3A_12, %add3A_13 : i32
    "tpu.region"() ({
      %run_scoped3A = tpu.sem_alloc : memref<!tpu.dma_semaphore, #tpu.memory_space<semaphore_mem>>
      %dma_start3A = arith.constant 0 : i32
      %dma_start3A_55 = tpu.memref_slice %arg11[%add3A_14, %dma_start3A] : memref<10000x128xf32, #tpu.memory_space<vmem_shared>> -> memref<80x128xf32, #tpu.memory_space<vmem_shared>>
      %dma_start3A_56 = arith.constant 0 : i32
      %dma_start3A_57 = tpu.memref_slice %arg11[%add3A_14, %dma_start3A_56] : memref<10000x128xf32, #tpu.memory_space<vmem_shared>> -> memref<80x128xf32, #tpu.memory_space<vmem_shared>>
      tpu.enqueue_dma source(%arg9 : memref<80x128xf32, #tpu.memory_space<vmem>>) target(%dma_start3A_57 : memref<80x128xf32, #tpu.memory_space<vmem_shared>>) target_semaphore(%run_scoped3A : memref<!tpu.dma_semaphore, #tpu.memory_space<semaphore_mem>>)
      %dma_wait3A = arith.constant 0 : i32
      %dma_wait3A_58 = tpu.memref_slice %arg11[%add3A_14, %dma_wait3A] : memref<10000x128xf32, #tpu.memory_space<vmem_shared>> -> memref<80x128xf32, #tpu.memory_space<vmem_shared>>
      %dma_wait3A_59 = arith.constant 0 : i32
      %dma_wait3A_60 = tpu.memref_slice %arg11[%add3A_14, %dma_wait3A_59] : memref<10000x128xf32, #tpu.memory_space<vmem_shared>> -> memref<80x128xf32, #tpu.memory_space<vmem_shared>>
      tpu.wait_dma2 semaphore(%run_scoped3A : memref<!tpu.dma_semaphore, #tpu.memory_space<semaphore_mem>>) src(%arg9 : memref<80x128xf32, #tpu.memory_space<vmem>>) dst(%dma_wait3A_60 : memref<80x128xf32, #tpu.memory_space<vmem_shared>>)
      tpu.yield
    }) : () -> ()
    %mul3A_15 = arith.constant 624 : i32
    %mul3A_16 = arith.muli %arg1, %mul3A_15 : i32
    %add3A_17 = arith.constant 160 : i32
    %add3A_18 = arith.addi %mul3A_16, %add3A_17 : i32
    "tpu.region"() ({
      %run_scoped3A = tpu.sem_alloc : memref<!tpu.dma_semaphore, #tpu.memory_space<semaphore_mem>>
      %dma_start3A = arith.constant 0 : i32
      %dma_start3A_55 = tpu.memref_slice %arg11[%add3A_18, %dma_start3A] : memref<10000x128xf32, #tpu.memory_space<vmem_shared>> -> memref<80x128xf32, #tpu.memory_space<vmem_shared>>
      %dma_start3A_56 = arith.constant 0 : i32
      %dma_start3A_57 = tpu.memref_slice %arg11[%add3A_18, %dma_start3A_56] : memref<10000x128xf32, #tpu.memory_space<vmem_shared>> -> memref<80x128xf32, #tpu.memory_space<vmem_shared>>
      tpu.enqueue_dma source(%arg9 : memref<80x128xf32, #tpu.memory_space<vmem>>) target(%dma_start3A_57 : memref<80x128xf32, #tpu.memory_space<vmem_shared>>) target_semaphore(%run_scoped3A : memref<!tpu.dma_semaphore, #tpu.memory_space<semaphore_mem>>)
      %dma_wait3A = arith.constant 0 : i32
      %dma_wait3A_58 = tpu.memref_slice %arg11[%add3A_18, %dma_wait3A] : memref<10000x128xf32, #tpu.memory_space<vmem_shared>> -> memref<80x128xf32, #tpu.memory_space<vmem_shared>>
      %dma_wait3A_59 = arith.constant 0 : i32
      %dma_wait3A_60 = tpu.memref_slice %arg11[%add3A_18, %dma_wait3A_59] : memref<10000x128xf32, #tpu.memory_space<vmem_shared>> -> memref<80x128xf32, #tpu.memory_space<vmem_shared>>
      tpu.wait_dma2 semaphore(%run_scoped3A : memref<!tpu.dma_semaphore, #tpu.memory_space<semaphore_mem>>) src(%arg9 : memref<80x128xf32, #tpu.memory_space<vmem>>) dst(%dma_wait3A_60 : memref<80x128xf32, #tpu.memory_space<vmem_shared>>)
      tpu.yield
    }) : () -> ()
    %mul3A_19 = arith.constant 624 : i32
    %mul3A_20 = arith.muli %arg1, %mul3A_19 : i32
    %add3A_21 = arith.constant 240 : i32
    %add3A_22 = arith.addi %mul3A_20, %add3A_21 : i32
    "tpu.region"() ({
      %run_scoped3A = tpu.sem_alloc : memref<!tpu.dma_semaphore, #tpu.memory_space<semaphore_mem>>
      %dma_start3A = arith.constant 0 : i32
      %dma_start3A_55 = tpu.memref_slice %arg11[%add3A_22, %dma_start3A] : memref<10000x128xf32, #tpu.memory_space<vmem_shared>> -> memref<80x128xf32, #tpu.memory_space<vmem_shared>>
      %dma_start3A_56 = arith.constant 0 : i32
      %dma_start3A_57 = tpu.memref_slice %arg11[%add3A_22, %dma_start3A_56] : memref<10000x128xf32, #tpu.memory_space<vmem_shared>> -> memref<80x128xf32, #tpu.memory_space<vmem_shared>>
      tpu.enqueue_dma source(%arg9 : memref<80x128xf32, #tpu.memory_space<vmem>>) target(%dma_start3A_57 : memref<80x128xf32, #tpu.memory_space<vmem_shared>>) target_semaphore(%run_scoped3A : memref<!tpu.dma_semaphore, #tpu.memory_space<semaphore_mem>>)
      %dma_wait3A = arith.constant 0 : i32
      %dma_wait3A_58 = tpu.memref_slice %arg11[%add3A_22, %dma_wait3A] : memref<10000x128xf32, #tpu.memory_space<vmem_shared>> -> memref<80x128xf32, #tpu.memory_space<vmem_shared>>
      %dma_wait3A_59 = arith.constant 0 : i32
      %dma_wait3A_60 = tpu.memref_slice %arg11[%add3A_22, %dma_wait3A_59] : memref<10000x128xf32, #tpu.memory_space<vmem_shared>> -> memref<80x128xf32, #tpu.memory_space<vmem_shared>>
      tpu.wait_dma2 semaphore(%run_scoped3A : memref<!tpu.dma_semaphore, #tpu.memory_space<semaphore_mem>>) src(%arg9 : memref<80x128xf32, #tpu.memory_space<vmem>>) dst(%dma_wait3A_60 : memref<80x128xf32, #tpu.memory_space<vmem_shared>>)
      tpu.yield
    }) : () -> ()
    %mul3A_23 = arith.constant 624 : i32
    %mul3A_24 = arith.muli %arg1, %mul3A_23 : i32
    %add3A_25 = arith.constant 320 : i32
    %add3A_26 = arith.addi %mul3A_24, %add3A_25 : i32
    "tpu.region"() ({
      %run_scoped3A = tpu.sem_alloc : memref<!tpu.dma_semaphore, #tpu.memory_space<semaphore_mem>>
      %dma_start3A = arith.constant 0 : i32
      %dma_start3A_55 = tpu.memref_slice %arg11[%add3A_26, %dma_start3A] : memref<10000x128xf32, #tpu.memory_space<vmem_shared>> -> memref<80x128xf32, #tpu.memory_space<vmem_shared>>
      %dma_start3A_56 = arith.constant 0 : i32
      %dma_start3A_57 = tpu.memref_slice %arg11[%add3A_26, %dma_start3A_56] : memref<10000x128xf32, #tpu.memory_space<vmem_shared>> -> memref<80x128xf32, #tpu.memory_space<vmem_shared>>
      tpu.enqueue_dma source(%arg9 : memref<80x128xf32, #tpu.memory_space<vmem>>) target(%dma_start3A_57 : memref<80x128xf32, #tpu.memory_space<vmem_shared>>) target_semaphore(%run_scoped3A : memref<!tpu.dma_semaphore, #tpu.memory_space<semaphore_mem>>)
      %dma_wait3A = arith.constant 0 : i32
      %dma_wait3A_58 = tpu.memref_slice %arg11[%add3A_26, %dma_wait3A] : memref<10000x128xf32, #tpu.memory_space<vmem_shared>> -> memref<80x128xf32, #tpu.memory_space<vmem_shared>>
      %dma_wait3A_59 = arith.constant 0 : i32
      %dma_wait3A_60 = tpu.memref_slice %arg11[%add3A_26, %dma_wait3A_59] : memref<10000x128xf32, #tpu.memory_space<vmem_shared>> -> memref<80x128xf32, #tpu.memory_space<vmem_shared>>
      tpu.wait_dma2 semaphore(%run_scoped3A : memref<!tpu.dma_semaphore, #tpu.memory_space<semaphore_mem>>) src(%arg9 : memref<80x128xf32, #tpu.memory_space<vmem>>) dst(%dma_wait3A_60 : memref<80x128xf32, #tpu.memory_space<vmem_shared>>)
      tpu.yield
    }) : () -> ()
    %mul3A_27 = arith.constant 624 : i32
    %mul3A_28 = arith.muli %arg1, %mul3A_27 : i32
    %add3A_29 = arith.constant 400 : i32
    %add3A_30 = arith.addi %mul3A_28, %add3A_29 : i32
    "tpu.region"() ({
      %run_scoped3A = tpu.sem_alloc : memref<!tpu.dma_semaphore, #tpu.memory_space<semaphore_mem>>
      %dma_start3A = arith.constant 0 : i32
      %dma_start3A_55 = tpu.memref_slice %arg11[%add3A_30, %dma_start3A] : memref<10000x128xf32, #tpu.memory_space<vmem_shared>> -> memref<80x128xf32, #tpu.memory_space<vmem_shared>>
      %dma_start3A_56 = arith.constant 0 : i32
      %dma_start3A_57 = tpu.memref_slice %arg11[%add3A_30, %dma_start3A_56] : memref<10000x128xf32, #tpu.memory_space<vmem_shared>> -> memref<80x128xf32, #tpu.memory_space<vmem_shared>>
      tpu.enqueue_dma source(%arg9 : memref<80x128xf32, #tpu.memory_space<vmem>>) target(%dma_start3A_57 : memref<80x128xf32, #tpu.memory_space<vmem_shared>>) target_semaphore(%run_scoped3A : memref<!tpu.dma_semaphore, #tpu.memory_space<semaphore_mem>>)
      %dma_wait3A = arith.constant 0 : i32
      %dma_wait3A_58 = tpu.memref_slice %arg11[%add3A_30, %dma_wait3A] : memref<10000x128xf32, #tpu.memory_space<vmem_shared>> -> memref<80x128xf32, #tpu.memory_space<vmem_shared>>
      %dma_wait3A_59 = arith.constant 0 : i32
      %dma_wait3A_60 = tpu.memref_slice %arg11[%add3A_30, %dma_wait3A_59] : memref<10000x128xf32, #tpu.memory_space<vmem_shared>> -> memref<80x128xf32, #tpu.memory_space<vmem_shared>>
      tpu.wait_dma2 semaphore(%run_scoped3A : memref<!tpu.dma_semaphore, #tpu.memory_space<semaphore_mem>>) src(%arg9 : memref<80x128xf32, #tpu.memory_space<vmem>>) dst(%dma_wait3A_60 : memref<80x128xf32, #tpu.memory_space<vmem_shared>>)
      tpu.yield
    }) : () -> ()
    %mul3A_31 = arith.constant 624 : i32
    %mul3A_32 = arith.muli %arg1, %mul3A_31 : i32
    %add3A_33 = arith.constant 480 : i32
    %add3A_34 = arith.addi %mul3A_32, %add3A_33 : i32
    "tpu.region"() ({
      %run_scoped3A = tpu.sem_alloc : memref<!tpu.dma_semaphore, #tpu.memory_space<semaphore_mem>>
      %dma_start3A = arith.constant 0 : i32
      %dma_start3A_55 = tpu.memref_slice %arg11[%add3A_34, %dma_start3A] : memref<10000x128xf32, #tpu.memory_space<vmem_shared>> -> memref<80x128xf32, #tpu.memory_space<vmem_shared>>
      %dma_start3A_56 = arith.constant 0 : i32
      %dma_start3A_57 = tpu.memref_slice %arg11[%add3A_34, %dma_start3A_56] : memref<10000x128xf32, #tpu.memory_space<vmem_shared>> -> memref<80x128xf32, #tpu.memory_space<vmem_shared>>
      tpu.enqueue_dma source(%arg9 : memref<80x128xf32, #tpu.memory_space<vmem>>) target(%dma_start3A_57 : memref<80x128xf32, #tpu.memory_space<vmem_shared>>) target_semaphore(%run_scoped3A : memref<!tpu.dma_semaphore, #tpu.memory_space<semaphore_mem>>)
      %dma_wait3A = arith.constant 0 : i32
      %dma_wait3A_58 = tpu.memref_slice %arg11[%add3A_34, %dma_wait3A] : memref<10000x128xf32, #tpu.memory_space<vmem_shared>> -> memref<80x128xf32, #tpu.memory_space<vmem_shared>>
      %dma_wait3A_59 = arith.constant 0 : i32
      %dma_wait3A_60 = tpu.memref_slice %arg11[%add3A_34, %dma_wait3A_59] : memref<10000x128xf32, #tpu.memory_space<vmem_shared>> -> memref<80x128xf32, #tpu.memory_space<vmem_shared>>
      tpu.wait_dma2 semaphore(%run_scoped3A : memref<!tpu.dma_semaphore, #tpu.memory_space<semaphore_mem>>) src(%arg9 : memref<80x128xf32, #tpu.memory_space<vmem>>) dst(%dma_wait3A_60 : memref<80x128xf32, #tpu.memory_space<vmem_shared>>)
      tpu.yield
    }) : () -> ()
    %mul3A_35 = arith.constant 624 : i32
    %mul3A_36 = arith.muli %arg1, %mul3A_35 : i32
    %add3A_37 = arith.constant 560 : i32
    %add3A_38 = arith.addi %mul3A_36, %add3A_37 : i32
    "tpu.region"() ({
      %run_scoped3A = tpu.sem_alloc : memref<!tpu.dma_semaphore, #tpu.memory_space<semaphore_mem>>
      %dma_start3A = arith.constant 0 : i32
      %dma_start3A_55 = tpu.memref_slice %arg11[%add3A_38, %dma_start3A] : memref<10000x128xf32, #tpu.memory_space<vmem_shared>> -> memref<80x128xf32, #tpu.memory_space<vmem_shared>>
      %dma_start3A_56 = arith.constant 0 : i32
      %dma_start3A_57 = tpu.memref_slice %arg11[%add3A_38, %dma_start3A_56] : memref<10000x128xf32, #tpu.memory_space<vmem_shared>> -> memref<80x128xf32, #tpu.memory_space<vmem_shared>>
      tpu.enqueue_dma source(%arg9 : memref<80x128xf32, #tpu.memory_space<vmem>>) target(%dma_start3A_57 : memref<80x128xf32, #tpu.memory_space<vmem_shared>>) target_semaphore(%run_scoped3A : memref<!tpu.dma_semaphore, #tpu.memory_space<semaphore_mem>>)
      %dma_wait3A = arith.constant 0 : i32
      %dma_wait3A_58 = tpu.memref_slice %arg11[%add3A_38, %dma_wait3A] : memref<10000x128xf32, #tpu.memory_space<vmem_shared>> -> memref<80x128xf32, #tpu.memory_space<vmem_shared>>
      %dma_wait3A_59 = arith.constant 0 : i32
      %dma_wait3A_60 = tpu.memref_slice %arg11[%add3A_38, %dma_wait3A_59] : memref<10000x128xf32, #tpu.memory_space<vmem_shared>> -> memref<80x128xf32, #tpu.memory_space<vmem_shared>>
      tpu.wait_dma2 semaphore(%run_scoped3A : memref<!tpu.dma_semaphore, #tpu.memory_space<semaphore_mem>>) src(%arg9 : memref<80x128xf32, #tpu.memory_space<vmem>>) dst(%dma_wait3A_60 : memref<80x128xf32, #tpu.memory_space<vmem_shared>>)
      tpu.yield
    }) : () -> ()
    %barrier3A = arith.constant 0 : index
    tpu.barrier barrier_id(%barrier3A)
    %mul3A_39 = arith.constant 10000 : i32
    %mul3A_40 = arith.muli %add3A, %mul3A_39 : i32
    %scan3A_41 = arith.constant 0 : i32
    %scan3A_42 = arith.constant 0 : i32
    %scan3A_43 = arith.constant 125 : i32
    %scan3A_44 = arith.addi %scan3A_42, %scan3A_43 : i32
    %scan3A_45 = arith.constant 1 : i32
    %scan3A_46 = scf.for %scan3A_55 = %scan3A_42 to %scan3A_44 step %scan3A_45 iter_args(%scan3A_56 = %scan3A_41) -> (i32)  : i32 {
      %mul3A_57 = arith.constant 80 : i32
      %mul3A_58 = arith.muli %scan3A_55, %mul3A_57 : i32
      %add3A_59 = arith.addi %mul3A_40, %mul3A_58 : i32
      "tpu.region"() ({
        %run_scoped3A = tpu.sem_alloc : memref<!tpu.dma_semaphore, #tpu.memory_space<semaphore_mem>>
        %dma_start3A_72 = tpu.memref_slice %arg3[%add3A_59] : memref<320000xi32, #tpu.memory_space<hbm>> -> memref<80xi32, #tpu.memory_space<hbm>>
        %dma_start3A_73 = tpu.memref_slice %arg3[%add3A_59] : memref<320000xi32, #tpu.memory_space<hbm>> -> memref<80xi32, #tpu.memory_space<hbm>>
        tpu.enqueue_dma source(%dma_start3A_73 : memref<80xi32, #tpu.memory_space<hbm>>) target(%arg7 : memref<80xi32, #tpu.memory_space<vmem>>) target_semaphore(%run_scoped3A : memref<!tpu.dma_semaphore, #tpu.memory_space<semaphore_mem>>)
        %dma_wait3A_74 = tpu.memref_slice %arg3[%add3A_59] : memref<320000xi32, #tpu.memory_space<hbm>> -> memref<80xi32, #tpu.memory_space<hbm>>
        %dma_wait3A_75 = tpu.memref_slice %arg3[%add3A_59] : memref<320000xi32, #tpu.memory_space<hbm>> -> memref<80xi32, #tpu.memory_space<hbm>>
        tpu.wait_dma2 semaphore(%run_scoped3A : memref<!tpu.dma_semaphore, #tpu.memory_space<semaphore_mem>>) src(%dma_wait3A_75 : memref<80xi32, #tpu.memory_space<hbm>>) dst(%arg7 : memref<80xi32, #tpu.memory_space<vmem>>)
        tpu.yield
      }) : () -> ()
      "tpu.region"() ({
        %run_scoped3A = tpu.sem_alloc : memref<!tpu.dma_semaphore, #tpu.memory_space<semaphore_mem>>
        %dma_start3A_72 = tpu.memref_slice %arg4[%add3A_59] : memref<320000xi32, #tpu.memory_space<hbm>> -> memref<80xi32, #tpu.memory_space<hbm>>
        %dma_start3A_73 = tpu.memref_slice %arg4[%add3A_59] : memref<320000xi32, #tpu.memory_space<hbm>> -> memref<80xi32, #tpu.memory_space<hbm>>
        tpu.enqueue_dma source(%dma_start3A_73 : memref<80xi32, #tpu.memory_space<hbm>>) target(%arg8 : memref<80xi32, #tpu.memory_space<vmem>>) target_semaphore(%run_scoped3A : memref<!tpu.dma_semaphore, #tpu.memory_space<semaphore_mem>>)
        %dma_wait3A_74 = tpu.memref_slice %arg4[%add3A_59] : memref<320000xi32, #tpu.memory_space<hbm>> -> memref<80xi32, #tpu.memory_space<hbm>>
        %dma_wait3A_75 = tpu.memref_slice %arg4[%add3A_59] : memref<320000xi32, #tpu.memory_space<hbm>> -> memref<80xi32, #tpu.memory_space<hbm>>
        tpu.wait_dma2 semaphore(%run_scoped3A : memref<!tpu.dma_semaphore, #tpu.memory_space<semaphore_mem>>) src(%dma_wait3A_75 : memref<80xi32, #tpu.memory_space<hbm>>) dst(%arg8 : memref<80xi32, #tpu.memory_space<vmem>>)
        tpu.yield
      }) : () -> ()
      %dma_start3A = arith.constant 0 : i32
      %dma_start3A_60 = arith.constant 0 : i32
      %dma_start3A_61 = tpu.memref_slice %arg2[%dma_start3A, %dma_start3A_60] : memref<10000x128xf32, #tpu.memory_space<hbm>> -> memref<10000x128xf32, #tpu.memory_space<hbm>>
      tpu.enqueue_indirect_dma source(%dma_start3A_61 : memref<10000x128xf32, #tpu.memory_space<hbm>>) target(%arg9 : memref<80x128xf32, #tpu.memory_space<vmem>>) offsets(%arg7 : memref<80xi32, #tpu.memory_space<vmem>>) semaphore(%arg12 : memref<!tpu.dma_semaphore, #tpu.memory_space<semaphore_mem>>)
      %dma_wait3A = arith.constant 0 : i32
      %dma_wait3A_62 = arith.constant 0 : i32
      %dma_wait3A_63 = tpu.memref_slice %arg2[%dma_wait3A, %dma_wait3A_62] : memref<10000x128xf32, #tpu.memory_space<hbm>> -> memref<10000x128xf32, #tpu.memory_space<hbm>>
      tpu.wait_indirect_dma semaphore(%arg12 : memref<!tpu.dma_semaphore, #tpu.memory_space<semaphore_mem>>) src(%dma_wait3A_63 : memref<10000x128xf32, #tpu.memory_space<hbm>>) dst(%arg9 : memref<80x128xf32, #tpu.memory_space<vmem>>)
      "tpu.region"() ({
        %run_scoped3A = tpu.sem_alloc : memref<!tpu.dma_semaphore, #tpu.memory_space<semaphore_mem>>
        %dma_start3A_72 = arith.constant 0 : i32
        %dma_start3A_73 = tpu.memref_slice %arg5[%add3A_59, %dma_start3A_72] : memref<320000x128xf32, #tpu.memory_space<hbm>> -> memref<80x128xf32, #tpu.memory_space<hbm>>
        %dma_start3A_74 = arith.constant 0 : i32
        %dma_start3A_75 = tpu.memref_slice %arg5[%add3A_59, %dma_start3A_74] : memref<320000x128xf32, #tpu.memory_space<hbm>> -> memref<80x128xf32, #tpu.memory_space<hbm>>
        tpu.enqueue_dma source(%dma_start3A_75 : memref<80x128xf32, #tpu.memory_space<hbm>>) target(%arg10 : memref<80x128xf32, #tpu.memory_space<vmem>>) target_semaphore(%run_scoped3A : memref<!tpu.dma_semaphore, #tpu.memory_space<semaphore_mem>>)
        %dma_wait3A_76 = arith.constant 0 : i32
        %dma_wait3A_77 = tpu.memref_slice %arg5[%add3A_59, %dma_wait3A_76] : memref<320000x128xf32, #tpu.memory_space<hbm>> -> memref<80x128xf32, #tpu.memory_space<hbm>>
        %dma_wait3A_78 = arith.constant 0 : i32
        %dma_wait3A_79 = tpu.memref_slice %arg5[%add3A_59, %dma_wait3A_78] : memref<320000x128xf32, #tpu.memory_space<hbm>> -> memref<80x128xf32, #tpu.memory_space<hbm>>
        tpu.wait_dma2 semaphore(%run_scoped3A : memref<!tpu.dma_semaphore, #tpu.memory_space<semaphore_mem>>) src(%dma_wait3A_79 : memref<80x128xf32, #tpu.memory_space<hbm>>) dst(%arg10 : memref<80x128xf32, #tpu.memory_space<vmem>>)
        tpu.yield
      }) : () -> ()
      %scan3A_64 = arith.constant 0 : i32
      %scan3A_65 = arith.constant 0 : i32
      %scan3A_66 = arith.constant 80 : i32
      %scan3A_67 = arith.addi %scan3A_65, %scan3A_66 : i32
      %scan3A_68 = arith.constant 1 : i32
      %scan3A_69 = scf.for %scan3A_72 = %scan3A_65 to %scan3A_67 step %scan3A_68 iter_args(%scan3A_73 = %scan3A_64) -> (i32)  : i32 {
        %get3A = arith.index_cast %scan3A_72 : i32 to index
        %get3A_74 = arith.constant 0 : index
        %get3A_75 = tpu.vector_load %arg9[%get3A, %get3A_74] {strides = array<i32>} : memref<80x128xf32, #tpu.memory_space<vmem>>, vector<1x16xf32>,
        %get3A_76 = vector.shape_cast %get3A_75 : vector<1x16xf32> to vector<16xf32>
        %get3A_77 = arith.index_cast %scan3A_72 : i32 to index
        %get3A_78 = arith.constant 0 : index
        %get3A_79 = tpu.vector_load %arg10[%get3A_77, %get3A_78] {strides = array<i32>} : memref<80x128xf32, #tpu.memory_space<vmem>>, vector<1x16xf32>,
        %get3A_80 = vector.shape_cast %get3A_79 : vector<1x16xf32> to vector<16xf32>
        %add3A_81 = arith.addf %get3A_76, %get3A_80 : vector<16xf32>
        %max3A = arith.constant 0.000000e+00 : f32
        %max3A_82 = vector.broadcast %max3A : f32 to vector<16xf32>
        %max3A_83 = arith.maximumf %add3A_81, %max3A_82 : vector<16xf32>
        %swap3A = arith.index_cast %scan3A_72 : i32 to index
        %swap3A_84 = arith.constant 0 : index
        %swap3A_85 = tpu.vector_load %arg9[%swap3A, %swap3A_84] {strides = array<i32>} : memref<80x128xf32, #tpu.memory_space<vmem>>, vector<1x16xf32>,
        %swap3A_86 = vector.shape_cast %swap3A_85 : vector<1x16xf32> to vector<16xf32>
        %swap3A_87 = vector.shape_cast %max3A_83 : vector<16xf32> to vector<1x16xf32>
        tpu.vector_store %arg9[%swap3A, %swap3A_84], %swap3A_87 {strides = array<i32>} : memref<80x128xf32, #tpu.memory_space<vmem>>, vector<1x16xf32>,
        %get3A_88 = arith.index_cast %scan3A_72 : i32 to index
        %get3A_89 = arith.constant 16 : index
        %get3A_90 = tpu.vector_load %arg9[%get3A_88, %get3A_89] {strides = array<i32>} : memref<80x128xf32, #tpu.memory_space<vmem>>, vector<1x16xf32>,
        %get3A_91 = vector.shape_cast %get3A_90 : vector<1x16xf32> to vector<16xf32>
        %get3A_92 = arith.index_cast %scan3A_72 : i32 to index
        %get3A_93 = arith.constant 16 : index
        %get3A_94 = tpu.vector_load %arg10[%get3A_92, %get3A_93] {strides = array<i32>} : memref<80x128xf32, #tpu.memory_space<vmem>>, vector<1x16xf32>,
        %get3A_95 = vector.shape_cast %get3A_94 : vector<1x16xf32> to vector<16xf32>
        %add3A_96 = arith.addf %get3A_91, %get3A_95 : vector<16xf32>
        %max3A_97 = arith.constant 0.000000e+00 : f32
        %max3A_98 = vector.broadcast %max3A_97 : f32 to vector<16xf32>
        %max3A_99 = arith.maximumf %add3A_96, %max3A_98 : vector<16xf32>
        %swap3A_100 = arith.index_cast %scan3A_72 : i32 to index
        %swap3A_101 = arith.constant 16 : index
        %swap3A_102 = tpu.vector_load %arg9[%swap3A_100, %swap3A_101] {strides = array<i32>} : memref<80x128xf32, #tpu.memory_space<vmem>>, vector<1x16xf32>,
        %swap3A_103 = vector.shape_cast %swap3A_102 : vector<1x16xf32> to vector<16xf32>
        %swap3A_104 = vector.shape_cast %max3A_99 : vector<16xf32> to vector<1x16xf32>
        tpu.vector_store %arg9[%swap3A_100, %swap3A_101], %swap3A_104 {strides = array<i32>} : memref<80x128xf32, #tpu.memory_space<vmem>>, vector<1x16xf32>,
        %get3A_105 = arith.index_cast %scan3A_72 : i32 to index
        %get3A_106 = arith.constant 32 : index
        %get3A_107 = tpu.vector_load %arg9[%get3A_105, %get3A_106] {strides = array<i32>} : memref<80x128xf32, #tpu.memory_space<vmem>>, vector<1x16xf32>,
        %get3A_108 = vector.shape_cast %get3A_107 : vector<1x16xf32> to vector<16xf32>
        %get3A_109 = arith.index_cast %scan3A_72 : i32 to index
        %get3A_110 = arith.constant 32 : index
        %get3A_111 = tpu.vector_load %arg10[%get3A_109, %get3A_110] {strides = array<i32>} : memref<80x128xf32, #tpu.memory_space<vmem>>, vector<1x16xf32>,
        %get3A_112 = vector.shape_cast %get3A_111 : vector<1x16xf32> to vector<16xf32>
        %add3A_113 = arith.addf %get3A_108, %get3A_112 : vector<16xf32>
        %max3A_114 = arith.constant 0.000000e+00 : f32
        %max3A_115 = vector.broadcast %max3A_114 : f32 to vector<16xf32>
        %max3A_116 = arith.maximumf %add3A_113, %max3A_115 : vector<16xf32>
        %swap3A_117 = arith.index_cast %scan3A_72 : i32 to index
        %swap3A_118 = arith.constant 32 : index
        %swap3A_119 = tpu.vector_load %arg9[%swap3A_117, %swap3A_118] {strides = array<i32>} : memref<80x128xf32, #tpu.memory_space<vmem>>, vector<1x16xf32>,
        %swap3A_120 = vector.shape_cast %swap3A_119 : vector<1x16xf32> to vector<16xf32>
        %swap3A_121 = vector.shape_cast %max3A_116 : vector<16xf32> to vector<1x16xf32>
        tpu.vector_store %arg9[%swap3A_117, %swap3A_118], %swap3A_121 {strides = array<i32>} : memref<80x128xf32, #tpu.memory_space<vmem>>, vector<1x16xf32>,
        %get3A_122 = arith.index_cast %scan3A_72 : i32 to index
        %get3A_123 = arith.constant 48 : index
        %get3A_124 = tpu.vector_load %arg9[%get3A_122, %get3A_123] {strides = array<i32>} : memref<80x128xf32, #tpu.memory_space<vmem>>, vector<1x16xf32>,
        %get3A_125 = vector.shape_cast %get3A_124 : vector<1x16xf32> to vector<16xf32>
        %get3A_126 = arith.index_cast %scan3A_72 : i32 to index
        %get3A_127 = arith.constant 48 : index
        %get3A_128 = tpu.vector_load %arg10[%get3A_126, %get3A_127] {strides = array<i32>} : memref<80x128xf32, #tpu.memory_space<vmem>>, vector<1x16xf32>,
        %get3A_129 = vector.shape_cast %get3A_128 : vector<1x16xf32> to vector<16xf32>
        %add3A_130 = arith.addf %get3A_125, %get3A_129 : vector<16xf32>
        %max3A_131 = arith.constant 0.000000e+00 : f32
        %max3A_132 = vector.broadcast %max3A_131 : f32 to vector<16xf32>
        %max3A_133 = arith.maximumf %add3A_130, %max3A_132 : vector<16xf32>
        %swap3A_134 = arith.index_cast %scan3A_72 : i32 to index
        %swap3A_135 = arith.constant 48 : index
        %swap3A_136 = tpu.vector_load %arg9[%swap3A_134, %swap3A_135] {strides = array<i32>} : memref<80x128xf32, #tpu.memory_space<vmem>>, vector<1x16xf32>,
        %swap3A_137 = vector.shape_cast %swap3A_136 : vector<1x16xf32> to vector<16xf32>
        %swap3A_138 = vector.shape_cast %max3A_133 : vector<16xf32> to vector<1x16xf32>
        tpu.vector_store %arg9[%swap3A_134, %swap3A_135], %swap3A_138 {strides = array<i32>} : memref<80x128xf32, #tpu.memory_space<vmem>>, vector<1x16xf32>,
        %get3A_139 = arith.index_cast %scan3A_72 : i32 to index
        %get3A_140 = arith.constant 64 : index
        %get3A_141 = tpu.vector_load %arg9[%get3A_139, %get3A_140] {strides = array<i32>} : memref<80x128xf32, #tpu.memory_space<vmem>>, vector<1x16xf32>,
        %get3A_142 = vector.shape_cast %get3A_141 : vector<1x16xf32> to vector<16xf32>
        %get3A_143 = arith.index_cast %scan3A_72 : i32 to index
        %get3A_144 = arith.constant 64 : index
        %get3A_145 = tpu.vector_load %arg10[%get3A_143, %get3A_144] {strides = array<i32>} : memref<80x128xf32, #tpu.memory_space<vmem>>, vector<1x16xf32>,
        %get3A_146 = vector.shape_cast %get3A_145 : vector<1x16xf32> to vector<16xf32>
        %add3A_147 = arith.addf %get3A_142, %get3A_146 : vector<16xf32>
        %max3A_148 = arith.constant 0.000000e+00 : f32
        %max3A_149 = vector.broadcast %max3A_148 : f32 to vector<16xf32>
        %max3A_150 = arith.maximumf %add3A_147, %max3A_149 : vector<16xf32>
        %swap3A_151 = arith.index_cast %scan3A_72 : i32 to index
        %swap3A_152 = arith.constant 64 : index
        %swap3A_153 = tpu.vector_load %arg9[%swap3A_151, %swap3A_152] {strides = array<i32>} : memref<80x128xf32, #tpu.memory_space<vmem>>, vector<1x16xf32>,
        %swap3A_154 = vector.shape_cast %swap3A_153 : vector<1x16xf32> to vector<16xf32>
        %swap3A_155 = vector.shape_cast %max3A_150 : vector<16xf32> to vector<1x16xf32>
        tpu.vector_store %arg9[%swap3A_151, %swap3A_152], %swap3A_155 {strides = array<i32>} : memref<80x128xf32, #tpu.memory_space<vmem>>, vector<1x16xf32>,
        %get3A_156 = arith.index_cast %scan3A_72 : i32 to index
        %get3A_157 = arith.constant 80 : index
        %get3A_158 = tpu.vector_load %arg9[%get3A_156, %get3A_157] {strides = array<i32>} : memref<80x128xf32, #tpu.memory_space<vmem>>, vector<1x16xf32>,
        %get3A_159 = vector.shape_cast %get3A_158 : vector<1x16xf32> to vector<16xf32>
        %get3A_160 = arith.index_cast %scan3A_72 : i32 to index
        %get3A_161 = arith.constant 80 : index
        %get3A_162 = tpu.vector_load %arg10[%get3A_160, %get3A_161] {strides = array<i32>} : memref<80x128xf32, #tpu.memory_space<vmem>>, vector<1x16xf32>,
        %get3A_163 = vector.shape_cast %get3A_162 : vector<1x16xf32> to vector<16xf32>
        %add3A_164 = arith.addf %get3A_159, %get3A_163 : vector<16xf32>
        %max3A_165 = arith.constant 0.000000e+00 : f32
        %max3A_166 = vector.broadcast %max3A_165 : f32 to vector<16xf32>
        %max3A_167 = arith.maximumf %add3A_164, %max3A_166 : vector<16xf32>
        %swap3A_168 = arith.index_cast %scan3A_72 : i32 to index
        %swap3A_169 = arith.constant 80 : index
        %swap3A_170 = tpu.vector_load %arg9[%swap3A_168, %swap3A_169] {strides = array<i32>} : memref<80x128xf32, #tpu.memory_space<vmem>>, vector<1x16xf32>,
        %swap3A_171 = vector.shape_cast %swap3A_170 : vector<1x16xf32> to vector<16xf32>
        %swap3A_172 = vector.shape_cast %max3A_167 : vector<16xf32> to vector<1x16xf32>
        tpu.vector_store %arg9[%swap3A_168, %swap3A_169], %swap3A_172 {strides = array<i32>} : memref<80x128xf32, #tpu.memory_space<vmem>>, vector<1x16xf32>,
        %get3A_173 = arith.index_cast %scan3A_72 : i32 to index
        %get3A_174 = arith.constant 96 : index
        %get3A_175 = tpu.vector_load %arg9[%get3A_173, %get3A_174] {strides = array<i32>} : memref<80x128xf32, #tpu.memory_space<vmem>>, vector<1x16xf32>,
        %get3A_176 = vector.shape_cast %get3A_175 : vector<1x16xf32> to vector<16xf32>
        %get3A_177 = arith.index_cast %scan3A_72 : i32 to index
        %get3A_178 = arith.constant 96 : index
        %get3A_179 = tpu.vector_load %arg10[%get3A_177, %get3A_178] {strides = array<i32>} : memref<80x128xf32, #tpu.memory_space<vmem>>, vector<1x16xf32>,
        %get3A_180 = vector.shape_cast %get3A_179 : vector<1x16xf32> to vector<16xf32>
        %add3A_181 = arith.addf %get3A_176, %get3A_180 : vector<16xf32>
        %max3A_182 = arith.constant 0.000000e+00 : f32
        %max3A_183 = vector.broadcast %max3A_182 : f32 to vector<16xf32>
        %max3A_184 = arith.maximumf %add3A_181, %max3A_183 : vector<16xf32>
        %swap3A_185 = arith.index_cast %scan3A_72 : i32 to index
        %swap3A_186 = arith.constant 96 : index
        %swap3A_187 = tpu.vector_load %arg9[%swap3A_185, %swap3A_186] {strides = array<i32>} : memref<80x128xf32, #tpu.memory_space<vmem>>, vector<1x16xf32>,
        %swap3A_188 = vector.shape_cast %swap3A_187 : vector<1x16xf32> to vector<16xf32>
        %swap3A_189 = vector.shape_cast %max3A_184 : vector<16xf32> to vector<1x16xf32>
        tpu.vector_store %arg9[%swap3A_185, %swap3A_186], %swap3A_189 {strides = array<i32>} : memref<80x128xf32, #tpu.memory_space<vmem>>, vector<1x16xf32>,
        %get3A_190 = arith.index_cast %scan3A_72 : i32 to index
        %get3A_191 = arith.constant 112 : index
        %get3A_192 = tpu.vector_load %arg9[%get3A_190, %get3A_191] {strides = array<i32>} : memref<80x128xf32, #tpu.memory_space<vmem>>, vector<1x16xf32>,
        %get3A_193 = vector.shape_cast %get3A_192 : vector<1x16xf32> to vector<16xf32>
        %get3A_194 = arith.index_cast %scan3A_72 : i32 to index
        %get3A_195 = arith.constant 112 : index
        %get3A_196 = tpu.vector_load %arg10[%get3A_194, %get3A_195] {strides = array<i32>} : memref<80x128xf32, #tpu.memory_space<vmem>>, vector<1x16xf32>,
        %get3A_197 = vector.shape_cast %get3A_196 : vector<1x16xf32> to vector<16xf32>
        %add3A_198 = arith.addf %get3A_193, %get3A_197 : vector<16xf32>
        %max3A_199 = arith.constant 0.000000e+00 : f32
        %max3A_200 = vector.broadcast %max3A_199 : f32 to vector<16xf32>
        %max3A_201 = arith.maximumf %add3A_198, %max3A_200 : vector<16xf32>
        %swap3A_202 = arith.index_cast %scan3A_72 : i32 to index
        %swap3A_203 = arith.constant 112 : index
        %swap3A_204 = tpu.vector_load %arg9[%swap3A_202, %swap3A_203] {strides = array<i32>} : memref<80x128xf32, #tpu.memory_space<vmem>>, vector<1x16xf32>,
        %swap3A_205 = vector.shape_cast %swap3A_204 : vector<1x16xf32> to vector<16xf32>
        %swap3A_206 = vector.shape_cast %max3A_201 : vector<16xf32> to vector<1x16xf32>
        tpu.vector_store %arg9[%swap3A_202, %swap3A_203], %swap3A_206 {strides = array<i32>} : memref<80x128xf32, #tpu.memory_space<vmem>>, vector<1x16xf32>,
        %scan3A_207 = arith.constant 0 : i32
        scf.yield %scan3A_207 : i32
      }
      %scan3A_70 = arith.constant 80 : i32
      "tpu.region"() ({
        %run_scoped3A = tpu.sem_alloc : memref<!tpu.dma_semaphore, #tpu.memory_space<semaphore_mem>>
        %dma_start3A_72 = arith.constant 0 : i32
        %dma_start3A_73 = arith.constant 0 : i32
        %dma_start3A_74 = tpu.memref_slice %arg11[%dma_start3A_72, %dma_start3A_73] : memref<10000x128xf32, #tpu.memory_space<vmem_shared>> -> memref<10000x128xf32, #tpu.memory_space<vmem_shared>>
        tpu.enqueue_indirect_dma source(%arg9 : memref<80x128xf32, #tpu.memory_space<vmem>>) target(%dma_start3A_74 : memref<10000x128xf32, #tpu.memory_space<vmem_shared>>) offsets(%arg8 : memref<80xi32, #tpu.memory_space<vmem>>) semaphore(%run_scoped3A : memref<!tpu.dma_semaphore, #tpu.memory_space<semaphore_mem>>) {add = true}
        %dma_wait3A_75 = arith.constant 0 : i32
        %dma_wait3A_76 = arith.constant 0 : i32
        %dma_wait3A_77 = tpu.memref_slice %arg11[%dma_wait3A_75, %dma_wait3A_76] : memref<10000x128xf32, #tpu.memory_space<vmem_shared>> -> memref<10000x128xf32, #tpu.memory_space<vmem_shared>>
        tpu.wait_indirect_dma semaphore(%run_scoped3A : memref<!tpu.dma_semaphore, #tpu.memory_space<semaphore_mem>>) src(%arg9 : memref<80x128xf32, #tpu.memory_space<vmem>>) dst(%dma_wait3A_77 : memref<10000x128xf32, #tpu.memory_space<vmem_shared>>)
        tpu.yield
      }) : () -> ()
      %scan3A_71 = arith.constant 0 : i32
      scf.yield %scan3A_71 : i32
    }
    %scan3A_47 = arith.constant 125 : i32
    %barrier3A_48 = arith.constant 0 : index
    tpu.barrier barrier_id(%barrier3A_48)
    %lt3A = arith.constant 15 : i32
    %lt3A_49 = arith.cmpi slt, %arg1, %lt3A : i32
    %convert_element_type3A = arith.extui %lt3A_49 : i1 to i32
    %cond3A = arith.constant 0 : i32
    %cond3A_50 = arith.cmpi ne, %convert_element_type3A, %cond3A : i32
    scf.if %cond3A_50 {
      %mul3A_55 = arith.constant 624 : i32
      %mul3A_56 = arith.muli %arg1, %mul3A_55 : i32
      %mul3A_57 = arith.constant 10000 : i32
      %mul3A_58 = arith.muli %arg0, %mul3A_57 : i32
      %mul3A_59 = arith.constant 624 : i32
      %mul3A_60 = arith.muli %arg1, %mul3A_59 : i32
      %add3A_61 = arith.addi %mul3A_58, %mul3A_60 : i32
      "tpu.region"() ({
        %run_scoped3A = tpu.sem_alloc : memref<!tpu.dma_semaphore, #tpu.memory_space<semaphore_mem>>
        %dma_start3A = arith.constant 0 : i32
        %dma_start3A_62 = tpu.memref_slice %arg6[%add3A_61, %dma_start3A] : memref<20000x128xf32, #tpu.memory_space<hbm>> -> memref<624x128xf32, #tpu.memory_space<hbm>>
        %dma_start3A_63 = arith.constant 0 : i32
        %dma_start3A_64 = tpu.memref_slice %arg11[%mul3A_56, %dma_start3A_63] : memref<10000x128xf32, #tpu.memory_space<vmem_shared>> -> memref<624x128xf32, #tpu.memory_space<vmem_shared>>
        tpu.enqueue_dma source(%dma_start3A_64 : memref<624x128xf32, #tpu.memory_space<vmem_shared>>) target(%dma_start3A_62 : memref<624x128xf32, #tpu.memory_space<hbm>>) target_semaphore(%run_scoped3A : memref<!tpu.dma_semaphore, #tpu.memory_space<semaphore_mem>>)
        %dma_wait3A = arith.constant 0 : i32
        %dma_wait3A_65 = tpu.memref_slice %arg6[%add3A_61, %dma_wait3A] : memref<20000x128xf32, #tpu.memory_space<hbm>> -> memref<624x128xf32, #tpu.memory_space<hbm>>
        %dma_wait3A_66 = arith.constant 0 : i32
        %dma_wait3A_67 = tpu.memref_slice %arg11[%mul3A_56, %dma_wait3A_66] : memref<10000x128xf32, #tpu.memory_space<vmem_shared>> -> memref<624x128xf32, #tpu.memory_space<vmem_shared>>
        tpu.wait_dma2 semaphore(%run_scoped3A : memref<!tpu.dma_semaphore, #tpu.memory_space<semaphore_mem>>) src(%dma_wait3A_67 : memref<624x128xf32, #tpu.memory_space<vmem_shared>>) dst(%dma_wait3A_65 : memref<624x128xf32, #tpu.memory_space<hbm>>)
        tpu.yield
      }) : () -> ()
    } else {
    }
    %eq3A = arith.constant 15 : i32
    %eq3A_51 = arith.cmpi eq, %arg1, %eq3A : i32
    %convert_element_type3A_52 = arith.extui %eq3A_51 : i1 to i32
    %cond3A_53 = arith.constant 0 : i32
    %cond3A_54 = arith.cmpi ne, %convert_element_type3A_52, %cond3A_53 : i32
    scf.if %cond3A_54 {
      %mul3A_55 = arith.constant 10000 : i32
      %mul3A_56 = arith.muli %arg0, %mul3A_55 : i32
      %add3A_57 = arith.constant 9360 : i32
      %add3A_58 = arith.addi %mul3A_56, %add3A_57 : i32
      "tpu.region"() ({
        %run_scoped3A = tpu.sem_alloc : memref<!tpu.dma_semaphore, #tpu.memory_space<semaphore_mem>>
        %dma_start3A = arith.constant 0 : i32
        %dma_start3A_59 = tpu.memref_slice %arg6[%add3A_58, %dma_start3A] : memref<20000x128xf32, #tpu.memory_space<hbm>> -> memref<640x128xf32, #tpu.memory_space<hbm>>
        %dma_start3A_60 = arith.constant 9360 : i32
        %dma_start3A_61 = arith.constant 0 : i32
        %dma_start3A_62 = tpu.memref_slice %arg11[%dma_start3A_60, %dma_start3A_61] : memref<10000x128xf32, #tpu.memory_space<vmem_shared>> -> memref<640x128xf32, #tpu.memory_space<vmem_shared>>
        tpu.enqueue_dma source(%dma_start3A_62 : memref<640x128xf32, #tpu.memory_space<vmem_shared>>) target(%dma_start3A_59 : memref<640x128xf32, #tpu.memory_space<hbm>>) target_semaphore(%run_scoped3A : memref<!tpu.dma_semaphore, #tpu.memory_space<semaphore_mem>>)
        %dma_wait3A = arith.constant 0 : i32
        %dma_wait3A_63 = tpu.memref_slice %arg6[%add3A_58, %dma_wait3A] : memref<20000x128xf32, #tpu.memory_space<hbm>> -> memref<640x128xf32, #tpu.memory_space<hbm>>
        %dma_wait3A_64 = arith.constant 9360 : i32
        %dma_wait3A_65 = arith.constant 0 : i32
        %dma_wait3A_66 = tpu.memref_slice %arg11[%dma_wait3A_64, %dma_wait3A_65] : memref<10000x128xf32, #tpu.memory_space<vmem_shared>> -> memref<640x128xf32, #tpu.memory_space<vmem_shared>>
        tpu.wait_dma2 semaphore(%run_scoped3A : memref<!tpu.dma_semaphore, #tpu.memory_space<semaphore_mem>>) src(%dma_wait3A_66 : memref<640x128xf32, #tpu.memory_space<vmem_shared>>) dst(%dma_wait3A_63 : memref<640x128xf32, #tpu.memory_space<hbm>>)
        tpu.yield
      }) : () -> ()
    } else {
    }
    return
  }
}

#map = affine_map<(d0, d1) -> (0, 0)>
#map1 = affine_map<(d0, d1) -> (0)>
module attributes {stable_mosaic.version = 14 : i64} {
  func.func @k(%arg0: i32, %arg1: i32, %arg2: memref<10000x128xf32, #tpu.memory_space<hbm>>, %arg3: memref<320000xi32, #tpu.memory_space<hbm>>, %arg4: memref<320000xi32, #tpu.memory_space<hbm>>, %arg5: memref<320000x128xf32, #tpu.memory_space<hbm>>, %arg6: memref<20000x128xf32, #tpu.memory_space<hbm>>, %arg7: memref<80xi32, #tpu.memory_space<vmem>>, %arg8: memref<80xi32, #tpu.memory_space<vmem>>, %arg9: memref<80x128xf32, #tpu.memory_space<vmem>>, %arg10: memref<80x128xf32, #tpu.memory_space<vmem>>, %arg11: memref<10000x128xf32, #tpu.memory_space<vmem_shared>>, %arg12: memref<!tpu.dma_semaphore, #tpu.memory_space<semaphore_mem>>) attributes {dimension_semantics = [#tpu.dimension_semantics<core_parallel>, #tpu.dimension_semantics<subcore_parallel>], iteration_bounds = array<i64: 2, 16>, scalar_prefetch = 0 : i64, scratch_operands = 6 : i64, tpu.core_type = #tpu.core_type<sc_vector_subcore>, window_params = [{transform_indices = #map}, {transform_indices = #map1}, {transform_indices = #map1}, {transform_indices = #map}, {transform_indices = #map}]} {
    %mul3A = arith.constant 16 : i32
    %mul3A_0 = arith.muli %arg0, %mul3A : i32
    %add3A = arith.addi %mul3A_0, %arg1 : i32
    %scan3A = arith.constant 0 : i32
    %scan3A_1 = arith.constant 0 : i32
    %scan3A_2 = arith.constant 80 : i32
    %scan3A_3 = arith.addi %scan3A_1, %scan3A_2 : i32
    %scan3A_4 = arith.constant 1 : i32
    %scan3A_5 = scf.for %scan3A_55 = %scan3A_1 to %scan3A_3 step %scan3A_4 iter_args(%scan3A_56 = %scan3A) -> (i32)  : i32 {
      %broadcast_in_dim3A = arith.constant 0.000000e+00 : f32
      %broadcast_in_dim3A_57 = vector.broadcast %broadcast_in_dim3A : f32 to vector<16xf32>
      %swap3A = arith.index_cast %scan3A_55 : i32 to index
      %swap3A_58 = arith.constant 0 : index
      %swap3A_59 = tpu.vector_load %arg9[%swap3A, %swap3A_58] {strides = array<i32>} : memref<80x128xf32, #tpu.memory_space<vmem>>, vector<1x16xf32>,
      %swap3A_60 = vector.shape_cast %swap3A_59 : vector<1x16xf32> to vector<16xf32>
      %swap3A_61 = vector.shape_cast %broadcast_in_dim3A_57 : vector<16xf32> to vector<1x16xf32>
      tpu.vector_store %arg9[%swap3A, %swap3A_58], %swap3A_61 {strides = array<i32>} : memref<80x128xf32, #tpu.memory_space<vmem>>, vector<1x16xf32>,
      %broadcast_in_dim3A_62 = arith.constant 0.000000e+00 : f32
      %broadcast_in_dim3A_63 = vector.broadcast %broadcast_in_dim3A_62 : f32 to vector<16xf32>
      %swap3A_64 = arith.index_cast %scan3A_55 : i32 to index
      %swap3A_65 = arith.constant 16 : index
      %swap3A_66 = tpu.vector_load %arg9[%swap3A_64, %swap3A_65] {strides = array<i32>} : memref<80x128xf32, #tpu.memory_space<vmem>>, vector<1x16xf32>,
      %swap3A_67 = vector.shape_cast %swap3A_66 : vector<1x16xf32> to vector<16xf32>
      %swap3A_68 = vector.shape_cast %broadcast_in_dim3A_63 : vector<16xf32> to vector<1x16xf32>
      tpu.vector_store %arg9[%swap3A_64, %swap3A_65], %swap3A_68 {strides = array<i32>} : memref<80x128xf32, #tpu.memory_space<vmem>>, vector<1x16xf32>,
      %broadcast_in_dim3A_69 = arith.constant 0.000000e+00 : f32
      %broadcast_in_dim3A_70 = vector.broadcast %broadcast_in_dim3A_69 : f32 to vector<16xf32>
      %swap3A_71 = arith.index_cast %scan3A_55 : i32 to index
      %swap3A_72 = arith.constant 32 : index
      %swap3A_73 = tpu.vector_load %arg9[%swap3A_71, %swap3A_72] {strides = array<i32>} : memref<80x128xf32, #tpu.memory_space<vmem>>, vector<1x16xf32>,
      %swap3A_74 = vector.shape_cast %swap3A_73 : vector<1x16xf32> to vector<16xf32>
      %swap3A_75 = vector.shape_cast %broadcast_in_dim3A_70 : vector<16xf32> to vector<1x16xf32>
      tpu.vector_store %arg9[%swap3A_71, %swap3A_72], %swap3A_75 {strides = array<i32>} : memref<80x128xf32, #tpu.memory_space<vmem>>, vector<1x16xf32>,
      %broadcast_in_dim3A_76 = arith.constant 0.000000e+00 : f32
      %broadcast_in_dim3A_77 = vector.broadcast %broadcast_in_dim3A_76 : f32 to vector<16xf32>
      %swap3A_78 = arith.index_cast %scan3A_55 : i32 to index
      %swap3A_79 = arith.constant 48 : index
      %swap3A_80 = tpu.vector_load %arg9[%swap3A_78, %swap3A_79] {strides = array<i32>} : memref<80x128xf32, #tpu.memory_space<vmem>>, vector<1x16xf32>,
      %swap3A_81 = vector.shape_cast %swap3A_80 : vector<1x16xf32> to vector<16xf32>
      %swap3A_82 = vector.shape_cast %broadcast_in_dim3A_77 : vector<16xf32> to vector<1x16xf32>
      tpu.vector_store %arg9[%swap3A_78, %swap3A_79], %swap3A_82 {strides = array<i32>} : memref<80x128xf32, #tpu.memory_space<vmem>>, vector<1x16xf32>,
      %broadcast_in_dim3A_83 = arith.constant 0.000000e+00 : f32
      %broadcast_in_dim3A_84 = vector.broadcast %broadcast_in_dim3A_83 : f32 to vector<16xf32>
      %swap3A_85 = arith.index_cast %scan3A_55 : i32 to index
      %swap3A_86 = arith.constant 64 : index
      %swap3A_87 = tpu.vector_load %arg9[%swap3A_85, %swap3A_86] {strides = array<i32>} : memref<80x128xf32, #tpu.memory_space<vmem>>, vector<1x16xf32>,
      %swap3A_88 = vector.shape_cast %swap3A_87 : vector<1x16xf32> to vector<16xf32>
      %swap3A_89 = vector.shape_cast %broadcast_in_dim3A_84 : vector<16xf32> to vector<1x16xf32>
      tpu.vector_store %arg9[%swap3A_85, %swap3A_86], %swap3A_89 {strides = array<i32>} : memref<80x128xf32, #tpu.memory_space<vmem>>, vector<1x16xf32>,
      %broadcast_in_dim3A_90 = arith.constant 0.000000e+00 : f32
      %broadcast_in_dim3A_91 = vector.broadcast %broadcast_in_dim3A_90 : f32 to vector<16xf32>
      %swap3A_92 = arith.index_cast %scan3A_55 : i32 to index
      %swap3A_93 = arith.constant 80 : index
      %swap3A_94 = tpu.vector_load %arg9[%swap3A_92, %swap3A_93] {strides = array<i32>} : memref<80x128xf32, #tpu.memory_space<vmem>>, vector<1x16xf32>,
      %swap3A_95 = vector.shape_cast %swap3A_94 : vector<1x16xf32> to vector<16xf32>
      %swap3A_96 = vector.shape_cast %broadcast_in_dim3A_91 : vector<16xf32> to vector<1x16xf32>
      tpu.vector_store %arg9[%swap3A_92, %swap3A_93], %swap3A_96 {strides = array<i32>} : memref<80x128xf32, #tpu.memory_space<vmem>>, vector<1x16xf32>,
      %broadcast_in_dim3A_97 = arith.constant 0.000000e+00 : f32
      %broadcast_in_dim3A_98 = vector.broadcast %broadcast_in_dim3A_97 : f32 to vector<16xf32>
      %swap3A_99 = arith.index_cast %scan3A_55 : i32 to index
      %swap3A_100 = arith.constant 96 : index
      %swap3A_101 = tpu.vector_load %arg9[%swap3A_99, %swap3A_100] {strides = array<i32>} : memref<80x128xf32, #tpu.memory_space<vmem>>, vector<1x16xf32>,
      %swap3A_102 = vector.shape_cast %swap3A_101 : vector<1x16xf32> to vector<16xf32>
      %swap3A_103 = vector.shape_cast %broadcast_in_dim3A_98 : vector<16xf32> to vector<1x16xf32>
      tpu.vector_store %arg9[%swap3A_99, %swap3A_100], %swap3A_103 {strides = array<i32>} : memref<80x128xf32, #tpu.memory_space<vmem>>, vector<1x16xf32>,
      %broadcast_in_dim3A_104 = arith.constant 0.000000e+00 : f32
      %broadcast_in_dim3A_105 = vector.broadcast %broadcast_in_dim3A_104 : f32 to vector<16xf32>
      %swap3A_106 = arith.index_cast %scan3A_55 : i32 to index
      %swap3A_107 = arith.constant 112 : index
      %swap3A_108 = tpu.vector_load %arg9[%swap3A_106, %swap3A_107] {strides = array<i32>} : memref<80x128xf32, #tpu.memory_space<vmem>>, vector<1x16xf32>,
      %swap3A_109 = vector.shape_cast %swap3A_108 : vector<1x16xf32> to vector<16xf32>
      %swap3A_110 = vector.shape_cast %broadcast_in_dim3A_105 : vector<16xf32> to vector<1x16xf32>
      tpu.vector_store %arg9[%swap3A_106, %swap3A_107], %swap3A_110 {strides = array<i32>} : memref<80x128xf32, #tpu.memory_space<vmem>>, vector<1x16xf32>,
      %scan3A_111 = arith.constant 0 : i32
      scf.yield %scan3A_111 : i32
    }
    %scan3A_6 = arith.constant 80 : i32
    %mul3A_7 = arith.constant 624 : i32
    %mul3A_8 = arith.muli %arg1, %mul3A_7 : i32
    %add3A_9 = arith.constant 0 : i32
    %add3A_10 = arith.addi %mul3A_8, %add3A_9 : i32
    "tpu.region"() ({
      %run_scoped3A = tpu.sem_alloc : memref<!tpu.dma_semaphore, #tpu.memory_space<semaphore_mem>>
      %dma_start3A = arith.constant 0 : i32
      %dma_start3A_55 = tpu.memref_slice %arg11[%add3A_10, %dma_start3A] : memref<10000x128xf32, #tpu.memory_space<vmem_shared>> -> memref<80x128xf32, #tpu.memory_space<vmem_shared>>
      %dma_start3A_56 = arith.constant 0 : i32
      %dma_start3A_57 = tpu.memref_slice %arg11[%add3A_10, %dma_start3A_56] : memref<10000x128xf32, #tpu.memory_space<vmem_shared>> -> memref<80x128xf32, #tpu.memory_space<vmem_shared>>
      tpu.enqueue_dma source(%arg9 : memref<80x128xf32, #tpu.memory_space<vmem>>) target(%dma_start3A_57 : memref<80x128xf32, #tpu.memory_space<vmem_shared>>) target_semaphore(%run_scoped3A : memref<!tpu.dma_semaphore, #tpu.memory_space<semaphore_mem>>)
      %dma_wait3A = arith.constant 0 : i32
      %dma_wait3A_58 = tpu.memref_slice %arg11[%add3A_10, %dma_wait3A] : memref<10000x128xf32, #tpu.memory_space<vmem_shared>> -> memref<80x128xf32, #tpu.memory_space<vmem_shared>>
      %dma_wait3A_59 = arith.constant 0 : i32
      %dma_wait3A_60 = tpu.memref_slice %arg11[%add3A_10, %dma_wait3A_59] : memref<10000x128xf32, #tpu.memory_space<vmem_shared>> -> memref<80x128xf32, #tpu.memory_space<vmem_shared>>
      tpu.wait_dma2 semaphore(%run_scoped3A : memref<!tpu.dma_semaphore, #tpu.memory_space<semaphore_mem>>) src(%arg9 : memref<80x128xf32, #tpu.memory_space<vmem>>) dst(%dma_wait3A_60 : memref<80x128xf32, #tpu.memory_space<vmem_shared>>)
      tpu.yield
    }) : () -> ()
    %mul3A_11 = arith.constant 624 : i32
    %mul3A_12 = arith.muli %arg1, %mul3A_11 : i32
    %add3A_13 = arith.constant 80 : i32
    %add3A_14 = arith.addi %mul3A_12, %add3A_13 : i32
    "tpu.region"() ({
      %run_scoped3A = tpu.sem_alloc : memref<!tpu.dma_semaphore, #tpu.memory_space<semaphore_mem>>
      %dma_start3A = arith.constant 0 : i32
      %dma_start3A_55 = tpu.memref_slice %arg11[%add3A_14, %dma_start3A] : memref<10000x128xf32, #tpu.memory_space<vmem_shared>> -> memref<80x128xf32, #tpu.memory_space<vmem_shared>>
      %dma_start3A_56 = arith.constant 0 : i32
      %dma_start3A_57 = tpu.memref_slice %arg11[%add3A_14, %dma_start3A_56] : memref<10000x128xf32, #tpu.memory_space<vmem_shared>> -> memref<80x128xf32, #tpu.memory_space<vmem_shared>>
      tpu.enqueue_dma source(%arg9 : memref<80x128xf32, #tpu.memory_space<vmem>>) target(%dma_start3A_57 : memref<80x128xf32, #tpu.memory_space<vmem_shared>>) target_semaphore(%run_scoped3A : memref<!tpu.dma_semaphore, #tpu.memory_space<semaphore_mem>>)
      %dma_wait3A = arith.constant 0 : i32
      %dma_wait3A_58 = tpu.memref_slice %arg11[%add3A_14, %dma_wait3A] : memref<10000x128xf32, #tpu.memory_space<vmem_shared>> -> memref<80x128xf32, #tpu.memory_space<vmem_shared>>
      %dma_wait3A_59 = arith.constant 0 : i32
      %dma_wait3A_60 = tpu.memref_slice %arg11[%add3A_14, %dma_wait3A_59] : memref<10000x128xf32, #tpu.memory_space<vmem_shared>> -> memref<80x128xf32, #tpu.memory_space<vmem_shared>>
      tpu.wait_dma2 semaphore(%run_scoped3A : memref<!tpu.dma_semaphore, #tpu.memory_space<semaphore_mem>>) src(%arg9 : memref<80x128xf32, #tpu.memory_space<vmem>>) dst(%dma_wait3A_60 : memref<80x128xf32, #tpu.memory_space<vmem_shared>>)
      tpu.yield
    }) : () -> ()
    %mul3A_15 = arith.constant 624 : i32
    %mul3A_16 = arith.muli %arg1, %mul3A_15 : i32
    %add3A_17 = arith.constant 160 : i32
    %add3A_18 = arith.addi %mul3A_16, %add3A_17 : i32
    "tpu.region"() ({
      %run_scoped3A = tpu.sem_alloc : memref<!tpu.dma_semaphore, #tpu.memory_space<semaphore_mem>>
      %dma_start3A = arith.constant 0 : i32
      %dma_start3A_55 = tpu.memref_slice %arg11[%add3A_18, %dma_start3A] : memref<10000x128xf32, #tpu.memory_space<vmem_shared>> -> memref<80x128xf32, #tpu.memory_space<vmem_shared>>
      %dma_start3A_56 = arith.constant 0 : i32
      %dma_start3A_57 = tpu.memref_slice %arg11[%add3A_18, %dma_start3A_56] : memref<10000x128xf32, #tpu.memory_space<vmem_shared>> -> memref<80x128xf32, #tpu.memory_space<vmem_shared>>
      tpu.enqueue_dma source(%arg9 : memref<80x128xf32, #tpu.memory_space<vmem>>) target(%dma_start3A_57 : memref<80x128xf32, #tpu.memory_space<vmem_shared>>) target_semaphore(%run_scoped3A : memref<!tpu.dma_semaphore, #tpu.memory_space<semaphore_mem>>)
      %dma_wait3A = arith.constant 0 : i32
      %dma_wait3A_58 = tpu.memref_slice %arg11[%add3A_18, %dma_wait3A] : memref<10000x128xf32, #tpu.memory_space<vmem_shared>> -> memref<80x128xf32, #tpu.memory_space<vmem_shared>>
      %dma_wait3A_59 = arith.constant 0 : i32
      %dma_wait3A_60 = tpu.memref_slice %arg11[%add3A_18, %dma_wait3A_59] : memref<10000x128xf32, #tpu.memory_space<vmem_shared>> -> memref<80x128xf32, #tpu.memory_space<vmem_shared>>
      tpu.wait_dma2 semaphore(%run_scoped3A : memref<!tpu.dma_semaphore, #tpu.memory_space<semaphore_mem>>) src(%arg9 : memref<80x128xf32, #tpu.memory_space<vmem>>) dst(%dma_wait3A_60 : memref<80x128xf32, #tpu.memory_space<vmem_shared>>)
      tpu.yield
    }) : () -> ()
    %mul3A_19 = arith.constant 624 : i32
    %mul3A_20 = arith.muli %arg1, %mul3A_19 : i32
    %add3A_21 = arith.constant 240 : i32
    %add3A_22 = arith.addi %mul3A_20, %add3A_21 : i32
    "tpu.region"() ({
      %run_scoped3A = tpu.sem_alloc : memref<!tpu.dma_semaphore, #tpu.memory_space<semaphore_mem>>
      %dma_start3A = arith.constant 0 : i32
      %dma_start3A_55 = tpu.memref_slice %arg11[%add3A_22, %dma_start3A] : memref<10000x128xf32, #tpu.memory_space<vmem_shared>> -> memref<80x128xf32, #tpu.memory_space<vmem_shared>>
      %dma_start3A_56 = arith.constant 0 : i32
      %dma_start3A_57 = tpu.memref_slice %arg11[%add3A_22, %dma_start3A_56] : memref<10000x128xf32, #tpu.memory_space<vmem_shared>> -> memref<80x128xf32, #tpu.memory_space<vmem_shared>>
      tpu.enqueue_dma source(%arg9 : memref<80x128xf32, #tpu.memory_space<vmem>>) target(%dma_start3A_57 : memref<80x128xf32, #tpu.memory_space<vmem_shared>>) target_semaphore(%run_scoped3A : memref<!tpu.dma_semaphore, #tpu.memory_space<semaphore_mem>>)
      %dma_wait3A = arith.constant 0 : i32
      %dma_wait3A_58 = tpu.memref_slice %arg11[%add3A_22, %dma_wait3A] : memref<10000x128xf32, #tpu.memory_space<vmem_shared>> -> memref<80x128xf32, #tpu.memory_space<vmem_shared>>
      %dma_wait3A_59 = arith.constant 0 : i32
      %dma_wait3A_60 = tpu.memref_slice %arg11[%add3A_22, %dma_wait3A_59] : memref<10000x128xf32, #tpu.memory_space<vmem_shared>> -> memref<80x128xf32, #tpu.memory_space<vmem_shared>>
      tpu.wait_dma2 semaphore(%run_scoped3A : memref<!tpu.dma_semaphore, #tpu.memory_space<semaphore_mem>>) src(%arg9 : memref<80x128xf32, #tpu.memory_space<vmem>>) dst(%dma_wait3A_60 : memref<80x128xf32, #tpu.memory_space<vmem_shared>>)
      tpu.yield
    }) : () -> ()
    %mul3A_23 = arith.constant 624 : i32
    %mul3A_24 = arith.muli %arg1, %mul3A_23 : i32
    %add3A_25 = arith.constant 320 : i32
    %add3A_26 = arith.addi %mul3A_24, %add3A_25 : i32
    "tpu.region"() ({
      %run_scoped3A = tpu.sem_alloc : memref<!tpu.dma_semaphore, #tpu.memory_space<semaphore_mem>>
      %dma_start3A = arith.constant 0 : i32
      %dma_start3A_55 = tpu.memref_slice %arg11[%add3A_26, %dma_start3A] : memref<10000x128xf32, #tpu.memory_space<vmem_shared>> -> memref<80x128xf32, #tpu.memory_space<vmem_shared>>
      %dma_start3A_56 = arith.constant 0 : i32
      %dma_start3A_57 = tpu.memref_slice %arg11[%add3A_26, %dma_start3A_56] : memref<10000x128xf32, #tpu.memory_space<vmem_shared>> -> memref<80x128xf32, #tpu.memory_space<vmem_shared>>
      tpu.enqueue_dma source(%arg9 : memref<80x128xf32, #tpu.memory_space<vmem>>) target(%dma_start3A_57 : memref<80x128xf32, #tpu.memory_space<vmem_shared>>) target_semaphore(%run_scoped3A : memref<!tpu.dma_semaphore, #tpu.memory_space<semaphore_mem>>)
      %dma_wait3A = arith.constant 0 : i32
      %dma_wait3A_58 = tpu.memref_slice %arg11[%add3A_26, %dma_wait3A] : memref<10000x128xf32, #tpu.memory_space<vmem_shared>> -> memref<80x128xf32, #tpu.memory_space<vmem_shared>>
      %dma_wait3A_59 = arith.constant 0 : i32
      %dma_wait3A_60 = tpu.memref_slice %arg11[%add3A_26, %dma_wait3A_59] : memref<10000x128xf32, #tpu.memory_space<vmem_shared>> -> memref<80x128xf32, #tpu.memory_space<vmem_shared>>
      tpu.wait_dma2 semaphore(%run_scoped3A : memref<!tpu.dma_semaphore, #tpu.memory_space<semaphore_mem>>) src(%arg9 : memref<80x128xf32, #tpu.memory_space<vmem>>) dst(%dma_wait3A_60 : memref<80x128xf32, #tpu.memory_space<vmem_shared>>)
      tpu.yield
    }) : () -> ()
    %mul3A_27 = arith.constant 624 : i32
    %mul3A_28 = arith.muli %arg1, %mul3A_27 : i32
    %add3A_29 = arith.constant 400 : i32
    %add3A_30 = arith.addi %mul3A_28, %add3A_29 : i32
    "tpu.region"() ({
      %run_scoped3A = tpu.sem_alloc : memref<!tpu.dma_semaphore, #tpu.memory_space<semaphore_mem>>
      %dma_start3A = arith.constant 0 : i32
      %dma_start3A_55 = tpu.memref_slice %arg11[%add3A_30, %dma_start3A] : memref<10000x128xf32, #tpu.memory_space<vmem_shared>> -> memref<80x128xf32, #tpu.memory_space<vmem_shared>>
      %dma_start3A_56 = arith.constant 0 : i32
      %dma_start3A_57 = tpu.memref_slice %arg11[%add3A_30, %dma_start3A_56] : memref<10000x128xf32, #tpu.memory_space<vmem_shared>> -> memref<80x128xf32, #tpu.memory_space<vmem_shared>>
      tpu.enqueue_dma source(%arg9 : memref<80x128xf32, #tpu.memory_space<vmem>>) target(%dma_start3A_57 : memref<80x128xf32, #tpu.memory_space<vmem_shared>>) target_semaphore(%run_scoped3A : memref<!tpu.dma_semaphore, #tpu.memory_space<semaphore_mem>>)
      %dma_wait3A = arith.constant 0 : i32
      %dma_wait3A_58 = tpu.memref_slice %arg11[%add3A_30, %dma_wait3A] : memref<10000x128xf32, #tpu.memory_space<vmem_shared>> -> memref<80x128xf32, #tpu.memory_space<vmem_shared>>
      %dma_wait3A_59 = arith.constant 0 : i32
      %dma_wait3A_60 = tpu.memref_slice %arg11[%add3A_30, %dma_wait3A_59] : memref<10000x128xf32, #tpu.memory_space<vmem_shared>> -> memref<80x128xf32, #tpu.memory_space<vmem_shared>>
      tpu.wait_dma2 semaphore(%run_scoped3A : memref<!tpu.dma_semaphore, #tpu.memory_space<semaphore_mem>>) src(%arg9 : memref<80x128xf32, #tpu.memory_space<vmem>>) dst(%dma_wait3A_60 : memref<80x128xf32, #tpu.memory_space<vmem_shared>>)
      tpu.yield
    }) : () -> ()
    %mul3A_31 = arith.constant 624 : i32
    %mul3A_32 = arith.muli %arg1, %mul3A_31 : i32
    %add3A_33 = arith.constant 480 : i32
    %add3A_34 = arith.addi %mul3A_32, %add3A_33 : i32
    "tpu.region"() ({
      %run_scoped3A = tpu.sem_alloc : memref<!tpu.dma_semaphore, #tpu.memory_space<semaphore_mem>>
      %dma_start3A = arith.constant 0 : i32
      %dma_start3A_55 = tpu.memref_slice %arg11[%add3A_34, %dma_start3A] : memref<10000x128xf32, #tpu.memory_space<vmem_shared>> -> memref<80x128xf32, #tpu.memory_space<vmem_shared>>
      %dma_start3A_56 = arith.constant 0 : i32
      %dma_start3A_57 = tpu.memref_slice %arg11[%add3A_34, %dma_start3A_56] : memref<10000x128xf32, #tpu.memory_space<vmem_shared>> -> memref<80x128xf32, #tpu.memory_space<vmem_shared>>
      tpu.enqueue_dma source(%arg9 : memref<80x128xf32, #tpu.memory_space<vmem>>) target(%dma_start3A_57 : memref<80x128xf32, #tpu.memory_space<vmem_shared>>) target_semaphore(%run_scoped3A : memref<!tpu.dma_semaphore, #tpu.memory_space<semaphore_mem>>)
      %dma_wait3A = arith.constant 0 : i32
      %dma_wait3A_58 = tpu.memref_slice %arg11[%add3A_34, %dma_wait3A] : memref<10000x128xf32, #tpu.memory_space<vmem_shared>> -> memref<80x128xf32, #tpu.memory_space<vmem_shared>>
      %dma_wait3A_59 = arith.constant 0 : i32
      %dma_wait3A_60 = tpu.memref_slice %arg11[%add3A_34, %dma_wait3A_59] : memref<10000x128xf32, #tpu.memory_space<vmem_shared>> -> memref<80x128xf32, #tpu.memory_space<vmem_shared>>
      tpu.wait_dma2 semaphore(%run_scoped3A : memref<!tpu.dma_semaphore, #tpu.memory_space<semaphore_mem>>) src(%arg9 : memref<80x128xf32, #tpu.memory_space<vmem>>) dst(%dma_wait3A_60 : memref<80x128xf32, #tpu.memory_space<vmem_shared>>)
      tpu.yield
    }) : () -> ()
    %mul3A_35 = arith.constant 624 : i32
    %mul3A_36 = arith.muli %arg1, %mul3A_35 : i32
    %add3A_37 = arith.constant 560 : i32
    %add3A_38 = arith.addi %mul3A_36, %add3A_37 : i32
    "tpu.region"() ({
      %run_scoped3A = tpu.sem_alloc : memref<!tpu.dma_semaphore, #tpu.memory_space<semaphore_mem>>
      %dma_start3A = arith.constant 0 : i32
      %dma_start3A_55 = tpu.memref_slice %arg11[%add3A_38, %dma_start3A] : memref<10000x128xf32, #tpu.memory_space<vmem_shared>> -> memref<80x128xf32, #tpu.memory_space<vmem_shared>>
      %dma_start3A_56 = arith.constant 0 : i32
      %dma_start3A_57 = tpu.memref_slice %arg11[%add3A_38, %dma_start3A_56] : memref<10000x128xf32, #tpu.memory_space<vmem_shared>> -> memref<80x128xf32, #tpu.memory_space<vmem_shared>>
      tpu.enqueue_dma source(%arg9 : memref<80x128xf32, #tpu.memory_space<vmem>>) target(%dma_start3A_57 : memref<80x128xf32, #tpu.memory_space<vmem_shared>>) target_semaphore(%run_scoped3A : memref<!tpu.dma_semaphore, #tpu.memory_space<semaphore_mem>>)
      %dma_wait3A = arith.constant 0 : i32
      %dma_wait3A_58 = tpu.memref_slice %arg11[%add3A_38, %dma_wait3A] : memref<10000x128xf32, #tpu.memory_space<vmem_shared>> -> memref<80x128xf32, #tpu.memory_space<vmem_shared>>
      %dma_wait3A_59 = arith.constant 0 : i32
      %dma_wait3A_60 = tpu.memref_slice %arg11[%add3A_38, %dma_wait3A_59] : memref<10000x128xf32, #tpu.memory_space<vmem_shared>> -> memref<80x128xf32, #tpu.memory_space<vmem_shared>>
      tpu.wait_dma2 semaphore(%run_scoped3A : memref<!tpu.dma_semaphore, #tpu.memory_space<semaphore_mem>>) src(%arg9 : memref<80x128xf32, #tpu.memory_space<vmem>>) dst(%dma_wait3A_60 : memref<80x128xf32, #tpu.memory_space<vmem_shared>>)
      tpu.yield
    }) : () -> ()
    %barrier3A = arith.constant 0 : index
    tpu.barrier barrier_id(%barrier3A)
    %mul3A_39 = arith.constant 10000 : i32
    %mul3A_40 = arith.muli %add3A, %mul3A_39 : i32
    %scan3A_41 = arith.constant 0 : i32
    %scan3A_42 = arith.constant 0 : i32
    %scan3A_43 = arith.constant 125 : i32
    %scan3A_44 = arith.addi %scan3A_42, %scan3A_43 : i32
    %scan3A_45 = arith.constant 1 : i32
    %scan3A_46 = scf.for %scan3A_55 = %scan3A_42 to %scan3A_44 step %scan3A_45 iter_args(%scan3A_56 = %scan3A_41) -> (i32)  : i32 {
      %mul3A_57 = arith.constant 80 : i32
      %mul3A_58 = arith.muli %scan3A_55, %mul3A_57 : i32
      %add3A_59 = arith.addi %mul3A_40, %mul3A_58 : i32
      "tpu.region"() ({
        %run_scoped3A = tpu.sem_alloc : memref<!tpu.dma_semaphore, #tpu.memory_space<semaphore_mem>>
        %dma_start3A_72 = tpu.memref_slice %arg3[%add3A_59] : memref<320000xi32, #tpu.memory_space<hbm>> -> memref<80xi32, #tpu.memory_space<hbm>>
        %dma_start3A_73 = tpu.memref_slice %arg3[%add3A_59] : memref<320000xi32, #tpu.memory_space<hbm>> -> memref<80xi32, #tpu.memory_space<hbm>>
        tpu.enqueue_dma source(%dma_start3A_73 : memref<80xi32, #tpu.memory_space<hbm>>) target(%arg7 : memref<80xi32, #tpu.memory_space<vmem>>) target_semaphore(%run_scoped3A : memref<!tpu.dma_semaphore, #tpu.memory_space<semaphore_mem>>)
        %dma_wait3A_74 = tpu.memref_slice %arg3[%add3A_59] : memref<320000xi32, #tpu.memory_space<hbm>> -> memref<80xi32, #tpu.memory_space<hbm>>
        %dma_wait3A_75 = tpu.memref_slice %arg3[%add3A_59] : memref<320000xi32, #tpu.memory_space<hbm>> -> memref<80xi32, #tpu.memory_space<hbm>>
        tpu.wait_dma2 semaphore(%run_scoped3A : memref<!tpu.dma_semaphore, #tpu.memory_space<semaphore_mem>>) src(%dma_wait3A_75 : memref<80xi32, #tpu.memory_space<hbm>>) dst(%arg7 : memref<80xi32, #tpu.memory_space<vmem>>)
        tpu.yield
      }) : () -> ()
      "tpu.region"() ({
        %run_scoped3A = tpu.sem_alloc : memref<!tpu.dma_semaphore, #tpu.memory_space<semaphore_mem>>
        %dma_start3A_72 = tpu.memref_slice %arg4[%add3A_59] : memref<320000xi32, #tpu.memory_space<hbm>> -> memref<80xi32, #tpu.memory_space<hbm>>
        %dma_start3A_73 = tpu.memref_slice %arg4[%add3A_59] : memref<320000xi32, #tpu.memory_space<hbm>> -> memref<80xi32, #tpu.memory_space<hbm>>
        tpu.enqueue_dma source(%dma_start3A_73 : memref<80xi32, #tpu.memory_space<hbm>>) target(%arg8 : memref<80xi32, #tpu.memory_space<vmem>>) target_semaphore(%run_scoped3A : memref<!tpu.dma_semaphore, #tpu.memory_space<semaphore_mem>>)
        %dma_wait3A_74 = tpu.memref_slice %arg4[%add3A_59] : memref<320000xi32, #tpu.memory_space<hbm>> -> memref<80xi32, #tpu.memory_space<hbm>>
        %dma_wait3A_75 = tpu.memref_slice %arg4[%add3A_59] : memref<320000xi32, #tpu.memory_space<hbm>> -> memref<80xi32, #tpu.memory_space<hbm>>
        tpu.wait_dma2 semaphore(%run_scoped3A : memref<!tpu.dma_semaphore, #tpu.memory_space<semaphore_mem>>) src(%dma_wait3A_75 : memref<80xi32, #tpu.memory_space<hbm>>) dst(%arg8 : memref<80xi32, #tpu.memory_space<vmem>>)
        tpu.yield
      }) : () -> ()
      %dma_start3A = arith.constant 0 : i32
      %dma_start3A_60 = arith.constant 0 : i32
      %dma_start3A_61 = tpu.memref_slice %arg2[%dma_start3A, %dma_start3A_60] : memref<10000x128xf32, #tpu.memory_space<hbm>> -> memref<10000x128xf32, #tpu.memory_space<hbm>>
      tpu.enqueue_indirect_dma source(%dma_start3A_61 : memref<10000x128xf32, #tpu.memory_space<hbm>>) target(%arg9 : memref<80x128xf32, #tpu.memory_space<vmem>>) offsets(%arg7 : memref<80xi32, #tpu.memory_space<vmem>>) semaphore(%arg12 : memref<!tpu.dma_semaphore, #tpu.memory_space<semaphore_mem>>)
      %dma_wait3A = arith.constant 0 : i32
      %dma_wait3A_62 = arith.constant 0 : i32
      %dma_wait3A_63 = tpu.memref_slice %arg2[%dma_wait3A, %dma_wait3A_62] : memref<10000x128xf32, #tpu.memory_space<hbm>> -> memref<10000x128xf32, #tpu.memory_space<hbm>>
      tpu.wait_indirect_dma semaphore(%arg12 : memref<!tpu.dma_semaphore, #tpu.memory_space<semaphore_mem>>) src(%dma_wait3A_63 : memref<10000x128xf32, #tpu.memory_space<hbm>>) dst(%arg9 : memref<80x128xf32, #tpu.memory_space<vmem>>)
      "tpu.region"() ({
        %run_scoped3A = tpu.sem_alloc : memref<!tpu.dma_semaphore, #tpu.memory_space<semaphore_mem>>
        %dma_start3A_72 = arith.constant 0 : i32
        %dma_start3A_73 = tpu.memref_slice %arg5[%add3A_59, %dma_start3A_72] : memref<320000x128xf32, #tpu.memory_space<hbm>> -> memref<80x128xf32, #tpu.memory_space<hbm>>
        %dma_start3A_74 = arith.constant 0 : i32
        %dma_start3A_75 = tpu.memref_slice %arg5[%add3A_59, %dma_start3A_74] : memref<320000x128xf32, #tpu.memory_space<hbm>> -> memref<80x128xf32, #tpu.memory_space<hbm>>
        tpu.enqueue_dma source(%dma_start3A_75 : memref<80x128xf32, #tpu.memory_space<hbm>>) target(%arg10 : memref<80x128xf32, #tpu.memory_space<vmem>>) target_semaphore(%run_scoped3A : memref<!tpu.dma_semaphore, #tpu.memory_space<semaphore_mem>>)
        %dma_wait3A_76 = arith.constant 0 : i32
        %dma_wait3A_77 = tpu.memref_slice %arg5[%add3A_59, %dma_wait3A_76] : memref<320000x128xf32, #tpu.memory_space<hbm>> -> memref<80x128xf32, #tpu.memory_space<hbm>>
        %dma_wait3A_78 = arith.constant 0 : i32
        %dma_wait3A_79 = tpu.memref_slice %arg5[%add3A_59, %dma_wait3A_78] : memref<320000x128xf32, #tpu.memory_space<hbm>> -> memref<80x128xf32, #tpu.memory_space<hbm>>
        tpu.wait_dma2 semaphore(%run_scoped3A : memref<!tpu.dma_semaphore, #tpu.memory_space<semaphore_mem>>) src(%dma_wait3A_79 : memref<80x128xf32, #tpu.memory_space<hbm>>) dst(%arg10 : memref<80x128xf32, #tpu.memory_space<vmem>>)
        tpu.yield
      }) : () -> ()
      %scan3A_64 = arith.constant 0 : i32
      %scan3A_65 = arith.constant 0 : i32
      %scan3A_66 = arith.constant 80 : i32
      %scan3A_67 = arith.addi %scan3A_65, %scan3A_66 : i32
      %scan3A_68 = arith.constant 1 : i32
      %scan3A_69 = scf.for %scan3A_72 = %scan3A_65 to %scan3A_67 step %scan3A_68 iter_args(%scan3A_73 = %scan3A_64) -> (i32)  : i32 {
        %get3A = arith.index_cast %scan3A_72 : i32 to index
        %get3A_74 = arith.constant 0 : index
        %get3A_75 = tpu.vector_load %arg9[%get3A, %get3A_74] {strides = array<i32>} : memref<80x128xf32, #tpu.memory_space<vmem>>, vector<1x16xf32>,
        %get3A_76 = vector.shape_cast %get3A_75 : vector<1x16xf32> to vector<16xf32>
        %get3A_77 = arith.index_cast %scan3A_72 : i32 to index
        %get3A_78 = arith.constant 0 : index
        %get3A_79 = tpu.vector_load %arg10[%get3A_77, %get3A_78] {strides = array<i32>} : memref<80x128xf32, #tpu.memory_space<vmem>>, vector<1x16xf32>,
        %get3A_80 = vector.shape_cast %get3A_79 : vector<1x16xf32> to vector<16xf32>
        %add3A_81 = arith.addf %get3A_76, %get3A_80 : vector<16xf32>
        %max3A = arith.constant 0.000000e+00 : f32
        %max3A_82 = vector.broadcast %max3A : f32 to vector<16xf32>
        %max3A_83 = arith.maximumf %add3A_81, %max3A_82 : vector<16xf32>
        %swap3A = arith.index_cast %scan3A_72 : i32 to index
        %swap3A_84 = arith.constant 0 : index
        %swap3A_85 = tpu.vector_load %arg9[%swap3A, %swap3A_84] {strides = array<i32>} : memref<80x128xf32, #tpu.memory_space<vmem>>, vector<1x16xf32>,
        %swap3A_86 = vector.shape_cast %swap3A_85 : vector<1x16xf32> to vector<16xf32>
        %swap3A_87 = vector.shape_cast %max3A_83 : vector<16xf32> to vector<1x16xf32>
        tpu.vector_store %arg9[%swap3A, %swap3A_84], %swap3A_87 {strides = array<i32>} : memref<80x128xf32, #tpu.memory_space<vmem>>, vector<1x16xf32>,
        %get3A_88 = arith.index_cast %scan3A_72 : i32 to index
        %get3A_89 = arith.constant 16 : index
        %get3A_90 = tpu.vector_load %arg9[%get3A_88, %get3A_89] {strides = array<i32>} : memref<80x128xf32, #tpu.memory_space<vmem>>, vector<1x16xf32>,
        %get3A_91 = vector.shape_cast %get3A_90 : vector<1x16xf32> to vector<16xf32>
        %get3A_92 = arith.index_cast %scan3A_72 : i32 to index
        %get3A_93 = arith.constant 16 : index
        %get3A_94 = tpu.vector_load %arg10[%get3A_92, %get3A_93] {strides = array<i32>} : memref<80x128xf32, #tpu.memory_space<vmem>>, vector<1x16xf32>,
        %get3A_95 = vector.shape_cast %get3A_94 : vector<1x16xf32> to vector<16xf32>
        %add3A_96 = arith.addf %get3A_91, %get3A_95 : vector<16xf32>
        %max3A_97 = arith.constant 0.000000e+00 : f32
        %max3A_98 = vector.broadcast %max3A_97 : f32 to vector<16xf32>
        %max3A_99 = arith.maximumf %add3A_96, %max3A_98 : vector<16xf32>
        %swap3A_100 = arith.index_cast %scan3A_72 : i32 to index
        %swap3A_101 = arith.constant 16 : index
        %swap3A_102 = tpu.vector_load %arg9[%swap3A_100, %swap3A_101] {strides = array<i32>} : memref<80x128xf32, #tpu.memory_space<vmem>>, vector<1x16xf32>,
        %swap3A_103 = vector.shape_cast %swap3A_102 : vector<1x16xf32> to vector<16xf32>
        %swap3A_104 = vector.shape_cast %max3A_99 : vector<16xf32> to vector<1x16xf32>
        tpu.vector_store %arg9[%swap3A_100, %swap3A_101], %swap3A_104 {strides = array<i32>} : memref<80x128xf32, #tpu.memory_space<vmem>>, vector<1x16xf32>,
        %get3A_105 = arith.index_cast %scan3A_72 : i32 to index
        %get3A_106 = arith.constant 32 : index
        %get3A_107 = tpu.vector_load %arg9[%get3A_105, %get3A_106] {strides = array<i32>} : memref<80x128xf32, #tpu.memory_space<vmem>>, vector<1x16xf32>,
        %get3A_108 = vector.shape_cast %get3A_107 : vector<1x16xf32> to vector<16xf32>
        %get3A_109 = arith.index_cast %scan3A_72 : i32 to index
        %get3A_110 = arith.constant 32 : index
        %get3A_111 = tpu.vector_load %arg10[%get3A_109, %get3A_110] {strides = array<i32>} : memref<80x128xf32, #tpu.memory_space<vmem>>, vector<1x16xf32>,
        %get3A_112 = vector.shape_cast %get3A_111 : vector<1x16xf32> to vector<16xf32>
        %add3A_113 = arith.addf %get3A_108, %get3A_112 : vector<16xf32>
        %max3A_114 = arith.constant 0.000000e+00 : f32
        %max3A_115 = vector.broadcast %max3A_114 : f32 to vector<16xf32>
        %max3A_116 = arith.maximumf %add3A_113, %max3A_115 : vector<16xf32>
        %swap3A_117 = arith.index_cast %scan3A_72 : i32 to index
        %swap3A_118 = arith.constant 32 : index
        %swap3A_119 = tpu.vector_load %arg9[%swap3A_117, %swap3A_118] {strides = array<i32>} : memref<80x128xf32, #tpu.memory_space<vmem>>, vector<1x16xf32>,
        %swap3A_120 = vector.shape_cast %swap3A_119 : vector<1x16xf32> to vector<16xf32>
        %swap3A_121 = vector.shape_cast %max3A_116 : vector<16xf32> to vector<1x16xf32>
        tpu.vector_store %arg9[%swap3A_117, %swap3A_118], %swap3A_121 {strides = array<i32>} : memref<80x128xf32, #tpu.memory_space<vmem>>, vector<1x16xf32>,
        %get3A_122 = arith.index_cast %scan3A_72 : i32 to index
        %get3A_123 = arith.constant 48 : index
        %get3A_124 = tpu.vector_load %arg9[%get3A_122, %get3A_123] {strides = array<i32>} : memref<80x128xf32, #tpu.memory_space<vmem>>, vector<1x16xf32>,
        %get3A_125 = vector.shape_cast %get3A_124 : vector<1x16xf32> to vector<16xf32>
        %get3A_126 = arith.index_cast %scan3A_72 : i32 to index
        %get3A_127 = arith.constant 48 : index
        %get3A_128 = tpu.vector_load %arg10[%get3A_126, %get3A_127] {strides = array<i32>} : memref<80x128xf32, #tpu.memory_space<vmem>>, vector<1x16xf32>,
        %get3A_129 = vector.shape_cast %get3A_128 : vector<1x16xf32> to vector<16xf32>
        %add3A_130 = arith.addf %get3A_125, %get3A_129 : vector<16xf32>
        %max3A_131 = arith.constant 0.000000e+00 : f32
        %max3A_132 = vector.broadcast %max3A_131 : f32 to vector<16xf32>
        %max3A_133 = arith.maximumf %add3A_130, %max3A_132 : vector<16xf32>
        %swap3A_134 = arith.index_cast %scan3A_72 : i32 to index
        %swap3A_135 = arith.constant 48 : index
        %swap3A_136 = tpu.vector_load %arg9[%swap3A_134, %swap3A_135] {strides = array<i32>} : memref<80x128xf32, #tpu.memory_space<vmem>>, vector<1x16xf32>,
        %swap3A_137 = vector.shape_cast %swap3A_136 : vector<1x16xf32> to vector<16xf32>
        %swap3A_138 = vector.shape_cast %max3A_133 : vector<16xf32> to vector<1x16xf32>
        tpu.vector_store %arg9[%swap3A_134, %swap3A_135], %swap3A_138 {strides = array<i32>} : memref<80x128xf32, #tpu.memory_space<vmem>>, vector<1x16xf32>,
        %get3A_139 = arith.index_cast %scan3A_72 : i32 to index
        %get3A_140 = arith.constant 64 : index
        %get3A_141 = tpu.vector_load %arg9[%get3A_139, %get3A_140] {strides = array<i32>} : memref<80x128xf32, #tpu.memory_space<vmem>>, vector<1x16xf32>,
        %get3A_142 = vector.shape_cast %get3A_141 : vector<1x16xf32> to vector<16xf32>
        %get3A_143 = arith.index_cast %scan3A_72 : i32 to index
        %get3A_144 = arith.constant 64 : index
        %get3A_145 = tpu.vector_load %arg10[%get3A_143, %get3A_144] {strides = array<i32>} : memref<80x128xf32, #tpu.memory_space<vmem>>, vector<1x16xf32>,
        %get3A_146 = vector.shape_cast %get3A_145 : vector<1x16xf32> to vector<16xf32>
        %add3A_147 = arith.addf %get3A_142, %get3A_146 : vector<16xf32>
        %max3A_148 = arith.constant 0.000000e+00 : f32
        %max3A_149 = vector.broadcast %max3A_148 : f32 to vector<16xf32>
        %max3A_150 = arith.maximumf %add3A_147, %max3A_149 : vector<16xf32>
        %swap3A_151 = arith.index_cast %scan3A_72 : i32 to index
        %swap3A_152 = arith.constant 64 : index
        %swap3A_153 = tpu.vector_load %arg9[%swap3A_151, %swap3A_152] {strides = array<i32>} : memref<80x128xf32, #tpu.memory_space<vmem>>, vector<1x16xf32>,
        %swap3A_154 = vector.shape_cast %swap3A_153 : vector<1x16xf32> to vector<16xf32>
        %swap3A_155 = vector.shape_cast %max3A_150 : vector<16xf32> to vector<1x16xf32>
        tpu.vector_store %arg9[%swap3A_151, %swap3A_152], %swap3A_155 {strides = array<i32>} : memref<80x128xf32, #tpu.memory_space<vmem>>, vector<1x16xf32>,
        %get3A_156 = arith.index_cast %scan3A_72 : i32 to index
        %get3A_157 = arith.constant 80 : index
        %get3A_158 = tpu.vector_load %arg9[%get3A_156, %get3A_157] {strides = array<i32>} : memref<80x128xf32, #tpu.memory_space<vmem>>, vector<1x16xf32>,
        %get3A_159 = vector.shape_cast %get3A_158 : vector<1x16xf32> to vector<16xf32>
        %get3A_160 = arith.index_cast %scan3A_72 : i32 to index
        %get3A_161 = arith.constant 80 : index
        %get3A_162 = tpu.vector_load %arg10[%get3A_160, %get3A_161] {strides = array<i32>} : memref<80x128xf32, #tpu.memory_space<vmem>>, vector<1x16xf32>,
        %get3A_163 = vector.shape_cast %get3A_162 : vector<1x16xf32> to vector<16xf32>
        %add3A_164 = arith.addf %get3A_159, %get3A_163 : vector<16xf32>
        %max3A_165 = arith.constant 0.000000e+00 : f32
        %max3A_166 = vector.broadcast %max3A_165 : f32 to vector<16xf32>
        %max3A_167 = arith.maximumf %add3A_164, %max3A_166 : vector<16xf32>
        %swap3A_168 = arith.index_cast %scan3A_72 : i32 to index
        %swap3A_169 = arith.constant 80 : index
        %swap3A_170 = tpu.vector_load %arg9[%swap3A_168, %swap3A_169] {strides = array<i32>} : memref<80x128xf32, #tpu.memory_space<vmem>>, vector<1x16xf32>,
        %swap3A_171 = vector.shape_cast %swap3A_170 : vector<1x16xf32> to vector<16xf32>
        %swap3A_172 = vector.shape_cast %max3A_167 : vector<16xf32> to vector<1x16xf32>
        tpu.vector_store %arg9[%swap3A_168, %swap3A_169], %swap3A_172 {strides = array<i32>} : memref<80x128xf32, #tpu.memory_space<vmem>>, vector<1x16xf32>,
        %get3A_173 = arith.index_cast %scan3A_72 : i32 to index
        %get3A_174 = arith.constant 96 : index
        %get3A_175 = tpu.vector_load %arg9[%get3A_173, %get3A_174] {strides = array<i32>} : memref<80x128xf32, #tpu.memory_space<vmem>>, vector<1x16xf32>,
        %get3A_176 = vector.shape_cast %get3A_175 : vector<1x16xf32> to vector<16xf32>
        %get3A_177 = arith.index_cast %scan3A_72 : i32 to index
        %get3A_178 = arith.constant 96 : index
        %get3A_179 = tpu.vector_load %arg10[%get3A_177, %get3A_178] {strides = array<i32>} : memref<80x128xf32, #tpu.memory_space<vmem>>, vector<1x16xf32>,
        %get3A_180 = vector.shape_cast %get3A_179 : vector<1x16xf32> to vector<16xf32>
        %add3A_181 = arith.addf %get3A_176, %get3A_180 : vector<16xf32>
        %max3A_182 = arith.constant 0.000000e+00 : f32
        %max3A_183 = vector.broadcast %max3A_182 : f32 to vector<16xf32>
        %max3A_184 = arith.maximumf %add3A_181, %max3A_183 : vector<16xf32>
        %swap3A_185 = arith.index_cast %scan3A_72 : i32 to index
        %swap3A_186 = arith.constant 96 : index
        %swap3A_187 = tpu.vector_load %arg9[%swap3A_185, %swap3A_186] {strides = array<i32>} : memref<80x128xf32, #tpu.memory_space<vmem>>, vector<1x16xf32>,
        %swap3A_188 = vector.shape_cast %swap3A_187 : vector<1x16xf32> to vector<16xf32>
        %swap3A_189 = vector.shape_cast %max3A_184 : vector<16xf32> to vector<1x16xf32>
        tpu.vector_store %arg9[%swap3A_185, %swap3A_186], %swap3A_189 {strides = array<i32>} : memref<80x128xf32, #tpu.memory_space<vmem>>, vector<1x16xf32>,
        %get3A_190 = arith.index_cast %scan3A_72 : i32 to index
        %get3A_191 = arith.constant 112 : index
        %get3A_192 = tpu.vector_load %arg9[%get3A_190, %get3A_191] {strides = array<i32>} : memref<80x128xf32, #tpu.memory_space<vmem>>, vector<1x16xf32>,
        %get3A_193 = vector.shape_cast %get3A_192 : vector<1x16xf32> to vector<16xf32>
        %get3A_194 = arith.index_cast %scan3A_72 : i32 to index
        %get3A_195 = arith.constant 112 : index
        %get3A_196 = tpu.vector_load %arg10[%get3A_194, %get3A_195] {strides = array<i32>} : memref<80x128xf32, #tpu.memory_space<vmem>>, vector<1x16xf32>,
        %get3A_197 = vector.shape_cast %get3A_196 : vector<1x16xf32> to vector<16xf32>
        %add3A_198 = arith.addf %get3A_193, %get3A_197 : vector<16xf32>
        %max3A_199 = arith.constant 0.000000e+00 : f32
        %max3A_200 = vector.broadcast %max3A_199 : f32 to vector<16xf32>
        %max3A_201 = arith.maximumf %add3A_198, %max3A_200 : vector<16xf32>
        %swap3A_202 = arith.index_cast %scan3A_72 : i32 to index
        %swap3A_203 = arith.constant 112 : index
        %swap3A_204 = tpu.vector_load %arg9[%swap3A_202, %swap3A_203] {strides = array<i32>} : memref<80x128xf32, #tpu.memory_space<vmem>>, vector<1x16xf32>,
        %swap3A_205 = vector.shape_cast %swap3A_204 : vector<1x16xf32> to vector<16xf32>
        %swap3A_206 = vector.shape_cast %max3A_201 : vector<16xf32> to vector<1x16xf32>
        tpu.vector_store %arg9[%swap3A_202, %swap3A_203], %swap3A_206 {strides = array<i32>} : memref<80x128xf32, #tpu.memory_space<vmem>>, vector<1x16xf32>,
        %scan3A_207 = arith.constant 0 : i32
        scf.yield %scan3A_207 : i32
      }
      %scan3A_70 = arith.constant 80 : i32
      "tpu.region"() ({
        %run_scoped3A = tpu.sem_alloc : memref<!tpu.dma_semaphore, #tpu.memory_space<semaphore_mem>>
        %dma_start3A_72 = arith.constant 0 : i32
        %dma_start3A_73 = arith.constant 0 : i32
        %dma_start3A_74 = tpu.memref_slice %arg11[%dma_start3A_72, %dma_start3A_73] : memref<10000x128xf32, #tpu.memory_space<vmem_shared>> -> memref<10000x128xf32, #tpu.memory_space<vmem_shared>>
        tpu.enqueue_indirect_dma source(%arg9 : memref<80x128xf32, #tpu.memory_space<vmem>>) target(%dma_start3A_74 : memref<10000x128xf32, #tpu.memory_space<vmem_shared>>) offsets(%arg8 : memref<80xi32, #tpu.memory_space<vmem>>) semaphore(%run_scoped3A : memref<!tpu.dma_semaphore, #tpu.memory_space<semaphore_mem>>) {add = true}
        %dma_wait3A_75 = arith.constant 0 : i32
        %dma_wait3A_76 = arith.constant 0 : i32
        %dma_wait3A_77 = tpu.memref_slice %arg11[%dma_wait3A_75, %dma_wait3A_76] : memref<10000x128xf32, #tpu.memory_space<vmem_shared>> -> memref<10000x128xf32, #tpu.memory_space<vmem_shared>>
        tpu.wait_indirect_dma semaphore(%run_scoped3A : memref<!tpu.dma_semaphore, #tpu.memory_space<semaphore_mem>>) src(%arg9 : memref<80x128xf32, #tpu.memory_space<vmem>>) dst(%dma_wait3A_77 : memref<10000x128xf32, #tpu.memory_space<vmem_shared>>)
        tpu.yield
      }) : () -> ()
      %scan3A_71 = arith.constant 0 : i32
      scf.yield %scan3A_71 : i32
    }
    %scan3A_47 = arith.constant 125 : i32
    %barrier3A_48 = arith.constant 0 : index
    tpu.barrier barrier_id(%barrier3A_48)
    %lt3A = arith.constant 15 : i32
    %lt3A_49 = arith.cmpi slt, %arg1, %lt3A : i32
    %convert_element_type3A = arith.extui %lt3A_49 : i1 to i32
    %cond3A = arith.constant 0 : i32
    %cond3A_50 = arith.cmpi ne, %convert_element_type3A, %cond3A : i32
    scf.if %cond3A_50 {
      %mul3A_55 = arith.constant 624 : i32
      %mul3A_56 = arith.muli %arg1, %mul3A_55 : i32
      %mul3A_57 = arith.constant 10000 : i32
      %mul3A_58 = arith.muli %arg0, %mul3A_57 : i32
      %mul3A_59 = arith.constant 624 : i32
      %mul3A_60 = arith.muli %arg1, %mul3A_59 : i32
      %add3A_61 = arith.addi %mul3A_58, %mul3A_60 : i32
      "tpu.region"() ({
        %run_scoped3A = tpu.sem_alloc : memref<!tpu.dma_semaphore, #tpu.memory_space<semaphore_mem>>
        %dma_start3A = arith.constant 0 : i32
        %dma_start3A_62 = tpu.memref_slice %arg6[%add3A_61, %dma_start3A] : memref<20000x128xf32, #tpu.memory_space<hbm>> -> memref<624x128xf32, #tpu.memory_space<hbm>>
        %dma_start3A_63 = arith.constant 0 : i32
        %dma_start3A_64 = tpu.memref_slice %arg11[%mul3A_56, %dma_start3A_63] : memref<10000x128xf32, #tpu.memory_space<vmem_shared>> -> memref<624x128xf32, #tpu.memory_space<vmem_shared>>
        tpu.enqueue_dma source(%dma_start3A_64 : memref<624x128xf32, #tpu.memory_space<vmem_shared>>) target(%dma_start3A_62 : memref<624x128xf32, #tpu.memory_space<hbm>>) target_semaphore(%run_scoped3A : memref<!tpu.dma_semaphore, #tpu.memory_space<semaphore_mem>>)
        %dma_wait3A = arith.constant 0 : i32
        %dma_wait3A_65 = tpu.memref_slice %arg6[%add3A_61, %dma_wait3A] : memref<20000x128xf32, #tpu.memory_space<hbm>> -> memref<624x128xf32, #tpu.memory_space<hbm>>
        %dma_wait3A_66 = arith.constant 0 : i32
        %dma_wait3A_67 = tpu.memref_slice %arg11[%mul3A_56, %dma_wait3A_66] : memref<10000x128xf32, #tpu.memory_space<vmem_shared>> -> memref<624x128xf32, #tpu.memory_space<vmem_shared>>
        tpu.wait_dma2 semaphore(%run_scoped3A : memref<!tpu.dma_semaphore, #tpu.memory_space<semaphore_mem>>) src(%dma_wait3A_67 : memref<624x128xf32, #tpu.memory_space<vmem_shared>>) dst(%dma_wait3A_65 : memref<624x128xf32, #tpu.memory_space<hbm>>)
        tpu.yield
      }) : () -> ()
    } else {
    }
    %eq3A = arith.constant 15 : i32
    %eq3A_51 = arith.cmpi eq, %arg1, %eq3A : i32
    %convert_element_type3A_52 = arith.extui %eq3A_51 : i1 to i32
    %cond3A_53 = arith.constant 0 : i32
    %cond3A_54 = arith.cmpi ne, %convert_element_type3A_52, %cond3A_53 : i32
    scf.if %cond3A_54 {
      %mul3A_55 = arith.constant 10000 : i32
      %mul3A_56 = arith.muli %arg0, %mul3A_55 : i32
      %add3A_57 = arith.constant 9360 : i32
      %add3A_58 = arith.addi %mul3A_56, %add3A_57 : i32
      "tpu.region"() ({
        %run_scoped3A = tpu.sem_alloc : memref<!tpu.dma_semaphore, #tpu.memory_space<semaphore_mem>>
        %dma_start3A = arith.constant 0 : i32
        %dma_start3A_59 = tpu.memref_slice %arg6[%add3A_58, %dma_start3A] : memref<20000x128xf32, #tpu.memory_space<hbm>> -> memref<640x128xf32, #tpu.memory_space<hbm>>
        %dma_start3A_60 = arith.constant 9360 : i32
        %dma_start3A_61 = arith.constant 0 : i32
        %dma_start3A_62 = tpu.memref_slice %arg11[%dma_start3A_60, %dma_start3A_61] : memref<10000x128xf32, #tpu.memory_space<vmem_shared>> -> memref<640x128xf32, #tpu.memory_space<vmem_shared>>
        tpu.enqueue_dma source(%dma_start3A_62 : memref<640x128xf32, #tpu.memory_space<vmem_shared>>) target(%dma_start3A_59 : memref<640x128xf32, #tpu.memory_space<hbm>>) target_semaphore(%run_scoped3A : memref<!tpu.dma_semaphore, #tpu.memory_space<semaphore_mem>>)
        %dma_wait3A = arith.constant 0 : i32
        %dma_wait3A_63 = tpu.memref_slice %arg6[%add3A_58, %dma_wait3A] : memref<20000x128xf32, #tpu.memory_space<hbm>> -> memref<640x128xf32, #tpu.memory_space<hbm>>
        %dma_wait3A_64 = arith.constant 9360 : i32
        %dma_wait3A_65 = arith.constant 0 : i32
        %dma_wait3A_66 = tpu.memref_slice %arg11[%dma_wait3A_64, %dma_wait3A_65] : memref<10000x128xf32, #tpu.memory_space<vmem_shared>> -> memref<640x128xf32, #tpu.memory_space<vmem_shared>>
        tpu.wait_dma2 semaphore(%run_scoped3A : memref<!tpu.dma_semaphore, #tpu.memory_space<semaphore_mem>>) src(%dma_wait3A_66 : memref<640x128xf32, #tpu.memory_space<vmem_shared>>) dst(%dma_wait3A_63 : memref<640x128xf32, #tpu.memory_space<hbm>>)
        tpu.yield
      }) : () -> ()
    } else {
    }
    return
  }
}

#map = affine_map<(d0, d1) -> (0, 0)>
#map1 = affine_map<(d0, d1) -> (0)>
module attributes {stable_mosaic.version = 14 : i64} {
  func.func @k(%arg0: i32, %arg1: i32, %arg2: memref<10000x128xf32, #tpu.memory_space<hbm>>, %arg3: memref<320000xi32, #tpu.memory_space<hbm>>, %arg4: memref<320000xi32, #tpu.memory_space<hbm>>, %arg5: memref<320000x128xf32, #tpu.memory_space<hbm>>, %arg6: memref<20000x128xf32, #tpu.memory_space<hbm>>, %arg7: memref<80xi32, #tpu.memory_space<vmem>>, %arg8: memref<80xi32, #tpu.memory_space<vmem>>, %arg9: memref<80x128xf32, #tpu.memory_space<vmem>>, %arg10: memref<80x128xf32, #tpu.memory_space<vmem>>, %arg11: memref<10000x128xf32, #tpu.memory_space<vmem_shared>>, %arg12: memref<!tpu.dma_semaphore, #tpu.memory_space<semaphore_mem>>) attributes {dimension_semantics = [#tpu.dimension_semantics<core_parallel>, #tpu.dimension_semantics<subcore_parallel>], iteration_bounds = array<i64: 2, 16>, scalar_prefetch = 0 : i64, scratch_operands = 6 : i64, tpu.core_type = #tpu.core_type<sc_vector_subcore>, window_params = [{transform_indices = #map}, {transform_indices = #map1}, {transform_indices = #map1}, {transform_indices = #map}, {transform_indices = #map}]} {
    %mul3A = arith.constant 16 : i32
    %mul3A_0 = arith.muli %arg0, %mul3A : i32
    %add3A = arith.addi %mul3A_0, %arg1 : i32
    %scan3A = arith.constant 0 : i32
    %scan3A_1 = arith.constant 0 : i32
    %scan3A_2 = arith.constant 80 : i32
    %scan3A_3 = arith.addi %scan3A_1, %scan3A_2 : i32
    %scan3A_4 = arith.constant 1 : i32
    %scan3A_5 = scf.for %scan3A_55 = %scan3A_1 to %scan3A_3 step %scan3A_4 iter_args(%scan3A_56 = %scan3A) -> (i32)  : i32 {
      %broadcast_in_dim3A = arith.constant 0.000000e+00 : f32
      %broadcast_in_dim3A_57 = vector.broadcast %broadcast_in_dim3A : f32 to vector<16xf32>
      %swap3A = arith.index_cast %scan3A_55 : i32 to index
      %swap3A_58 = arith.constant 0 : index
      %swap3A_59 = tpu.vector_load %arg9[%swap3A, %swap3A_58] {strides = array<i32>} : memref<80x128xf32, #tpu.memory_space<vmem>>, vector<1x16xf32>,
      %swap3A_60 = vector.shape_cast %swap3A_59 : vector<1x16xf32> to vector<16xf32>
      %swap3A_61 = vector.shape_cast %broadcast_in_dim3A_57 : vector<16xf32> to vector<1x16xf32>
      tpu.vector_store %arg9[%swap3A, %swap3A_58], %swap3A_61 {strides = array<i32>} : memref<80x128xf32, #tpu.memory_space<vmem>>, vector<1x16xf32>,
      %broadcast_in_dim3A_62 = arith.constant 0.000000e+00 : f32
      %broadcast_in_dim3A_63 = vector.broadcast %broadcast_in_dim3A_62 : f32 to vector<16xf32>
      %swap3A_64 = arith.index_cast %scan3A_55 : i32 to index
      %swap3A_65 = arith.constant 16 : index
      %swap3A_66 = tpu.vector_load %arg9[%swap3A_64, %swap3A_65] {strides = array<i32>} : memref<80x128xf32, #tpu.memory_space<vmem>>, vector<1x16xf32>,
      %swap3A_67 = vector.shape_cast %swap3A_66 : vector<1x16xf32> to vector<16xf32>
      %swap3A_68 = vector.shape_cast %broadcast_in_dim3A_63 : vector<16xf32> to vector<1x16xf32>
      tpu.vector_store %arg9[%swap3A_64, %swap3A_65], %swap3A_68 {strides = array<i32>} : memref<80x128xf32, #tpu.memory_space<vmem>>, vector<1x16xf32>,
      %broadcast_in_dim3A_69 = arith.constant 0.000000e+00 : f32
      %broadcast_in_dim3A_70 = vector.broadcast %broadcast_in_dim3A_69 : f32 to vector<16xf32>
      %swap3A_71 = arith.index_cast %scan3A_55 : i32 to index
      %swap3A_72 = arith.constant 32 : index
      %swap3A_73 = tpu.vector_load %arg9[%swap3A_71, %swap3A_72] {strides = array<i32>} : memref<80x128xf32, #tpu.memory_space<vmem>>, vector<1x16xf32>,
      %swap3A_74 = vector.shape_cast %swap3A_73 : vector<1x16xf32> to vector<16xf32>
      %swap3A_75 = vector.shape_cast %broadcast_in_dim3A_70 : vector<16xf32> to vector<1x16xf32>
      tpu.vector_store %arg9[%swap3A_71, %swap3A_72], %swap3A_75 {strides = array<i32>} : memref<80x128xf32, #tpu.memory_space<vmem>>, vector<1x16xf32>,
      %broadcast_in_dim3A_76 = arith.constant 0.000000e+00 : f32
      %broadcast_in_dim3A_77 = vector.broadcast %broadcast_in_dim3A_76 : f32 to vector<16xf32>
      %swap3A_78 = arith.index_cast %scan3A_55 : i32 to index
      %swap3A_79 = arith.constant 48 : index
      %swap3A_80 = tpu.vector_load %arg9[%swap3A_78, %swap3A_79] {strides = array<i32>} : memref<80x128xf32, #tpu.memory_space<vmem>>, vector<1x16xf32>,
      %swap3A_81 = vector.shape_cast %swap3A_80 : vector<1x16xf32> to vector<16xf32>
      %swap3A_82 = vector.shape_cast %broadcast_in_dim3A_77 : vector<16xf32> to vector<1x16xf32>
      tpu.vector_store %arg9[%swap3A_78, %swap3A_79], %swap3A_82 {strides = array<i32>} : memref<80x128xf32, #tpu.memory_space<vmem>>, vector<1x16xf32>,
      %broadcast_in_dim3A_83 = arith.constant 0.000000e+00 : f32
      %broadcast_in_dim3A_84 = vector.broadcast %broadcast_in_dim3A_83 : f32 to vector<16xf32>
      %swap3A_85 = arith.index_cast %scan3A_55 : i32 to index
      %swap3A_86 = arith.constant 64 : index
      %swap3A_87 = tpu.vector_load %arg9[%swap3A_85, %swap3A_86] {strides = array<i32>} : memref<80x128xf32, #tpu.memory_space<vmem>>, vector<1x16xf32>,
      %swap3A_88 = vector.shape_cast %swap3A_87 : vector<1x16xf32> to vector<16xf32>
      %swap3A_89 = vector.shape_cast %broadcast_in_dim3A_84 : vector<16xf32> to vector<1x16xf32>
      tpu.vector_store %arg9[%swap3A_85, %swap3A_86], %swap3A_89 {strides = array<i32>} : memref<80x128xf32, #tpu.memory_space<vmem>>, vector<1x16xf32>,
      %broadcast_in_dim3A_90 = arith.constant 0.000000e+00 : f32
      %broadcast_in_dim3A_91 = vector.broadcast %broadcast_in_dim3A_90 : f32 to vector<16xf32>
      %swap3A_92 = arith.index_cast %scan3A_55 : i32 to index
      %swap3A_93 = arith.constant 80 : index
      %swap3A_94 = tpu.vector_load %arg9[%swap3A_92, %swap3A_93] {strides = array<i32>} : memref<80x128xf32, #tpu.memory_space<vmem>>, vector<1x16xf32>,
      %swap3A_95 = vector.shape_cast %swap3A_94 : vector<1x16xf32> to vector<16xf32>
      %swap3A_96 = vector.shape_cast %broadcast_in_dim3A_91 : vector<16xf32> to vector<1x16xf32>
      tpu.vector_store %arg9[%swap3A_92, %swap3A_93], %swap3A_96 {strides = array<i32>} : memref<80x128xf32, #tpu.memory_space<vmem>>, vector<1x16xf32>,
      %broadcast_in_dim3A_97 = arith.constant 0.000000e+00 : f32
      %broadcast_in_dim3A_98 = vector.broadcast %broadcast_in_dim3A_97 : f32 to vector<16xf32>
      %swap3A_99 = arith.index_cast %scan3A_55 : i32 to index
      %swap3A_100 = arith.constant 96 : index
      %swap3A_101 = tpu.vector_load %arg9[%swap3A_99, %swap3A_100] {strides = array<i32>} : memref<80x128xf32, #tpu.memory_space<vmem>>, vector<1x16xf32>,
      %swap3A_102 = vector.shape_cast %swap3A_101 : vector<1x16xf32> to vector<16xf32>
      %swap3A_103 = vector.shape_cast %broadcast_in_dim3A_98 : vector<16xf32> to vector<1x16xf32>
      tpu.vector_store %arg9[%swap3A_99, %swap3A_100], %swap3A_103 {strides = array<i32>} : memref<80x128xf32, #tpu.memory_space<vmem>>, vector<1x16xf32>,
      %broadcast_in_dim3A_104 = arith.constant 0.000000e+00 : f32
      %broadcast_in_dim3A_105 = vector.broadcast %broadcast_in_dim3A_104 : f32 to vector<16xf32>
      %swap3A_106 = arith.index_cast %scan3A_55 : i32 to index
      %swap3A_107 = arith.constant 112 : index
      %swap3A_108 = tpu.vector_load %arg9[%swap3A_106, %swap3A_107] {strides = array<i32>} : memref<80x128xf32, #tpu.memory_space<vmem>>, vector<1x16xf32>,
      %swap3A_109 = vector.shape_cast %swap3A_108 : vector<1x16xf32> to vector<16xf32>
      %swap3A_110 = vector.shape_cast %broadcast_in_dim3A_105 : vector<16xf32> to vector<1x16xf32>
      tpu.vector_store %arg9[%swap3A_106, %swap3A_107], %swap3A_110 {strides = array<i32>} : memref<80x128xf32, #tpu.memory_space<vmem>>, vector<1x16xf32>,
      %scan3A_111 = arith.constant 0 : i32
      scf.yield %scan3A_111 : i32
    }
    %scan3A_6 = arith.constant 80 : i32
    %mul3A_7 = arith.constant 624 : i32
    %mul3A_8 = arith.muli %arg1, %mul3A_7 : i32
    %add3A_9 = arith.constant 0 : i32
    %add3A_10 = arith.addi %mul3A_8, %add3A_9 : i32
    "tpu.region"() ({
      %run_scoped3A = tpu.sem_alloc : memref<!tpu.dma_semaphore, #tpu.memory_space<semaphore_mem>>
      %dma_start3A = arith.constant 0 : i32
      %dma_start3A_55 = tpu.memref_slice %arg11[%add3A_10, %dma_start3A] : memref<10000x128xf32, #tpu.memory_space<vmem_shared>> -> memref<80x128xf32, #tpu.memory_space<vmem_shared>>
      %dma_start3A_56 = arith.constant 0 : i32
      %dma_start3A_57 = tpu.memref_slice %arg11[%add3A_10, %dma_start3A_56] : memref<10000x128xf32, #tpu.memory_space<vmem_shared>> -> memref<80x128xf32, #tpu.memory_space<vmem_shared>>
      tpu.enqueue_dma source(%arg9 : memref<80x128xf32, #tpu.memory_space<vmem>>) target(%dma_start3A_57 : memref<80x128xf32, #tpu.memory_space<vmem_shared>>) target_semaphore(%run_scoped3A : memref<!tpu.dma_semaphore, #tpu.memory_space<semaphore_mem>>)
      %dma_wait3A = arith.constant 0 : i32
      %dma_wait3A_58 = tpu.memref_slice %arg11[%add3A_10, %dma_wait3A] : memref<10000x128xf32, #tpu.memory_space<vmem_shared>> -> memref<80x128xf32, #tpu.memory_space<vmem_shared>>
      %dma_wait3A_59 = arith.constant 0 : i32
      %dma_wait3A_60 = tpu.memref_slice %arg11[%add3A_10, %dma_wait3A_59] : memref<10000x128xf32, #tpu.memory_space<vmem_shared>> -> memref<80x128xf32, #tpu.memory_space<vmem_shared>>
      tpu.wait_dma2 semaphore(%run_scoped3A : memref<!tpu.dma_semaphore, #tpu.memory_space<semaphore_mem>>) src(%arg9 : memref<80x128xf32, #tpu.memory_space<vmem>>) dst(%dma_wait3A_60 : memref<80x128xf32, #tpu.memory_space<vmem_shared>>)
      tpu.yield
    }) : () -> ()
    %mul3A_11 = arith.constant 624 : i32
    %mul3A_12 = arith.muli %arg1, %mul3A_11 : i32
    %add3A_13 = arith.constant 80 : i32
    %add3A_14 = arith.addi %mul3A_12, %add3A_13 : i32
    "tpu.region"() ({
      %run_scoped3A = tpu.sem_alloc : memref<!tpu.dma_semaphore, #tpu.memory_space<semaphore_mem>>
      %dma_start3A = arith.constant 0 : i32
      %dma_start3A_55 = tpu.memref_slice %arg11[%add3A_14, %dma_start3A] : memref<10000x128xf32, #tpu.memory_space<vmem_shared>> -> memref<80x128xf32, #tpu.memory_space<vmem_shared>>
      %dma_start3A_56 = arith.constant 0 : i32
      %dma_start3A_57 = tpu.memref_slice %arg11[%add3A_14, %dma_start3A_56] : memref<10000x128xf32, #tpu.memory_space<vmem_shared>> -> memref<80x128xf32, #tpu.memory_space<vmem_shared>>
      tpu.enqueue_dma source(%arg9 : memref<80x128xf32, #tpu.memory_space<vmem>>) target(%dma_start3A_57 : memref<80x128xf32, #tpu.memory_space<vmem_shared>>) target_semaphore(%run_scoped3A : memref<!tpu.dma_semaphore, #tpu.memory_space<semaphore_mem>>)
      %dma_wait3A = arith.constant 0 : i32
      %dma_wait3A_58 = tpu.memref_slice %arg11[%add3A_14, %dma_wait3A] : memref<10000x128xf32, #tpu.memory_space<vmem_shared>> -> memref<80x128xf32, #tpu.memory_space<vmem_shared>>
      %dma_wait3A_59 = arith.constant 0 : i32
      %dma_wait3A_60 = tpu.memref_slice %arg11[%add3A_14, %dma_wait3A_59] : memref<10000x128xf32, #tpu.memory_space<vmem_shared>> -> memref<80x128xf32, #tpu.memory_space<vmem_shared>>
      tpu.wait_dma2 semaphore(%run_scoped3A : memref<!tpu.dma_semaphore, #tpu.memory_space<semaphore_mem>>) src(%arg9 : memref<80x128xf32, #tpu.memory_space<vmem>>) dst(%dma_wait3A_60 : memref<80x128xf32, #tpu.memory_space<vmem_shared>>)
      tpu.yield
    }) : () -> ()
    %mul3A_15 = arith.constant 624 : i32
    %mul3A_16 = arith.muli %arg1, %mul3A_15 : i32
    %add3A_17 = arith.constant 160 : i32
    %add3A_18 = arith.addi %mul3A_16, %add3A_17 : i32
    "tpu.region"() ({
      %run_scoped3A = tpu.sem_alloc : memref<!tpu.dma_semaphore, #tpu.memory_space<semaphore_mem>>
      %dma_start3A = arith.constant 0 : i32
      %dma_start3A_55 = tpu.memref_slice %arg11[%add3A_18, %dma_start3A] : memref<10000x128xf32, #tpu.memory_space<vmem_shared>> -> memref<80x128xf32, #tpu.memory_space<vmem_shared>>
      %dma_start3A_56 = arith.constant 0 : i32
      %dma_start3A_57 = tpu.memref_slice %arg11[%add3A_18, %dma_start3A_56] : memref<10000x128xf32, #tpu.memory_space<vmem_shared>> -> memref<80x128xf32, #tpu.memory_space<vmem_shared>>
      tpu.enqueue_dma source(%arg9 : memref<80x128xf32, #tpu.memory_space<vmem>>) target(%dma_start3A_57 : memref<80x128xf32, #tpu.memory_space<vmem_shared>>) target_semaphore(%run_scoped3A : memref<!tpu.dma_semaphore, #tpu.memory_space<semaphore_mem>>)
      %dma_wait3A = arith.constant 0 : i32
      %dma_wait3A_58 = tpu.memref_slice %arg11[%add3A_18, %dma_wait3A] : memref<10000x128xf32, #tpu.memory_space<vmem_shared>> -> memref<80x128xf32, #tpu.memory_space<vmem_shared>>
      %dma_wait3A_59 = arith.constant 0 : i32
      %dma_wait3A_60 = tpu.memref_slice %arg11[%add3A_18, %dma_wait3A_59] : memref<10000x128xf32, #tpu.memory_space<vmem_shared>> -> memref<80x128xf32, #tpu.memory_space<vmem_shared>>
      tpu.wait_dma2 semaphore(%run_scoped3A : memref<!tpu.dma_semaphore, #tpu.memory_space<semaphore_mem>>) src(%arg9 : memref<80x128xf32, #tpu.memory_space<vmem>>) dst(%dma_wait3A_60 : memref<80x128xf32, #tpu.memory_space<vmem_shared>>)
      tpu.yield
    }) : () -> ()
    %mul3A_19 = arith.constant 624 : i32
    %mul3A_20 = arith.muli %arg1, %mul3A_19 : i32
    %add3A_21 = arith.constant 240 : i32
    %add3A_22 = arith.addi %mul3A_20, %add3A_21 : i32
    "tpu.region"() ({
      %run_scoped3A = tpu.sem_alloc : memref<!tpu.dma_semaphore, #tpu.memory_space<semaphore_mem>>
      %dma_start3A = arith.constant 0 : i32
      %dma_start3A_55 = tpu.memref_slice %arg11[%add3A_22, %dma_start3A] : memref<10000x128xf32, #tpu.memory_space<vmem_shared>> -> memref<80x128xf32, #tpu.memory_space<vmem_shared>>
      %dma_start3A_56 = arith.constant 0 : i32
      %dma_start3A_57 = tpu.memref_slice %arg11[%add3A_22, %dma_start3A_56] : memref<10000x128xf32, #tpu.memory_space<vmem_shared>> -> memref<80x128xf32, #tpu.memory_space<vmem_shared>>
      tpu.enqueue_dma source(%arg9 : memref<80x128xf32, #tpu.memory_space<vmem>>) target(%dma_start3A_57 : memref<80x128xf32, #tpu.memory_space<vmem_shared>>) target_semaphore(%run_scoped3A : memref<!tpu.dma_semaphore, #tpu.memory_space<semaphore_mem>>)
      %dma_wait3A = arith.constant 0 : i32
      %dma_wait3A_58 = tpu.memref_slice %arg11[%add3A_22, %dma_wait3A] : memref<10000x128xf32, #tpu.memory_space<vmem_shared>> -> memref<80x128xf32, #tpu.memory_space<vmem_shared>>
      %dma_wait3A_59 = arith.constant 0 : i32
      %dma_wait3A_60 = tpu.memref_slice %arg11[%add3A_22, %dma_wait3A_59] : memref<10000x128xf32, #tpu.memory_space<vmem_shared>> -> memref<80x128xf32, #tpu.memory_space<vmem_shared>>
      tpu.wait_dma2 semaphore(%run_scoped3A : memref<!tpu.dma_semaphore, #tpu.memory_space<semaphore_mem>>) src(%arg9 : memref<80x128xf32, #tpu.memory_space<vmem>>) dst(%dma_wait3A_60 : memref<80x128xf32, #tpu.memory_space<vmem_shared>>)
      tpu.yield
    }) : () -> ()
    %mul3A_23 = arith.constant 624 : i32
    %mul3A_24 = arith.muli %arg1, %mul3A_23 : i32
    %add3A_25 = arith.constant 320 : i32
    %add3A_26 = arith.addi %mul3A_24, %add3A_25 : i32
    "tpu.region"() ({
      %run_scoped3A = tpu.sem_alloc : memref<!tpu.dma_semaphore, #tpu.memory_space<semaphore_mem>>
      %dma_start3A = arith.constant 0 : i32
      %dma_start3A_55 = tpu.memref_slice %arg11[%add3A_26, %dma_start3A] : memref<10000x128xf32, #tpu.memory_space<vmem_shared>> -> memref<80x128xf32, #tpu.memory_space<vmem_shared>>
      %dma_start3A_56 = arith.constant 0 : i32
      %dma_start3A_57 = tpu.memref_slice %arg11[%add3A_26, %dma_start3A_56] : memref<10000x128xf32, #tpu.memory_space<vmem_shared>> -> memref<80x128xf32, #tpu.memory_space<vmem_shared>>
      tpu.enqueue_dma source(%arg9 : memref<80x128xf32, #tpu.memory_space<vmem>>) target(%dma_start3A_57 : memref<80x128xf32, #tpu.memory_space<vmem_shared>>) target_semaphore(%run_scoped3A : memref<!tpu.dma_semaphore, #tpu.memory_space<semaphore_mem>>)
      %dma_wait3A = arith.constant 0 : i32
      %dma_wait3A_58 = tpu.memref_slice %arg11[%add3A_26, %dma_wait3A] : memref<10000x128xf32, #tpu.memory_space<vmem_shared>> -> memref<80x128xf32, #tpu.memory_space<vmem_shared>>
      %dma_wait3A_59 = arith.constant 0 : i32
      %dma_wait3A_60 = tpu.memref_slice %arg11[%add3A_26, %dma_wait3A_59] : memref<10000x128xf32, #tpu.memory_space<vmem_shared>> -> memref<80x128xf32, #tpu.memory_space<vmem_shared>>
      tpu.wait_dma2 semaphore(%run_scoped3A : memref<!tpu.dma_semaphore, #tpu.memory_space<semaphore_mem>>) src(%arg9 : memref<80x128xf32, #tpu.memory_space<vmem>>) dst(%dma_wait3A_60 : memref<80x128xf32, #tpu.memory_space<vmem_shared>>)
      tpu.yield
    }) : () -> ()
    %mul3A_27 = arith.constant 624 : i32
    %mul3A_28 = arith.muli %arg1, %mul3A_27 : i32
    %add3A_29 = arith.constant 400 : i32
    %add3A_30 = arith.addi %mul3A_28, %add3A_29 : i32
    "tpu.region"() ({
      %run_scoped3A = tpu.sem_alloc : memref<!tpu.dma_semaphore, #tpu.memory_space<semaphore_mem>>
      %dma_start3A = arith.constant 0 : i32
      %dma_start3A_55 = tpu.memref_slice %arg11[%add3A_30, %dma_start3A] : memref<10000x128xf32, #tpu.memory_space<vmem_shared>> -> memref<80x128xf32, #tpu.memory_space<vmem_shared>>
      %dma_start3A_56 = arith.constant 0 : i32
      %dma_start3A_57 = tpu.memref_slice %arg11[%add3A_30, %dma_start3A_56] : memref<10000x128xf32, #tpu.memory_space<vmem_shared>> -> memref<80x128xf32, #tpu.memory_space<vmem_shared>>
      tpu.enqueue_dma source(%arg9 : memref<80x128xf32, #tpu.memory_space<vmem>>) target(%dma_start3A_57 : memref<80x128xf32, #tpu.memory_space<vmem_shared>>) target_semaphore(%run_scoped3A : memref<!tpu.dma_semaphore, #tpu.memory_space<semaphore_mem>>)
      %dma_wait3A = arith.constant 0 : i32
      %dma_wait3A_58 = tpu.memref_slice %arg11[%add3A_30, %dma_wait3A] : memref<10000x128xf32, #tpu.memory_space<vmem_shared>> -> memref<80x128xf32, #tpu.memory_space<vmem_shared>>
      %dma_wait3A_59 = arith.constant 0 : i32
      %dma_wait3A_60 = tpu.memref_slice %arg11[%add3A_30, %dma_wait3A_59] : memref<10000x128xf32, #tpu.memory_space<vmem_shared>> -> memref<80x128xf32, #tpu.memory_space<vmem_shared>>
      tpu.wait_dma2 semaphore(%run_scoped3A : memref<!tpu.dma_semaphore, #tpu.memory_space<semaphore_mem>>) src(%arg9 : memref<80x128xf32, #tpu.memory_space<vmem>>) dst(%dma_wait3A_60 : memref<80x128xf32, #tpu.memory_space<vmem_shared>>)
      tpu.yield
    }) : () -> ()
    %mul3A_31 = arith.constant 624 : i32
    %mul3A_32 = arith.muli %arg1, %mul3A_31 : i32
    %add3A_33 = arith.constant 480 : i32
    %add3A_34 = arith.addi %mul3A_32, %add3A_33 : i32
    "tpu.region"() ({
      %run_scoped3A = tpu.sem_alloc : memref<!tpu.dma_semaphore, #tpu.memory_space<semaphore_mem>>
      %dma_start3A = arith.constant 0 : i32
      %dma_start3A_55 = tpu.memref_slice %arg11[%add3A_34, %dma_start3A] : memref<10000x128xf32, #tpu.memory_space<vmem_shared>> -> memref<80x128xf32, #tpu.memory_space<vmem_shared>>
      %dma_start3A_56 = arith.constant 0 : i32
      %dma_start3A_57 = tpu.memref_slice %arg11[%add3A_34, %dma_start3A_56] : memref<10000x128xf32, #tpu.memory_space<vmem_shared>> -> memref<80x128xf32, #tpu.memory_space<vmem_shared>>
      tpu.enqueue_dma source(%arg9 : memref<80x128xf32, #tpu.memory_space<vmem>>) target(%dma_start3A_57 : memref<80x128xf32, #tpu.memory_space<vmem_shared>>) target_semaphore(%run_scoped3A : memref<!tpu.dma_semaphore, #tpu.memory_space<semaphore_mem>>)
      %dma_wait3A = arith.constant 0 : i32
      %dma_wait3A_58 = tpu.memref_slice %arg11[%add3A_34, %dma_wait3A] : memref<10000x128xf32, #tpu.memory_space<vmem_shared>> -> memref<80x128xf32, #tpu.memory_space<vmem_shared>>
      %dma_wait3A_59 = arith.constant 0 : i32
      %dma_wait3A_60 = tpu.memref_slice %arg11[%add3A_34, %dma_wait3A_59] : memref<10000x128xf32, #tpu.memory_space<vmem_shared>> -> memref<80x128xf32, #tpu.memory_space<vmem_shared>>
      tpu.wait_dma2 semaphore(%run_scoped3A : memref<!tpu.dma_semaphore, #tpu.memory_space<semaphore_mem>>) src(%arg9 : memref<80x128xf32, #tpu.memory_space<vmem>>) dst(%dma_wait3A_60 : memref<80x128xf32, #tpu.memory_space<vmem_shared>>)
      tpu.yield
    }) : () -> ()
    %mul3A_35 = arith.constant 624 : i32
    %mul3A_36 = arith.muli %arg1, %mul3A_35 : i32
    %add3A_37 = arith.constant 560 : i32
    %add3A_38 = arith.addi %mul3A_36, %add3A_37 : i32
    "tpu.region"() ({
      %run_scoped3A = tpu.sem_alloc : memref<!tpu.dma_semaphore, #tpu.memory_space<semaphore_mem>>
      %dma_start3A = arith.constant 0 : i32
      %dma_start3A_55 = tpu.memref_slice %arg11[%add3A_38, %dma_start3A] : memref<10000x128xf32, #tpu.memory_space<vmem_shared>> -> memref<80x128xf32, #tpu.memory_space<vmem_shared>>
      %dma_start3A_56 = arith.constant 0 : i32
      %dma_start3A_57 = tpu.memref_slice %arg11[%add3A_38, %dma_start3A_56] : memref<10000x128xf32, #tpu.memory_space<vmem_shared>> -> memref<80x128xf32, #tpu.memory_space<vmem_shared>>
      tpu.enqueue_dma source(%arg9 : memref<80x128xf32, #tpu.memory_space<vmem>>) target(%dma_start3A_57 : memref<80x128xf32, #tpu.memory_space<vmem_shared>>) target_semaphore(%run_scoped3A : memref<!tpu.dma_semaphore, #tpu.memory_space<semaphore_mem>>)
      %dma_wait3A = arith.constant 0 : i32
      %dma_wait3A_58 = tpu.memref_slice %arg11[%add3A_38, %dma_wait3A] : memref<10000x128xf32, #tpu.memory_space<vmem_shared>> -> memref<80x128xf32, #tpu.memory_space<vmem_shared>>
      %dma_wait3A_59 = arith.constant 0 : i32
      %dma_wait3A_60 = tpu.memref_slice %arg11[%add3A_38, %dma_wait3A_59] : memref<10000x128xf32, #tpu.memory_space<vmem_shared>> -> memref<80x128xf32, #tpu.memory_space<vmem_shared>>
      tpu.wait_dma2 semaphore(%run_scoped3A : memref<!tpu.dma_semaphore, #tpu.memory_space<semaphore_mem>>) src(%arg9 : memref<80x128xf32, #tpu.memory_space<vmem>>) dst(%dma_wait3A_60 : memref<80x128xf32, #tpu.memory_space<vmem_shared>>)
      tpu.yield
    }) : () -> ()
    %barrier3A = arith.constant 0 : index
    tpu.barrier barrier_id(%barrier3A)
    %mul3A_39 = arith.constant 10000 : i32
    %mul3A_40 = arith.muli %add3A, %mul3A_39 : i32
    %scan3A_41 = arith.constant 0 : i32
    %scan3A_42 = arith.constant 0 : i32
    %scan3A_43 = arith.constant 125 : i32
    %scan3A_44 = arith.addi %scan3A_42, %scan3A_43 : i32
    %scan3A_45 = arith.constant 1 : i32
    %scan3A_46 = scf.for %scan3A_55 = %scan3A_42 to %scan3A_44 step %scan3A_45 iter_args(%scan3A_56 = %scan3A_41) -> (i32)  : i32 {
      %mul3A_57 = arith.constant 80 : i32
      %mul3A_58 = arith.muli %scan3A_55, %mul3A_57 : i32
      %add3A_59 = arith.addi %mul3A_40, %mul3A_58 : i32
      "tpu.region"() ({
        %run_scoped3A = tpu.sem_alloc : memref<!tpu.dma_semaphore, #tpu.memory_space<semaphore_mem>>
        %dma_start3A_72 = tpu.memref_slice %arg3[%add3A_59] : memref<320000xi32, #tpu.memory_space<hbm>> -> memref<80xi32, #tpu.memory_space<hbm>>
        %dma_start3A_73 = tpu.memref_slice %arg3[%add3A_59] : memref<320000xi32, #tpu.memory_space<hbm>> -> memref<80xi32, #tpu.memory_space<hbm>>
        tpu.enqueue_dma source(%dma_start3A_73 : memref<80xi32, #tpu.memory_space<hbm>>) target(%arg7 : memref<80xi32, #tpu.memory_space<vmem>>) target_semaphore(%run_scoped3A : memref<!tpu.dma_semaphore, #tpu.memory_space<semaphore_mem>>)
        %dma_wait3A_74 = tpu.memref_slice %arg3[%add3A_59] : memref<320000xi32, #tpu.memory_space<hbm>> -> memref<80xi32, #tpu.memory_space<hbm>>
        %dma_wait3A_75 = tpu.memref_slice %arg3[%add3A_59] : memref<320000xi32, #tpu.memory_space<hbm>> -> memref<80xi32, #tpu.memory_space<hbm>>
        tpu.wait_dma2 semaphore(%run_scoped3A : memref<!tpu.dma_semaphore, #tpu.memory_space<semaphore_mem>>) src(%dma_wait3A_75 : memref<80xi32, #tpu.memory_space<hbm>>) dst(%arg7 : memref<80xi32, #tpu.memory_space<vmem>>)
        tpu.yield
      }) : () -> ()
      "tpu.region"() ({
        %run_scoped3A = tpu.sem_alloc : memref<!tpu.dma_semaphore, #tpu.memory_space<semaphore_mem>>
        %dma_start3A_72 = tpu.memref_slice %arg4[%add3A_59] : memref<320000xi32, #tpu.memory_space<hbm>> -> memref<80xi32, #tpu.memory_space<hbm>>
        %dma_start3A_73 = tpu.memref_slice %arg4[%add3A_59] : memref<320000xi32, #tpu.memory_space<hbm>> -> memref<80xi32, #tpu.memory_space<hbm>>
        tpu.enqueue_dma source(%dma_start3A_73 : memref<80xi32, #tpu.memory_space<hbm>>) target(%arg8 : memref<80xi32, #tpu.memory_space<vmem>>) target_semaphore(%run_scoped3A : memref<!tpu.dma_semaphore, #tpu.memory_space<semaphore_mem>>)
        %dma_wait3A_74 = tpu.memref_slice %arg4[%add3A_59] : memref<320000xi32, #tpu.memory_space<hbm>> -> memref<80xi32, #tpu.memory_space<hbm>>
        %dma_wait3A_75 = tpu.memref_slice %arg4[%add3A_59] : memref<320000xi32, #tpu.memory_space<hbm>> -> memref<80xi32, #tpu.memory_space<hbm>>
        tpu.wait_dma2 semaphore(%run_scoped3A : memref<!tpu.dma_semaphore, #tpu.memory_space<semaphore_mem>>) src(%dma_wait3A_75 : memref<80xi32, #tpu.memory_space<hbm>>) dst(%arg8 : memref<80xi32, #tpu.memory_space<vmem>>)
        tpu.yield
      }) : () -> ()
      %dma_start3A = arith.constant 0 : i32
      %dma_start3A_60 = arith.constant 0 : i32
      %dma_start3A_61 = tpu.memref_slice %arg2[%dma_start3A, %dma_start3A_60] : memref<10000x128xf32, #tpu.memory_space<hbm>> -> memref<10000x128xf32, #tpu.memory_space<hbm>>
      tpu.enqueue_indirect_dma source(%dma_start3A_61 : memref<10000x128xf32, #tpu.memory_space<hbm>>) target(%arg9 : memref<80x128xf32, #tpu.memory_space<vmem>>) offsets(%arg7 : memref<80xi32, #tpu.memory_space<vmem>>) semaphore(%arg12 : memref<!tpu.dma_semaphore, #tpu.memory_space<semaphore_mem>>)
      %dma_wait3A = arith.constant 0 : i32
      %dma_wait3A_62 = arith.constant 0 : i32
      %dma_wait3A_63 = tpu.memref_slice %arg2[%dma_wait3A, %dma_wait3A_62] : memref<10000x128xf32, #tpu.memory_space<hbm>> -> memref<10000x128xf32, #tpu.memory_space<hbm>>
      tpu.wait_indirect_dma semaphore(%arg12 : memref<!tpu.dma_semaphore, #tpu.memory_space<semaphore_mem>>) src(%dma_wait3A_63 : memref<10000x128xf32, #tpu.memory_space<hbm>>) dst(%arg9 : memref<80x128xf32, #tpu.memory_space<vmem>>)
      "tpu.region"() ({
        %run_scoped3A = tpu.sem_alloc : memref<!tpu.dma_semaphore, #tpu.memory_space<semaphore_mem>>
        %dma_start3A_72 = arith.constant 0 : i32
        %dma_start3A_73 = tpu.memref_slice %arg5[%add3A_59, %dma_start3A_72] : memref<320000x128xf32, #tpu.memory_space<hbm>> -> memref<80x128xf32, #tpu.memory_space<hbm>>
        %dma_start3A_74 = arith.constant 0 : i32
        %dma_start3A_75 = tpu.memref_slice %arg5[%add3A_59, %dma_start3A_74] : memref<320000x128xf32, #tpu.memory_space<hbm>> -> memref<80x128xf32, #tpu.memory_space<hbm>>
        tpu.enqueue_dma source(%dma_start3A_75 : memref<80x128xf32, #tpu.memory_space<hbm>>) target(%arg10 : memref<80x128xf32, #tpu.memory_space<vmem>>) target_semaphore(%run_scoped3A : memref<!tpu.dma_semaphore, #tpu.memory_space<semaphore_mem>>)
        %dma_wait3A_76 = arith.constant 0 : i32
        %dma_wait3A_77 = tpu.memref_slice %arg5[%add3A_59, %dma_wait3A_76] : memref<320000x128xf32, #tpu.memory_space<hbm>> -> memref<80x128xf32, #tpu.memory_space<hbm>>
        %dma_wait3A_78 = arith.constant 0 : i32
        %dma_wait3A_79 = tpu.memref_slice %arg5[%add3A_59, %dma_wait3A_78] : memref<320000x128xf32, #tpu.memory_space<hbm>> -> memref<80x128xf32, #tpu.memory_space<hbm>>
        tpu.wait_dma2 semaphore(%run_scoped3A : memref<!tpu.dma_semaphore, #tpu.memory_space<semaphore_mem>>) src(%dma_wait3A_79 : memref<80x128xf32, #tpu.memory_space<hbm>>) dst(%arg10 : memref<80x128xf32, #tpu.memory_space<vmem>>)
        tpu.yield
      }) : () -> ()
      %scan3A_64 = arith.constant 0 : i32
      %scan3A_65 = arith.constant 0 : i32
      %scan3A_66 = arith.constant 80 : i32
      %scan3A_67 = arith.addi %scan3A_65, %scan3A_66 : i32
      %scan3A_68 = arith.constant 1 : i32
      %scan3A_69 = scf.for %scan3A_72 = %scan3A_65 to %scan3A_67 step %scan3A_68 iter_args(%scan3A_73 = %scan3A_64) -> (i32)  : i32 {
        %get3A = arith.index_cast %scan3A_72 : i32 to index
        %get3A_74 = arith.constant 0 : index
        %get3A_75 = tpu.vector_load %arg9[%get3A, %get3A_74] {strides = array<i32>} : memref<80x128xf32, #tpu.memory_space<vmem>>, vector<1x16xf32>,
        %get3A_76 = vector.shape_cast %get3A_75 : vector<1x16xf32> to vector<16xf32>
        %get3A_77 = arith.index_cast %scan3A_72 : i32 to index
        %get3A_78 = arith.constant 0 : index
        %get3A_79 = tpu.vector_load %arg10[%get3A_77, %get3A_78] {strides = array<i32>} : memref<80x128xf32, #tpu.memory_space<vmem>>, vector<1x16xf32>,
        %get3A_80 = vector.shape_cast %get3A_79 : vector<1x16xf32> to vector<16xf32>
        %add3A_81 = arith.addf %get3A_76, %get3A_80 : vector<16xf32>
        %max3A = arith.constant 0.000000e+00 : f32
        %max3A_82 = vector.broadcast %max3A : f32 to vector<16xf32>
        %max3A_83 = arith.maximumf %add3A_81, %max3A_82 : vector<16xf32>
        %swap3A = arith.index_cast %scan3A_72 : i32 to index
        %swap3A_84 = arith.constant 0 : index
        %swap3A_85 = tpu.vector_load %arg9[%swap3A, %swap3A_84] {strides = array<i32>} : memref<80x128xf32, #tpu.memory_space<vmem>>, vector<1x16xf32>,
        %swap3A_86 = vector.shape_cast %swap3A_85 : vector<1x16xf32> to vector<16xf32>
        %swap3A_87 = vector.shape_cast %max3A_83 : vector<16xf32> to vector<1x16xf32>
        tpu.vector_store %arg9[%swap3A, %swap3A_84], %swap3A_87 {strides = array<i32>} : memref<80x128xf32, #tpu.memory_space<vmem>>, vector<1x16xf32>,
        %get3A_88 = arith.index_cast %scan3A_72 : i32 to index
        %get3A_89 = arith.constant 16 : index
        %get3A_90 = tpu.vector_load %arg9[%get3A_88, %get3A_89] {strides = array<i32>} : memref<80x128xf32, #tpu.memory_space<vmem>>, vector<1x16xf32>,
        %get3A_91 = vector.shape_cast %get3A_90 : vector<1x16xf32> to vector<16xf32>
        %get3A_92 = arith.index_cast %scan3A_72 : i32 to index
        %get3A_93 = arith.constant 16 : index
        %get3A_94 = tpu.vector_load %arg10[%get3A_92, %get3A_93] {strides = array<i32>} : memref<80x128xf32, #tpu.memory_space<vmem>>, vector<1x16xf32>,
        %get3A_95 = vector.shape_cast %get3A_94 : vector<1x16xf32> to vector<16xf32>
        %add3A_96 = arith.addf %get3A_91, %get3A_95 : vector<16xf32>
        %max3A_97 = arith.constant 0.000000e+00 : f32
        %max3A_98 = vector.broadcast %max3A_97 : f32 to vector<16xf32>
        %max3A_99 = arith.maximumf %add3A_96, %max3A_98 : vector<16xf32>
        %swap3A_100 = arith.index_cast %scan3A_72 : i32 to index
        %swap3A_101 = arith.constant 16 : index
        %swap3A_102 = tpu.vector_load %arg9[%swap3A_100, %swap3A_101] {strides = array<i32>} : memref<80x128xf32, #tpu.memory_space<vmem>>, vector<1x16xf32>,
        %swap3A_103 = vector.shape_cast %swap3A_102 : vector<1x16xf32> to vector<16xf32>
        %swap3A_104 = vector.shape_cast %max3A_99 : vector<16xf32> to vector<1x16xf32>
        tpu.vector_store %arg9[%swap3A_100, %swap3A_101], %swap3A_104 {strides = array<i32>} : memref<80x128xf32, #tpu.memory_space<vmem>>, vector<1x16xf32>,
        %get3A_105 = arith.index_cast %scan3A_72 : i32 to index
        %get3A_106 = arith.constant 32 : index
        %get3A_107 = tpu.vector_load %arg9[%get3A_105, %get3A_106] {strides = array<i32>} : memref<80x128xf32, #tpu.memory_space<vmem>>, vector<1x16xf32>,
        %get3A_108 = vector.shape_cast %get3A_107 : vector<1x16xf32> to vector<16xf32>
        %get3A_109 = arith.index_cast %scan3A_72 : i32 to index
        %get3A_110 = arith.constant 32 : index
        %get3A_111 = tpu.vector_load %arg10[%get3A_109, %get3A_110] {strides = array<i32>} : memref<80x128xf32, #tpu.memory_space<vmem>>, vector<1x16xf32>,
        %get3A_112 = vector.shape_cast %get3A_111 : vector<1x16xf32> to vector<16xf32>
        %add3A_113 = arith.addf %get3A_108, %get3A_112 : vector<16xf32>
        %max3A_114 = arith.constant 0.000000e+00 : f32
        %max3A_115 = vector.broadcast %max3A_114 : f32 to vector<16xf32>
        %max3A_116 = arith.maximumf %add3A_113, %max3A_115 : vector<16xf32>
        %swap3A_117 = arith.index_cast %scan3A_72 : i32 to index
        %swap3A_118 = arith.constant 32 : index
        %swap3A_119 = tpu.vector_load %arg9[%swap3A_117, %swap3A_118] {strides = array<i32>} : memref<80x128xf32, #tpu.memory_space<vmem>>, vector<1x16xf32>,
        %swap3A_120 = vector.shape_cast %swap3A_119 : vector<1x16xf32> to vector<16xf32>
        %swap3A_121 = vector.shape_cast %max3A_116 : vector<16xf32> to vector<1x16xf32>
        tpu.vector_store %arg9[%swap3A_117, %swap3A_118], %swap3A_121 {strides = array<i32>} : memref<80x128xf32, #tpu.memory_space<vmem>>, vector<1x16xf32>,
        %get3A_122 = arith.index_cast %scan3A_72 : i32 to index
        %get3A_123 = arith.constant 48 : index
        %get3A_124 = tpu.vector_load %arg9[%get3A_122, %get3A_123] {strides = array<i32>} : memref<80x128xf32, #tpu.memory_space<vmem>>, vector<1x16xf32>,
        %get3A_125 = vector.shape_cast %get3A_124 : vector<1x16xf32> to vector<16xf32>
        %get3A_126 = arith.index_cast %scan3A_72 : i32 to index
        %get3A_127 = arith.constant 48 : index
        %get3A_128 = tpu.vector_load %arg10[%get3A_126, %get3A_127] {strides = array<i32>} : memref<80x128xf32, #tpu.memory_space<vmem>>, vector<1x16xf32>,
        %get3A_129 = vector.shape_cast %get3A_128 : vector<1x16xf32> to vector<16xf32>
        %add3A_130 = arith.addf %get3A_125, %get3A_129 : vector<16xf32>
        %max3A_131 = arith.constant 0.000000e+00 : f32
        %max3A_132 = vector.broadcast %max3A_131 : f32 to vector<16xf32>
        %max3A_133 = arith.maximumf %add3A_130, %max3A_132 : vector<16xf32>
        %swap3A_134 = arith.index_cast %scan3A_72 : i32 to index
        %swap3A_135 = arith.constant 48 : index
        %swap3A_136 = tpu.vector_load %arg9[%swap3A_134, %swap3A_135] {strides = array<i32>} : memref<80x128xf32, #tpu.memory_space<vmem>>, vector<1x16xf32>,
        %swap3A_137 = vector.shape_cast %swap3A_136 : vector<1x16xf32> to vector<16xf32>
        %swap3A_138 = vector.shape_cast %max3A_133 : vector<16xf32> to vector<1x16xf32>
        tpu.vector_store %arg9[%swap3A_134, %swap3A_135], %swap3A_138 {strides = array<i32>} : memref<80x128xf32, #tpu.memory_space<vmem>>, vector<1x16xf32>,
        %get3A_139 = arith.index_cast %scan3A_72 : i32 to index
        %get3A_140 = arith.constant 64 : index
        %get3A_141 = tpu.vector_load %arg9[%get3A_139, %get3A_140] {strides = array<i32>} : memref<80x128xf32, #tpu.memory_space<vmem>>, vector<1x16xf32>,
        %get3A_142 = vector.shape_cast %get3A_141 : vector<1x16xf32> to vector<16xf32>
        %get3A_143 = arith.index_cast %scan3A_72 : i32 to index
        %get3A_144 = arith.constant 64 : index
        %get3A_145 = tpu.vector_load %arg10[%get3A_143, %get3A_144] {strides = array<i32>} : memref<80x128xf32, #tpu.memory_space<vmem>>, vector<1x16xf32>,
        %get3A_146 = vector.shape_cast %get3A_145 : vector<1x16xf32> to vector<16xf32>
        %add3A_147 = arith.addf %get3A_142, %get3A_146 : vector<16xf32>
        %max3A_148 = arith.constant 0.000000e+00 : f32
        %max3A_149 = vector.broadcast %max3A_148 : f32 to vector<16xf32>
        %max3A_150 = arith.maximumf %add3A_147, %max3A_149 : vector<16xf32>
        %swap3A_151 = arith.index_cast %scan3A_72 : i32 to index
        %swap3A_152 = arith.constant 64 : index
        %swap3A_153 = tpu.vector_load %arg9[%swap3A_151, %swap3A_152] {strides = array<i32>} : memref<80x128xf32, #tpu.memory_space<vmem>>, vector<1x16xf32>,
        %swap3A_154 = vector.shape_cast %swap3A_153 : vector<1x16xf32> to vector<16xf32>
        %swap3A_155 = vector.shape_cast %max3A_150 : vector<16xf32> to vector<1x16xf32>
        tpu.vector_store %arg9[%swap3A_151, %swap3A_152], %swap3A_155 {strides = array<i32>} : memref<80x128xf32, #tpu.memory_space<vmem>>, vector<1x16xf32>,
        %get3A_156 = arith.index_cast %scan3A_72 : i32 to index
        %get3A_157 = arith.constant 80 : index
        %get3A_158 = tpu.vector_load %arg9[%get3A_156, %get3A_157] {strides = array<i32>} : memref<80x128xf32, #tpu.memory_space<vmem>>, vector<1x16xf32>,
        %get3A_159 = vector.shape_cast %get3A_158 : vector<1x16xf32> to vector<16xf32>
        %get3A_160 = arith.index_cast %scan3A_72 : i32 to index
        %get3A_161 = arith.constant 80 : index
        %get3A_162 = tpu.vector_load %arg10[%get3A_160, %get3A_161] {strides = array<i32>} : memref<80x128xf32, #tpu.memory_space<vmem>>, vector<1x16xf32>,
        %get3A_163 = vector.shape_cast %get3A_162 : vector<1x16xf32> to vector<16xf32>
        %add3A_164 = arith.addf %get3A_159, %get3A_163 : vector<16xf32>
        %max3A_165 = arith.constant 0.000000e+00 : f32
        %max3A_166 = vector.broadcast %max3A_165 : f32 to vector<16xf32>
        %max3A_167 = arith.maximumf %add3A_164, %max3A_166 : vector<16xf32>
        %swap3A_168 = arith.index_cast %scan3A_72 : i32 to index
        %swap3A_169 = arith.constant 80 : index
        %swap3A_170 = tpu.vector_load %arg9[%swap3A_168, %swap3A_169] {strides = array<i32>} : memref<80x128xf32, #tpu.memory_space<vmem>>, vector<1x16xf32>,
        %swap3A_171 = vector.shape_cast %swap3A_170 : vector<1x16xf32> to vector<16xf32>
        %swap3A_172 = vector.shape_cast %max3A_167 : vector<16xf32> to vector<1x16xf32>
        tpu.vector_store %arg9[%swap3A_168, %swap3A_169], %swap3A_172 {strides = array<i32>} : memref<80x128xf32, #tpu.memory_space<vmem>>, vector<1x16xf32>,
        %get3A_173 = arith.index_cast %scan3A_72 : i32 to index
        %get3A_174 = arith.constant 96 : index
        %get3A_175 = tpu.vector_load %arg9[%get3A_173, %get3A_174] {strides = array<i32>} : memref<80x128xf32, #tpu.memory_space<vmem>>, vector<1x16xf32>,
        %get3A_176 = vector.shape_cast %get3A_175 : vector<1x16xf32> to vector<16xf32>
        %get3A_177 = arith.index_cast %scan3A_72 : i32 to index
        %get3A_178 = arith.constant 96 : index
        %get3A_179 = tpu.vector_load %arg10[%get3A_177, %get3A_178] {strides = array<i32>} : memref<80x128xf32, #tpu.memory_space<vmem>>, vector<1x16xf32>,
        %get3A_180 = vector.shape_cast %get3A_179 : vector<1x16xf32> to vector<16xf32>
        %add3A_181 = arith.addf %get3A_176, %get3A_180 : vector<16xf32>
        %max3A_182 = arith.constant 0.000000e+00 : f32
        %max3A_183 = vector.broadcast %max3A_182 : f32 to vector<16xf32>
        %max3A_184 = arith.maximumf %add3A_181, %max3A_183 : vector<16xf32>
        %swap3A_185 = arith.index_cast %scan3A_72 : i32 to index
        %swap3A_186 = arith.constant 96 : index
        %swap3A_187 = tpu.vector_load %arg9[%swap3A_185, %swap3A_186] {strides = array<i32>} : memref<80x128xf32, #tpu.memory_space<vmem>>, vector<1x16xf32>,
        %swap3A_188 = vector.shape_cast %swap3A_187 : vector<1x16xf32> to vector<16xf32>
        %swap3A_189 = vector.shape_cast %max3A_184 : vector<16xf32> to vector<1x16xf32>
        tpu.vector_store %arg9[%swap3A_185, %swap3A_186], %swap3A_189 {strides = array<i32>} : memref<80x128xf32, #tpu.memory_space<vmem>>, vector<1x16xf32>,
        %get3A_190 = arith.index_cast %scan3A_72 : i32 to index
        %get3A_191 = arith.constant 112 : index
        %get3A_192 = tpu.vector_load %arg9[%get3A_190, %get3A_191] {strides = array<i32>} : memref<80x128xf32, #tpu.memory_space<vmem>>, vector<1x16xf32>,
        %get3A_193 = vector.shape_cast %get3A_192 : vector<1x16xf32> to vector<16xf32>
        %get3A_194 = arith.index_cast %scan3A_72 : i32 to index
        %get3A_195 = arith.constant 112 : index
        %get3A_196 = tpu.vector_load %arg10[%get3A_194, %get3A_195] {strides = array<i32>} : memref<80x128xf32, #tpu.memory_space<vmem>>, vector<1x16xf32>,
        %get3A_197 = vector.shape_cast %get3A_196 : vector<1x16xf32> to vector<16xf32>
        %add3A_198 = arith.addf %get3A_193, %get3A_197 : vector<16xf32>
        %max3A_199 = arith.constant 0.000000e+00 : f32
        %max3A_200 = vector.broadcast %max3A_199 : f32 to vector<16xf32>
        %max3A_201 = arith.maximumf %add3A_198, %max3A_200 : vector<16xf32>
        %swap3A_202 = arith.index_cast %scan3A_72 : i32 to index
        %swap3A_203 = arith.constant 112 : index
        %swap3A_204 = tpu.vector_load %arg9[%swap3A_202, %swap3A_203] {strides = array<i32>} : memref<80x128xf32, #tpu.memory_space<vmem>>, vector<1x16xf32>,
        %swap3A_205 = vector.shape_cast %swap3A_204 : vector<1x16xf32> to vector<16xf32>
        %swap3A_206 = vector.shape_cast %max3A_201 : vector<16xf32> to vector<1x16xf32>
        tpu.vector_store %arg9[%swap3A_202, %swap3A_203], %swap3A_206 {strides = array<i32>} : memref<80x128xf32, #tpu.memory_space<vmem>>, vector<1x16xf32>,
        %scan3A_207 = arith.constant 0 : i32
        scf.yield %scan3A_207 : i32
      }
      %scan3A_70 = arith.constant 80 : i32
      "tpu.region"() ({
        %run_scoped3A = tpu.sem_alloc : memref<!tpu.dma_semaphore, #tpu.memory_space<semaphore_mem>>
        %dma_start3A_72 = arith.constant 0 : i32
        %dma_start3A_73 = arith.constant 0 : i32
        %dma_start3A_74 = tpu.memref_slice %arg11[%dma_start3A_72, %dma_start3A_73] : memref<10000x128xf32, #tpu.memory_space<vmem_shared>> -> memref<10000x128xf32, #tpu.memory_space<vmem_shared>>
        tpu.enqueue_indirect_dma source(%arg9 : memref<80x128xf32, #tpu.memory_space<vmem>>) target(%dma_start3A_74 : memref<10000x128xf32, #tpu.memory_space<vmem_shared>>) offsets(%arg8 : memref<80xi32, #tpu.memory_space<vmem>>) semaphore(%run_scoped3A : memref<!tpu.dma_semaphore, #tpu.memory_space<semaphore_mem>>) {add = true}
        %dma_wait3A_75 = arith.constant 0 : i32
        %dma_wait3A_76 = arith.constant 0 : i32
        %dma_wait3A_77 = tpu.memref_slice %arg11[%dma_wait3A_75, %dma_wait3A_76] : memref<10000x128xf32, #tpu.memory_space<vmem_shared>> -> memref<10000x128xf32, #tpu.memory_space<vmem_shared>>
        tpu.wait_indirect_dma semaphore(%run_scoped3A : memref<!tpu.dma_semaphore, #tpu.memory_space<semaphore_mem>>) src(%arg9 : memref<80x128xf32, #tpu.memory_space<vmem>>) dst(%dma_wait3A_77 : memref<10000x128xf32, #tpu.memory_space<vmem_shared>>)
        tpu.yield
      }) : () -> ()
      %scan3A_71 = arith.constant 0 : i32
      scf.yield %scan3A_71 : i32
    }
    %scan3A_47 = arith.constant 125 : i32
    %barrier3A_48 = arith.constant 0 : index
    tpu.barrier barrier_id(%barrier3A_48)
    %lt3A = arith.constant 15 : i32
    %lt3A_49 = arith.cmpi slt, %arg1, %lt3A : i32
    %convert_element_type3A = arith.extui %lt3A_49 : i1 to i32
    %cond3A = arith.constant 0 : i32
    %cond3A_50 = arith.cmpi ne, %convert_element_type3A, %cond3A : i32
    scf.if %cond3A_50 {
      %mul3A_55 = arith.constant 624 : i32
      %mul3A_56 = arith.muli %arg1, %mul3A_55 : i32
      %mul3A_57 = arith.constant 10000 : i32
      %mul3A_58 = arith.muli %arg0, %mul3A_57 : i32
      %mul3A_59 = arith.constant 624 : i32
      %mul3A_60 = arith.muli %arg1, %mul3A_59 : i32
      %add3A_61 = arith.addi %mul3A_58, %mul3A_60 : i32
      "tpu.region"() ({
        %run_scoped3A = tpu.sem_alloc : memref<!tpu.dma_semaphore, #tpu.memory_space<semaphore_mem>>
        %dma_start3A = arith.constant 0 : i32
        %dma_start3A_62 = tpu.memref_slice %arg6[%add3A_61, %dma_start3A] : memref<20000x128xf32, #tpu.memory_space<hbm>> -> memref<624x128xf32, #tpu.memory_space<hbm>>
        %dma_start3A_63 = arith.constant 0 : i32
        %dma_start3A_64 = tpu.memref_slice %arg11[%mul3A_56, %dma_start3A_63] : memref<10000x128xf32, #tpu.memory_space<vmem_shared>> -> memref<624x128xf32, #tpu.memory_space<vmem_shared>>
        tpu.enqueue_dma source(%dma_start3A_64 : memref<624x128xf32, #tpu.memory_space<vmem_shared>>) target(%dma_start3A_62 : memref<624x128xf32, #tpu.memory_space<hbm>>) target_semaphore(%run_scoped3A : memref<!tpu.dma_semaphore, #tpu.memory_space<semaphore_mem>>)
        %dma_wait3A = arith.constant 0 : i32
        %dma_wait3A_65 = tpu.memref_slice %arg6[%add3A_61, %dma_wait3A] : memref<20000x128xf32, #tpu.memory_space<hbm>> -> memref<624x128xf32, #tpu.memory_space<hbm>>
        %dma_wait3A_66 = arith.constant 0 : i32
        %dma_wait3A_67 = tpu.memref_slice %arg11[%mul3A_56, %dma_wait3A_66] : memref<10000x128xf32, #tpu.memory_space<vmem_shared>> -> memref<624x128xf32, #tpu.memory_space<vmem_shared>>
        tpu.wait_dma2 semaphore(%run_scoped3A : memref<!tpu.dma_semaphore, #tpu.memory_space<semaphore_mem>>) src(%dma_wait3A_67 : memref<624x128xf32, #tpu.memory_space<vmem_shared>>) dst(%dma_wait3A_65 : memref<624x128xf32, #tpu.memory_space<hbm>>)
        tpu.yield
      }) : () -> ()
    } else {
    }
    %eq3A = arith.constant 15 : i32
    %eq3A_51 = arith.cmpi eq, %arg1, %eq3A : i32
    %convert_element_type3A_52 = arith.extui %eq3A_51 : i1 to i32
    %cond3A_53 = arith.constant 0 : i32
    %cond3A_54 = arith.cmpi ne, %convert_element_type3A_52, %cond3A_53 : i32
    scf.if %cond3A_54 {
      %mul3A_55 = arith.constant 10000 : i32
      %mul3A_56 = arith.muli %arg0, %mul3A_55 : i32
      %add3A_57 = arith.constant 9360 : i32
      %add3A_58 = arith.addi %mul3A_56, %add3A_57 : i32
      "tpu.region"() ({
        %run_scoped3A = tpu.sem_alloc : memref<!tpu.dma_semaphore, #tpu.memory_space<semaphore_mem>>
        %dma_start3A = arith.constant 0 : i32
        %dma_start3A_59 = tpu.memref_slice %arg6[%add3A_58, %dma_start3A] : memref<20000x128xf32, #tpu.memory_space<hbm>> -> memref<640x128xf32, #tpu.memory_space<hbm>>
        %dma_start3A_60 = arith.constant 9360 : i32
        %dma_start3A_61 = arith.constant 0 : i32
        %dma_start3A_62 = tpu.memref_slice %arg11[%dma_start3A_60, %dma_start3A_61] : memref<10000x128xf32, #tpu.memory_space<vmem_shared>> -> memref<640x128xf32, #tpu.memory_space<vmem_shared>>
        tpu.enqueue_dma source(%dma_start3A_62 : memref<640x128xf32, #tpu.memory_space<vmem_shared>>) target(%dma_start3A_59 : memref<640x128xf32, #tpu.memory_space<hbm>>) target_semaphore(%run_scoped3A : memref<!tpu.dma_semaphore, #tpu.memory_space<semaphore_mem>>)
        %dma_wait3A = arith.constant 0 : i32
        %dma_wait3A_63 = tpu.memref_slice %arg6[%add3A_58, %dma_wait3A] : memref<20000x128xf32, #tpu.memory_space<hbm>> -> memref<640x128xf32, #tpu.memory_space<hbm>>
        %dma_wait3A_64 = arith.constant 9360 : i32
        %dma_wait3A_65 = arith.constant 0 : i32
        %dma_wait3A_66 = tpu.memref_slice %arg11[%dma_wait3A_64, %dma_wait3A_65] : memref<10000x128xf32, #tpu.memory_space<vmem_shared>> -> memref<640x128xf32, #tpu.memory_space<vmem_shared>>
        tpu.wait_dma2 semaphore(%run_scoped3A : memref<!tpu.dma_semaphore, #tpu.memory_space<semaphore_mem>>) src(%dma_wait3A_66 : memref<640x128xf32, #tpu.memory_space<vmem_shared>>) dst(%dma_wait3A_63 : memref<640x128xf32, #tpu.memory_space<hbm>>)
        tpu.yield
      }) : () -> ()
    } else {
    }
    return
  }
}

#map = affine_map<(d0, d1) -> (0, 0)>
#map1 = affine_map<(d0, d1) -> (0)>
module attributes {stable_mosaic.version = 14 : i64} {
  func.func @k(%arg0: i32, %arg1: i32, %arg2: memref<10000x128xf32, #tpu.memory_space<hbm>>, %arg3: memref<320000xi32, #tpu.memory_space<hbm>>, %arg4: memref<320000xi32, #tpu.memory_space<hbm>>, %arg5: memref<320000x128xf32, #tpu.memory_space<hbm>>, %arg6: memref<20000x128xf32, #tpu.memory_space<hbm>>, %arg7: memref<80xi32, #tpu.memory_space<vmem>>, %arg8: memref<80xi32, #tpu.memory_space<vmem>>, %arg9: memref<80x128xf32, #tpu.memory_space<vmem>>, %arg10: memref<80x128xf32, #tpu.memory_space<vmem>>, %arg11: memref<10000x128xf32, #tpu.memory_space<vmem_shared>>, %arg12: memref<!tpu.dma_semaphore, #tpu.memory_space<semaphore_mem>>) attributes {dimension_semantics = [#tpu.dimension_semantics<core_parallel>, #tpu.dimension_semantics<subcore_parallel>], iteration_bounds = array<i64: 2, 16>, scalar_prefetch = 0 : i64, scratch_operands = 6 : i64, tpu.core_type = #tpu.core_type<sc_vector_subcore>, window_params = [{transform_indices = #map}, {transform_indices = #map1}, {transform_indices = #map1}, {transform_indices = #map}, {transform_indices = #map}]} {
    %mul3A = arith.constant 16 : i32
    %mul3A_0 = arith.muli %arg0, %mul3A : i32
    %add3A = arith.addi %mul3A_0, %arg1 : i32
    %scan3A = arith.constant 0 : i32
    %scan3A_1 = arith.constant 0 : i32
    %scan3A_2 = arith.constant 80 : i32
    %scan3A_3 = arith.addi %scan3A_1, %scan3A_2 : i32
    %scan3A_4 = arith.constant 1 : i32
    %scan3A_5 = scf.for %scan3A_55 = %scan3A_1 to %scan3A_3 step %scan3A_4 iter_args(%scan3A_56 = %scan3A) -> (i32)  : i32 {
      %broadcast_in_dim3A = arith.constant 0.000000e+00 : f32
      %broadcast_in_dim3A_57 = vector.broadcast %broadcast_in_dim3A : f32 to vector<16xf32>
      %swap3A = arith.index_cast %scan3A_55 : i32 to index
      %swap3A_58 = arith.constant 0 : index
      %swap3A_59 = tpu.vector_load %arg9[%swap3A, %swap3A_58] {strides = array<i32>} : memref<80x128xf32, #tpu.memory_space<vmem>>, vector<1x16xf32>,
      %swap3A_60 = vector.shape_cast %swap3A_59 : vector<1x16xf32> to vector<16xf32>
      %swap3A_61 = vector.shape_cast %broadcast_in_dim3A_57 : vector<16xf32> to vector<1x16xf32>
      tpu.vector_store %arg9[%swap3A, %swap3A_58], %swap3A_61 {strides = array<i32>} : memref<80x128xf32, #tpu.memory_space<vmem>>, vector<1x16xf32>,
      %broadcast_in_dim3A_62 = arith.constant 0.000000e+00 : f32
      %broadcast_in_dim3A_63 = vector.broadcast %broadcast_in_dim3A_62 : f32 to vector<16xf32>
      %swap3A_64 = arith.index_cast %scan3A_55 : i32 to index
      %swap3A_65 = arith.constant 16 : index
      %swap3A_66 = tpu.vector_load %arg9[%swap3A_64, %swap3A_65] {strides = array<i32>} : memref<80x128xf32, #tpu.memory_space<vmem>>, vector<1x16xf32>,
      %swap3A_67 = vector.shape_cast %swap3A_66 : vector<1x16xf32> to vector<16xf32>
      %swap3A_68 = vector.shape_cast %broadcast_in_dim3A_63 : vector<16xf32> to vector<1x16xf32>
      tpu.vector_store %arg9[%swap3A_64, %swap3A_65], %swap3A_68 {strides = array<i32>} : memref<80x128xf32, #tpu.memory_space<vmem>>, vector<1x16xf32>,
      %broadcast_in_dim3A_69 = arith.constant 0.000000e+00 : f32
      %broadcast_in_dim3A_70 = vector.broadcast %broadcast_in_dim3A_69 : f32 to vector<16xf32>
      %swap3A_71 = arith.index_cast %scan3A_55 : i32 to index
      %swap3A_72 = arith.constant 32 : index
      %swap3A_73 = tpu.vector_load %arg9[%swap3A_71, %swap3A_72] {strides = array<i32>} : memref<80x128xf32, #tpu.memory_space<vmem>>, vector<1x16xf32>,
      %swap3A_74 = vector.shape_cast %swap3A_73 : vector<1x16xf32> to vector<16xf32>
      %swap3A_75 = vector.shape_cast %broadcast_in_dim3A_70 : vector<16xf32> to vector<1x16xf32>
      tpu.vector_store %arg9[%swap3A_71, %swap3A_72], %swap3A_75 {strides = array<i32>} : memref<80x128xf32, #tpu.memory_space<vmem>>, vector<1x16xf32>,
      %broadcast_in_dim3A_76 = arith.constant 0.000000e+00 : f32
      %broadcast_in_dim3A_77 = vector.broadcast %broadcast_in_dim3A_76 : f32 to vector<16xf32>
      %swap3A_78 = arith.index_cast %scan3A_55 : i32 to index
      %swap3A_79 = arith.constant 48 : index
      %swap3A_80 = tpu.vector_load %arg9[%swap3A_78, %swap3A_79] {strides = array<i32>} : memref<80x128xf32, #tpu.memory_space<vmem>>, vector<1x16xf32>,
      %swap3A_81 = vector.shape_cast %swap3A_80 : vector<1x16xf32> to vector<16xf32>
      %swap3A_82 = vector.shape_cast %broadcast_in_dim3A_77 : vector<16xf32> to vector<1x16xf32>
      tpu.vector_store %arg9[%swap3A_78, %swap3A_79], %swap3A_82 {strides = array<i32>} : memref<80x128xf32, #tpu.memory_space<vmem>>, vector<1x16xf32>,
      %broadcast_in_dim3A_83 = arith.constant 0.000000e+00 : f32
      %broadcast_in_dim3A_84 = vector.broadcast %broadcast_in_dim3A_83 : f32 to vector<16xf32>
      %swap3A_85 = arith.index_cast %scan3A_55 : i32 to index
      %swap3A_86 = arith.constant 64 : index
      %swap3A_87 = tpu.vector_load %arg9[%swap3A_85, %swap3A_86] {strides = array<i32>} : memref<80x128xf32, #tpu.memory_space<vmem>>, vector<1x16xf32>,
      %swap3A_88 = vector.shape_cast %swap3A_87 : vector<1x16xf32> to vector<16xf32>
      %swap3A_89 = vector.shape_cast %broadcast_in_dim3A_84 : vector<16xf32> to vector<1x16xf32>
      tpu.vector_store %arg9[%swap3A_85, %swap3A_86], %swap3A_89 {strides = array<i32>} : memref<80x128xf32, #tpu.memory_space<vmem>>, vector<1x16xf32>,
      %broadcast_in_dim3A_90 = arith.constant 0.000000e+00 : f32
      %broadcast_in_dim3A_91 = vector.broadcast %broadcast_in_dim3A_90 : f32 to vector<16xf32>
      %swap3A_92 = arith.index_cast %scan3A_55 : i32 to index
      %swap3A_93 = arith.constant 80 : index
      %swap3A_94 = tpu.vector_load %arg9[%swap3A_92, %swap3A_93] {strides = array<i32>} : memref<80x128xf32, #tpu.memory_space<vmem>>, vector<1x16xf32>,
      %swap3A_95 = vector.shape_cast %swap3A_94 : vector<1x16xf32> to vector<16xf32>
      %swap3A_96 = vector.shape_cast %broadcast_in_dim3A_91 : vector<16xf32> to vector<1x16xf32>
      tpu.vector_store %arg9[%swap3A_92, %swap3A_93], %swap3A_96 {strides = array<i32>} : memref<80x128xf32, #tpu.memory_space<vmem>>, vector<1x16xf32>,
      %broadcast_in_dim3A_97 = arith.constant 0.000000e+00 : f32
      %broadcast_in_dim3A_98 = vector.broadcast %broadcast_in_dim3A_97 : f32 to vector<16xf32>
      %swap3A_99 = arith.index_cast %scan3A_55 : i32 to index
      %swap3A_100 = arith.constant 96 : index
      %swap3A_101 = tpu.vector_load %arg9[%swap3A_99, %swap3A_100] {strides = array<i32>} : memref<80x128xf32, #tpu.memory_space<vmem>>, vector<1x16xf32>,
      %swap3A_102 = vector.shape_cast %swap3A_101 : vector<1x16xf32> to vector<16xf32>
      %swap3A_103 = vector.shape_cast %broadcast_in_dim3A_98 : vector<16xf32> to vector<1x16xf32>
      tpu.vector_store %arg9[%swap3A_99, %swap3A_100], %swap3A_103 {strides = array<i32>} : memref<80x128xf32, #tpu.memory_space<vmem>>, vector<1x16xf32>,
      %broadcast_in_dim3A_104 = arith.constant 0.000000e+00 : f32
      %broadcast_in_dim3A_105 = vector.broadcast %broadcast_in_dim3A_104 : f32 to vector<16xf32>
      %swap3A_106 = arith.index_cast %scan3A_55 : i32 to index
      %swap3A_107 = arith.constant 112 : index
      %swap3A_108 = tpu.vector_load %arg9[%swap3A_106, %swap3A_107] {strides = array<i32>} : memref<80x128xf32, #tpu.memory_space<vmem>>, vector<1x16xf32>,
      %swap3A_109 = vector.shape_cast %swap3A_108 : vector<1x16xf32> to vector<16xf32>
      %swap3A_110 = vector.shape_cast %broadcast_in_dim3A_105 : vector<16xf32> to vector<1x16xf32>
      tpu.vector_store %arg9[%swap3A_106, %swap3A_107], %swap3A_110 {strides = array<i32>} : memref<80x128xf32, #tpu.memory_space<vmem>>, vector<1x16xf32>,
      %scan3A_111 = arith.constant 0 : i32
      scf.yield %scan3A_111 : i32
    }
    %scan3A_6 = arith.constant 80 : i32
    %mul3A_7 = arith.constant 624 : i32
    %mul3A_8 = arith.muli %arg1, %mul3A_7 : i32
    %add3A_9 = arith.constant 0 : i32
    %add3A_10 = arith.addi %mul3A_8, %add3A_9 : i32
    "tpu.region"() ({
      %run_scoped3A = tpu.sem_alloc : memref<!tpu.dma_semaphore, #tpu.memory_space<semaphore_mem>>
      %dma_start3A = arith.constant 0 : i32
      %dma_start3A_55 = tpu.memref_slice %arg11[%add3A_10, %dma_start3A] : memref<10000x128xf32, #tpu.memory_space<vmem_shared>> -> memref<80x128xf32, #tpu.memory_space<vmem_shared>>
      %dma_start3A_56 = arith.constant 0 : i32
      %dma_start3A_57 = tpu.memref_slice %arg11[%add3A_10, %dma_start3A_56] : memref<10000x128xf32, #tpu.memory_space<vmem_shared>> -> memref<80x128xf32, #tpu.memory_space<vmem_shared>>
      tpu.enqueue_dma source(%arg9 : memref<80x128xf32, #tpu.memory_space<vmem>>) target(%dma_start3A_57 : memref<80x128xf32, #tpu.memory_space<vmem_shared>>) target_semaphore(%run_scoped3A : memref<!tpu.dma_semaphore, #tpu.memory_space<semaphore_mem>>)
      %dma_wait3A = arith.constant 0 : i32
      %dma_wait3A_58 = tpu.memref_slice %arg11[%add3A_10, %dma_wait3A] : memref<10000x128xf32, #tpu.memory_space<vmem_shared>> -> memref<80x128xf32, #tpu.memory_space<vmem_shared>>
      %dma_wait3A_59 = arith.constant 0 : i32
      %dma_wait3A_60 = tpu.memref_slice %arg11[%add3A_10, %dma_wait3A_59] : memref<10000x128xf32, #tpu.memory_space<vmem_shared>> -> memref<80x128xf32, #tpu.memory_space<vmem_shared>>
      tpu.wait_dma2 semaphore(%run_scoped3A : memref<!tpu.dma_semaphore, #tpu.memory_space<semaphore_mem>>) src(%arg9 : memref<80x128xf32, #tpu.memory_space<vmem>>) dst(%dma_wait3A_60 : memref<80x128xf32, #tpu.memory_space<vmem_shared>>)
      tpu.yield
    }) : () -> ()
    %mul3A_11 = arith.constant 624 : i32
    %mul3A_12 = arith.muli %arg1, %mul3A_11 : i32
    %add3A_13 = arith.constant 80 : i32
    %add3A_14 = arith.addi %mul3A_12, %add3A_13 : i32
    "tpu.region"() ({
      %run_scoped3A = tpu.sem_alloc : memref<!tpu.dma_semaphore, #tpu.memory_space<semaphore_mem>>
      %dma_start3A = arith.constant 0 : i32
      %dma_start3A_55 = tpu.memref_slice %arg11[%add3A_14, %dma_start3A] : memref<10000x128xf32, #tpu.memory_space<vmem_shared>> -> memref<80x128xf32, #tpu.memory_space<vmem_shared>>
      %dma_start3A_56 = arith.constant 0 : i32
      %dma_start3A_57 = tpu.memref_slice %arg11[%add3A_14, %dma_start3A_56] : memref<10000x128xf32, #tpu.memory_space<vmem_shared>> -> memref<80x128xf32, #tpu.memory_space<vmem_shared>>
      tpu.enqueue_dma source(%arg9 : memref<80x128xf32, #tpu.memory_space<vmem>>) target(%dma_start3A_57 : memref<80x128xf32, #tpu.memory_space<vmem_shared>>) target_semaphore(%run_scoped3A : memref<!tpu.dma_semaphore, #tpu.memory_space<semaphore_mem>>)
      %dma_wait3A = arith.constant 0 : i32
      %dma_wait3A_58 = tpu.memref_slice %arg11[%add3A_14, %dma_wait3A] : memref<10000x128xf32, #tpu.memory_space<vmem_shared>> -> memref<80x128xf32, #tpu.memory_space<vmem_shared>>
      %dma_wait3A_59 = arith.constant 0 : i32
      %dma_wait3A_60 = tpu.memref_slice %arg11[%add3A_14, %dma_wait3A_59] : memref<10000x128xf32, #tpu.memory_space<vmem_shared>> -> memref<80x128xf32, #tpu.memory_space<vmem_shared>>
      tpu.wait_dma2 semaphore(%run_scoped3A : memref<!tpu.dma_semaphore, #tpu.memory_space<semaphore_mem>>) src(%arg9 : memref<80x128xf32, #tpu.memory_space<vmem>>) dst(%dma_wait3A_60 : memref<80x128xf32, #tpu.memory_space<vmem_shared>>)
      tpu.yield
    }) : () -> ()
    %mul3A_15 = arith.constant 624 : i32
    %mul3A_16 = arith.muli %arg1, %mul3A_15 : i32
    %add3A_17 = arith.constant 160 : i32
    %add3A_18 = arith.addi %mul3A_16, %add3A_17 : i32
    "tpu.region"() ({
      %run_scoped3A = tpu.sem_alloc : memref<!tpu.dma_semaphore, #tpu.memory_space<semaphore_mem>>
      %dma_start3A = arith.constant 0 : i32
      %dma_start3A_55 = tpu.memref_slice %arg11[%add3A_18, %dma_start3A] : memref<10000x128xf32, #tpu.memory_space<vmem_shared>> -> memref<80x128xf32, #tpu.memory_space<vmem_shared>>
      %dma_start3A_56 = arith.constant 0 : i32
      %dma_start3A_57 = tpu.memref_slice %arg11[%add3A_18, %dma_start3A_56] : memref<10000x128xf32, #tpu.memory_space<vmem_shared>> -> memref<80x128xf32, #tpu.memory_space<vmem_shared>>
      tpu.enqueue_dma source(%arg9 : memref<80x128xf32, #tpu.memory_space<vmem>>) target(%dma_start3A_57 : memref<80x128xf32, #tpu.memory_space<vmem_shared>>) target_semaphore(%run_scoped3A : memref<!tpu.dma_semaphore, #tpu.memory_space<semaphore_mem>>)
      %dma_wait3A = arith.constant 0 : i32
      %dma_wait3A_58 = tpu.memref_slice %arg11[%add3A_18, %dma_wait3A] : memref<10000x128xf32, #tpu.memory_space<vmem_shared>> -> memref<80x128xf32, #tpu.memory_space<vmem_shared>>
      %dma_wait3A_59 = arith.constant 0 : i32
      %dma_wait3A_60 = tpu.memref_slice %arg11[%add3A_18, %dma_wait3A_59] : memref<10000x128xf32, #tpu.memory_space<vmem_shared>> -> memref<80x128xf32, #tpu.memory_space<vmem_shared>>
      tpu.wait_dma2 semaphore(%run_scoped3A : memref<!tpu.dma_semaphore, #tpu.memory_space<semaphore_mem>>) src(%arg9 : memref<80x128xf32, #tpu.memory_space<vmem>>) dst(%dma_wait3A_60 : memref<80x128xf32, #tpu.memory_space<vmem_shared>>)
      tpu.yield
    }) : () -> ()
    %mul3A_19 = arith.constant 624 : i32
    %mul3A_20 = arith.muli %arg1, %mul3A_19 : i32
    %add3A_21 = arith.constant 240 : i32
    %add3A_22 = arith.addi %mul3A_20, %add3A_21 : i32
    "tpu.region"() ({
      %run_scoped3A = tpu.sem_alloc : memref<!tpu.dma_semaphore, #tpu.memory_space<semaphore_mem>>
      %dma_start3A = arith.constant 0 : i32
      %dma_start3A_55 = tpu.memref_slice %arg11[%add3A_22, %dma_start3A] : memref<10000x128xf32, #tpu.memory_space<vmem_shared>> -> memref<80x128xf32, #tpu.memory_space<vmem_shared>>
      %dma_start3A_56 = arith.constant 0 : i32
      %dma_start3A_57 = tpu.memref_slice %arg11[%add3A_22, %dma_start3A_56] : memref<10000x128xf32, #tpu.memory_space<vmem_shared>> -> memref<80x128xf32, #tpu.memory_space<vmem_shared>>
      tpu.enqueue_dma source(%arg9 : memref<80x128xf32, #tpu.memory_space<vmem>>) target(%dma_start3A_57 : memref<80x128xf32, #tpu.memory_space<vmem_shared>>) target_semaphore(%run_scoped3A : memref<!tpu.dma_semaphore, #tpu.memory_space<semaphore_mem>>)
      %dma_wait3A = arith.constant 0 : i32
      %dma_wait3A_58 = tpu.memref_slice %arg11[%add3A_22, %dma_wait3A] : memref<10000x128xf32, #tpu.memory_space<vmem_shared>> -> memref<80x128xf32, #tpu.memory_space<vmem_shared>>
      %dma_wait3A_59 = arith.constant 0 : i32
      %dma_wait3A_60 = tpu.memref_slice %arg11[%add3A_22, %dma_wait3A_59] : memref<10000x128xf32, #tpu.memory_space<vmem_shared>> -> memref<80x128xf32, #tpu.memory_space<vmem_shared>>
      tpu.wait_dma2 semaphore(%run_scoped3A : memref<!tpu.dma_semaphore, #tpu.memory_space<semaphore_mem>>) src(%arg9 : memref<80x128xf32, #tpu.memory_space<vmem>>) dst(%dma_wait3A_60 : memref<80x128xf32, #tpu.memory_space<vmem_shared>>)
      tpu.yield
    }) : () -> ()
    %mul3A_23 = arith.constant 624 : i32
    %mul3A_24 = arith.muli %arg1, %mul3A_23 : i32
    %add3A_25 = arith.constant 320 : i32
    %add3A_26 = arith.addi %mul3A_24, %add3A_25 : i32
    "tpu.region"() ({
      %run_scoped3A = tpu.sem_alloc : memref<!tpu.dma_semaphore, #tpu.memory_space<semaphore_mem>>
      %dma_start3A = arith.constant 0 : i32
      %dma_start3A_55 = tpu.memref_slice %arg11[%add3A_26, %dma_start3A] : memref<10000x128xf32, #tpu.memory_space<vmem_shared>> -> memref<80x128xf32, #tpu.memory_space<vmem_shared>>
      %dma_start3A_56 = arith.constant 0 : i32
      %dma_start3A_57 = tpu.memref_slice %arg11[%add3A_26, %dma_start3A_56] : memref<10000x128xf32, #tpu.memory_space<vmem_shared>> -> memref<80x128xf32, #tpu.memory_space<vmem_shared>>
      tpu.enqueue_dma source(%arg9 : memref<80x128xf32, #tpu.memory_space<vmem>>) target(%dma_start3A_57 : memref<80x128xf32, #tpu.memory_space<vmem_shared>>) target_semaphore(%run_scoped3A : memref<!tpu.dma_semaphore, #tpu.memory_space<semaphore_mem>>)
      %dma_wait3A = arith.constant 0 : i32
      %dma_wait3A_58 = tpu.memref_slice %arg11[%add3A_26, %dma_wait3A] : memref<10000x128xf32, #tpu.memory_space<vmem_shared>> -> memref<80x128xf32, #tpu.memory_space<vmem_shared>>
      %dma_wait3A_59 = arith.constant 0 : i32
      %dma_wait3A_60 = tpu.memref_slice %arg11[%add3A_26, %dma_wait3A_59] : memref<10000x128xf32, #tpu.memory_space<vmem_shared>> -> memref<80x128xf32, #tpu.memory_space<vmem_shared>>
      tpu.wait_dma2 semaphore(%run_scoped3A : memref<!tpu.dma_semaphore, #tpu.memory_space<semaphore_mem>>) src(%arg9 : memref<80x128xf32, #tpu.memory_space<vmem>>) dst(%dma_wait3A_60 : memref<80x128xf32, #tpu.memory_space<vmem_shared>>)
      tpu.yield
    }) : () -> ()
    %mul3A_27 = arith.constant 624 : i32
    %mul3A_28 = arith.muli %arg1, %mul3A_27 : i32
    %add3A_29 = arith.constant 400 : i32
    %add3A_30 = arith.addi %mul3A_28, %add3A_29 : i32
    "tpu.region"() ({
      %run_scoped3A = tpu.sem_alloc : memref<!tpu.dma_semaphore, #tpu.memory_space<semaphore_mem>>
      %dma_start3A = arith.constant 0 : i32
      %dma_start3A_55 = tpu.memref_slice %arg11[%add3A_30, %dma_start3A] : memref<10000x128xf32, #tpu.memory_space<vmem_shared>> -> memref<80x128xf32, #tpu.memory_space<vmem_shared>>
      %dma_start3A_56 = arith.constant 0 : i32
      %dma_start3A_57 = tpu.memref_slice %arg11[%add3A_30, %dma_start3A_56] : memref<10000x128xf32, #tpu.memory_space<vmem_shared>> -> memref<80x128xf32, #tpu.memory_space<vmem_shared>>
      tpu.enqueue_dma source(%arg9 : memref<80x128xf32, #tpu.memory_space<vmem>>) target(%dma_start3A_57 : memref<80x128xf32, #tpu.memory_space<vmem_shared>>) target_semaphore(%run_scoped3A : memref<!tpu.dma_semaphore, #tpu.memory_space<semaphore_mem>>)
      %dma_wait3A = arith.constant 0 : i32
      %dma_wait3A_58 = tpu.memref_slice %arg11[%add3A_30, %dma_wait3A] : memref<10000x128xf32, #tpu.memory_space<vmem_shared>> -> memref<80x128xf32, #tpu.memory_space<vmem_shared>>
      %dma_wait3A_59 = arith.constant 0 : i32
      %dma_wait3A_60 = tpu.memref_slice %arg11[%add3A_30, %dma_wait3A_59] : memref<10000x128xf32, #tpu.memory_space<vmem_shared>> -> memref<80x128xf32, #tpu.memory_space<vmem_shared>>
      tpu.wait_dma2 semaphore(%run_scoped3A : memref<!tpu.dma_semaphore, #tpu.memory_space<semaphore_mem>>) src(%arg9 : memref<80x128xf32, #tpu.memory_space<vmem>>) dst(%dma_wait3A_60 : memref<80x128xf32, #tpu.memory_space<vmem_shared>>)
      tpu.yield
    }) : () -> ()
    %mul3A_31 = arith.constant 624 : i32
    %mul3A_32 = arith.muli %arg1, %mul3A_31 : i32
    %add3A_33 = arith.constant 480 : i32
    %add3A_34 = arith.addi %mul3A_32, %add3A_33 : i32
    "tpu.region"() ({
      %run_scoped3A = tpu.sem_alloc : memref<!tpu.dma_semaphore, #tpu.memory_space<semaphore_mem>>
      %dma_start3A = arith.constant 0 : i32
      %dma_start3A_55 = tpu.memref_slice %arg11[%add3A_34, %dma_start3A] : memref<10000x128xf32, #tpu.memory_space<vmem_shared>> -> memref<80x128xf32, #tpu.memory_space<vmem_shared>>
      %dma_start3A_56 = arith.constant 0 : i32
      %dma_start3A_57 = tpu.memref_slice %arg11[%add3A_34, %dma_start3A_56] : memref<10000x128xf32, #tpu.memory_space<vmem_shared>> -> memref<80x128xf32, #tpu.memory_space<vmem_shared>>
      tpu.enqueue_dma source(%arg9 : memref<80x128xf32, #tpu.memory_space<vmem>>) target(%dma_start3A_57 : memref<80x128xf32, #tpu.memory_space<vmem_shared>>) target_semaphore(%run_scoped3A : memref<!tpu.dma_semaphore, #tpu.memory_space<semaphore_mem>>)
      %dma_wait3A = arith.constant 0 : i32
      %dma_wait3A_58 = tpu.memref_slice %arg11[%add3A_34, %dma_wait3A] : memref<10000x128xf32, #tpu.memory_space<vmem_shared>> -> memref<80x128xf32, #tpu.memory_space<vmem_shared>>
      %dma_wait3A_59 = arith.constant 0 : i32
      %dma_wait3A_60 = tpu.memref_slice %arg11[%add3A_34, %dma_wait3A_59] : memref<10000x128xf32, #tpu.memory_space<vmem_shared>> -> memref<80x128xf32, #tpu.memory_space<vmem_shared>>
      tpu.wait_dma2 semaphore(%run_scoped3A : memref<!tpu.dma_semaphore, #tpu.memory_space<semaphore_mem>>) src(%arg9 : memref<80x128xf32, #tpu.memory_space<vmem>>) dst(%dma_wait3A_60 : memref<80x128xf32, #tpu.memory_space<vmem_shared>>)
      tpu.yield
    }) : () -> ()
    %mul3A_35 = arith.constant 624 : i32
    %mul3A_36 = arith.muli %arg1, %mul3A_35 : i32
    %add3A_37 = arith.constant 560 : i32
    %add3A_38 = arith.addi %mul3A_36, %add3A_37 : i32
    "tpu.region"() ({
      %run_scoped3A = tpu.sem_alloc : memref<!tpu.dma_semaphore, #tpu.memory_space<semaphore_mem>>
      %dma_start3A = arith.constant 0 : i32
      %dma_start3A_55 = tpu.memref_slice %arg11[%add3A_38, %dma_start3A] : memref<10000x128xf32, #tpu.memory_space<vmem_shared>> -> memref<80x128xf32, #tpu.memory_space<vmem_shared>>
      %dma_start3A_56 = arith.constant 0 : i32
      %dma_start3A_57 = tpu.memref_slice %arg11[%add3A_38, %dma_start3A_56] : memref<10000x128xf32, #tpu.memory_space<vmem_shared>> -> memref<80x128xf32, #tpu.memory_space<vmem_shared>>
      tpu.enqueue_dma source(%arg9 : memref<80x128xf32, #tpu.memory_space<vmem>>) target(%dma_start3A_57 : memref<80x128xf32, #tpu.memory_space<vmem_shared>>) target_semaphore(%run_scoped3A : memref<!tpu.dma_semaphore, #tpu.memory_space<semaphore_mem>>)
      %dma_wait3A = arith.constant 0 : i32
      %dma_wait3A_58 = tpu.memref_slice %arg11[%add3A_38, %dma_wait3A] : memref<10000x128xf32, #tpu.memory_space<vmem_shared>> -> memref<80x128xf32, #tpu.memory_space<vmem_shared>>
      %dma_wait3A_59 = arith.constant 0 : i32
      %dma_wait3A_60 = tpu.memref_slice %arg11[%add3A_38, %dma_wait3A_59] : memref<10000x128xf32, #tpu.memory_space<vmem_shared>> -> memref<80x128xf32, #tpu.memory_space<vmem_shared>>
      tpu.wait_dma2 semaphore(%run_scoped3A : memref<!tpu.dma_semaphore, #tpu.memory_space<semaphore_mem>>) src(%arg9 : memref<80x128xf32, #tpu.memory_space<vmem>>) dst(%dma_wait3A_60 : memref<80x128xf32, #tpu.memory_space<vmem_shared>>)
      tpu.yield
    }) : () -> ()
    %barrier3A = arith.constant 0 : index
    tpu.barrier barrier_id(%barrier3A)
    %mul3A_39 = arith.constant 10000 : i32
    %mul3A_40 = arith.muli %add3A, %mul3A_39 : i32
    %scan3A_41 = arith.constant 0 : i32
    %scan3A_42 = arith.constant 0 : i32
    %scan3A_43 = arith.constant 125 : i32
    %scan3A_44 = arith.addi %scan3A_42, %scan3A_43 : i32
    %scan3A_45 = arith.constant 1 : i32
    %scan3A_46 = scf.for %scan3A_55 = %scan3A_42 to %scan3A_44 step %scan3A_45 iter_args(%scan3A_56 = %scan3A_41) -> (i32)  : i32 {
      %mul3A_57 = arith.constant 80 : i32
      %mul3A_58 = arith.muli %scan3A_55, %mul3A_57 : i32
      %add3A_59 = arith.addi %mul3A_40, %mul3A_58 : i32
      "tpu.region"() ({
        %run_scoped3A = tpu.sem_alloc : memref<!tpu.dma_semaphore, #tpu.memory_space<semaphore_mem>>
        %dma_start3A_72 = tpu.memref_slice %arg3[%add3A_59] : memref<320000xi32, #tpu.memory_space<hbm>> -> memref<80xi32, #tpu.memory_space<hbm>>
        %dma_start3A_73 = tpu.memref_slice %arg3[%add3A_59] : memref<320000xi32, #tpu.memory_space<hbm>> -> memref<80xi32, #tpu.memory_space<hbm>>
        tpu.enqueue_dma source(%dma_start3A_73 : memref<80xi32, #tpu.memory_space<hbm>>) target(%arg7 : memref<80xi32, #tpu.memory_space<vmem>>) target_semaphore(%run_scoped3A : memref<!tpu.dma_semaphore, #tpu.memory_space<semaphore_mem>>)
        %dma_wait3A_74 = tpu.memref_slice %arg3[%add3A_59] : memref<320000xi32, #tpu.memory_space<hbm>> -> memref<80xi32, #tpu.memory_space<hbm>>
        %dma_wait3A_75 = tpu.memref_slice %arg3[%add3A_59] : memref<320000xi32, #tpu.memory_space<hbm>> -> memref<80xi32, #tpu.memory_space<hbm>>
        tpu.wait_dma2 semaphore(%run_scoped3A : memref<!tpu.dma_semaphore, #tpu.memory_space<semaphore_mem>>) src(%dma_wait3A_75 : memref<80xi32, #tpu.memory_space<hbm>>) dst(%arg7 : memref<80xi32, #tpu.memory_space<vmem>>)
        tpu.yield
      }) : () -> ()
      "tpu.region"() ({
        %run_scoped3A = tpu.sem_alloc : memref<!tpu.dma_semaphore, #tpu.memory_space<semaphore_mem>>
        %dma_start3A_72 = tpu.memref_slice %arg4[%add3A_59] : memref<320000xi32, #tpu.memory_space<hbm>> -> memref<80xi32, #tpu.memory_space<hbm>>
        %dma_start3A_73 = tpu.memref_slice %arg4[%add3A_59] : memref<320000xi32, #tpu.memory_space<hbm>> -> memref<80xi32, #tpu.memory_space<hbm>>
        tpu.enqueue_dma source(%dma_start3A_73 : memref<80xi32, #tpu.memory_space<hbm>>) target(%arg8 : memref<80xi32, #tpu.memory_space<vmem>>) target_semaphore(%run_scoped3A : memref<!tpu.dma_semaphore, #tpu.memory_space<semaphore_mem>>)
        %dma_wait3A_74 = tpu.memref_slice %arg4[%add3A_59] : memref<320000xi32, #tpu.memory_space<hbm>> -> memref<80xi32, #tpu.memory_space<hbm>>
        %dma_wait3A_75 = tpu.memref_slice %arg4[%add3A_59] : memref<320000xi32, #tpu.memory_space<hbm>> -> memref<80xi32, #tpu.memory_space<hbm>>
        tpu.wait_dma2 semaphore(%run_scoped3A : memref<!tpu.dma_semaphore, #tpu.memory_space<semaphore_mem>>) src(%dma_wait3A_75 : memref<80xi32, #tpu.memory_space<hbm>>) dst(%arg8 : memref<80xi32, #tpu.memory_space<vmem>>)
        tpu.yield
      }) : () -> ()
      %dma_start3A = arith.constant 0 : i32
      %dma_start3A_60 = arith.constant 0 : i32
      %dma_start3A_61 = tpu.memref_slice %arg2[%dma_start3A, %dma_start3A_60] : memref<10000x128xf32, #tpu.memory_space<hbm>> -> memref<10000x128xf32, #tpu.memory_space<hbm>>
      tpu.enqueue_indirect_dma source(%dma_start3A_61 : memref<10000x128xf32, #tpu.memory_space<hbm>>) target(%arg9 : memref<80x128xf32, #tpu.memory_space<vmem>>) offsets(%arg7 : memref<80xi32, #tpu.memory_space<vmem>>) semaphore(%arg12 : memref<!tpu.dma_semaphore, #tpu.memory_space<semaphore_mem>>)
      %dma_wait3A = arith.constant 0 : i32
      %dma_wait3A_62 = arith.constant 0 : i32
      %dma_wait3A_63 = tpu.memref_slice %arg2[%dma_wait3A, %dma_wait3A_62] : memref<10000x128xf32, #tpu.memory_space<hbm>> -> memref<10000x128xf32, #tpu.memory_space<hbm>>
      tpu.wait_indirect_dma semaphore(%arg12 : memref<!tpu.dma_semaphore, #tpu.memory_space<semaphore_mem>>) src(%dma_wait3A_63 : memref<10000x128xf32, #tpu.memory_space<hbm>>) dst(%arg9 : memref<80x128xf32, #tpu.memory_space<vmem>>)
      "tpu.region"() ({
        %run_scoped3A = tpu.sem_alloc : memref<!tpu.dma_semaphore, #tpu.memory_space<semaphore_mem>>
        %dma_start3A_72 = arith.constant 0 : i32
        %dma_start3A_73 = tpu.memref_slice %arg5[%add3A_59, %dma_start3A_72] : memref<320000x128xf32, #tpu.memory_space<hbm>> -> memref<80x128xf32, #tpu.memory_space<hbm>>
        %dma_start3A_74 = arith.constant 0 : i32
        %dma_start3A_75 = tpu.memref_slice %arg5[%add3A_59, %dma_start3A_74] : memref<320000x128xf32, #tpu.memory_space<hbm>> -> memref<80x128xf32, #tpu.memory_space<hbm>>
        tpu.enqueue_dma source(%dma_start3A_75 : memref<80x128xf32, #tpu.memory_space<hbm>>) target(%arg10 : memref<80x128xf32, #tpu.memory_space<vmem>>) target_semaphore(%run_scoped3A : memref<!tpu.dma_semaphore, #tpu.memory_space<semaphore_mem>>)
        %dma_wait3A_76 = arith.constant 0 : i32
        %dma_wait3A_77 = tpu.memref_slice %arg5[%add3A_59, %dma_wait3A_76] : memref<320000x128xf32, #tpu.memory_space<hbm>> -> memref<80x128xf32, #tpu.memory_space<hbm>>
        %dma_wait3A_78 = arith.constant 0 : i32
        %dma_wait3A_79 = tpu.memref_slice %arg5[%add3A_59, %dma_wait3A_78] : memref<320000x128xf32, #tpu.memory_space<hbm>> -> memref<80x128xf32, #tpu.memory_space<hbm>>
        tpu.wait_dma2 semaphore(%run_scoped3A : memref<!tpu.dma_semaphore, #tpu.memory_space<semaphore_mem>>) src(%dma_wait3A_79 : memref<80x128xf32, #tpu.memory_space<hbm>>) dst(%arg10 : memref<80x128xf32, #tpu.memory_space<vmem>>)
        tpu.yield
      }) : () -> ()
      %scan3A_64 = arith.constant 0 : i32
      %scan3A_65 = arith.constant 0 : i32
      %scan3A_66 = arith.constant 80 : i32
      %scan3A_67 = arith.addi %scan3A_65, %scan3A_66 : i32
      %scan3A_68 = arith.constant 1 : i32
      %scan3A_69 = scf.for %scan3A_72 = %scan3A_65 to %scan3A_67 step %scan3A_68 iter_args(%scan3A_73 = %scan3A_64) -> (i32)  : i32 {
        %get3A = arith.index_cast %scan3A_72 : i32 to index
        %get3A_74 = arith.constant 0 : index
        %get3A_75 = tpu.vector_load %arg9[%get3A, %get3A_74] {strides = array<i32>} : memref<80x128xf32, #tpu.memory_space<vmem>>, vector<1x16xf32>,
        %get3A_76 = vector.shape_cast %get3A_75 : vector<1x16xf32> to vector<16xf32>
        %get3A_77 = arith.index_cast %scan3A_72 : i32 to index
        %get3A_78 = arith.constant 0 : index
        %get3A_79 = tpu.vector_load %arg10[%get3A_77, %get3A_78] {strides = array<i32>} : memref<80x128xf32, #tpu.memory_space<vmem>>, vector<1x16xf32>,
        %get3A_80 = vector.shape_cast %get3A_79 : vector<1x16xf32> to vector<16xf32>
        %add3A_81 = arith.addf %get3A_76, %get3A_80 : vector<16xf32>
        %max3A = arith.constant 0.000000e+00 : f32
        %max3A_82 = vector.broadcast %max3A : f32 to vector<16xf32>
        %max3A_83 = arith.maximumf %add3A_81, %max3A_82 : vector<16xf32>
        %swap3A = arith.index_cast %scan3A_72 : i32 to index
        %swap3A_84 = arith.constant 0 : index
        %swap3A_85 = tpu.vector_load %arg9[%swap3A, %swap3A_84] {strides = array<i32>} : memref<80x128xf32, #tpu.memory_space<vmem>>, vector<1x16xf32>,
        %swap3A_86 = vector.shape_cast %swap3A_85 : vector<1x16xf32> to vector<16xf32>
        %swap3A_87 = vector.shape_cast %max3A_83 : vector<16xf32> to vector<1x16xf32>
        tpu.vector_store %arg9[%swap3A, %swap3A_84], %swap3A_87 {strides = array<i32>} : memref<80x128xf32, #tpu.memory_space<vmem>>, vector<1x16xf32>,
        %get3A_88 = arith.index_cast %scan3A_72 : i32 to index
        %get3A_89 = arith.constant 16 : index
        %get3A_90 = tpu.vector_load %arg9[%get3A_88, %get3A_89] {strides = array<i32>} : memref<80x128xf32, #tpu.memory_space<vmem>>, vector<1x16xf32>,
        %get3A_91 = vector.shape_cast %get3A_90 : vector<1x16xf32> to vector<16xf32>
        %get3A_92 = arith.index_cast %scan3A_72 : i32 to index
        %get3A_93 = arith.constant 16 : index
        %get3A_94 = tpu.vector_load %arg10[%get3A_92, %get3A_93] {strides = array<i32>} : memref<80x128xf32, #tpu.memory_space<vmem>>, vector<1x16xf32>,
        %get3A_95 = vector.shape_cast %get3A_94 : vector<1x16xf32> to vector<16xf32>
        %add3A_96 = arith.addf %get3A_91, %get3A_95 : vector<16xf32>
        %max3A_97 = arith.constant 0.000000e+00 : f32
        %max3A_98 = vector.broadcast %max3A_97 : f32 to vector<16xf32>
        %max3A_99 = arith.maximumf %add3A_96, %max3A_98 : vector<16xf32>
        %swap3A_100 = arith.index_cast %scan3A_72 : i32 to index
        %swap3A_101 = arith.constant 16 : index
        %swap3A_102 = tpu.vector_load %arg9[%swap3A_100, %swap3A_101] {strides = array<i32>} : memref<80x128xf32, #tpu.memory_space<vmem>>, vector<1x16xf32>,
        %swap3A_103 = vector.shape_cast %swap3A_102 : vector<1x16xf32> to vector<16xf32>
        %swap3A_104 = vector.shape_cast %max3A_99 : vector<16xf32> to vector<1x16xf32>
        tpu.vector_store %arg9[%swap3A_100, %swap3A_101], %swap3A_104 {strides = array<i32>} : memref<80x128xf32, #tpu.memory_space<vmem>>, vector<1x16xf32>,
        %get3A_105 = arith.index_cast %scan3A_72 : i32 to index
        %get3A_106 = arith.constant 32 : index
        %get3A_107 = tpu.vector_load %arg9[%get3A_105, %get3A_106] {strides = array<i32>} : memref<80x128xf32, #tpu.memory_space<vmem>>, vector<1x16xf32>,
        %get3A_108 = vector.shape_cast %get3A_107 : vector<1x16xf32> to vector<16xf32>
        %get3A_109 = arith.index_cast %scan3A_72 : i32 to index
        %get3A_110 = arith.constant 32 : index
        %get3A_111 = tpu.vector_load %arg10[%get3A_109, %get3A_110] {strides = array<i32>} : memref<80x128xf32, #tpu.memory_space<vmem>>, vector<1x16xf32>,
        %get3A_112 = vector.shape_cast %get3A_111 : vector<1x16xf32> to vector<16xf32>
        %add3A_113 = arith.addf %get3A_108, %get3A_112 : vector<16xf32>
        %max3A_114 = arith.constant 0.000000e+00 : f32
        %max3A_115 = vector.broadcast %max3A_114 : f32 to vector<16xf32>
        %max3A_116 = arith.maximumf %add3A_113, %max3A_115 : vector<16xf32>
        %swap3A_117 = arith.index_cast %scan3A_72 : i32 to index
        %swap3A_118 = arith.constant 32 : index
        %swap3A_119 = tpu.vector_load %arg9[%swap3A_117, %swap3A_118] {strides = array<i32>} : memref<80x128xf32, #tpu.memory_space<vmem>>, vector<1x16xf32>,
        %swap3A_120 = vector.shape_cast %swap3A_119 : vector<1x16xf32> to vector<16xf32>
        %swap3A_121 = vector.shape_cast %max3A_116 : vector<16xf32> to vector<1x16xf32>
        tpu.vector_store %arg9[%swap3A_117, %swap3A_118], %swap3A_121 {strides = array<i32>} : memref<80x128xf32, #tpu.memory_space<vmem>>, vector<1x16xf32>,
        %get3A_122 = arith.index_cast %scan3A_72 : i32 to index
        %get3A_123 = arith.constant 48 : index
        %get3A_124 = tpu.vector_load %arg9[%get3A_122, %get3A_123] {strides = array<i32>} : memref<80x128xf32, #tpu.memory_space<vmem>>, vector<1x16xf32>,
        %get3A_125 = vector.shape_cast %get3A_124 : vector<1x16xf32> to vector<16xf32>
        %get3A_126 = arith.index_cast %scan3A_72 : i32 to index
        %get3A_127 = arith.constant 48 : index
        %get3A_128 = tpu.vector_load %arg10[%get3A_126, %get3A_127] {strides = array<i32>} : memref<80x128xf32, #tpu.memory_space<vmem>>, vector<1x16xf32>,
        %get3A_129 = vector.shape_cast %get3A_128 : vector<1x16xf32> to vector<16xf32>
        %add3A_130 = arith.addf %get3A_125, %get3A_129 : vector<16xf32>
        %max3A_131 = arith.constant 0.000000e+00 : f32
        %max3A_132 = vector.broadcast %max3A_131 : f32 to vector<16xf32>
        %max3A_133 = arith.maximumf %add3A_130, %max3A_132 : vector<16xf32>
        %swap3A_134 = arith.index_cast %scan3A_72 : i32 to index
        %swap3A_135 = arith.constant 48 : index
        %swap3A_136 = tpu.vector_load %arg9[%swap3A_134, %swap3A_135] {strides = array<i32>} : memref<80x128xf32, #tpu.memory_space<vmem>>, vector<1x16xf32>,
        %swap3A_137 = vector.shape_cast %swap3A_136 : vector<1x16xf32> to vector<16xf32>
        %swap3A_138 = vector.shape_cast %max3A_133 : vector<16xf32> to vector<1x16xf32>
        tpu.vector_store %arg9[%swap3A_134, %swap3A_135], %swap3A_138 {strides = array<i32>} : memref<80x128xf32, #tpu.memory_space<vmem>>, vector<1x16xf32>,
        %get3A_139 = arith.index_cast %scan3A_72 : i32 to index
        %get3A_140 = arith.constant 64 : index
        %get3A_141 = tpu.vector_load %arg9[%get3A_139, %get3A_140] {strides = array<i32>} : memref<80x128xf32, #tpu.memory_space<vmem>>, vector<1x16xf32>,
        %get3A_142 = vector.shape_cast %get3A_141 : vector<1x16xf32> to vector<16xf32>
        %get3A_143 = arith.index_cast %scan3A_72 : i32 to index
        %get3A_144 = arith.constant 64 : index
        %get3A_145 = tpu.vector_load %arg10[%get3A_143, %get3A_144] {strides = array<i32>} : memref<80x128xf32, #tpu.memory_space<vmem>>, vector<1x16xf32>,
        %get3A_146 = vector.shape_cast %get3A_145 : vector<1x16xf32> to vector<16xf32>
        %add3A_147 = arith.addf %get3A_142, %get3A_146 : vector<16xf32>
        %max3A_148 = arith.constant 0.000000e+00 : f32
        %max3A_149 = vector.broadcast %max3A_148 : f32 to vector<16xf32>
        %max3A_150 = arith.maximumf %add3A_147, %max3A_149 : vector<16xf32>
        %swap3A_151 = arith.index_cast %scan3A_72 : i32 to index
        %swap3A_152 = arith.constant 64 : index
        %swap3A_153 = tpu.vector_load %arg9[%swap3A_151, %swap3A_152] {strides = array<i32>} : memref<80x128xf32, #tpu.memory_space<vmem>>, vector<1x16xf32>,
        %swap3A_154 = vector.shape_cast %swap3A_153 : vector<1x16xf32> to vector<16xf32>
        %swap3A_155 = vector.shape_cast %max3A_150 : vector<16xf32> to vector<1x16xf32>
        tpu.vector_store %arg9[%swap3A_151, %swap3A_152], %swap3A_155 {strides = array<i32>} : memref<80x128xf32, #tpu.memory_space<vmem>>, vector<1x16xf32>,
        %get3A_156 = arith.index_cast %scan3A_72 : i32 to index
        %get3A_157 = arith.constant 80 : index
        %get3A_158 = tpu.vector_load %arg9[%get3A_156, %get3A_157] {strides = array<i32>} : memref<80x128xf32, #tpu.memory_space<vmem>>, vector<1x16xf32>,
        %get3A_159 = vector.shape_cast %get3A_158 : vector<1x16xf32> to vector<16xf32>
        %get3A_160 = arith.index_cast %scan3A_72 : i32 to index
        %get3A_161 = arith.constant 80 : index
        %get3A_162 = tpu.vector_load %arg10[%get3A_160, %get3A_161] {strides = array<i32>} : memref<80x128xf32, #tpu.memory_space<vmem>>, vector<1x16xf32>,
        %get3A_163 = vector.shape_cast %get3A_162 : vector<1x16xf32> to vector<16xf32>
        %add3A_164 = arith.addf %get3A_159, %get3A_163 : vector<16xf32>
        %max3A_165 = arith.constant 0.000000e+00 : f32
        %max3A_166 = vector.broadcast %max3A_165 : f32 to vector<16xf32>
        %max3A_167 = arith.maximumf %add3A_164, %max3A_166 : vector<16xf32>
        %swap3A_168 = arith.index_cast %scan3A_72 : i32 to index
        %swap3A_169 = arith.constant 80 : index
        %swap3A_170 = tpu.vector_load %arg9[%swap3A_168, %swap3A_169] {strides = array<i32>} : memref<80x128xf32, #tpu.memory_space<vmem>>, vector<1x16xf32>,
        %swap3A_171 = vector.shape_cast %swap3A_170 : vector<1x16xf32> to vector<16xf32>
        %swap3A_172 = vector.shape_cast %max3A_167 : vector<16xf32> to vector<1x16xf32>
        tpu.vector_store %arg9[%swap3A_168, %swap3A_169], %swap3A_172 {strides = array<i32>} : memref<80x128xf32, #tpu.memory_space<vmem>>, vector<1x16xf32>,
        %get3A_173 = arith.index_cast %scan3A_72 : i32 to index
        %get3A_174 = arith.constant 96 : index
        %get3A_175 = tpu.vector_load %arg9[%get3A_173, %get3A_174] {strides = array<i32>} : memref<80x128xf32, #tpu.memory_space<vmem>>, vector<1x16xf32>,
        %get3A_176 = vector.shape_cast %get3A_175 : vector<1x16xf32> to vector<16xf32>
        %get3A_177 = arith.index_cast %scan3A_72 : i32 to index
        %get3A_178 = arith.constant 96 : index
        %get3A_179 = tpu.vector_load %arg10[%get3A_177, %get3A_178] {strides = array<i32>} : memref<80x128xf32, #tpu.memory_space<vmem>>, vector<1x16xf32>,
        %get3A_180 = vector.shape_cast %get3A_179 : vector<1x16xf32> to vector<16xf32>
        %add3A_181 = arith.addf %get3A_176, %get3A_180 : vector<16xf32>
        %max3A_182 = arith.constant 0.000000e+00 : f32
        %max3A_183 = vector.broadcast %max3A_182 : f32 to vector<16xf32>
        %max3A_184 = arith.maximumf %add3A_181, %max3A_183 : vector<16xf32>
        %swap3A_185 = arith.index_cast %scan3A_72 : i32 to index
        %swap3A_186 = arith.constant 96 : index
        %swap3A_187 = tpu.vector_load %arg9[%swap3A_185, %swap3A_186] {strides = array<i32>} : memref<80x128xf32, #tpu.memory_space<vmem>>, vector<1x16xf32>,
        %swap3A_188 = vector.shape_cast %swap3A_187 : vector<1x16xf32> to vector<16xf32>
        %swap3A_189 = vector.shape_cast %max3A_184 : vector<16xf32> to vector<1x16xf32>
        tpu.vector_store %arg9[%swap3A_185, %swap3A_186], %swap3A_189 {strides = array<i32>} : memref<80x128xf32, #tpu.memory_space<vmem>>, vector<1x16xf32>,
        %get3A_190 = arith.index_cast %scan3A_72 : i32 to index
        %get3A_191 = arith.constant 112 : index
        %get3A_192 = tpu.vector_load %arg9[%get3A_190, %get3A_191] {strides = array<i32>} : memref<80x128xf32, #tpu.memory_space<vmem>>, vector<1x16xf32>,
        %get3A_193 = vector.shape_cast %get3A_192 : vector<1x16xf32> to vector<16xf32>
        %get3A_194 = arith.index_cast %scan3A_72 : i32 to index
        %get3A_195 = arith.constant 112 : index
        %get3A_196 = tpu.vector_load %arg10[%get3A_194, %get3A_195] {strides = array<i32>} : memref<80x128xf32, #tpu.memory_space<vmem>>, vector<1x16xf32>,
        %get3A_197 = vector.shape_cast %get3A_196 : vector<1x16xf32> to vector<16xf32>
        %add3A_198 = arith.addf %get3A_193, %get3A_197 : vector<16xf32>
        %max3A_199 = arith.constant 0.000000e+00 : f32
        %max3A_200 = vector.broadcast %max3A_199 : f32 to vector<16xf32>
        %max3A_201 = arith.maximumf %add3A_198, %max3A_200 : vector<16xf32>
        %swap3A_202 = arith.index_cast %scan3A_72 : i32 to index
        %swap3A_203 = arith.constant 112 : index
        %swap3A_204 = tpu.vector_load %arg9[%swap3A_202, %swap3A_203] {strides = array<i32>} : memref<80x128xf32, #tpu.memory_space<vmem>>, vector<1x16xf32>,
        %swap3A_205 = vector.shape_cast %swap3A_204 : vector<1x16xf32> to vector<16xf32>
        %swap3A_206 = vector.shape_cast %max3A_201 : vector<16xf32> to vector<1x16xf32>
        tpu.vector_store %arg9[%swap3A_202, %swap3A_203], %swap3A_206 {strides = array<i32>} : memref<80x128xf32, #tpu.memory_space<vmem>>, vector<1x16xf32>,
        %scan3A_207 = arith.constant 0 : i32
        scf.yield %scan3A_207 : i32
      }
      %scan3A_70 = arith.constant 80 : i32
      "tpu.region"() ({
        %run_scoped3A = tpu.sem_alloc : memref<!tpu.dma_semaphore, #tpu.memory_space<semaphore_mem>>
        %dma_start3A_72 = arith.constant 0 : i32
        %dma_start3A_73 = arith.constant 0 : i32
        %dma_start3A_74 = tpu.memref_slice %arg11[%dma_start3A_72, %dma_start3A_73] : memref<10000x128xf32, #tpu.memory_space<vmem_shared>> -> memref<10000x128xf32, #tpu.memory_space<vmem_shared>>
        tpu.enqueue_indirect_dma source(%arg9 : memref<80x128xf32, #tpu.memory_space<vmem>>) target(%dma_start3A_74 : memref<10000x128xf32, #tpu.memory_space<vmem_shared>>) offsets(%arg8 : memref<80xi32, #tpu.memory_space<vmem>>) semaphore(%run_scoped3A : memref<!tpu.dma_semaphore, #tpu.memory_space<semaphore_mem>>) {add = true}
        %dma_wait3A_75 = arith.constant 0 : i32
        %dma_wait3A_76 = arith.constant 0 : i32
        %dma_wait3A_77 = tpu.memref_slice %arg11[%dma_wait3A_75, %dma_wait3A_76] : memref<10000x128xf32, #tpu.memory_space<vmem_shared>> -> memref<10000x128xf32, #tpu.memory_space<vmem_shared>>
        tpu.wait_indirect_dma semaphore(%run_scoped3A : memref<!tpu.dma_semaphore, #tpu.memory_space<semaphore_mem>>) src(%arg9 : memref<80x128xf32, #tpu.memory_space<vmem>>) dst(%dma_wait3A_77 : memref<10000x128xf32, #tpu.memory_space<vmem_shared>>)
        tpu.yield
      }) : () -> ()
      %scan3A_71 = arith.constant 0 : i32
      scf.yield %scan3A_71 : i32
    }
    %scan3A_47 = arith.constant 125 : i32
    %barrier3A_48 = arith.constant 0 : index
    tpu.barrier barrier_id(%barrier3A_48)
    %lt3A = arith.constant 15 : i32
    %lt3A_49 = arith.cmpi slt, %arg1, %lt3A : i32
    %convert_element_type3A = arith.extui %lt3A_49 : i1 to i32
    %cond3A = arith.constant 0 : i32
    %cond3A_50 = arith.cmpi ne, %convert_element_type3A, %cond3A : i32
    scf.if %cond3A_50 {
      %mul3A_55 = arith.constant 624 : i32
      %mul3A_56 = arith.muli %arg1, %mul3A_55 : i32
      %mul3A_57 = arith.constant 10000 : i32
      %mul3A_58 = arith.muli %arg0, %mul3A_57 : i32
      %mul3A_59 = arith.constant 624 : i32
      %mul3A_60 = arith.muli %arg1, %mul3A_59 : i32
      %add3A_61 = arith.addi %mul3A_58, %mul3A_60 : i32
      "tpu.region"() ({
        %run_scoped3A = tpu.sem_alloc : memref<!tpu.dma_semaphore, #tpu.memory_space<semaphore_mem>>
        %dma_start3A = arith.constant 0 : i32
        %dma_start3A_62 = tpu.memref_slice %arg6[%add3A_61, %dma_start3A] : memref<20000x128xf32, #tpu.memory_space<hbm>> -> memref<624x128xf32, #tpu.memory_space<hbm>>
        %dma_start3A_63 = arith.constant 0 : i32
        %dma_start3A_64 = tpu.memref_slice %arg11[%mul3A_56, %dma_start3A_63] : memref<10000x128xf32, #tpu.memory_space<vmem_shared>> -> memref<624x128xf32, #tpu.memory_space<vmem_shared>>
        tpu.enqueue_dma source(%dma_start3A_64 : memref<624x128xf32, #tpu.memory_space<vmem_shared>>) target(%dma_start3A_62 : memref<624x128xf32, #tpu.memory_space<hbm>>) target_semaphore(%run_scoped3A : memref<!tpu.dma_semaphore, #tpu.memory_space<semaphore_mem>>)
        %dma_wait3A = arith.constant 0 : i32
        %dma_wait3A_65 = tpu.memref_slice %arg6[%add3A_61, %dma_wait3A] : memref<20000x128xf32, #tpu.memory_space<hbm>> -> memref<624x128xf32, #tpu.memory_space<hbm>>
        %dma_wait3A_66 = arith.constant 0 : i32
        %dma_wait3A_67 = tpu.memref_slice %arg11[%mul3A_56, %dma_wait3A_66] : memref<10000x128xf32, #tpu.memory_space<vmem_shared>> -> memref<624x128xf32, #tpu.memory_space<vmem_shared>>
        tpu.wait_dma2 semaphore(%run_scoped3A : memref<!tpu.dma_semaphore, #tpu.memory_space<semaphore_mem>>) src(%dma_wait3A_67 : memref<624x128xf32, #tpu.memory_space<vmem_shared>>) dst(%dma_wait3A_65 : memref<624x128xf32, #tpu.memory_space<hbm>>)
        tpu.yield
      }) : () -> ()
    } else {
    }
    %eq3A = arith.constant 15 : i32
    %eq3A_51 = arith.cmpi eq, %arg1, %eq3A : i32
    %convert_element_type3A_52 = arith.extui %eq3A_51 : i1 to i32
    %cond3A_53 = arith.constant 0 : i32
    %cond3A_54 = arith.cmpi ne, %convert_element_type3A_52, %cond3A_53 : i32
    scf.if %cond3A_54 {
      %mul3A_55 = arith.constant 10000 : i32
      %mul3A_56 = arith.muli %arg0, %mul3A_55 : i32
      %add3A_57 = arith.constant 9360 : i32
      %add3A_58 = arith.addi %mul3A_56, %add3A_57 : i32
      "tpu.region"() ({
        %run_scoped3A = tpu.sem_alloc : memref<!tpu.dma_semaphore, #tpu.memory_space<semaphore_mem>>
        %dma_start3A = arith.constant 0 : i32
        %dma_start3A_59 = tpu.memref_slice %arg6[%add3A_58, %dma_start3A] : memref<20000x128xf32, #tpu.memory_space<hbm>> -> memref<640x128xf32, #tpu.memory_space<hbm>>
        %dma_start3A_60 = arith.constant 9360 : i32
        %dma_start3A_61 = arith.constant 0 : i32
        %dma_start3A_62 = tpu.memref_slice %arg11[%dma_start3A_60, %dma_start3A_61] : memref<10000x128xf32, #tpu.memory_space<vmem_shared>> -> memref<640x128xf32, #tpu.memory_space<vmem_shared>>
        tpu.enqueue_dma source(%dma_start3A_62 : memref<640x128xf32, #tpu.memory_space<vmem_shared>>) target(%dma_start3A_59 : memref<640x128xf32, #tpu.memory_space<hbm>>) target_semaphore(%run_scoped3A : memref<!tpu.dma_semaphore, #tpu.memory_space<semaphore_mem>>)
        %dma_wait3A = arith.constant 0 : i32
        %dma_wait3A_63 = tpu.memref_slice %arg6[%add3A_58, %dma_wait3A] : memref<20000x128xf32, #tpu.memory_space<hbm>> -> memref<640x128xf32, #tpu.memory_space<hbm>>
        %dma_wait3A_64 = arith.constant 9360 : i32
        %dma_wait3A_65 = arith.constant 0 : i32
        %dma_wait3A_66 = tpu.memref_slice %arg11[%dma_wait3A_64, %dma_wait3A_65] : memref<10000x128xf32, #tpu.memory_space<vmem_shared>> -> memref<640x128xf32, #tpu.memory_space<vmem_shared>>
        tpu.wait_dma2 semaphore(%run_scoped3A : memref<!tpu.dma_semaphore, #tpu.memory_space<semaphore_mem>>) src(%dma_wait3A_66 : memref<640x128xf32, #tpu.memory_space<vmem_shared>>) dst(%dma_wait3A_63 : memref<640x128xf32, #tpu.memory_space<hbm>>)
        tpu.yield
      }) : () -> ()
    } else {
    }
    return
  }
}

#map = affine_map<(d0, d1) -> (0, 0)>
#map1 = affine_map<(d0, d1) -> (0)>
module attributes {stable_mosaic.version = 14 : i64} {
  func.func @k(%arg0: i32, %arg1: i32, %arg2: memref<10000x128xf32, #tpu.memory_space<hbm>>, %arg3: memref<512xi32, #tpu.memory_space<hbm>>, %arg4: memref<512xi32, #tpu.memory_space<hbm>>, %arg5: memref<10240xi32, #tpu.memory_space<hbm>>, %arg6: memref<10240xi32, #tpu.memory_space<hbm>>, %arg7: memref<512x128xf32, #tpu.memory_space<hbm>>, %arg8: memref<512x128xf32, #tpu.memory_space<hbm>>, %arg9: memref<1024x128xf32, #tpu.memory_space<hbm>>, %arg10: memref<16xi32, #tpu.memory_space<vmem>>, %arg11: memref<16x128xf32, #tpu.memory_space<vmem>>, %arg12: memref<64xi32, #tpu.memory_space<vmem>>, %arg13: memref<64xi32, #tpu.memory_space<vmem>>, %arg14: memref<64x128xf32, #tpu.memory_space<vmem>>, %arg15: memref<640x128xf32, #tpu.memory_space<vmem_shared>>, %arg16: memref<!tpu.dma_semaphore, #tpu.memory_space<semaphore_mem>>) attributes {dimension_semantics = [#tpu.dimension_semantics<core_parallel>, #tpu.dimension_semantics<subcore_parallel>], iteration_bounds = array<i64: 2, 16>, scalar_prefetch = 0 : i64, scratch_operands = 7 : i64, tpu.core_type = #tpu.core_type<sc_vector_subcore>, window_params = [{transform_indices = #map}, {transform_indices = #map1}, {transform_indices = #map1}, {transform_indices = #map1}, {transform_indices = #map1}, {transform_indices = #map}, {transform_indices = #map}, {transform_indices = #map}]} {
    %mul3A = arith.constant 16 : i32
    %mul3A_0 = arith.muli %arg0, %mul3A : i32
    %add3A = arith.addi %mul3A_0, %arg1 : i32
    %scan3A = arith.constant 0 : i32
    %scan3A_1 = arith.constant 0 : i32
    %scan3A_2 = arith.constant 64 : i32
    %scan3A_3 = arith.addi %scan3A_1, %scan3A_2 : i32
    %scan3A_4 = arith.constant 1 : i32
    %scan3A_5 = scf.for %scan3A_38 = %scan3A_1 to %scan3A_3 step %scan3A_4 iter_args(%scan3A_39 = %scan3A) -> (i32)  : i32 {
      %broadcast_in_dim3A = arith.constant 0.000000e+00 : f32
      %broadcast_in_dim3A_40 = vector.broadcast %broadcast_in_dim3A : f32 to vector<16xf32>
      %swap3A = arith.index_cast %scan3A_38 : i32 to index
      %swap3A_41 = arith.constant 0 : index
      %swap3A_42 = tpu.vector_load %arg14[%swap3A, %swap3A_41] {strides = array<i32>} : memref<64x128xf32, #tpu.memory_space<vmem>>, vector<1x16xf32>,
      %swap3A_43 = vector.shape_cast %swap3A_42 : vector<1x16xf32> to vector<16xf32>
      %swap3A_44 = vector.shape_cast %broadcast_in_dim3A_40 : vector<16xf32> to vector<1x16xf32>
      tpu.vector_store %arg14[%swap3A, %swap3A_41], %swap3A_44 {strides = array<i32>} : memref<64x128xf32, #tpu.memory_space<vmem>>, vector<1x16xf32>,
      %broadcast_in_dim3A_45 = arith.constant 0.000000e+00 : f32
      %broadcast_in_dim3A_46 = vector.broadcast %broadcast_in_dim3A_45 : f32 to vector<16xf32>
      %swap3A_47 = arith.index_cast %scan3A_38 : i32 to index
      %swap3A_48 = arith.constant 16 : index
      %swap3A_49 = tpu.vector_load %arg14[%swap3A_47, %swap3A_48] {strides = array<i32>} : memref<64x128xf32, #tpu.memory_space<vmem>>, vector<1x16xf32>,
      %swap3A_50 = vector.shape_cast %swap3A_49 : vector<1x16xf32> to vector<16xf32>
      %swap3A_51 = vector.shape_cast %broadcast_in_dim3A_46 : vector<16xf32> to vector<1x16xf32>
      tpu.vector_store %arg14[%swap3A_47, %swap3A_48], %swap3A_51 {strides = array<i32>} : memref<64x128xf32, #tpu.memory_space<vmem>>, vector<1x16xf32>,
      %broadcast_in_dim3A_52 = arith.constant 0.000000e+00 : f32
      %broadcast_in_dim3A_53 = vector.broadcast %broadcast_in_dim3A_52 : f32 to vector<16xf32>
      %swap3A_54 = arith.index_cast %scan3A_38 : i32 to index
      %swap3A_55 = arith.constant 32 : index
      %swap3A_56 = tpu.vector_load %arg14[%swap3A_54, %swap3A_55] {strides = array<i32>} : memref<64x128xf32, #tpu.memory_space<vmem>>, vector<1x16xf32>,
      %swap3A_57 = vector.shape_cast %swap3A_56 : vector<1x16xf32> to vector<16xf32>
      %swap3A_58 = vector.shape_cast %broadcast_in_dim3A_53 : vector<16xf32> to vector<1x16xf32>
      tpu.vector_store %arg14[%swap3A_54, %swap3A_55], %swap3A_58 {strides = array<i32>} : memref<64x128xf32, #tpu.memory_space<vmem>>, vector<1x16xf32>,
      %broadcast_in_dim3A_59 = arith.constant 0.000000e+00 : f32
      %broadcast_in_dim3A_60 = vector.broadcast %broadcast_in_dim3A_59 : f32 to vector<16xf32>
      %swap3A_61 = arith.index_cast %scan3A_38 : i32 to index
      %swap3A_62 = arith.constant 48 : index
      %swap3A_63 = tpu.vector_load %arg14[%swap3A_61, %swap3A_62] {strides = array<i32>} : memref<64x128xf32, #tpu.memory_space<vmem>>, vector<1x16xf32>,
      %swap3A_64 = vector.shape_cast %swap3A_63 : vector<1x16xf32> to vector<16xf32>
      %swap3A_65 = vector.shape_cast %broadcast_in_dim3A_60 : vector<16xf32> to vector<1x16xf32>
      tpu.vector_store %arg14[%swap3A_61, %swap3A_62], %swap3A_65 {strides = array<i32>} : memref<64x128xf32, #tpu.memory_space<vmem>>, vector<1x16xf32>,
      %broadcast_in_dim3A_66 = arith.constant 0.000000e+00 : f32
      %broadcast_in_dim3A_67 = vector.broadcast %broadcast_in_dim3A_66 : f32 to vector<16xf32>
      %swap3A_68 = arith.index_cast %scan3A_38 : i32 to index
      %swap3A_69 = arith.constant 64 : index
      %swap3A_70 = tpu.vector_load %arg14[%swap3A_68, %swap3A_69] {strides = array<i32>} : memref<64x128xf32, #tpu.memory_space<vmem>>, vector<1x16xf32>,
      %swap3A_71 = vector.shape_cast %swap3A_70 : vector<1x16xf32> to vector<16xf32>
      %swap3A_72 = vector.shape_cast %broadcast_in_dim3A_67 : vector<16xf32> to vector<1x16xf32>
      tpu.vector_store %arg14[%swap3A_68, %swap3A_69], %swap3A_72 {strides = array<i32>} : memref<64x128xf32, #tpu.memory_space<vmem>>, vector<1x16xf32>,
      %broadcast_in_dim3A_73 = arith.constant 0.000000e+00 : f32
      %broadcast_in_dim3A_74 = vector.broadcast %broadcast_in_dim3A_73 : f32 to vector<16xf32>
      %swap3A_75 = arith.index_cast %scan3A_38 : i32 to index
      %swap3A_76 = arith.constant 80 : index
      %swap3A_77 = tpu.vector_load %arg14[%swap3A_75, %swap3A_76] {strides = array<i32>} : memref<64x128xf32, #tpu.memory_space<vmem>>, vector<1x16xf32>,
      %swap3A_78 = vector.shape_cast %swap3A_77 : vector<1x16xf32> to vector<16xf32>
      %swap3A_79 = vector.shape_cast %broadcast_in_dim3A_74 : vector<16xf32> to vector<1x16xf32>
      tpu.vector_store %arg14[%swap3A_75, %swap3A_76], %swap3A_79 {strides = array<i32>} : memref<64x128xf32, #tpu.memory_space<vmem>>, vector<1x16xf32>,
      %broadcast_in_dim3A_80 = arith.constant 0.000000e+00 : f32
      %broadcast_in_dim3A_81 = vector.broadcast %broadcast_in_dim3A_80 : f32 to vector<16xf32>
      %swap3A_82 = arith.index_cast %scan3A_38 : i32 to index
      %swap3A_83 = arith.constant 96 : index
      %swap3A_84 = tpu.vector_load %arg14[%swap3A_82, %swap3A_83] {strides = array<i32>} : memref<64x128xf32, #tpu.memory_space<vmem>>, vector<1x16xf32>,
      %swap3A_85 = vector.shape_cast %swap3A_84 : vector<1x16xf32> to vector<16xf32>
      %swap3A_86 = vector.shape_cast %broadcast_in_dim3A_81 : vector<16xf32> to vector<1x16xf32>
      tpu.vector_store %arg14[%swap3A_82, %swap3A_83], %swap3A_86 {strides = array<i32>} : memref<64x128xf32, #tpu.memory_space<vmem>>, vector<1x16xf32>,
      %broadcast_in_dim3A_87 = arith.constant 0.000000e+00 : f32
      %broadcast_in_dim3A_88 = vector.broadcast %broadcast_in_dim3A_87 : f32 to vector<16xf32>
      %swap3A_89 = arith.index_cast %scan3A_38 : i32 to index
      %swap3A_90 = arith.constant 112 : index
      %swap3A_91 = tpu.vector_load %arg14[%swap3A_89, %swap3A_90] {strides = array<i32>} : memref<64x128xf32, #tpu.memory_space<vmem>>, vector<1x16xf32>,
      %swap3A_92 = vector.shape_cast %swap3A_91 : vector<1x16xf32> to vector<16xf32>
      %swap3A_93 = vector.shape_cast %broadcast_in_dim3A_88 : vector<16xf32> to vector<1x16xf32>
      tpu.vector_store %arg14[%swap3A_89, %swap3A_90], %swap3A_93 {strides = array<i32>} : memref<64x128xf32, #tpu.memory_space<vmem>>, vector<1x16xf32>,
      %scan3A_94 = arith.constant 0 : i32
      scf.yield %scan3A_94 : i32
    }
    %scan3A_6 = arith.constant 64 : i32
    %mul3A_7 = arith.constant 40 : i32
    %mul3A_8 = arith.muli %arg1, %mul3A_7 : i32
    "tpu.region"() ({
      %run_scoped3A = tpu.sem_alloc : memref<!tpu.dma_semaphore, #tpu.memory_space<semaphore_mem>>
      %dma_start3A_38 = arith.constant 0 : i32
      %dma_start3A_39 = arith.constant 0 : i32
      %dma_start3A_40 = tpu.memref_slice %arg14[%dma_start3A_38, %dma_start3A_39] : memref<64x128xf32, #tpu.memory_space<vmem>> -> memref<40x128xf32, #tpu.memory_space<vmem>>
      %dma_start3A_41 = arith.constant 0 : i32
      %dma_start3A_42 = tpu.memref_slice %arg15[%mul3A_8, %dma_start3A_41] : memref<640x128xf32, #tpu.memory_space<vmem_shared>> -> memref<40x128xf32, #tpu.memory_space<vmem_shared>>
      %dma_start3A_43 = arith.constant 0 : i32
      %dma_start3A_44 = tpu.memref_slice %arg15[%mul3A_8, %dma_start3A_43] : memref<640x128xf32, #tpu.memory_space<vmem_shared>> -> memref<40x128xf32, #tpu.memory_space<vmem_shared>>
      %dma_start3A_45 = arith.constant 0 : i32
      %dma_start3A_46 = arith.constant 0 : i32
      %dma_start3A_47 = tpu.memref_slice %arg14[%dma_start3A_45, %dma_start3A_46] : memref<64x128xf32, #tpu.memory_space<vmem>> -> memref<40x128xf32, #tpu.memory_space<vmem>>
      tpu.enqueue_dma source(%dma_start3A_47 : memref<40x128xf32, #tpu.memory_space<vmem>>) target(%dma_start3A_44 : memref<40x128xf32, #tpu.memory_space<vmem_shared>>) target_semaphore(%run_scoped3A : memref<!tpu.dma_semaphore, #tpu.memory_space<semaphore_mem>>)
      %dma_wait3A_48 = arith.constant 0 : i32
      %dma_wait3A_49 = arith.constant 0 : i32
      %dma_wait3A_50 = tpu.memref_slice %arg14[%dma_wait3A_48, %dma_wait3A_49] : memref<64x128xf32, #tpu.memory_space<vmem>> -> memref<40x128xf32, #tpu.memory_space<vmem>>
      %dma_wait3A_51 = arith.constant 0 : i32
      %dma_wait3A_52 = tpu.memref_slice %arg15[%mul3A_8, %dma_wait3A_51] : memref<640x128xf32, #tpu.memory_space<vmem_shared>> -> memref<40x128xf32, #tpu.memory_space<vmem_shared>>
      %dma_wait3A_53 = arith.constant 0 : i32
      %dma_wait3A_54 = tpu.memref_slice %arg15[%mul3A_8, %dma_wait3A_53] : memref<640x128xf32, #tpu.memory_space<vmem_shared>> -> memref<40x128xf32, #tpu.memory_space<vmem_shared>>
      %dma_wait3A_55 = arith.constant 0 : i32
      %dma_wait3A_56 = arith.constant 0 : i32
      %dma_wait3A_57 = tpu.memref_slice %arg14[%dma_wait3A_55, %dma_wait3A_56] : memref<64x128xf32, #tpu.memory_space<vmem>> -> memref<40x128xf32, #tpu.memory_space<vmem>>
      tpu.wait_dma2 semaphore(%run_scoped3A : memref<!tpu.dma_semaphore, #tpu.memory_space<semaphore_mem>>) src(%dma_wait3A_57 : memref<40x128xf32, #tpu.memory_space<vmem>>) dst(%dma_wait3A_54 : memref<40x128xf32, #tpu.memory_space<vmem_shared>>)
      tpu.yield
    }) : () -> ()
    %barrier3A = arith.constant 0 : index
    tpu.barrier barrier_id(%barrier3A)
    %mul3A_9 = arith.constant 16 : i32
    %mul3A_10 = arith.muli %add3A, %mul3A_9 : i32
    "tpu.region"() ({
      %run_scoped3A = tpu.sem_alloc : memref<!tpu.dma_semaphore, #tpu.memory_space<semaphore_mem>>
      %dma_start3A_38 = tpu.memref_slice %arg3[%mul3A_10] : memref<512xi32, #tpu.memory_space<hbm>> -> memref<16xi32, #tpu.memory_space<hbm>>
      %dma_start3A_39 = tpu.memref_slice %arg3[%mul3A_10] : memref<512xi32, #tpu.memory_space<hbm>> -> memref<16xi32, #tpu.memory_space<hbm>>
      tpu.enqueue_dma source(%dma_start3A_39 : memref<16xi32, #tpu.memory_space<hbm>>) target(%arg10 : memref<16xi32, #tpu.memory_space<vmem>>) target_semaphore(%run_scoped3A : memref<!tpu.dma_semaphore, #tpu.memory_space<semaphore_mem>>)
      %dma_wait3A_40 = tpu.memref_slice %arg3[%mul3A_10] : memref<512xi32, #tpu.memory_space<hbm>> -> memref<16xi32, #tpu.memory_space<hbm>>
      %dma_wait3A_41 = tpu.memref_slice %arg3[%mul3A_10] : memref<512xi32, #tpu.memory_space<hbm>> -> memref<16xi32, #tpu.memory_space<hbm>>
      tpu.wait_dma2 semaphore(%run_scoped3A : memref<!tpu.dma_semaphore, #tpu.memory_space<semaphore_mem>>) src(%dma_wait3A_41 : memref<16xi32, #tpu.memory_space<hbm>>) dst(%arg10 : memref<16xi32, #tpu.memory_space<vmem>>)
      tpu.yield
    }) : () -> ()
    %dma_start3A = arith.constant 0 : i32
    %dma_start3A_11 = arith.constant 0 : i32
    %dma_start3A_12 = tpu.memref_slice %arg2[%dma_start3A, %dma_start3A_11] : memref<10000x128xf32, #tpu.memory_space<hbm>> -> memref<10000x128xf32, #tpu.memory_space<hbm>>
    tpu.enqueue_indirect_dma source(%dma_start3A_12 : memref<10000x128xf32, #tpu.memory_space<hbm>>) target(%arg11 : memref<16x128xf32, #tpu.memory_space<vmem>>) offsets(%arg10 : memref<16xi32, #tpu.memory_space<vmem>>) semaphore(%arg16 : memref<!tpu.dma_semaphore, #tpu.memory_space<semaphore_mem>>)
    %dma_wait3A = arith.constant 0 : i32
    %dma_wait3A_13 = arith.constant 0 : i32
    %dma_wait3A_14 = tpu.memref_slice %arg2[%dma_wait3A, %dma_wait3A_13] : memref<10000x128xf32, #tpu.memory_space<hbm>> -> memref<10000x128xf32, #tpu.memory_space<hbm>>
    tpu.wait_indirect_dma semaphore(%arg16 : memref<!tpu.dma_semaphore, #tpu.memory_space<semaphore_mem>>) src(%dma_wait3A_14 : memref<10000x128xf32, #tpu.memory_space<hbm>>) dst(%arg11 : memref<16x128xf32, #tpu.memory_space<vmem>>)
    "tpu.region"() ({
      %run_scoped3A = tpu.sem_alloc : memref<!tpu.dma_semaphore, #tpu.memory_space<semaphore_mem>>
      %dma_start3A_38 = arith.constant 0 : i32
      %dma_start3A_39 = tpu.memref_slice %arg7[%mul3A_10, %dma_start3A_38] : memref<512x128xf32, #tpu.memory_space<hbm>> -> memref<16x128xf32, #tpu.memory_space<hbm>>
      %dma_start3A_40 = arith.constant 0 : i32
      %dma_start3A_41 = tpu.memref_slice %arg7[%mul3A_10, %dma_start3A_40] : memref<512x128xf32, #tpu.memory_space<hbm>> -> memref<16x128xf32, #tpu.memory_space<hbm>>
      tpu.enqueue_dma source(%arg11 : memref<16x128xf32, #tpu.memory_space<vmem>>) target(%dma_start3A_41 : memref<16x128xf32, #tpu.memory_space<hbm>>) target_semaphore(%run_scoped3A : memref<!tpu.dma_semaphore, #tpu.memory_space<semaphore_mem>>)
      %dma_wait3A_42 = arith.constant 0 : i32
      %dma_wait3A_43 = tpu.memref_slice %arg7[%mul3A_10, %dma_wait3A_42] : memref<512x128xf32, #tpu.memory_space<hbm>> -> memref<16x128xf32, #tpu.memory_space<hbm>>
      %dma_wait3A_44 = arith.constant 0 : i32
      %dma_wait3A_45 = tpu.memref_slice %arg7[%mul3A_10, %dma_wait3A_44] : memref<512x128xf32, #tpu.memory_space<hbm>> -> memref<16x128xf32, #tpu.memory_space<hbm>>
      tpu.wait_dma2 semaphore(%run_scoped3A : memref<!tpu.dma_semaphore, #tpu.memory_space<semaphore_mem>>) src(%arg11 : memref<16x128xf32, #tpu.memory_space<vmem>>) dst(%dma_wait3A_45 : memref<16x128xf32, #tpu.memory_space<hbm>>)
      tpu.yield
    }) : () -> ()
    "tpu.region"() ({
      %run_scoped3A = tpu.sem_alloc : memref<!tpu.dma_semaphore, #tpu.memory_space<semaphore_mem>>
      %dma_start3A_38 = tpu.memref_slice %arg4[%mul3A_10] : memref<512xi32, #tpu.memory_space<hbm>> -> memref<16xi32, #tpu.memory_space<hbm>>
      %dma_start3A_39 = tpu.memref_slice %arg4[%mul3A_10] : memref<512xi32, #tpu.memory_space<hbm>> -> memref<16xi32, #tpu.memory_space<hbm>>
      tpu.enqueue_dma source(%dma_start3A_39 : memref<16xi32, #tpu.memory_space<hbm>>) target(%arg10 : memref<16xi32, #tpu.memory_space<vmem>>) target_semaphore(%run_scoped3A : memref<!tpu.dma_semaphore, #tpu.memory_space<semaphore_mem>>)
      %dma_wait3A_40 = tpu.memref_slice %arg4[%mul3A_10] : memref<512xi32, #tpu.memory_space<hbm>> -> memref<16xi32, #tpu.memory_space<hbm>>
      %dma_wait3A_41 = tpu.memref_slice %arg4[%mul3A_10] : memref<512xi32, #tpu.memory_space<hbm>> -> memref<16xi32, #tpu.memory_space<hbm>>
      tpu.wait_dma2 semaphore(%run_scoped3A : memref<!tpu.dma_semaphore, #tpu.memory_space<semaphore_mem>>) src(%dma_wait3A_41 : memref<16xi32, #tpu.memory_space<hbm>>) dst(%arg10 : memref<16xi32, #tpu.memory_space<vmem>>)
      tpu.yield
    }) : () -> ()
    %dma_start3A_15 = arith.constant 0 : i32
    %dma_start3A_16 = arith.constant 0 : i32
    %dma_start3A_17 = tpu.memref_slice %arg2[%dma_start3A_15, %dma_start3A_16] : memref<10000x128xf32, #tpu.memory_space<hbm>> -> memref<10000x128xf32, #tpu.memory_space<hbm>>
    tpu.enqueue_indirect_dma source(%dma_start3A_17 : memref<10000x128xf32, #tpu.memory_space<hbm>>) target(%arg11 : memref<16x128xf32, #tpu.memory_space<vmem>>) offsets(%arg10 : memref<16xi32, #tpu.memory_space<vmem>>) semaphore(%arg16 : memref<!tpu.dma_semaphore, #tpu.memory_space<semaphore_mem>>)
    %dma_wait3A_18 = arith.constant 0 : i32
    %dma_wait3A_19 = arith.constant 0 : i32
    %dma_wait3A_20 = tpu.memref_slice %arg2[%dma_wait3A_18, %dma_wait3A_19] : memref<10000x128xf32, #tpu.memory_space<hbm>> -> memref<10000x128xf32, #tpu.memory_space<hbm>>
    tpu.wait_indirect_dma semaphore(%arg16 : memref<!tpu.dma_semaphore, #tpu.memory_space<semaphore_mem>>) src(%dma_wait3A_20 : memref<10000x128xf32, #tpu.memory_space<hbm>>) dst(%arg11 : memref<16x128xf32, #tpu.memory_space<vmem>>)
    "tpu.region"() ({
      %run_scoped3A = tpu.sem_alloc : memref<!tpu.dma_semaphore, #tpu.memory_space<semaphore_mem>>
      %dma_start3A_38 = arith.constant 0 : i32
      %dma_start3A_39 = tpu.memref_slice %arg8[%mul3A_10, %dma_start3A_38] : memref<512x128xf32, #tpu.memory_space<hbm>> -> memref<16x128xf32, #tpu.memory_space<hbm>>
      %dma_start3A_40 = arith.constant 0 : i32
      %dma_start3A_41 = tpu.memref_slice %arg8[%mul3A_10, %dma_start3A_40] : memref<512x128xf32, #tpu.memory_space<hbm>> -> memref<16x128xf32, #tpu.memory_space<hbm>>
      tpu.enqueue_dma source(%arg11 : memref<16x128xf32, #tpu.memory_space<vmem>>) target(%dma_start3A_41 : memref<16x128xf32, #tpu.memory_space<hbm>>) target_semaphore(%run_scoped3A : memref<!tpu.dma_semaphore, #tpu.memory_space<semaphore_mem>>)
      %dma_wait3A_42 = arith.constant 0 : i32
      %dma_wait3A_43 = tpu.memref_slice %arg8[%mul3A_10, %dma_wait3A_42] : memref<512x128xf32, #tpu.memory_space<hbm>> -> memref<16x128xf32, #tpu.memory_space<hbm>>
      %dma_wait3A_44 = arith.constant 0 : i32
      %dma_wait3A_45 = tpu.memref_slice %arg8[%mul3A_10, %dma_wait3A_44] : memref<512x128xf32, #tpu.memory_space<hbm>> -> memref<16x128xf32, #tpu.memory_space<hbm>>
      tpu.wait_dma2 semaphore(%run_scoped3A : memref<!tpu.dma_semaphore, #tpu.memory_space<semaphore_mem>>) src(%arg11 : memref<16x128xf32, #tpu.memory_space<vmem>>) dst(%dma_wait3A_45 : memref<16x128xf32, #tpu.memory_space<hbm>>)
      tpu.yield
    }) : () -> ()
    %mul3A_21 = arith.constant 320 : i32
    %mul3A_22 = arith.muli %add3A, %mul3A_21 : i32
    %scan3A_23 = arith.constant 0 : i32
    %scan3A_24 = arith.constant 0 : i32
    %scan3A_25 = arith.constant 5 : i32
    %scan3A_26 = arith.addi %scan3A_24, %scan3A_25 : i32
    %scan3A_27 = arith.constant 1 : i32
    %scan3A_28 = scf.for %scan3A_38 = %scan3A_24 to %scan3A_26 step %scan3A_27 iter_args(%scan3A_39 = %scan3A_23) -> (i32)  : i32 {
      %mul3A_40 = arith.constant 64 : i32
      %mul3A_41 = arith.muli %scan3A_38, %mul3A_40 : i32
      %add3A_42 = arith.addi %mul3A_22, %mul3A_41 : i32
      "tpu.region"() ({
        %run_scoped3A = tpu.sem_alloc : memref<!tpu.dma_semaphore, #tpu.memory_space<semaphore_mem>>
        %dma_start3A_50 = tpu.memref_slice %arg5[%add3A_42] : memref<10240xi32, #tpu.memory_space<hbm>> -> memref<64xi32, #tpu.memory_space<hbm>>
        %dma_start3A_51 = tpu.memref_slice %arg5[%add3A_42] : memref<10240xi32, #tpu.memory_space<hbm>> -> memref<64xi32, #tpu.memory_space<hbm>>
        tpu.enqueue_dma source(%dma_start3A_51 : memref<64xi32, #tpu.memory_space<hbm>>) target(%arg12 : memref<64xi32, #tpu.memory_space<vmem>>) target_semaphore(%run_scoped3A : memref<!tpu.dma_semaphore, #tpu.memory_space<semaphore_mem>>)
        %dma_wait3A_52 = tpu.memref_slice %arg5[%add3A_42] : memref<10240xi32, #tpu.memory_space<hbm>> -> memref<64xi32, #tpu.memory_space<hbm>>
        %dma_wait3A_53 = tpu.memref_slice %arg5[%add3A_42] : memref<10240xi32, #tpu.memory_space<hbm>> -> memref<64xi32, #tpu.memory_space<hbm>>
        tpu.wait_dma2 semaphore(%run_scoped3A : memref<!tpu.dma_semaphore, #tpu.memory_space<semaphore_mem>>) src(%dma_wait3A_53 : memref<64xi32, #tpu.memory_space<hbm>>) dst(%arg12 : memref<64xi32, #tpu.memory_space<vmem>>)
        tpu.yield
      }) : () -> ()
      %dma_start3A_43 = arith.constant 0 : i32
      %dma_start3A_44 = arith.constant 0 : i32
      %dma_start3A_45 = tpu.memref_slice %arg2[%dma_start3A_43, %dma_start3A_44] : memref<10000x128xf32, #tpu.memory_space<hbm>> -> memref<10000x128xf32, #tpu.memory_space<hbm>>
      tpu.enqueue_indirect_dma source(%dma_start3A_45 : memref<10000x128xf32, #tpu.memory_space<hbm>>) target(%arg14 : memref<64x128xf32, #tpu.memory_space<vmem>>) offsets(%arg12 : memref<64xi32, #tpu.memory_space<vmem>>) semaphore(%arg16 : memref<!tpu.dma_semaphore, #tpu.memory_space<semaphore_mem>>)
      %dma_wait3A_46 = arith.constant 0 : i32
      %dma_wait3A_47 = arith.constant 0 : i32
      %dma_wait3A_48 = tpu.memref_slice %arg2[%dma_wait3A_46, %dma_wait3A_47] : memref<10000x128xf32, #tpu.memory_space<hbm>> -> memref<10000x128xf32, #tpu.memory_space<hbm>>
      tpu.wait_indirect_dma semaphore(%arg16 : memref<!tpu.dma_semaphore, #tpu.memory_space<semaphore_mem>>) src(%dma_wait3A_48 : memref<10000x128xf32, #tpu.memory_space<hbm>>) dst(%arg14 : memref<64x128xf32, #tpu.memory_space<vmem>>)
      "tpu.region"() ({
        %run_scoped3A = tpu.sem_alloc : memref<!tpu.dma_semaphore, #tpu.memory_space<semaphore_mem>>
        %dma_start3A_50 = tpu.memref_slice %arg6[%add3A_42] : memref<10240xi32, #tpu.memory_space<hbm>> -> memref<64xi32, #tpu.memory_space<hbm>>
        %dma_start3A_51 = tpu.memref_slice %arg6[%add3A_42] : memref<10240xi32, #tpu.memory_space<hbm>> -> memref<64xi32, #tpu.memory_space<hbm>>
        tpu.enqueue_dma source(%dma_start3A_51 : memref<64xi32, #tpu.memory_space<hbm>>) target(%arg13 : memref<64xi32, #tpu.memory_space<vmem>>) target_semaphore(%run_scoped3A : memref<!tpu.dma_semaphore, #tpu.memory_space<semaphore_mem>>)
        %dma_wait3A_52 = tpu.memref_slice %arg6[%add3A_42] : memref<10240xi32, #tpu.memory_space<hbm>> -> memref<64xi32, #tpu.memory_space<hbm>>
        %dma_wait3A_53 = tpu.memref_slice %arg6[%add3A_42] : memref<10240xi32, #tpu.memory_space<hbm>> -> memref<64xi32, #tpu.memory_space<hbm>>
        tpu.wait_dma2 semaphore(%run_scoped3A : memref<!tpu.dma_semaphore, #tpu.memory_space<semaphore_mem>>) src(%dma_wait3A_53 : memref<64xi32, #tpu.memory_space<hbm>>) dst(%arg13 : memref<64xi32, #tpu.memory_space<vmem>>)
        tpu.yield
      }) : () -> ()
      "tpu.region"() ({
        %run_scoped3A = tpu.sem_alloc : memref<!tpu.dma_semaphore, #tpu.memory_space<semaphore_mem>>
        %dma_start3A_50 = arith.constant 0 : i32
        %dma_start3A_51 = arith.constant 0 : i32
        %dma_start3A_52 = tpu.memref_slice %arg15[%dma_start3A_50, %dma_start3A_51] : memref<640x128xf32, #tpu.memory_space<vmem_shared>> -> memref<640x128xf32, #tpu.memory_space<vmem_shared>>
        tpu.enqueue_indirect_dma source(%arg14 : memref<64x128xf32, #tpu.memory_space<vmem>>) target(%dma_start3A_52 : memref<640x128xf32, #tpu.memory_space<vmem_shared>>) offsets(%arg13 : memref<64xi32, #tpu.memory_space<vmem>>) semaphore(%run_scoped3A : memref<!tpu.dma_semaphore, #tpu.memory_space<semaphore_mem>>) {add = true}
        %dma_wait3A_53 = arith.constant 0 : i32
        %dma_wait3A_54 = arith.constant 0 : i32
        %dma_wait3A_55 = tpu.memref_slice %arg15[%dma_wait3A_53, %dma_wait3A_54] : memref<640x128xf32, #tpu.memory_space<vmem_shared>> -> memref<640x128xf32, #tpu.memory_space<vmem_shared>>
        tpu.wait_indirect_dma semaphore(%run_scoped3A : memref<!tpu.dma_semaphore, #tpu.memory_space<semaphore_mem>>) src(%arg14 : memref<64x128xf32, #tpu.memory_space<vmem>>) dst(%dma_wait3A_55 : memref<640x128xf32, #tpu.memory_space<vmem_shared>>)
        tpu.yield
      }) : () -> ()
      %scan3A_49 = arith.constant 0 : i32
      scf.yield %scan3A_49 : i32
    }
    %scan3A_29 = arith.constant 5 : i32
    %barrier3A_30 = arith.constant 0 : index
    tpu.barrier barrier_id(%barrier3A_30)
    %mul3A_31 = arith.constant 32 : i32
    %mul3A_32 = arith.muli %arg1, %mul3A_31 : i32
    %mul3A_33 = arith.constant 512 : i32
    %mul3A_34 = arith.muli %arg0, %mul3A_33 : i32
    %mul3A_35 = arith.constant 32 : i32
    %mul3A_36 = arith.muli %arg1, %mul3A_35 : i32
    %add3A_37 = arith.addi %mul3A_34, %mul3A_36 : i32
    "tpu.region"() ({
      %run_scoped3A = tpu.sem_alloc : memref<!tpu.dma_semaphore, #tpu.memory_space<semaphore_mem>>
      %dma_start3A_38 = arith.constant 0 : i32
      %dma_start3A_39 = tpu.memref_slice %arg9[%add3A_37, %dma_start3A_38] : memref<1024x128xf32, #tpu.memory_space<hbm>> -> memref<32x128xf32, #tpu.memory_space<hbm>>
      %dma_start3A_40 = arith.constant 0 : i32
      %dma_start3A_41 = tpu.memref_slice %arg15[%mul3A_32, %dma_start3A_40] : memref<640x128xf32, #tpu.memory_space<vmem_shared>> -> memref<32x128xf32, #tpu.memory_space<vmem_shared>>
      tpu.enqueue_dma source(%dma_start3A_41 : memref<32x128xf32, #tpu.memory_space<vmem_shared>>) target(%dma_start3A_39 : memref<32x128xf32, #tpu.memory_space<hbm>>) target_semaphore(%run_scoped3A : memref<!tpu.dma_semaphore, #tpu.memory_space<semaphore_mem>>)
      %dma_wait3A_42 = arith.constant 0 : i32
      %dma_wait3A_43 = tpu.memref_slice %arg9[%add3A_37, %dma_wait3A_42] : memref<1024x128xf32, #tpu.memory_space<hbm>> -> memref<32x128xf32, #tpu.memory_space<hbm>>
      %dma_wait3A_44 = arith.constant 0 : i32
      %dma_wait3A_45 = tpu.memref_slice %arg15[%mul3A_32, %dma_wait3A_44] : memref<640x128xf32, #tpu.memory_space<vmem_shared>> -> memref<32x128xf32, #tpu.memory_space<vmem_shared>>
      tpu.wait_dma2 semaphore(%run_scoped3A : memref<!tpu.dma_semaphore, #tpu.memory_space<semaphore_mem>>) src(%dma_wait3A_45 : memref<32x128xf32, #tpu.memory_space<vmem_shared>>) dst(%dma_wait3A_43 : memref<32x128xf32, #tpu.memory_space<hbm>>)
      tpu.yield
    }) : () -> ()
    return
  }
}

module attributes {stable_mosaic.version = 14 : i64} {
  func.func @body(%arg0: i32, %arg1: memref<8000x14xf32, #tpu.memory_space<vmem>>, %arg2: memref<14x128xf32, #tpu.memory_space<vmem>>, %arg3: memref<1x128xf32, #tpu.memory_space<vmem>>, %arg4: memref<8000x128xf32, #tpu.memory_space<vmem>>) attributes {dimension_semantics = [#tpu.dimension_semantics<arbitrary>], iteration_bounds = array<i64: 40>, scalar_prefetch = 0 : i64, scratch_operands = 0 : i64, tpu.core_type = #tpu.core_type<tc>, window_params = [{transform_indices = @transform_0, window_bounds = array<i64: 8000, 14>}, {pipeline_mode = #tpu.pipeline_mode<synchronous>, transform_indices = @transform_1, window_bounds = array<i64: 14, 128>}, {pipeline_mode = #tpu.pipeline_mode<synchronous>, transform_indices = @transform_2, window_bounds = array<i64: 1, 128>}, {transform_indices = @transform_3, window_bounds = array<i64: 8000, 128>}]} {
    %get3A = arith.constant 0 : index
    %get3A_0 = arith.constant 0 : index
    %get3A_1 = vector.load %arg1[%get3A, %get3A_0] : memref<8000x14xf32, #tpu.memory_space<vmem>>, vector<8000x14xf32>
    %get3A_2 = arith.constant 0 : index
    %get3A_3 = arith.constant 0 : index
    %get3A_4 = vector.load %arg2[%get3A_2, %get3A_3] : memref<14x128xf32, #tpu.memory_space<vmem>>, vector<14x128xf32>
    %dot_general3A = arith.constant dense<0.000000e+00> : vector<8000x128xf32>
    %dot_general3A_5 = tpu.matmul %get3A_1, %get3A_4, %dot_general3A {dimension_numbers = #tpu.dot_dimension_numbers<[1], [0], [0], [1], [0, 0, 1, 1], [], []>, transpose_lhs_hint = false} : vector<8000x14xf32>, vector<14x128xf32>, vector<8000x128xf32> -> vector<8000x128xf32>
    %get3A_6 = arith.constant 0 : index
    %get3A_7 = arith.constant 0 : index
    %get3A_8 = vector.load %arg3[%get3A_6, %get3A_7] : memref<1x128xf32, #tpu.memory_space<vmem>>, vector<1x128xf32>
    %add3A = vector.broadcast %get3A_8 : vector<1x128xf32> to vector<8000x128xf32>
    %add3A_9 = arith.addf %dot_general3A_5, %add3A : vector<8000x128xf32>
    %swap3A = arith.constant 0 : index
    %swap3A_10 = arith.constant 0 : index
    %swap3A_11 = vector.load %arg4[%swap3A, %swap3A_10] : memref<8000x128xf32, #tpu.memory_space<vmem>>, vector<8000x128xf32>
    tpu.vector_store %arg4[%swap3A, %swap3A_10], %add3A_9 {strides = array<i32>} : memref<8000x128xf32, #tpu.memory_space<vmem>>, vector<8000x128xf32>,
    return
  }
  func.func @transform_0(%arg0: i32) -> (i32, i32) {
    %c0_i32 = arith.constant 0 : i32
    %c0_i32_0 = arith.constant 0 : i32
    return %arg0, %c0_i32 : i32, i32
  }
  func.func @transform_1(%arg0: i32) -> (i32, i32) {
    %c0_i32 = arith.constant 0 : i32
    %c0_i32_0 = arith.constant 0 : i32
    %c0_i32_1 = arith.constant 0 : i32
    return %c0_i32, %c0_i32_0 : i32, i32
  }
  func.func @transform_2(%arg0: i32) -> (i32, i32) {
    %c0_i32 = arith.constant 0 : i32
    %c0_i32_0 = arith.constant 0 : i32
    %c0_i32_1 = arith.constant 0 : i32
    return %c0_i32, %c0_i32_0 : i32, i32
  }
  func.func @transform_3(%arg0: i32) -> (i32, i32) {
    %c0_i32 = arith.constant 0 : i32
    %c0_i32_0 = arith.constant 0 : i32
    return %arg0, %c0_i32 : i32, i32
  }
}

module attributes {stable_mosaic.version = 14 : i64} {
  func.func @body(%arg0: i32, %arg1: memref<2000x53xf32, #tpu.memory_space<vmem>>, %arg2: memref<53x128xf32, #tpu.memory_space<vmem>>, %arg3: memref<1x128xf32, #tpu.memory_space<vmem>>, %arg4: memref<2000x128xf32, #tpu.memory_space<vmem>>) attributes {dimension_semantics = [#tpu.dimension_semantics<arbitrary>], iteration_bounds = array<i64: 5>, scalar_prefetch = 0 : i64, scratch_operands = 0 : i64, tpu.core_type = #tpu.core_type<tc>, window_params = [{transform_indices = @transform_0, window_bounds = array<i64: 2000, 53>}, {pipeline_mode = #tpu.pipeline_mode<synchronous>, transform_indices = @transform_1, window_bounds = array<i64: 53, 128>}, {pipeline_mode = #tpu.pipeline_mode<synchronous>, transform_indices = @transform_2, window_bounds = array<i64: 1, 128>}, {transform_indices = @transform_3, window_bounds = array<i64: 2000, 128>}]} {
    %get3A = arith.constant 0 : index
    %get3A_0 = arith.constant 0 : index
    %get3A_1 = vector.load %arg1[%get3A, %get3A_0] : memref<2000x53xf32, #tpu.memory_space<vmem>>, vector<2000x53xf32>
    %get3A_2 = arith.constant 0 : index
    %get3A_3 = arith.constant 0 : index
    %get3A_4 = vector.load %arg2[%get3A_2, %get3A_3] : memref<53x128xf32, #tpu.memory_space<vmem>>, vector<53x128xf32>
    %dot_general3A = arith.constant dense<0.000000e+00> : vector<2000x128xf32>
    %dot_general3A_5 = tpu.matmul %get3A_1, %get3A_4, %dot_general3A {dimension_numbers = #tpu.dot_dimension_numbers<[1], [0], [0], [1], [0, 0, 1, 1], [], []>, transpose_lhs_hint = false} : vector<2000x53xf32>, vector<53x128xf32>, vector<2000x128xf32> -> vector<2000x128xf32>
    %get3A_6 = arith.constant 0 : index
    %get3A_7 = arith.constant 0 : index
    %get3A_8 = vector.load %arg3[%get3A_6, %get3A_7] : memref<1x128xf32, #tpu.memory_space<vmem>>, vector<1x128xf32>
    %add3A = vector.broadcast %get3A_8 : vector<1x128xf32> to vector<2000x128xf32>
    %add3A_9 = arith.addf %dot_general3A_5, %add3A : vector<2000x128xf32>
    %swap3A = arith.constant 0 : index
    %swap3A_10 = arith.constant 0 : index
    %swap3A_11 = vector.load %arg4[%swap3A, %swap3A_10] : memref<2000x128xf32, #tpu.memory_space<vmem>>, vector<2000x128xf32>
    tpu.vector_store %arg4[%swap3A, %swap3A_10], %add3A_9 {strides = array<i32>} : memref<2000x128xf32, #tpu.memory_space<vmem>>, vector<2000x128xf32>,
    return
  }
  func.func @transform_0(%arg0: i32) -> (i32, i32) {
    %c0_i32 = arith.constant 0 : i32
    %c0_i32_0 = arith.constant 0 : i32
    return %arg0, %c0_i32 : i32, i32
  }
  func.func @transform_1(%arg0: i32) -> (i32, i32) {
    %c0_i32 = arith.constant 0 : i32
    %c0_i32_0 = arith.constant 0 : i32
    %c0_i32_1 = arith.constant 0 : i32
    return %c0_i32, %c0_i32_0 : i32, i32
  }
  func.func @transform_2(%arg0: i32) -> (i32, i32) {
    %c0_i32 = arith.constant 0 : i32
    %c0_i32_0 = arith.constant 0 : i32
    %c0_i32_1 = arith.constant 0 : i32
    return %c0_i32, %c0_i32_0 : i32, i32
  }
  func.func @transform_3(%arg0: i32) -> (i32, i32) {
    %c0_i32 = arith.constant 0 : i32
    %c0_i32_0 = arith.constant 0 : i32
    return %arg0, %c0_i32 : i32, i32
  }
}

module attributes {stable_mosaic.version = 14 : i64} {
  func.func @body(%arg0: i32, %arg1: memref<2000x128xf32, #tpu.memory_space<vmem>>, %arg2: memref<2000x128xf32, #tpu.memory_space<vmem>>, %arg3: memref<2000x128xf32, #tpu.memory_space<vmem>>, %arg4: memref<1x128xf32, #tpu.memory_space<vmem>>, %arg5: memref<128x128xf32, #tpu.memory_space<vmem>>, %arg6: memref<1x128xf32, #tpu.memory_space<vmem>>, %arg7: memref<128x128xf32, #tpu.memory_space<vmem>>, %arg8: memref<1x128xf32, #tpu.memory_space<vmem>>, %arg9: memref<2000x128xf32, #tpu.memory_space<vmem>>) attributes {dimension_semantics = [#tpu.dimension_semantics<arbitrary>], iteration_bounds = array<i64: 5>, scalar_prefetch = 0 : i64, scratch_operands = 0 : i64, tpu.core_type = #tpu.core_type<tc>, window_params = [{transform_indices = @transform_0, window_bounds = array<i64: 2000, 128>}, {transform_indices = @transform_1, window_bounds = array<i64: 2000, 128>}, {transform_indices = @transform_2, window_bounds = array<i64: 2000, 128>}, {pipeline_mode = #tpu.pipeline_mode<synchronous>, transform_indices = @transform_3, window_bounds = array<i64: 1, 128>}, {pipeline_mode = #tpu.pipeline_mode<synchronous>, transform_indices = @transform_4, window_bounds = array<i64: 128, 128>}, {pipeline_mode = #tpu.pipeline_mode<synchronous>, transform_indices = @transform_5, window_bounds = array<i64: 1, 128>}, {pipeline_mode = #tpu.pipeline_mode<synchronous>, transform_indices = @transform_6, window_bounds = array<i64: 128, 128>}, {pipeline_mode = #tpu.pipeline_mode<synchronous>, transform_indices = @transform_7, window_bounds = array<i64: 1, 128>}, {transform_indices = @transform_8, window_bounds = array<i64: 2000, 128>}]} {
    %get3A = arith.constant 0 : index
    %get3A_0 = arith.constant 0 : index
    %get3A_1 = vector.load %arg1[%get3A, %get3A_0] : memref<2000x128xf32, #tpu.memory_space<vmem>>, vector<2000x128xf32>
    %get3A_2 = arith.constant 0 : index
    %get3A_3 = arith.constant 0 : index
    %get3A_4 = vector.load %arg4[%get3A_2, %get3A_3] : memref<1x128xf32, #tpu.memory_space<vmem>>, vector<1x128xf32>
    %mul3A = vector.broadcast %get3A_4 : vector<1x128xf32> to vector<2000x128xf32>
    %mul3A_5 = arith.mulf %get3A_1, %mul3A : vector<2000x128xf32>
    %get3A_6 = arith.constant 0 : index
    %get3A_7 = arith.constant 0 : index
    %get3A_8 = vector.load %arg2[%get3A_6, %get3A_7] : memref<2000x128xf32, #tpu.memory_space<vmem>>, vector<2000x128xf32>
    %add3A = arith.addf %mul3A_5, %get3A_8 : vector<2000x128xf32>
    %get3A_9 = arith.constant 0 : index
    %get3A_10 = arith.constant 0 : index
    %get3A_11 = vector.load %arg3[%get3A_9, %get3A_10] : memref<2000x128xf32, #tpu.memory_space<vmem>>, vector<2000x128xf32>
    %add3A_12 = arith.addf %add3A, %get3A_11 : vector<2000x128xf32>
    %get3A_13 = arith.constant 0 : index
    %get3A_14 = arith.constant 0 : index
    %get3A_15 = vector.load %arg5[%get3A_13, %get3A_14] : memref<128x128xf32, #tpu.memory_space<vmem>>, vector<128x128xf32>
    %dot_general3A = arith.constant dense<0.000000e+00> : vector<2000x128xf32>
    %dot_general3A_16 = tpu.matmul %add3A_12, %get3A_15, %dot_general3A {dimension_numbers = #tpu.dot_dimension_numbers<[1], [0], [0], [1], [0, 0, 1, 1], [], []>, transpose_lhs_hint = false} : vector<2000x128xf32>, vector<128x128xf32>, vector<2000x128xf32> -> vector<2000x128xf32>
    %get3A_17 = arith.constant 0 : index
    %get3A_18 = arith.constant 0 : index
    %get3A_19 = vector.load %arg6[%get3A_17, %get3A_18] : memref<1x128xf32, #tpu.memory_space<vmem>>, vector<1x128xf32>
    %add3A_20 = vector.broadcast %get3A_19 : vector<1x128xf32> to vector<2000x128xf32>
    %add3A_21 = arith.addf %dot_general3A_16, %add3A_20 : vector<2000x128xf32>
    %logistic3A = arith.negf %add3A_21 : vector<2000x128xf32>
    %logistic3A_22 = math.exp %logistic3A : vector<2000x128xf32>
    %logistic3A_23 = arith.constant 1.000000e+00 : f32
    %logistic3A_24 = vector.broadcast %logistic3A_23 : f32 to vector<2000x128xf32>
    %logistic3A_25 = arith.addf %logistic3A_24, %logistic3A_22 : vector<2000x128xf32>
    %logistic3A_26 = arith.divf %logistic3A_24, %logistic3A_25 : vector<2000x128xf32>
    %mul3A_27 = arith.mulf %add3A_21, %logistic3A_26 : vector<2000x128xf32>
    %get3A_28 = arith.constant 0 : index
    %get3A_29 = arith.constant 0 : index
    %get3A_30 = vector.load %arg7[%get3A_28, %get3A_29] : memref<128x128xf32, #tpu.memory_space<vmem>>, vector<128x128xf32>
    %dot_general3A_31 = arith.constant dense<0.000000e+00> : vector<2000x128xf32>
    %dot_general3A_32 = tpu.matmul %mul3A_27, %get3A_30, %dot_general3A_31 {dimension_numbers = #tpu.dot_dimension_numbers<[1], [0], [0], [1], [0, 0, 1, 1], [], []>, transpose_lhs_hint = false} : vector<2000x128xf32>, vector<128x128xf32>, vector<2000x128xf32> -> vector<2000x128xf32>
    %get3A_33 = arith.constant 0 : index
    %get3A_34 = arith.constant 0 : index
    %get3A_35 = vector.load %arg8[%get3A_33, %get3A_34] : memref<1x128xf32, #tpu.memory_space<vmem>>, vector<1x128xf32>
    %add3A_36 = vector.broadcast %get3A_35 : vector<1x128xf32> to vector<2000x128xf32>
    %add3A_37 = arith.addf %dot_general3A_32, %add3A_36 : vector<2000x128xf32>
    %logistic3A_38 = arith.negf %add3A_37 : vector<2000x128xf32>
    %logistic3A_39 = math.exp %logistic3A_38 : vector<2000x128xf32>
    %logistic3A_40 = arith.constant 1.000000e+00 : f32
    %logistic3A_41 = vector.broadcast %logistic3A_40 : f32 to vector<2000x128xf32>
    %logistic3A_42 = arith.addf %logistic3A_41, %logistic3A_39 : vector<2000x128xf32>
    %logistic3A_43 = arith.divf %logistic3A_41, %logistic3A_42 : vector<2000x128xf32>
    %mul3A_44 = arith.mulf %add3A_37, %logistic3A_43 : vector<2000x128xf32>
    %swap3A = arith.constant 0 : index
    %swap3A_45 = arith.constant 0 : index
    %swap3A_46 = vector.load %arg9[%swap3A, %swap3A_45] : memref<2000x128xf32, #tpu.memory_space<vmem>>, vector<2000x128xf32>
    tpu.vector_store %arg9[%swap3A, %swap3A_45], %mul3A_44 {strides = array<i32>} : memref<2000x128xf32, #tpu.memory_space<vmem>>, vector<2000x128xf32>,
    return
  }
  func.func @transform_0(%arg0: i32) -> (i32, i32) {
    %c0_i32 = arith.constant 0 : i32
    %c0_i32_0 = arith.constant 0 : i32
    return %arg0, %c0_i32 : i32, i32
  }
  func.func @transform_1(%arg0: i32) -> (i32, i32) {
    %c0_i32 = arith.constant 0 : i32
    %c0_i32_0 = arith.constant 0 : i32
    return %arg0, %c0_i32 : i32, i32
  }
  func.func @transform_2(%arg0: i32) -> (i32, i32) {
    %add3A = arith.constant 5 : i32
    %add3A_0 = arith.addi %arg0, %add3A : i32
    %c0_i32 = arith.constant 0 : i32
    %c0_i32_1 = arith.constant 0 : i32
    return %add3A_0, %c0_i32 : i32, i32
  }
  func.func @transform_3(%arg0: i32) -> (i32, i32) {
    %c0_i32 = arith.constant 0 : i32
    %c0_i32_0 = arith.constant 0 : i32
    %c0_i32_1 = arith.constant 0 : i32
    return %c0_i32, %c0_i32_0 : i32, i32
  }
  func.func @transform_4(%arg0: i32) -> (i32, i32) {
    %c0_i32 = arith.constant 0 : i32
    %c0_i32_0 = arith.constant 0 : i32
    %c0_i32_1 = arith.constant 0 : i32
    return %c0_i32, %c0_i32_0 : i32, i32
  }
  func.func @transform_5(%arg0: i32) -> (i32, i32) {
    %c0_i32 = arith.constant 0 : i32
    %c0_i32_0 = arith.constant 0 : i32
    %c0_i32_1 = arith.constant 0 : i32
    return %c0_i32, %c0_i32_0 : i32, i32
  }
  func.func @transform_6(%arg0: i32) -> (i32, i32) {
    %c0_i32 = arith.constant 0 : i32
    %c0_i32_0 = arith.constant 0 : i32
    %c0_i32_1 = arith.constant 0 : i32
    return %c0_i32, %c0_i32_0 : i32, i32
  }
  func.func @transform_7(%arg0: i32) -> (i32, i32) {
    %c0_i32 = arith.constant 0 : i32
    %c0_i32_0 = arith.constant 0 : i32
    %c0_i32_1 = arith.constant 0 : i32
    return %c0_i32, %c0_i32_0 : i32, i32
  }
  func.func @transform_8(%arg0: i32) -> (i32, i32) {
    %c0_i32 = arith.constant 0 : i32
    %c0_i32_0 = arith.constant 0 : i32
    return %arg0, %c0_i32 : i32, i32
  }
}

module attributes {stable_mosaic.version = 14 : i64} {
  func.func @body(%arg0: i32, %arg1: memref<2000x128xf32, #tpu.memory_space<vmem>>, %arg2: memref<2000x128xf32, #tpu.memory_space<vmem>>, %arg3: memref<2000x128xf32, #tpu.memory_space<vmem>>, %arg4: memref<1x128xf32, #tpu.memory_space<vmem>>, %arg5: memref<128x128xf32, #tpu.memory_space<vmem>>, %arg6: memref<1x128xf32, #tpu.memory_space<vmem>>, %arg7: memref<128x128xf32, #tpu.memory_space<vmem>>, %arg8: memref<1x128xf32, #tpu.memory_space<vmem>>, %arg9: memref<128x128xf32, #tpu.memory_space<vmem>>, %arg10: memref<1x128xf32, #tpu.memory_space<vmem>>, %arg11: memref<2000x128xf32, #tpu.memory_space<vmem>>) attributes {dimension_semantics = [#tpu.dimension_semantics<arbitrary>], iteration_bounds = array<i64: 5>, scalar_prefetch = 0 : i64, scratch_operands = 0 : i64, tpu.core_type = #tpu.core_type<tc>, window_params = [{transform_indices = @transform_0, window_bounds = array<i64: 2000, 128>}, {transform_indices = @transform_1, window_bounds = array<i64: 2000, 128>}, {transform_indices = @transform_2, window_bounds = array<i64: 2000, 128>}, {pipeline_mode = #tpu.pipeline_mode<synchronous>, transform_indices = @transform_3, window_bounds = array<i64: 1, 128>}, {pipeline_mode = #tpu.pipeline_mode<synchronous>, transform_indices = @transform_4, window_bounds = array<i64: 128, 128>}, {pipeline_mode = #tpu.pipeline_mode<synchronous>, transform_indices = @transform_5, window_bounds = array<i64: 1, 128>}, {pipeline_mode = #tpu.pipeline_mode<synchronous>, transform_indices = @transform_6, window_bounds = array<i64: 128, 128>}, {pipeline_mode = #tpu.pipeline_mode<synchronous>, transform_indices = @transform_7, window_bounds = array<i64: 1, 128>}, {pipeline_mode = #tpu.pipeline_mode<synchronous>, transform_indices = @transform_8, window_bounds = array<i64: 128, 128>}, {pipeline_mode = #tpu.pipeline_mode<synchronous>, transform_indices = @transform_9, window_bounds = array<i64: 1, 128>}, {transform_indices = @transform_10, window_bounds = array<i64: 2000, 128>}]} {
    %get3A = arith.constant 0 : index
    %get3A_0 = arith.constant 0 : index
    %get3A_1 = vector.load %arg1[%get3A, %get3A_0] : memref<2000x128xf32, #tpu.memory_space<vmem>>, vector<2000x128xf32>
    %get3A_2 = arith.constant 0 : index
    %get3A_3 = arith.constant 0 : index
    %get3A_4 = vector.load %arg4[%get3A_2, %get3A_3] : memref<1x128xf32, #tpu.memory_space<vmem>>, vector<1x128xf32>
    %mul3A = vector.broadcast %get3A_4 : vector<1x128xf32> to vector<2000x128xf32>
    %mul3A_5 = arith.mulf %get3A_1, %mul3A : vector<2000x128xf32>
    %get3A_6 = arith.constant 0 : index
    %get3A_7 = arith.constant 0 : index
    %get3A_8 = vector.load %arg2[%get3A_6, %get3A_7] : memref<2000x128xf32, #tpu.memory_space<vmem>>, vector<2000x128xf32>
    %add3A = arith.addf %mul3A_5, %get3A_8 : vector<2000x128xf32>
    %get3A_9 = arith.constant 0 : index
    %get3A_10 = arith.constant 0 : index
    %get3A_11 = vector.load %arg3[%get3A_9, %get3A_10] : memref<2000x128xf32, #tpu.memory_space<vmem>>, vector<2000x128xf32>
    %add3A_12 = arith.addf %add3A, %get3A_11 : vector<2000x128xf32>
    %get3A_13 = arith.constant 0 : index
    %get3A_14 = arith.constant 0 : index
    %get3A_15 = vector.load %arg5[%get3A_13, %get3A_14] : memref<128x128xf32, #tpu.memory_space<vmem>>, vector<128x128xf32>
    %dot_general3A = arith.constant dense<0.000000e+00> : vector<2000x128xf32>
    %dot_general3A_16 = tpu.matmul %add3A_12, %get3A_15, %dot_general3A {dimension_numbers = #tpu.dot_dimension_numbers<[1], [0], [0], [1], [0, 0, 1, 1], [], []>, transpose_lhs_hint = false} : vector<2000x128xf32>, vector<128x128xf32>, vector<2000x128xf32> -> vector<2000x128xf32>
    %get3A_17 = arith.constant 0 : index
    %get3A_18 = arith.constant 0 : index
    %get3A_19 = vector.load %arg6[%get3A_17, %get3A_18] : memref<1x128xf32, #tpu.memory_space<vmem>>, vector<1x128xf32>
    %add3A_20 = vector.broadcast %get3A_19 : vector<1x128xf32> to vector<2000x128xf32>
    %add3A_21 = arith.addf %dot_general3A_16, %add3A_20 : vector<2000x128xf32>
    %logistic3A = arith.negf %add3A_21 : vector<2000x128xf32>
    %logistic3A_22 = math.exp %logistic3A : vector<2000x128xf32>
    %logistic3A_23 = arith.constant 1.000000e+00 : f32
    %logistic3A_24 = vector.broadcast %logistic3A_23 : f32 to vector<2000x128xf32>
    %logistic3A_25 = arith.addf %logistic3A_24, %logistic3A_22 : vector<2000x128xf32>
    %logistic3A_26 = arith.divf %logistic3A_24, %logistic3A_25 : vector<2000x128xf32>
    %mul3A_27 = arith.mulf %add3A_21, %logistic3A_26 : vector<2000x128xf32>
    %get3A_28 = arith.constant 0 : index
    %get3A_29 = arith.constant 0 : index
    %get3A_30 = vector.load %arg7[%get3A_28, %get3A_29] : memref<128x128xf32, #tpu.memory_space<vmem>>, vector<128x128xf32>
    %dot_general3A_31 = arith.constant dense<0.000000e+00> : vector<2000x128xf32>
    %dot_general3A_32 = tpu.matmul %mul3A_27, %get3A_30, %dot_general3A_31 {dimension_numbers = #tpu.dot_dimension_numbers<[1], [0], [0], [1], [0, 0, 1, 1], [], []>, transpose_lhs_hint = false} : vector<2000x128xf32>, vector<128x128xf32>, vector<2000x128xf32> -> vector<2000x128xf32>
    %get3A_33 = arith.constant 0 : index
    %get3A_34 = arith.constant 0 : index
    %get3A_35 = vector.load %arg8[%get3A_33, %get3A_34] : memref<1x128xf32, #tpu.memory_space<vmem>>, vector<1x128xf32>
    %add3A_36 = vector.broadcast %get3A_35 : vector<1x128xf32> to vector<2000x128xf32>
    %add3A_37 = arith.addf %dot_general3A_32, %add3A_36 : vector<2000x128xf32>
    %logistic3A_38 = arith.negf %add3A_37 : vector<2000x128xf32>
    %logistic3A_39 = math.exp %logistic3A_38 : vector<2000x128xf32>
    %logistic3A_40 = arith.constant 1.000000e+00 : f32
    %logistic3A_41 = vector.broadcast %logistic3A_40 : f32 to vector<2000x128xf32>
    %logistic3A_42 = arith.addf %logistic3A_41, %logistic3A_39 : vector<2000x128xf32>
    %logistic3A_43 = arith.divf %logistic3A_41, %logistic3A_42 : vector<2000x128xf32>
    %mul3A_44 = arith.mulf %add3A_37, %logistic3A_43 : vector<2000x128xf32>
    %get3A_45 = arith.constant 0 : index
    %get3A_46 = arith.constant 0 : index
    %get3A_47 = vector.load %arg9[%get3A_45, %get3A_46] : memref<128x128xf32, #tpu.memory_space<vmem>>, vector<128x128xf32>
    %dot_general3A_48 = arith.constant dense<0.000000e+00> : vector<2000x128xf32>
    %dot_general3A_49 = tpu.matmul %mul3A_44, %get3A_47, %dot_general3A_48 {dimension_numbers = #tpu.dot_dimension_numbers<[1], [0], [0], [1], [0, 0, 1, 1], [], []>, transpose_lhs_hint = false} : vector<2000x128xf32>, vector<128x128xf32>, vector<2000x128xf32> -> vector<2000x128xf32>
    %get3A_50 = arith.constant 0 : index
    %get3A_51 = arith.constant 0 : index
    %get3A_52 = vector.load %arg10[%get3A_50, %get3A_51] : memref<1x128xf32, #tpu.memory_space<vmem>>, vector<1x128xf32>
    %add3A_53 = vector.broadcast %get3A_52 : vector<1x128xf32> to vector<2000x128xf32>
    %add3A_54 = arith.addf %dot_general3A_49, %add3A_53 : vector<2000x128xf32>
    %swap3A = arith.constant 0 : index
    %swap3A_55 = arith.constant 0 : index
    %swap3A_56 = vector.load %arg11[%swap3A, %swap3A_55] : memref<2000x128xf32, #tpu.memory_space<vmem>>, vector<2000x128xf32>
    tpu.vector_store %arg11[%swap3A, %swap3A_55], %add3A_54 {strides = array<i32>} : memref<2000x128xf32, #tpu.memory_space<vmem>>, vector<2000x128xf32>,
    return
  }
  func.func @transform_0(%arg0: i32) -> (i32, i32) {
    %c0_i32 = arith.constant 0 : i32
    %c0_i32_0 = arith.constant 0 : i32
    return %arg0, %c0_i32 : i32, i32
  }
  func.func @transform_1(%arg0: i32) -> (i32, i32) {
    %c0_i32 = arith.constant 0 : i32
    %c0_i32_0 = arith.constant 0 : i32
    return %arg0, %c0_i32 : i32, i32
  }
  func.func @transform_2(%arg0: i32) -> (i32, i32) {
    %add3A = arith.constant 5 : i32
    %add3A_0 = arith.addi %arg0, %add3A : i32
    %c0_i32 = arith.constant 0 : i32
    %c0_i32_1 = arith.constant 0 : i32
    return %add3A_0, %c0_i32 : i32, i32
  }
  func.func @transform_3(%arg0: i32) -> (i32, i32) {
    %c0_i32 = arith.constant 0 : i32
    %c0_i32_0 = arith.constant 0 : i32
    %c0_i32_1 = arith.constant 0 : i32
    return %c0_i32, %c0_i32_0 : i32, i32
  }
  func.func @transform_4(%arg0: i32) -> (i32, i32) {
    %c0_i32 = arith.constant 0 : i32
    %c0_i32_0 = arith.constant 0 : i32
    %c0_i32_1 = arith.constant 0 : i32
    return %c0_i32, %c0_i32_0 : i32, i32
  }
  func.func @transform_5(%arg0: i32) -> (i32, i32) {
    %c0_i32 = arith.constant 0 : i32
    %c0_i32_0 = arith.constant 0 : i32
    %c0_i32_1 = arith.constant 0 : i32
    return %c0_i32, %c0_i32_0 : i32, i32
  }
  func.func @transform_6(%arg0: i32) -> (i32, i32) {
    %c0_i32 = arith.constant 0 : i32
    %c0_i32_0 = arith.constant 0 : i32
    %c0_i32_1 = arith.constant 0 : i32
    return %c0_i32, %c0_i32_0 : i32, i32
  }
  func.func @transform_7(%arg0: i32) -> (i32, i32) {
    %c0_i32 = arith.constant 0 : i32
    %c0_i32_0 = arith.constant 0 : i32
    %c0_i32_1 = arith.constant 0 : i32
    return %c0_i32, %c0_i32_0 : i32, i32
  }
  func.func @transform_8(%arg0: i32) -> (i32, i32) {
    %c0_i32 = arith.constant 0 : i32
    %c0_i32_0 = arith.constant 0 : i32
    %c0_i32_1 = arith.constant 0 : i32
    return %c0_i32, %c0_i32_0 : i32, i32
  }
  func.func @transform_9(%arg0: i32) -> (i32, i32) {
    %c0_i32 = arith.constant 0 : i32
    %c0_i32_0 = arith.constant 0 : i32
    %c0_i32_1 = arith.constant 0 : i32
    return %c0_i32, %c0_i32_0 : i32, i32
  }
  func.func @transform_10(%arg0: i32) -> (i32, i32) {
    %c0_i32 = arith.constant 0 : i32
    %c0_i32_0 = arith.constant 0 : i32
    return %arg0, %c0_i32 : i32, i32
  }
}

module attributes {stable_mosaic.version = 14 : i64} {
  func.func @body(%arg0: memref<512x128xf32, #tpu.memory_space<vmem>>, %arg1: memref<512x128xf32, #tpu.memory_space<vmem>>, %arg2: memref<1024x128xf32, #tpu.memory_space<vmem>>, %arg3: memref<256x128xf32, #tpu.memory_space<vmem>>, %arg4: memref<1x128xf32, #tpu.memory_space<vmem>>, %arg5: memref<128x128xf32, #tpu.memory_space<vmem>>, %arg6: memref<1x128xf32, #tpu.memory_space<vmem>>, %arg7: memref<256x128xf32, #tpu.memory_space<vmem>>, %arg8: memref<1x128xf32, #tpu.memory_space<vmem>>, %arg9: memref<128x128xf32, #tpu.memory_space<vmem>>, %arg10: memref<1x128xf32, #tpu.memory_space<vmem>>, %arg11: memref<128x128xf32, #tpu.memory_space<vmem>>, %arg12: memref<1x128xf32, #tpu.memory_space<vmem>>, %arg13: memref<512x128xf32, #tpu.memory_space<vmem>>) attributes {dimension_semantics = [], scalar_prefetch = 0 : i64, scratch_operands = 0 : i64, tpu.core_type = #tpu.core_type<tc>} {
    %get3A = arith.constant 0 : index
    %get3A_0 = arith.constant 0 : index
    %get3A_1 = vector.load %arg2[%get3A, %get3A_0] : memref<1024x128xf32, #tpu.memory_space<vmem>>, vector<512x128xf32>
    %get3A_2 = arith.constant 512 : index
    %get3A_3 = arith.constant 0 : index
    %get3A_4 = vector.load %arg2[%get3A_2, %get3A_3] : memref<1024x128xf32, #tpu.memory_space<vmem>>, vector<512x128xf32>
    %add3A = arith.addf %get3A_1, %get3A_4 : vector<512x128xf32>
    %get3A_5 = arith.constant 0 : index
    %get3A_6 = arith.constant 0 : index
    %get3A_7 = vector.load %arg0[%get3A_5, %get3A_6] : memref<512x128xf32, #tpu.memory_space<vmem>>, vector<512x128xf32>
    %get3A_8 = arith.constant 0 : index
    %get3A_9 = arith.constant 0 : index
    %get3A_10 = vector.load %arg1[%get3A_8, %get3A_9] : memref<512x128xf32, #tpu.memory_space<vmem>>, vector<512x128xf32>
    %concatenate3A = tpu.concatenate %get3A_7, %get3A_10 in 1 : vector<512x128xf32>, vector<512x128xf32> -> vector<512x256xf32>
    %get3A_11 = arith.constant 0 : index
    %get3A_12 = arith.constant 0 : index
    %get3A_13 = vector.load %arg1[%get3A_11, %get3A_12] : memref<512x128xf32, #tpu.memory_space<vmem>>, vector<512x128xf32>
    %get3A_14 = arith.constant 0 : index
    %get3A_15 = arith.constant 0 : index
    %get3A_16 = vector.load %arg0[%get3A_14, %get3A_15] : memref<512x128xf32, #tpu.memory_space<vmem>>, vector<512x128xf32>
    %concatenate3A_17 = tpu.concatenate %get3A_13, %get3A_16 in 1 : vector<512x128xf32>, vector<512x128xf32> -> vector<512x256xf32>
    %get3A_18 = arith.constant 0 : index
    %get3A_19 = arith.constant 0 : index
    %get3A_20 = vector.load %arg3[%get3A_18, %get3A_19] : memref<256x128xf32, #tpu.memory_space<vmem>>, vector<256x128xf32>
    %dot_general3A = arith.constant dense<0.000000e+00> : vector<512x128xf32>
    %dot_general3A_21 = tpu.matmul %concatenate3A, %get3A_20, %dot_general3A {dimension_numbers = #tpu.dot_dimension_numbers<[1], [0], [0], [1], [0, 0, 1, 1], [], []>, transpose_lhs_hint = false} : vector<512x256xf32>, vector<256x128xf32>, vector<512x128xf32> -> vector<512x128xf32>
    %get3A_22 = arith.constant 0 : index
    %get3A_23 = arith.constant 0 : index
    %get3A_24 = vector.load %arg4[%get3A_22, %get3A_23] : memref<1x128xf32, #tpu.memory_space<vmem>>, vector<1x128xf32>
    %add3A_25 = vector.broadcast %get3A_24 : vector<1x128xf32> to vector<512x128xf32>
    %add3A_26 = arith.addf %dot_general3A_21, %add3A_25 : vector<512x128xf32>
    %logistic3A = arith.negf %add3A_26 : vector<512x128xf32>
    %logistic3A_27 = math.exp %logistic3A : vector<512x128xf32>
    %logistic3A_28 = arith.constant 1.000000e+00 : f32
    %logistic3A_29 = vector.broadcast %logistic3A_28 : f32 to vector<512x128xf32>
    %logistic3A_30 = arith.addf %logistic3A_29, %logistic3A_27 : vector<512x128xf32>
    %logistic3A_31 = arith.divf %logistic3A_29, %logistic3A_30 : vector<512x128xf32>
    %mul3A = arith.mulf %add3A_26, %logistic3A_31 : vector<512x128xf32>
    %get3A_32 = arith.constant 0 : index
    %get3A_33 = arith.constant 0 : index
    %get3A_34 = vector.load %arg5[%get3A_32, %get3A_33] : memref<128x128xf32, #tpu.memory_space<vmem>>, vector<128x128xf32>
    %dot_general3A_35 = arith.constant dense<0.000000e+00> : vector<512x128xf32>
    %dot_general3A_36 = tpu.matmul %mul3A, %get3A_34, %dot_general3A_35 {dimension_numbers = #tpu.dot_dimension_numbers<[1], [0], [0], [1], [0, 0, 1, 1], [], []>, transpose_lhs_hint = false} : vector<512x128xf32>, vector<128x128xf32>, vector<512x128xf32> -> vector<512x128xf32>
    %get3A_37 = arith.constant 0 : index
    %get3A_38 = arith.constant 0 : index
    %get3A_39 = vector.load %arg6[%get3A_37, %get3A_38] : memref<1x128xf32, #tpu.memory_space<vmem>>, vector<1x128xf32>
    %add3A_40 = vector.broadcast %get3A_39 : vector<1x128xf32> to vector<512x128xf32>
    %add3A_41 = arith.addf %dot_general3A_36, %add3A_40 : vector<512x128xf32>
    %get3A_42 = arith.constant 0 : index
    %get3A_43 = arith.constant 0 : index
    %get3A_44 = vector.load %arg3[%get3A_42, %get3A_43] : memref<256x128xf32, #tpu.memory_space<vmem>>, vector<256x128xf32>
    %dot_general3A_45 = arith.constant dense<0.000000e+00> : vector<512x128xf32>
    %dot_general3A_46 = tpu.matmul %concatenate3A_17, %get3A_44, %dot_general3A_45 {dimension_numbers = #tpu.dot_dimension_numbers<[1], [0], [0], [1], [0, 0, 1, 1], [], []>, transpose_lhs_hint = false} : vector<512x256xf32>, vector<256x128xf32>, vector<512x128xf32> -> vector<512x128xf32>
    %get3A_47 = arith.constant 0 : index
    %get3A_48 = arith.constant 0 : index
    %get3A_49 = vector.load %arg4[%get3A_47, %get3A_48] : memref<1x128xf32, #tpu.memory_space<vmem>>, vector<1x128xf32>
    %add3A_50 = vector.broadcast %get3A_49 : vector<1x128xf32> to vector<512x128xf32>
    %add3A_51 = arith.addf %dot_general3A_46, %add3A_50 : vector<512x128xf32>
    %logistic3A_52 = arith.negf %add3A_51 : vector<512x128xf32>
    %logistic3A_53 = math.exp %logistic3A_52 : vector<512x128xf32>
    %logistic3A_54 = arith.constant 1.000000e+00 : f32
    %logistic3A_55 = vector.broadcast %logistic3A_54 : f32 to vector<512x128xf32>
    %logistic3A_56 = arith.addf %logistic3A_55, %logistic3A_53 : vector<512x128xf32>
    %logistic3A_57 = arith.divf %logistic3A_55, %logistic3A_56 : vector<512x128xf32>
    %mul3A_58 = arith.mulf %add3A_51, %logistic3A_57 : vector<512x128xf32>
    %get3A_59 = arith.constant 0 : index
    %get3A_60 = arith.constant 0 : index
    %get3A_61 = vector.load %arg5[%get3A_59, %get3A_60] : memref<128x128xf32, #tpu.memory_space<vmem>>, vector<128x128xf32>
    %dot_general3A_62 = arith.constant dense<0.000000e+00> : vector<512x128xf32>
    %dot_general3A_63 = tpu.matmul %mul3A_58, %get3A_61, %dot_general3A_62 {dimension_numbers = #tpu.dot_dimension_numbers<[1], [0], [0], [1], [0, 0, 1, 1], [], []>, transpose_lhs_hint = false} : vector<512x128xf32>, vector<128x128xf32>, vector<512x128xf32> -> vector<512x128xf32>
    %get3A_64 = arith.constant 0 : index
    %get3A_65 = arith.constant 0 : index
    %get3A_66 = vector.load %arg6[%get3A_64, %get3A_65] : memref<1x128xf32, #tpu.memory_space<vmem>>, vector<1x128xf32>
    %add3A_67 = vector.broadcast %get3A_66 : vector<1x128xf32> to vector<512x128xf32>
    %add3A_68 = arith.addf %dot_general3A_63, %add3A_67 : vector<512x128xf32>
    %add3A_69 = arith.addf %add3A_41, %add3A_68 : vector<512x128xf32>
    %concatenate3A_70 = tpu.concatenate %add3A_69, %add3A in 1 : vector<512x128xf32>, vector<512x128xf32> -> vector<512x256xf32>
    %get3A_71 = arith.constant 0 : index
    %get3A_72 = arith.constant 0 : index
    %get3A_73 = vector.load %arg7[%get3A_71, %get3A_72] : memref<256x128xf32, #tpu.memory_space<vmem>>, vector<256x128xf32>
    %dot_general3A_74 = arith.constant dense<0.000000e+00> : vector<512x128xf32>
    %dot_general3A_75 = tpu.matmul %concatenate3A_70, %get3A_73, %dot_general3A_74 {dimension_numbers = #tpu.dot_dimension_numbers<[1], [0], [0], [1], [0, 0, 1, 1], [], []>, transpose_lhs_hint = false} : vector<512x256xf32>, vector<256x128xf32>, vector<512x128xf32> -> vector<512x128xf32>
    %get3A_76 = arith.constant 0 : index
    %get3A_77 = arith.constant 0 : index
    %get3A_78 = vector.load %arg8[%get3A_76, %get3A_77] : memref<1x128xf32, #tpu.memory_space<vmem>>, vector<1x128xf32>
    %add3A_79 = vector.broadcast %get3A_78 : vector<1x128xf32> to vector<512x128xf32>
    %add3A_80 = arith.addf %dot_general3A_75, %add3A_79 : vector<512x128xf32>
    %logistic3A_81 = arith.negf %add3A_80 : vector<512x128xf32>
    %logistic3A_82 = math.exp %logistic3A_81 : vector<512x128xf32>
    %logistic3A_83 = arith.constant 1.000000e+00 : f32
    %logistic3A_84 = vector.broadcast %logistic3A_83 : f32 to vector<512x128xf32>
    %logistic3A_85 = arith.addf %logistic3A_84, %logistic3A_82 : vector<512x128xf32>
    %logistic3A_86 = arith.divf %logistic3A_84, %logistic3A_85 : vector<512x128xf32>
    %mul3A_87 = arith.mulf %add3A_80, %logistic3A_86 : vector<512x128xf32>
    %get3A_88 = arith.constant 0 : index
    %get3A_89 = arith.constant 0 : index
    %get3A_90 = vector.load %arg9[%get3A_88, %get3A_89] : memref<128x128xf32, #tpu.memory_space<vmem>>, vector<128x128xf32>
    %dot_general3A_91 = arith.constant dense<0.000000e+00> : vector<512x128xf32>
    %dot_general3A_92 = tpu.matmul %mul3A_87, %get3A_90, %dot_general3A_91 {dimension_numbers = #tpu.dot_dimension_numbers<[1], [0], [0], [1], [0, 0, 1, 1], [], []>, transpose_lhs_hint = false} : vector<512x128xf32>, vector<128x128xf32>, vector<512x128xf32> -> vector<512x128xf32>
    %get3A_93 = arith.constant 0 : index
    %get3A_94 = arith.constant 0 : index
    %get3A_95 = vector.load %arg10[%get3A_93, %get3A_94] : memref<1x128xf32, #tpu.memory_space<vmem>>, vector<1x128xf32>
    %add3A_96 = vector.broadcast %get3A_95 : vector<1x128xf32> to vector<512x128xf32>
    %add3A_97 = arith.addf %dot_general3A_92, %add3A_96 : vector<512x128xf32>
    %logistic3A_98 = arith.negf %add3A_97 : vector<512x128xf32>
    %logistic3A_99 = math.exp %logistic3A_98 : vector<512x128xf32>
    %logistic3A_100 = arith.constant 1.000000e+00 : f32
    %logistic3A_101 = vector.broadcast %logistic3A_100 : f32 to vector<512x128xf32>
    %logistic3A_102 = arith.addf %logistic3A_101, %logistic3A_99 : vector<512x128xf32>
    %logistic3A_103 = arith.divf %logistic3A_101, %logistic3A_102 : vector<512x128xf32>
    %mul3A_104 = arith.mulf %add3A_97, %logistic3A_103 : vector<512x128xf32>
    %get3A_105 = arith.constant 0 : index
    %get3A_106 = arith.constant 0 : index
    %get3A_107 = vector.load %arg11[%get3A_105, %get3A_106] : memref<128x128xf32, #tpu.memory_space<vmem>>, vector<128x128xf32>
    %dot_general3A_108 = arith.constant dense<0.000000e+00> : vector<512x128xf32>
    %dot_general3A_109 = tpu.matmul %mul3A_104, %get3A_107, %dot_general3A_108 {dimension_numbers = #tpu.dot_dimension_numbers<[1], [0], [0], [1], [0, 0, 1, 1], [], []>, transpose_lhs_hint = false} : vector<512x128xf32>, vector<128x128xf32>, vector<512x128xf32> -> vector<512x128xf32>
    %get3A_110 = arith.constant 0 : index
    %get3A_111 = arith.constant 0 : index
    %get3A_112 = vector.load %arg12[%get3A_110, %get3A_111] : memref<1x128xf32, #tpu.memory_space<vmem>>, vector<1x128xf32>
    %add3A_113 = vector.broadcast %get3A_112 : vector<1x128xf32> to vector<512x128xf32>
    %add3A_114 = arith.addf %dot_general3A_109, %add3A_113 : vector<512x128xf32>
    %swap3A = arith.constant 0 : index
    %swap3A_115 = arith.constant 0 : index
    %swap3A_116 = vector.load %arg13[%swap3A, %swap3A_115] : memref<512x128xf32, #tpu.memory_space<vmem>>, vector<512x128xf32>
    tpu.vector_store %arg13[%swap3A, %swap3A_115], %add3A_114 {strides = array<i32>} : memref<512x128xf32, #tpu.memory_space<vmem>>, vector<512x128xf32>,
    return
  }
}

</mosaic_0001>

<sc_bundles>
// kernel: kernel.17.cloned.1.call-start
scs
__scs_entry_jumppad:
0x0: {  	(pc) =	sbr.rel $0x88, $3  }
0x1: {  	(tag) =	ssettag $0x0;
	lr =	simm.s32 $0x1  }
0x2: {  	[smem:$0x3F86] =	sst lr;
	_ =	strace $0xD0000000  }
0x3: {  	_ = 	snop  }
0x4: {  	_ = 	snop  }
0x5: {  	_ = 	snop  }
0x6: {  	_ = 	snop  }
0x7: {  	_ = 	snop  }
__scs_overlays_trampoline_lowered:
0x8: {  	[smem:$0x3F95] =	sst s0  }
0x9: {  	[smem:$0x3F96] =	sst s1  }
0xa: {  	[smem:$0x3F97] =	sst s2  }
0xb: {  	[smem:$0x3F98] =	sst s3  }
0xc: {  	[smem:$0x3F99] =	sst s4  }
0xd: {  	[smem:$0x3F9A] =	sst s5  }
0xe: {  	[smem:$0x3F9B] =	sst s6  }
0xf: {  	[smem:$0x3F9C] =	sst s7  }
0x10: {  	[smem:$0x3F9D] =	sst s8  }
0x11: {  	[smem:$0x3F9E] =	sst s9;
	s0 =	simm.s32 @!p0 $0x0  }
0x12: {  	s1 =	sld [smem:$0x3F84];
	s0 =	simm.s32 @p0 $0x1  }
0x13: {  	[smem:$0x3F9F] =	sst s0;
	s0 =	simm.s32 @!p1 $0x0  }
0x14: {  	s2 =	sld [smem:$0x3F83];
	s0 =	simm.s32 @p1 $0x1  }
0x15: {  	[smem:$0x3FA0] =	sst s0;
	s0 =	simm.s32 @!p2 $0x0  }
0x16: {  	s3 =	sld [smem:$0x3FDB];
	s0 =	simm.s32 @p2 $0x1  }
0x17: {  	s4 =	simm.s32 $0x1BF5;
	[smem:$0x3FA2] =	sst s0  }
0x18: {  	s0 =	sld [smem:$0x3F85];
	_ =	swait.ge [sflag:s4], $0x0  }
0x19: {  	s7 =	sld [smem:$0x3F86]  }
0x1a: {  	s8 =	sadd.s32 $0xFFFFE003, lr  }
0x1b: {  	s9 =	sadd.s32 $0xFFFFFEF7, lr;
	s5 =	simm.s32 $0xFFFFFFFF;
	p2 =	slt.u32 s8, $0xFFFFF086  }
0x1c: {  	p1 =	slt.u32 s9, $0xF7A;
	s5 =	simm.s32 @!p2 $0x0  }
0x1d: {  	s5 =	simm.s32 @p1 $0x1;
	p0 =	seq.s32 s7, s2  }
0x1e: {  	s7 =	smul.u32 @!p0 $0xF7A, s2;
	p2 =	seq.s32 @!p0 s5, $0x0  }
0x1f: {  	s9 =	smul.u32 $0xF7A, s1;
	s8 =	simm.s32 @!p0 $0x1BF5;
	p2 =	por !p2, p0  }
0x20: {  	[sflag:s8] =	ssyncset.s32 @!p0 $0xFFFFF086;
	s6 =	sadd.s32 @!p0 s3, s7;
	s7 =	simm.s32 @!p0 $0x108  }
0x21: {  	s3 =	sadd.s32 s3, s9;
	s6 =	sadd.s32 @!p0 $0x88, s6;
	s7 =	simm.s32 @p2 $0x1082  }
0x22: {  	[simem:s7], [sflag:s8] =	dma.local @!p0 [hbm:s6], $0xF7A  }
0x23: {  	s9 =	sor.u32 $0xD0000000, s2;
	s6 =	simm.s32 $0x108;
	_ =	swait.ge @!p0 [sflag:s8], $0x0  }
0x24: {  	s3 =	sadd.s32 $0x88, s3;
	s6 =	simm.s32 @!p1 $0x1082;
	[sflag:s4] =	ssyncset.s32 $0xFFFFF086  }
0x25: {  	[simem:s6], [sflag:s4] =	dma.local [hbm:s3], $0xF7A  }
0x26: {  	[smem:$0x3F86] =	sst s1;
	(tag) =	ssettag s2;
	_ =	strace s9  }
0x27: {  	s1 =	sld [smem:$0x3F96]  }
0x28: {  	s2 =	sld [smem:$0x3F97]  }
0x29: {  	s4 =	sld [smem:$0x3F99]  }
0x2a: {  	p0 =	seq.s32 s5, $0x0;
	s5 =	sld [smem:$0x3F9A]  }
0x2b: {  	s6 =	sld [smem:$0x3F9B]  }
0x2c: {  	s7 =	sld [smem:$0x3F9C]  }
0x2d: {  	s3 =	simm.s32 $0x108;
	s8 =	sld [smem:$0x3F9D]  }
0x2e: {  	s3 =	simm.s32 @!p0 $0x1082;
	s9 =	sld [smem:$0x3F9E]  }
0x2f: {  	lr =	sadd.s32 s0, s3;
	s0 =	sld [smem:$0x3F95]  }
0x30: {  	s3 =	sld [smem:$0x3F98]  }
0x31: {  	[smem:$0x3FA1] =	sst s10  }
0x32: {  	s10 =	sld [smem:$0x3F9F];
	_ =	sdelay $0x3  }
0x33: {  	p0 =	seq.s32 s10, $0x1;
	s10 =	sld [smem:$0x3FA1];
	_ =	sdelay $0x3  }
0x34: {  	[smem:$0x3FA1] =	sst s10  }
0x35: {  	s10 =	sld [smem:$0x3FA0];
	_ =	sdelay $0x3  }
0x36: {  	p1 =	seq.s32 s10, $0x1;
	s10 =	sld [smem:$0x3FA1];
	_ =	sdelay $0x3  }
0x37: {  	[smem:$0x3FA1] =	sst s10  }
0x38: {  	s10 =	sld [smem:$0x3FA2]  }
0x39: {  	_ = 	snop;
	(pc) =	sbr.ind lr, $3  }
0x3a: {  	_ = 	snop  }
0x3b: {  	_ = 	snop  }
0x3c: {  	p2 =	seq.s32 s10, $0x1;
	s10 =	sld [smem:$0x3FA1]  }
0x3d: {  	_ =	shalt  }
0x3e: {  	_ =	shalt  }
0x3f: {  	_ =	shalt  }
0x40: {  	_ =	shalt  }
0x41: {  	_ =	shalt  }
0x42: {  	_ =	shalt  }
0x43: {  	_ =	shalt  }
0x44: {  	_ =	shalt  }
0x45: {  	_ =	shalt  }
0x46: {  	_ =	shalt  }
0x47: {  	_ =	shalt  }
0x48: {  	_ =	shalt  }
0x49: {  	_ =	shalt  }
0x4a: {  	_ =	shalt  }
0x4b: {  	_ =	shalt  }
0x4c: {  	_ =	shalt  }
0x4d: {  	_ =	shalt  }
0x4e: {  	_ =	shalt  }
0x4f: {  	_ =	shalt  }
0x50: {  	_ =	shalt  }
0x51: {  	_ =	shalt  }
0x52: {  	_ =	shalt  }
0x53: {  	_ =	shalt  }
0x54: {  	_ =	shalt  }
0x55: {  	_ =	shalt  }
0x56: {  	_ =	shalt  }
0x57: {  	_ =	shalt  }
0x58: {  	_ =	shalt  }
0x59: {  	_ =	shalt  }
0x5a: {  	_ =	shalt  }
0x5b: {  	_ =	shalt  }
0x5c: {  	_ =	shalt  }
0x5d: {  	_ =	shalt  }
0x5e: {  	_ =	shalt  }
0x5f: {  	_ =	shalt  }
0x60: {  	_ =	shalt  }
0x61: {  	_ =	shalt  }
0x62: {  	_ =	shalt  }
0x63: {  	_ =	shalt  }
0x64: {  	_ =	shalt  }
0x65: {  	_ =	shalt  }
0x66: {  	_ =	shalt  }
0x67: {  	_ =	shalt  }
0x68: {  	_ =	shalt  }
0x69: {  	_ =	shalt  }
0x6a: {  	_ =	shalt  }
0x6b: {  	_ =	shalt  }
0x6c: {  	_ =	shalt  }
0x6d: {  	_ =	shalt  }
0x6e: {  	_ =	shalt  }
0x6f: {  	_ =	shalt  }
0x70: {  	_ =	shalt  }
0x71: {  	_ =	shalt  }
0x72: {  	_ =	shalt  }
0x73: {  	_ =	shalt  }
0x74: {  	_ =	shalt  }
0x75: {  	_ =	shalt  }
0x76: {  	_ =	shalt  }
0x77: {  	_ =	shalt  }
0x78: {  	_ =	shalt  }
0x79: {  	_ =	shalt  }
0x7a: {  	_ =	shalt  }
0x7b: {  	_ =	shalt  }
0x7c: {  	_ =	shalt  }
0x7d: {  	_ =	shalt  }
0x7e: {  	_ =	shalt  }
0x7f: {  	_ =	shalt  }
0x80: {  	_ =	shalt  }
0x81: {  	_ =	shalt  }
0x82: {  	_ =	shalt  }
0x83: {  	_ =	shalt  }
0x84: {  	_ =	shalt  }
0x85: {  	_ =	shalt  }
0x86: {  	_ =	shalt  }
0x87: {  	_ =	shalt  }
.Lfunc_end0:
.L_simem_size_0:
called_computation_lowered:
.L_overlay_start_0:
0x88: {  	s2 =	sld [smem:$0x3FD9]  }
0x89: {  	s3 =	sld [smem:$0x3FFE];
	_ =	sdelay $0x1  }
0x8a: {  	s1 =	srdreg.scid  }
0x8b: {  	s0 =	sand.u32 $0x1, s1  }
0x8c: {  	s14 =	sshll.u32 s0, $0xA;
	s2 =	sadd.s32 s3, s2  }
0x8d: {  	s2 =	sadd.s32 s2, s14  }
0x8e: {  	[smem:$0x3FAD] =	sst s2  }
0x8f: {  	_ = 	snop  }
0x90: {  	s2 =	sld [smem:$0x3FD0];
	_ =	sdelay $0x2  }
0x91: {  	s15 =	simm.s32 $0xA;
	s4 =	simm.s32 $0x10  }
0x92: {  	[smem:s4], [sflag:s15] =	dma.local [hbm:s2], $0x1  }
0x93: {  	_ =	swait.eq [sflag:s15], $0x1  }
0x94: {  	[sflag:s15] =	ssyncset.done $0x0  }
0x95: {  	[sflag:s15] =	ssyncadd.s32 $0xFFFFFFFF  }
0x96: {  	s16 =	sld [smem:$0x11];
	(tm) =	ssettm $0x1  }
0x97: {  	s17 =	sld [smem:$0x3FFB];
	_ =	sdelay $0x3  }
0x98: {  	_ =	strace s17  }
0x99: {  	s3 =	sld [smem:$0x3FFC];
	_ =	sdelay $0x3  }
0x9a: {  	_ =	strace s3  }
0x9b: {  	s3 =	sld [smem:$0x3FFD];
	_ =	sdelay $0x3  }
0x9c: {  	_ =	strace s3  }
0x9d: {  	_ =	strace $0x8FFFFFFF  }
0x9e: {  	s18 =	sld [smem:$0x3FDB];
	_ =	sdelay $0x1  }
0x9f: {  	s19 =	simm.s32 $_scs_section_size  }
0xa0: {  	s5 =	simm.s32 $_size__tile_overlayer_lowered;
	s6 =	simm.s32 $_tile_overlayer_lowered  }
0xa1: {  	s22 =	simm.s32 $0x1BFF;
	s21 =	sshll.u32 s6, $0x1;
	s3 =	sadd.s32 s19, s18  }
0xa2: {  	s7 =	simm.s32 $0x0;
	s20 =	sshll.u32 s5, $0x1;
	s5 =	sadd.s32 s21, s3  }
0xa3: {  	[timem:s7], [sflag:s22] =	dma.local [hbm:s5], s20  }
0xa4: {  	_ =	swait.ge [sflag:s22], s20  }
0xa5: {  	s4 =	ssub.s32 $0x0, s20;
	[sflag:s22] =	ssyncset.done $0x0  }
0xa6: {  	[sflag:s22] =	ssyncadd.s32 s4;
	_ =	sdelay $0x1  }
0xa7: {  	s23 =	simm.s32 $0x1B8B  }
0xa8: {  	_ =	swait.ge [sflag:s23], $0x1  }
0xa9: {  	[sflag:s23] =	ssyncset.done $0x0  }
0xaa: {  	s25 =	simm.s32 $0x1B8E;
	s24 =	sld [smem:$0x3FFE];
	[sflag:s23] =	ssyncadd.s32 $0xFFFFFFFF  }
0xab: {  	s26 =	simm.s32 $execute0_lowered;
	[smem:$0x3FD2] =	sst s25  }
0xac: {  	s5 =	sshll.u32 s26, $0x1;
	_ =	strace $0x80000046;
	[dreg:$0x1] =	wrdreg $0xFFFFFFFF  }
0xad: {  	s28 =	simm.s32 $_size_execute0_lowered;
	s3 =	sadd.s32 s3, s5;
	[dreg:$0x0] =	wrdreg $0x0  }
0xae: {  	s5 =	sshll.u32 s28, $0x1;
	[dreg:$0x2] =	wrdreg s3  }
0xaf: {  	[dreg:$0x3] =	wrdreg s5  }
0xb0: {  	[dreg:$0x4] =	wrdreg $0xC0  }
0xb1: {  	_ =	task [dreg:s7], $0x5FFFF  }
0xb2: {  	[dreg:$0x1] =	wrdreg $0xFFFFFFFF  }
0xb3: {  	[dreg:$0x0] =	wrdreg $0x60  }
0xb4: {  	[dreg:$0x2] =	wrdreg s16  }
0xb5: {  	[dreg:$0x3] =	wrdreg s24  }
0xb6: {  	[dreg:$0x4] =	wrdreg $0x51000  }
0xb7: {  	[dreg:$0x5] =	wrdreg $0x9  }
0xb8: {  	_ =	task.clear_ibuf [dreg:s7], $0x6FFFF;
	_ =	strace $0x90000046  }
0xb9: {  	s29 =	simm.s32 $0x9;
	_ =	strace $0x80000048  }
0xba: {  	_ =	swait.ge [sflag:s29], $0x1  }
0xbb: {  	[sflag:s29] =	ssyncadd.s32 $0xFFFFFFFF  }
0xbc: {  	_ =	strace $0x90000048  }
0xbd: {  	_ =	sfence  }
0xbe: {  	s30 =	sld [smem:$0x0];
	_ =	sdelay $0x2  }
0xbf: {  	s31 =	sshll.u32 s1, $0xD;
	s1 =	sshrl.u32 s1, $0x2  }
0xc0: {  	s3 =	sand.u32 $0x4000, s31;
	s1 =	sadd.s32 s1, s30  }
0xc1: {  	s0 =	sor.u32 s3, s0;
	s1 =	sshll.u32 s1, $0x11  }
0xc2: {  	s0 =	sor.u32 s1, s0  }
0xc3: {  	s0 =	sadd.s32 $0x8F2B, s0  }
0xc4: {  	[sflag:s0] =	ssyncadd.remote.s32 $0x1  }
0xc5: {  	_ =	sfence.sel $0xFFFF  }
0xc6: {  	[dreg:$0x0] =	wrdreg $0xFFFFFFFF;
	(pc) =	sbr.abs _section_cstart, $3  }
0xc7: {  	[dreg:$0x1] =	wrdreg $0xFFFFFFFF  }
0xc8: {  	_ =	task.clear_ibuf [dreg:s7], $0x2FFFF;
	_ =	strace $0x9FFFFFFF  }
0xc9: {  	(tm) =	ssettm $0x7FFFFFFF  }
tec
execute0_lowered:
.L_overlay_start_1:
0x0: {  	(tag) =	ssettag $0x1  }
0x1: {  	s1 =	rddreg [dreg:$0x0]  }
0x2: {  	s8 =	rddreg [dreg:$0x1]  }
0x3: {  	s2 =	rddreg [dreg:$0x2];
	s4 =	simm.s32 $0x0;
	s6 =	srdreg.scid  }
0x4: {  	s3 =	stileid.u32;
	s22 =	simm.s32 $0x80;
	s23 =	simm.s32 $0x50  }
0x5: {  	s26 =	simm.s32 $0x2900;
	[smem:$0x7FF] =	sst s4;
	s5 =	sadd.s32 $0x4F5400, s8  }
0x6: {  	s14 =	sand.u32 $0x1, s6;
	s9 =	smul.u32 $0x4E000, s3;
	s6 =	sadd.s32 $0x4EB600, s8  }
0x7: {  	s24 =	simm.s32 $0x1;
	s7 =	sadd.s32 $0x4FF400, s8;
	s17 =	sadd.s32 $0x9E1400, s8  }
0x8: {  	s18 =	smul.u32 $0x2700, s3;
	s25 =	sadd.s32 $0x124800, s2;
	p0 =	seq.s32 s3, $0xF  }
0x9: {  	_ =	strace $0x80000047;
	s10 =	ssub.s32 $0x2, s14;
	s20 =	smul.u32 $0x138800, s14  }
0xa: {  	s31 =	sshll.u32 s14, $0x4;
	s21 =	smul.u32 $0x27100, s14;
	s25 =	sshrl.u32 @p0 s25, $0x3  }
0xb: {  	s30 =	sshrl.u32 s10, $0x1;
	s9 =	sshrl.u32 s9, $0x2;
	s16 =	sor.u32 s3, s31  }
0xc: {  	s19 =	ssub.s32 s10, s30;
	s8 =	sadd.s32 s9, s2;
	s20 =	sshrl.u32 s20, $0x3  }
0xd: {  	s16 =	smul.u32 $0x2710, s16;
	s18 =	sadd.s32 s18, s21;
	s21 =	simm.s32 $0x2  }
0xe: {  	s9 =	sadd.s32 $0x2800, s8;
	s10 =	sadd.s32 $0x5000, s8;
	s11 =	sadd.s32 $0x7800, s8  }
0xf: {  	s12 =	sadd.s32 $0xA000, s8;
	s13 =	sadd.s32 $0xC800, s8;
	s14 =	sadd.s32 $0xF000, s8  }
0x10: {  	s15 =	sadd.s32 $0x11800, s8;
	s20 =	sadd.s32 s17, s20;
	s17 =	sadd.s32 s17, s18  }
0x11: {  	v0 =	vimm.f32 $0.0e+00;
	s19 =	smax.u32 s19, $0x1;
	s18 =	sadd.s32 $0x24900, s20;
	s20 =	simm.s32 $0x100  }
.LBB2_1:
0x12: {  	s28 =	simm.s32 $0x0;
	s29 =	simm.s32 $0x200  }
.LBB2_2:
0x13: {  	p1 =	sne.s32 s29, $0x9E00;
	[tilespmem:s28+$0x170] =	vst v0  }
0x14: {  	[tilespmem:s28+$0x100] =	vst v0  }
0x15: {  	[tilespmem:s28+$0x110] =	vst v0  }
.Ltmp0:
0x16: {  	[tilespmem:s28+$0x120] =	vst v0;
	(pc) =	sbr.rel @p1 .LBB2_2-.Ltmp0, $4  }
0x17: {  	[tilespmem:s28+$0x130] =	vst v0  }
0x18: {  	[tilespmem:s28+$0x140] =	vst v0  }
0x19: {  	[tilespmem:s28+$0x150] =	vst v0  }
0x1a: {  	[tilespmem:s28+$0x160] =	vst v0;
	s28 =	sshra.s32 s29, $0x2;
	s29 =	sadd.s32 $0x200, s29  }
0x1b: {  	[tilespmem:s28+$0x170] =	vst v0  }
0x1c: {  	[tilespmem:s28+$0x100] =	vst v0  }
0x1d: {  	[tilespmem:s28+$0x110] =	vst v0  }
0x1e: {  	[tilespmem:s28+$0x120] =	vst v0  }
0x1f: {  	[tilespmem:s28+$0x130] =	vst v0  }
0x20: {  	[tilespmem:s28+$0x140] =	vst v0  }
0x21: {  	[tilespmem:s28+$0x150] =	vst v0  }
0x22: {  	[tilespmem:s28+$0x160] =	vst v0  }
0x23: {  	[spmem:s8] =	stream.linear.scatter [tilespmem:s20], [sflag:$0x2], $0x2800, $0x38;
	[tilespmem:$0x18980] =	vst v63  }
0x24: {  	_ =	swait.ge [sflag:s21], $0x2800  }
0x25: {  	[sflag:s21] =	ssyncset.done $0x0  }
0x26: {  	[sflag:s21] =	ssyncadd.s32 $0xFFFFD800  }
0x27: {  	[spmem:s9] =	stream.linear.scatter [tilespmem:s20], [sflag:$0x2], $0x2800, $0x38;
	[tilespmem:$0x18980] =	vst v63  }
0x28: {  	_ =	swait.ge [sflag:s21], $0x2800  }
0x29: {  	[sflag:s21] =	ssyncset.done $0x0  }
0x2a: {  	[sflag:s21] =	ssyncadd.s32 $0xFFFFD800  }
0x2b: {  	[spmem:s10] =	stream.linear.scatter [tilespmem:s20], [sflag:$0x2], $0x2800, $0x38;
	[tilespmem:$0x18980] =	vst v63  }
0x2c: {  	_ =	swait.ge [sflag:s21], $0x2800  }
0x2d: {  	[sflag:s21] =	ssyncset.done $0x0  }
0x2e: {  	[sflag:s21] =	ssyncadd.s32 $0xFFFFD800  }
0x2f: {  	[spmem:s11] =	stream.linear.scatter [tilespmem:s20], [sflag:$0x2], $0x2800, $0x38;
	[tilespmem:$0x18980] =	vst v63  }
0x30: {  	_ =	swait.ge [sflag:s21], $0x2800  }
0x31: {  	[sflag:s21] =	ssyncset.done $0x0  }
0x32: {  	[sflag:s21] =	ssyncadd.s32 $0xFFFFD800  }
0x33: {  	[spmem:s12] =	stream.linear.scatter [tilespmem:s20], [sflag:$0x2], $0x2800, $0x38;
	[tilespmem:$0x18980] =	vst v63  }
0x34: {  	_ =	swait.ge [sflag:s21], $0x2800  }
0x35: {  	[sflag:s21] =	ssyncset.done $0x0  }
0x36: {  	[sflag:s21] =	ssyncadd.s32 $0xFFFFD800  }
0x37: {  	[spmem:s13] =	stream.linear.scatter [tilespmem:s20], [sflag:$0x2], $0x2800, $0x38;
	[tilespmem:$0x18980] =	vst v63  }
0x38: {  	_ =	swait.ge [sflag:s21], $0x2800  }
0x39: {  	[sflag:s21] =	ssyncset.done $0x0  }
0x3a: {  	[sflag:s21] =	ssyncadd.s32 $0xFFFFD800  }
0x3b: {  	[spmem:s14] =	stream.linear.scatter [tilespmem:s20], [sflag:$0x2], $0x2800, $0x38;
	[tilespmem:$0x18980] =	vst v63  }
0x3c: {  	_ =	swait.ge [sflag:s21], $0x2800  }
0x3d: {  	[sflag:s21] =	ssyncset.done $0x0  }
0x3e: {  	[sflag:s21] =	ssyncadd.s32 $0xFFFFD800  }
0x3f: {  	[spmem:s15] =	stream.linear.scatter [tilespmem:s20], [sflag:$0x2], $0x2800, $0x38;
	[tilespmem:$0x18980] =	vst v63  }
0x40: {  	_ =	swait.ge [sflag:s21], $0x2800  }
0x41: {  	[sflag:s21] =	ssyncset.done $0x0  }
0x42: {  	[sflag:s21] =	ssyncadd.s32 $0xFFFFD800  }
0x43: {  	s28 =	simm.s32 $0x0;
	s29 =	simm.s32 $0x0;
	[bflag:$0x0] =	sbarrier.arrive $0xFFFF  }
.LBB2_4:
0x44: {  	s30 =	smul.u32 $0x50, s29;
	_ =	sdelay $0x1  }
0x45: {  	s30 =	sadd.s32 s16, s30  }
0x46: {  	s31 =	sshrl.u32 s30, $0x3  }
0x47: {  	s0 =	sadd.s32 s5, s31  }
0x48: {  	[tilespmem:s28], [sflag:$0x2] =	stream.linear.gather [hbm4b:s0+s28], $0x50, $0x38;
	[tilespmem:$0x18980] =	vst v63  }
0x49: {  	_ =	swait.ge [sflag:s21], $0x50  }
0x4a: {  	[sflag:s21] =	ssyncset.done $0x0  }
0x4b: {  	s0 =	sadd.s32 s6, s31;
	[sflag:s21] =	ssyncadd.s32 $0xFFFFFFB0  }
0x4c: {  	[tilespmem:s22], [sflag:$0x2] =	stream.linear.gather [hbm4b:s0+s28], $0x50, $0x38;
	[tilespmem:$0x18980] =	vst v63  }
0x4d: {  	_ =	swait.ge [sflag:s21], $0x50  }
0x4e: {  	[sflag:s21] =	ssyncset.done $0x0  }
0x4f: {  	[sflag:s21] =	ssyncadd.s32 $0xFFFFFFB0  }
0x50: {  	[tilespmem:s20], [sflag:$0x1] =	stream.indirect.gather [hbm4b:s1+s23], $0x80, s28, s23, $0xb8;
	[tilespmem:$0x18980] =	vst v63  }
0x51: {  	_ =	swait.ge [sflag:s24], $0x2800  }
0x52: {  	s0 =	sshll.u32 s30, $0x4;
	[sflag:s24] =	ssyncset.done $0x0  }
0x53: {  	s0 =	sadd.s32 s7, s0;
	[sflag:s24] =	ssyncadd.s32 $0xFFFFD800  }
0x54: {  	[tilespmem:s26], [sflag:$0x2] =	stream.linear.gather [hbm4b:s0+s28], $0x2800, $0x38;
	[tilespmem:$0x18980] =	vst v63  }
0x55: {  	_ =	swait.ge [sflag:s21], $0x2800  }
0x56: {  	[sflag:s21] =	ssyncset.done $0x0  }
0x57: {  	s30 =	simm.s32 $0x0;
	[sflag:s21] =	ssyncadd.s32 $0xFFFFD800  }
0x58: {  	v7 =	vld [tilespmem:s30+$0x2900]  }
0x59: {  	v12 =	vld [tilespmem:s30+$0x2910]  }
0x5a: {  	v6 =	vld [tilespmem:s30+$0x2920]  }
0x5b: {  	v5 =	vld [tilespmem:s30+$0x2930]  }
0x5c: {  	v4 =	vld [tilespmem:s30+$0x2940]  }
0x5d: {  	v3 =	vld [tilespmem:s30+$0x2950]  }
0x5e: {  	v2 =	vld [tilespmem:s30+$0x2960]  }
0x5f: {  	v1 =	vld [tilespmem:s30+$0x2970]  }
0x60: {  	v13 =	vld [tilespmem:s30+$0x100]  }
0x61: {  	v14 =	vld [tilespmem:s30+$0x110]  }
0x62: {  	v11 =	vld [tilespmem:s30+$0x120]  }
0x63: {  	v10 =	vld [tilespmem:s30+$0x130]  }
0x64: {  	v9 =	vld [tilespmem:s30+$0x140]  }
0x65: {  	v8 =	vld [tilespmem:s30+$0x150];
	v13 =	vadd.f32 v7, v13  }
0x66: {  	s31 =	simm.s32 $0x200;
	v12 =	vadd.f32 v12, v14;
	v7 =	vld [tilespmem:s30+$0x160]  }
.LBB2_5:
0x67: {  	s0 =	sshra.s32 s31, $0x2;
	p1 =	sne.s32 s31, $0x9E00;
	v13 =	vmax.f32 v13, $0.0e+00;
	v6 =	vadd.f32 v6, v11;
	v11 =	vld [tilespmem:s30+$0x170]  }
0x68: {  	v14 =	vld [tilespmem:s0+$0x2900];
	[tilespmem:s30+$0x100] =	vst v13;
	v12 =	vmax.f32 v12, $0.0e+00;
	v5 =	vadd.f32 v5, v10  }
0x69: {  	v15 =	vld [tilespmem:s0+$0x2910];
	[tilespmem:s30+$0x110] =	vst v12;
	v10 =	vmax.f32 v6, $0.0e+00;
	v4 =	vadd.f32 v4, v9  }
0x6a: {  	v6 =	vld [tilespmem:s0+$0x2920];
	[tilespmem:s30+$0x120] =	vst v10;
	v9 =	vmax.f32 v5, $0.0e+00;
	v3 =	vadd.f32 v3, v8  }
0x6b: {  	v5 =	vld [tilespmem:s0+$0x2930];
	[tilespmem:s30+$0x130] =	vst v9;
	v8 =	vmax.f32 v4, $0.0e+00;
	v2 =	vadd.f32 v2, v7  }
0x6c: {  	v4 =	vld [tilespmem:s0+$0x2940];
	[tilespmem:s30+$0x140] =	vst v8;
	v7 =	vmax.f32 v3, $0.0e+00;
	v1 =	vadd.f32 v1, v11  }
0x6d: {  	v3 =	vld [tilespmem:s0+$0x2950];
	[tilespmem:s30+$0x150] =	vst v7;
	v7 =	vmax.f32 v2, $0.0e+00  }
0x6e: {  	v2 =	vld [tilespmem:s0+$0x2960];
	[tilespmem:s30+$0x160] =	vst v7;
	v7 =	vmax.f32 v1, $0.0e+00  }
0x6f: {  	v1 =	vld [tilespmem:s0+$0x2970];
	[tilespmem:s30+$0x170] =	vst v7;
	s30 =	smov.u32 s0  }
0x70: {  	v7 =	vld [tilespmem:s30+$0x100]  }
0x71: {  	v12 =	vld [tilespmem:s30+$0x110]  }
.Ltmp1:
0x72: {  	v11 =	vld [tilespmem:s30+$0x120];
	(pc) =	sbr.rel @p1 .LBB2_5-.Ltmp1, $4  }
0x73: {  	v10 =	vld [tilespmem:s30+$0x130]  }
0x74: {  	v9 =	vld [tilespmem:s30+$0x140]  }
0x75: {  	v13 =	vadd.f32 v14, v7;
	v8 =	vld [tilespmem:s30+$0x150]  }
0x76: {  	s31 =	sadd.s32 $0x200, s31;
	v12 =	vadd.f32 v15, v12;
	v7 =	vld [tilespmem:s30+$0x160]  }
0x77: {  	v13 =	vmax.f32 v13, $0.0e+00;
	v6 =	vadd.f32 v6, v11;
	v63 =	vld [tilespmem:s30+$0x170]  }
0x78: {  	[tilespmem:s30+$0x100] =	vst v13;
	v12 =	vmax.f32 v12, $0.0e+00;
	v5 =	vadd.f32 v5, v10  }
0x79: {  	[tilespmem:s30+$0x110] =	vst v12;
	v6 =	vmax.f32 v6, $0.0e+00;
	v4 =	vadd.f32 v4, v9  }
0x7a: {  	[tilespmem:s30+$0x120] =	vst v6;
	v5 =	vmax.f32 v5, $0.0e+00;
	v3 =	vadd.f32 v3, v8  }
0x7b: {  	[tilespmem:s30+$0x130] =	vst v5;
	v4 =	vmax.f32 v4, $0.0e+00;
	v2 =	vadd.f32 v2, v7  }
0x7c: {  	[tilespmem:s30+$0x140] =	vst v4;
	v3 =	vmax.f32 v3, $0.0e+00;
	v1 =	vadd.f32 v1, v63  }
0x7d: {  	s29 =	sadd.s32 $0x1, s29;
	[tilespmem:s30+$0x150] =	vst v3;
	v2 =	vmax.f32 v2, $0.0e+00  }
0x7e: {  	p1 =	sne.s32 s29, $0x7D;
	[tilespmem:s30+$0x160] =	vst v2;
	v1 =	vmax.f32 v1, $0.0e+00  }
.Ltmp2:
0x7f: {  	[tilespmem:s30+$0x170] =	vst v1;
	(pc) =	sbr.rel @p1 .LBB2_4-.Ltmp2, $4  }
0x80: {  	[spmem:s2] =	stream.indirect.scatter.add.f32 [tilespmem:s20], [sflag:$0x2], $0x80, s22, s23, $0xb8;
	[tilespmem:$0x18980] =	vst v63  }
0x81: {  	_ =	swait.ge [sflag:s21], $0x2800  }
0x82: {  	[sflag:s21] =	ssyncset.done $0x0  }
0x83: {  	[sflag:s21] =	ssyncadd.s32 $0xFFFFD800  }
0x84: {  	[bflag:$0x0] =	sbarrier.arrive $0xFFFF;
	s0 =	simm.s32 @p0 $0x1FC2  }
0x85: {  	[hbm:s18], [sflag:s0] =	dma.local @p0 [spmem:s25], $0x2800  }
0x86: {  	s0 =	simm.s32 @p0 $0x2  }
0x87: {  	s4 =	sadd.s32 $0x1, s4;
	_ =	swait.ge @p0 [sflag:s0], $0x2800  }
0x88: {  	s28 =	sshll.u32 @!p0 s3, $0x6;
	p1 =	sne.s32 s4, s19;
	[sflag:s0] =	ssyncset.done @p0 $0x0  }
0x89: {  	[sflag:s0] =	ssyncadd.s32 @p0 $0xFFFFD800;
	s0 =	sor.u32 @!p0 $0x1C02, s28;
	s28 =	sshrl.u32 @!p0 s8, $0x3  }
0x8a: {  	[hbm:s17], [sflag:s0] =	dma.local @!p0 [spmem:s28], $0x2700  }
.Ltmp3:
0x8b: {  	_ = 	snop;
	(pc) =	sbr.rel @p1 .LBB2_1-.Ltmp3, $4  }
0x8c: {  	s0 =	simm.s32 @!p0 $0x2  }
0x8d: {  	_ =	swait.ge @!p0 [sflag:s0], $0x2700  }
0x8e: {  	[sflag:s0] =	ssyncset.done @!p0 $0x0  }
0x8f: {  	[sflag:s0] =	ssyncadd.s32 @!p0 $0xFFFFD900  }
0x90: {  	_ =	sfence.sel $0x180000  }
0x91: {  	[bflag:$0x0] =	sbarrier.arrive $0xFFFF  }
0x92: {  	_ =	strace $0x90000047  }
0x93: {  	[bflag:$0x2] =	sbarrier.arrive $0xFFFF  }
0x94: {  	p0 =	sne.s32 s3, $0x0;
	s0 =	rddreg [dreg:$0x3]  }
0x95: {  	s0 =	sadd.s32 @!p0 $0x100000, s0  }
0x96: {  	[sflag:s0] =	ssyncadd.tile.s32 @!p0 $0x1;
	_ =	shalt  }
.Lfunc_end2:
_tile_overlayer_lowered:
.L_overlay_start_2:
0x97: {  	(tag) =	ssettag $0x2  }
0x98: {  	s0 =	rddreg [dreg:$0x0];
	s2 =	stileid.u32  }
0x99: {  	s1 =	rddreg [dreg:$0x1];
	p0 =	sne.s32 s2, $0x0  }
0x9a: {  	s3 =	rddreg [dreg:$0x2];
	[bflag:$0x3] =	sbarrier.arrive $0xFFFF;
	s2 =	simm.s32 @!p0 $0x1C02  }
0x9b: {  	[timem:s3], [sflag:s2] =	dma.local @!p0 [hbm:s0], s1  }
0x9c: {  	s0 =	simm.s32 @!p0 $0x2  }
0x9d: {  	_ =	swait.ge @!p0 [sflag:s0], s1  }
0x9e: {  	s1 =	ssub.s32 @!p0 $0x0, s1;
	[sflag:s0] =	ssyncset.done @!p0 $0x0  }
0x9f: {  	[sflag:s0] =	ssyncadd.s32 @!p0 s1  }
0xa0: {  	[bflag:$0x3] =	sbarrier.arrive $0xFFFF  }
0xa1: {  	_ =	shalt  }

// kernel: kernel.20.cloned.1.call-start
scs
__scs_entry_jumppad:
0x0: {  	(pc) =	sbr.rel $0x88, $3  }
0x1: {  	(tag) =	ssettag $0x0;
	lr =	simm.s32 $0x1  }
0x2: {  	[smem:$0x3F86] =	sst lr;
	_ =	strace $0xD0000000  }
0x3: {  	_ = 	snop  }
0x4: {  	_ = 	snop  }
0x5: {  	_ = 	snop  }
0x6: {  	_ = 	snop  }
0x7: {  	_ = 	snop  }
__scs_overlays_trampoline_lowered:
0x8: {  	[smem:$0x3F95] =	sst s0  }
0x9: {  	[smem:$0x3F96] =	sst s1  }
0xa: {  	[smem:$0x3F97] =	sst s2  }
0xb: {  	[smem:$0x3F98] =	sst s3  }
0xc: {  	[smem:$0x3F99] =	sst s4  }
0xd: {  	[smem:$0x3F9A] =	sst s5  }
0xe: {  	[smem:$0x3F9B] =	sst s6  }
0xf: {  	[smem:$0x3F9C] =	sst s7  }
0x10: {  	[smem:$0x3F9D] =	sst s8  }
0x11: {  	[smem:$0x3F9E] =	sst s9;
	s0 =	simm.s32 @!p0 $0x0  }
0x12: {  	s1 =	sld [smem:$0x3F84];
	s0 =	simm.s32 @p0 $0x1  }
0x13: {  	[smem:$0x3F9F] =	sst s0;
	s0 =	simm.s32 @!p1 $0x0  }
0x14: {  	s2 =	sld [smem:$0x3F83];
	s0 =	simm.s32 @p1 $0x1  }
0x15: {  	[smem:$0x3FA0] =	sst s0;
	s0 =	simm.s32 @!p2 $0x0  }
0x16: {  	s3 =	sld [smem:$0x3FDB];
	s0 =	simm.s32 @p2 $0x1  }
0x17: {  	s4 =	simm.s32 $0x1BF5;
	[smem:$0x3FA2] =	sst s0  }
0x18: {  	s0 =	sld [smem:$0x3F85];
	_ =	swait.ge [sflag:s4], $0x0  }
0x19: {  	s7 =	sld [smem:$0x3F86]  }
0x1a: {  	s8 =	sadd.s32 $0xFFFFE003, lr  }
0x1b: {  	s9 =	sadd.s32 $0xFFFFFEF7, lr;
	s5 =	simm.s32 $0xFFFFFFFF;
	p2 =	slt.u32 s8, $0xFFFFF086  }
0x1c: {  	p1 =	slt.u32 s9, $0xF7A;
	s5 =	simm.s32 @!p2 $0x0  }
0x1d: {  	s5 =	simm.s32 @p1 $0x1;
	p0 =	seq.s32 s7, s2  }
0x1e: {  	s7 =	smul.u32 @!p0 $0xF7A, s2;
	p2 =	seq.s32 @!p0 s5, $0x0  }
0x1f: {  	s9 =	smul.u32 $0xF7A, s1;
	s8 =	simm.s32 @!p0 $0x1BF5;
	p2 =	por !p2, p0  }
0x20: {  	[sflag:s8] =	ssyncset.s32 @!p0 $0xFFFFF086;
	s6 =	sadd.s32 @!p0 s3, s7;
	s7 =	simm.s32 @!p0 $0x108  }
0x21: {  	s3 =	sadd.s32 s3, s9;
	s6 =	sadd.s32 @!p0 $0x88, s6;
	s7 =	simm.s32 @p2 $0x1082  }
0x22: {  	[simem:s7], [sflag:s8] =	dma.local @!p0 [hbm:s6], $0xF7A  }
0x23: {  	s9 =	sor.u32 $0xD0000000, s2;
	s6 =	simm.s32 $0x108;
	_ =	swait.ge @!p0 [sflag:s8], $0x0  }
0x24: {  	s3 =	sadd.s32 $0x88, s3;
	s6 =	simm.s32 @!p1 $0x1082;
	[sflag:s4] =	ssyncset.s32 $0xFFFFF086  }
0x25: {  	[simem:s6], [sflag:s4] =	dma.local [hbm:s3], $0xF7A  }
0x26: {  	[smem:$0x3F86] =	sst s1;
	(tag) =	ssettag s2;
	_ =	strace s9  }
0x27: {  	s1 =	sld [smem:$0x3F96]  }
0x28: {  	s2 =	sld [smem:$0x3F97]  }
0x29: {  	s4 =	sld [smem:$0x3F99]  }
0x2a: {  	p0 =	seq.s32 s5, $0x0;
	s5 =	sld [smem:$0x3F9A]  }
0x2b: {  	s6 =	sld [smem:$0x3F9B]  }
0x2c: {  	s7 =	sld [smem:$0x3F9C]  }
0x2d: {  	s3 =	simm.s32 $0x108;
	s8 =	sld [smem:$0x3F9D]  }
0x2e: {  	s3 =	simm.s32 @!p0 $0x1082;
	s9 =	sld [smem:$0x3F9E]  }
0x2f: {  	lr =	sadd.s32 s0, s3;
	s0 =	sld [smem:$0x3F95]  }
0x30: {  	s3 =	sld [smem:$0x3F98]  }
0x31: {  	[smem:$0x3FA1] =	sst s10  }
0x32: {  	s10 =	sld [smem:$0x3F9F];
	_ =	sdelay $0x3  }
0x33: {  	p0 =	seq.s32 s10, $0x1;
	s10 =	sld [smem:$0x3FA1];
	_ =	sdelay $0x3  }
0x34: {  	[smem:$0x3FA1] =	sst s10  }
0x35: {  	s10 =	sld [smem:$0x3FA0];
	_ =	sdelay $0x3  }
0x36: {  	p1 =	seq.s32 s10, $0x1;
	s10 =	sld [smem:$0x3FA1];
	_ =	sdelay $0x3  }
0x37: {  	[smem:$0x3FA1] =	sst s10  }
0x38: {  	s10 =	sld [smem:$0x3FA2]  }
0x39: {  	_ = 	snop;
	(pc) =	sbr.ind lr, $3  }
0x3a: {  	_ = 	snop  }
0x3b: {  	_ = 	snop  }
0x3c: {  	p2 =	seq.s32 s10, $0x1;
	s10 =	sld [smem:$0x3FA1]  }
0x3d: {  	_ =	shalt  }
0x3e: {  	_ =	shalt  }
0x3f: {  	_ =	shalt  }
0x40: {  	_ =	shalt  }
0x41: {  	_ =	shalt  }
0x42: {  	_ =	shalt  }
0x43: {  	_ =	shalt  }
0x44: {  	_ =	shalt  }
0x45: {  	_ =	shalt  }
0x46: {  	_ =	shalt  }
0x47: {  	_ =	shalt  }
0x48: {  	_ =	shalt  }
0x49: {  	_ =	shalt  }
0x4a: {  	_ =	shalt  }
0x4b: {  	_ =	shalt  }
0x4c: {  	_ =	shalt  }
0x4d: {  	_ =	shalt  }
0x4e: {  	_ =	shalt  }
0x4f: {  	_ =	shalt  }
0x50: {  	_ =	shalt  }
0x51: {  	_ =	shalt  }
0x52: {  	_ =	shalt  }
0x53: {  	_ =	shalt  }
0x54: {  	_ =	shalt  }
0x55: {  	_ =	shalt  }
0x56: {  	_ =	shalt  }
0x57: {  	_ =	shalt  }
0x58: {  	_ =	shalt  }
0x59: {  	_ =	shalt  }
0x5a: {  	_ =	shalt  }
0x5b: {  	_ =	shalt  }
0x5c: {  	_ =	shalt  }
0x5d: {  	_ =	shalt  }
0x5e: {  	_ =	shalt  }
0x5f: {  	_ =	shalt  }
0x60: {  	_ =	shalt  }
0x61: {  	_ =	shalt  }
0x62: {  	_ =	shalt  }
0x63: {  	_ =	shalt  }
0x64: {  	_ =	shalt  }
0x65: {  	_ =	shalt  }
0x66: {  	_ =	shalt  }
0x67: {  	_ =	shalt  }
0x68: {  	_ =	shalt  }
0x69: {  	_ =	shalt  }
0x6a: {  	_ =	shalt  }
0x6b: {  	_ =	shalt  }
0x6c: {  	_ =	shalt  }
0x6d: {  	_ =	shalt  }
0x6e: {  	_ =	shalt  }
0x6f: {  	_ =	shalt  }
0x70: {  	_ =	shalt  }
0x71: {  	_ =	shalt  }
0x72: {  	_ =	shalt  }
0x73: {  	_ =	shalt  }
0x74: {  	_ =	shalt  }
0x75: {  	_ =	shalt  }
0x76: {  	_ =	shalt  }
0x77: {  	_ =	shalt  }
0x78: {  	_ =	shalt  }
0x79: {  	_ =	shalt  }
0x7a: {  	_ =	shalt  }
0x7b: {  	_ =	shalt  }
0x7c: {  	_ =	shalt  }
0x7d: {  	_ =	shalt  }
0x7e: {  	_ =	shalt  }
0x7f: {  	_ =	shalt  }
0x80: {  	_ =	shalt  }
0x81: {  	_ =	shalt  }
0x82: {  	_ =	shalt  }
0x83: {  	_ =	shalt  }
0x84: {  	_ =	shalt  }
0x85: {  	_ =	shalt  }
0x86: {  	_ =	shalt  }
0x87: {  	_ =	shalt  }
.Lfunc_end0:
.L_simem_size_0:
called_computation.1_lowered:
.L_overlay_start_0:
0x88: {  	s2 =	sld [smem:$0x3FD9]  }
0x89: {  	s3 =	sld [smem:$0x3FFE];
	_ =	sdelay $0x1  }
0x8a: {  	s1 =	srdreg.scid  }
0x8b: {  	s0 =	sand.u32 $0x1, s1  }
0x8c: {  	s14 =	sshll.u32 s0, $0xA;
	s2 =	sadd.s32 s3, s2  }
0x8d: {  	s2 =	sadd.s32 s2, s14  }
0x8e: {  	[smem:$0x3FAD] =	sst s2  }
0x8f: {  	_ = 	snop  }
0x90: {  	s2 =	sld [smem:$0x3FD0];
	_ =	sdelay $0x2  }
0x91: {  	s15 =	simm.s32 $0xA;
	s4 =	simm.s32 $0x10  }
0x92: {  	[smem:s4], [sflag:s15] =	dma.local [hbm:s2], $0x1  }
0x93: {  	_ =	swait.eq [sflag:s15], $0x1  }
0x94: {  	[sflag:s15] =	ssyncset.done $0x0  }
0x95: {  	[sflag:s15] =	ssyncadd.s32 $0xFFFFFFFF  }
0x96: {  	s16 =	sld [smem:$0x11];
	(tm) =	ssettm $0x1  }
0x97: {  	s17 =	sld [smem:$0x3FFB];
	_ =	sdelay $0x3  }
0x98: {  	_ =	strace s17  }
0x99: {  	s3 =	sld [smem:$0x3FFC];
	_ =	sdelay $0x3  }
0x9a: {  	_ =	strace s3  }
0x9b: {  	s3 =	sld [smem:$0x3FFD];
	_ =	sdelay $0x3  }
0x9c: {  	_ =	strace s3  }
0x9d: {  	_ =	strace $0x8FFFFFFF  }
0x9e: {  	s18 =	sld [smem:$0x3FDB];
	_ =	sdelay $0x1  }
0x9f: {  	s19 =	simm.s32 $_scs_section_size  }
0xa0: {  	s5 =	simm.s32 $_size__tile_overlayer_lowered;
	s6 =	simm.s32 $_tile_overlayer_lowered  }
0xa1: {  	s22 =	simm.s32 $0x1BFF;
	s21 =	sshll.u32 s6, $0x1;
	s3 =	sadd.s32 s19, s18  }
0xa2: {  	s7 =	simm.s32 $0x0;
	s20 =	sshll.u32 s5, $0x1;
	s5 =	sadd.s32 s21, s3  }
0xa3: {  	[timem:s7], [sflag:s22] =	dma.local [hbm:s5], s20  }
0xa4: {  	_ =	swait.ge [sflag:s22], s20  }
0xa5: {  	s4 =	ssub.s32 $0x0, s20;
	[sflag:s22] =	ssyncset.done $0x0  }
0xa6: {  	[sflag:s22] =	ssyncadd.s32 s4;
	_ =	sdelay $0x1  }
0xa7: {  	s23 =	simm.s32 $0x1B8B  }
0xa8: {  	_ =	swait.ge [sflag:s23], $0x1  }
0xa9: {  	[sflag:s23] =	ssyncset.done $0x0  }
0xaa: {  	s25 =	simm.s32 $0x1B8E;
	s24 =	sld [smem:$0x3FFE];
	[sflag:s23] =	ssyncadd.s32 $0xFFFFFFFF  }
0xab: {  	s26 =	simm.s32 $execute0_lowered;
	[smem:$0x3FD2] =	sst s25  }
0xac: {  	s5 =	sshll.u32 s26, $0x1;
	_ =	strace $0x80000049;
	[dreg:$0x1] =	wrdreg $0xFFFFFFFF  }
0xad: {  	s28 =	simm.s32 $_size_execute0_lowered;
	s3 =	sadd.s32 s3, s5;
	[dreg:$0x0] =	wrdreg $0x0  }
0xae: {  	s5 =	sshll.u32 s28, $0x1;
	[dreg:$0x2] =	wrdreg s3  }
0xaf: {  	[dreg:$0x3] =	wrdreg s5  }
0xb0: {  	[dreg:$0x4] =	wrdreg $0xC0  }
0xb1: {  	_ =	task [dreg:s7], $0x5FFFF  }
0xb2: {  	[dreg:$0x1] =	wrdreg $0xFFFFFFFF  }
0xb3: {  	[dreg:$0x0] =	wrdreg $0x60  }
0xb4: {  	[dreg:$0x2] =	wrdreg s16  }
0xb5: {  	[dreg:$0x3] =	wrdreg s24  }
0xb6: {  	[dreg:$0x4] =	wrdreg $0x51000  }
0xb7: {  	[dreg:$0x5] =	wrdreg $0x9  }
0xb8: {  	_ =	task.clear_ibuf [dreg:s7], $0x6FFFF;
	_ =	strace $0x90000049  }
0xb9: {  	s29 =	simm.s32 $0x9;
	_ =	strace $0x8000004B  }
0xba: {  	_ =	swait.ge [sflag:s29], $0x1  }
0xbb: {  	[sflag:s29] =	ssyncadd.s32 $0xFFFFFFFF  }
0xbc: {  	_ =	strace $0x9000004B  }
0xbd: {  	_ =	sfence  }
0xbe: {  	s30 =	sld [smem:$0x0];
	_ =	sdelay $0x2  }
0xbf: {  	s31 =	sshll.u32 s1, $0xD;
	s1 =	sshrl.u32 s1, $0x2  }
0xc0: {  	s3 =	sand.u32 $0x4000, s31;
	s1 =	sadd.s32 s1, s30  }
0xc1: {  	s0 =	sor.u32 s3, s0;
	s1 =	sshll.u32 s1, $0x11  }
0xc2: {  	s0 =	sor.u32 s1, s0  }
0xc3: {  	s0 =	sadd.s32 $0x8F2B, s0  }
0xc4: {  	[sflag:s0] =	ssyncadd.remote.s32 $0x1  }
0xc5: {  	_ =	sfence.sel $0xFFFF  }
0xc6: {  	[dreg:$0x0] =	wrdreg $0xFFFFFFFF;
	(pc) =	sbr.abs _section_cstart, $3  }
0xc7: {  	[dreg:$0x1] =	wrdreg $0xFFFFFFFF  }
0xc8: {  	_ =	task.clear_ibuf [dreg:s7], $0x2FFFF;
	_ =	strace $0x9FFFFFFF  }
0xc9: {  	(tm) =	ssettm $0x7FFFFFFF  }
tec
execute0_lowered:
.L_overlay_start_1:
0x0: {  	(tag) =	ssettag $0x1  }
0x1: {  	s1 =	rddreg [dreg:$0x0]  }
0x2: {  	s8 =	rddreg [dreg:$0x1]  }
0x3: {  	s2 =	rddreg [dreg:$0x2];
	s4 =	simm.s32 $0x0;
	s6 =	srdreg.scid  }
0x4: {  	s3 =	stileid.u32;
	s22 =	simm.s32 $0x80;
	s23 =	simm.s32 $0x50  }
0x5: {  	s24 =	simm.s32 $0x1;
	s26 =	simm.s32 $0x2900;
	[smem:$0x7FF] =	sst s4  }
0x6: {  	s5 =	sadd.s32 $0x4F5400, s8;
	s14 =	sand.u32 $0x1, s6;
	s6 =	sadd.s32 $0x4EB600, s8  }
0x7: {  	s9 =	smul.u32 $0x4E000, s3;
	s7 =	sadd.s32 $0xA30000, s8;
	s17 =	sadd.s32 $0x4FF400, s8  }
0x8: {  	s18 =	smul.u32 $0x2700, s3;
	s25 =	sadd.s32 $0x124800, s2;
	p0 =	seq.s32 s3, $0xF  }
0x9: {  	_ =	strace $0x8000004A;
	s10 =	ssub.s32 $0x2, s14;
	s20 =	smul.u32 $0x138800, s14  }
0xa: {  	s31 =	sshll.u32 s14, $0x4;
	s21 =	smul.u32 $0x27100, s14;
	s25 =	sshrl.u32 @p0 s25, $0x3  }
0xb: {  	s30 =	sshrl.u32 s10, $0x1;
	s9 =	sshrl.u32 s9, $0x2;
	s16 =	sor.u32 s3, s31  }
0xc: {  	s19 =	ssub.s32 s10, s30;
	s8 =	sadd.s32 s9, s2;
	s20 =	sshrl.u32 s20, $0x3  }
0xd: {  	s16 =	smul.u32 $0x2710, s16;
	s18 =	sadd.s32 s18, s21;
	s21 =	simm.s32 $0x2  }
0xe: {  	s9 =	sadd.s32 $0x2800, s8;
	s10 =	sadd.s32 $0x5000, s8;
	s11 =	sadd.s32 $0x7800, s8  }
0xf: {  	s12 =	sadd.s32 $0xA000, s8;
	s13 =	sadd.s32 $0xC800, s8;
	s14 =	sadd.s32 $0xF000, s8  }
0x10: {  	s15 =	sadd.s32 $0x11800, s8;
	s20 =	sadd.s32 s17, s20;
	s17 =	sadd.s32 s17, s18  }
0x11: {  	v0 =	vimm.f32 $0.0e+00;
	s19 =	smax.u32 s19, $0x1;
	s18 =	sadd.s32 $0x24900, s20;
	s20 =	simm.s32 $0x100  }
.LBB2_1:
0x12: {  	s28 =	simm.s32 $0x0;
	s29 =	simm.s32 $0x200  }
.LBB2_2:
0x13: {  	p1 =	sne.s32 s29, $0x9E00;
	[tilespmem:s28+$0x170] =	vst v0  }
0x14: {  	[tilespmem:s28+$0x100] =	vst v0  }
0x15: {  	[tilespmem:s28+$0x110] =	vst v0  }
.Ltmp0:
0x16: {  	[tilespmem:s28+$0x120] =	vst v0;
	(pc) =	sbr.rel @p1 .LBB2_2-.Ltmp0, $4  }
0x17: {  	[tilespmem:s28+$0x130] =	vst v0  }
0x18: {  	[tilespmem:s28+$0x140] =	vst v0  }
0x19: {  	[tilespmem:s28+$0x150] =	vst v0  }
0x1a: {  	[tilespmem:s28+$0x160] =	vst v0;
	s28 =	sshra.s32 s29, $0x2;
	s29 =	sadd.s32 $0x200, s29  }
0x1b: {  	[tilespmem:s28+$0x170] =	vst v0  }
0x1c: {  	[tilespmem:s28+$0x100] =	vst v0  }
0x1d: {  	[tilespmem:s28+$0x110] =	vst v0  }
0x1e: {  	[tilespmem:s28+$0x120] =	vst v0  }
0x1f: {  	[tilespmem:s28+$0x130] =	vst v0  }
0x20: {  	[tilespmem:s28+$0x140] =	vst v0  }
0x21: {  	[tilespmem:s28+$0x150] =	vst v0  }
0x22: {  	[tilespmem:s28+$0x160] =	vst v0  }
0x23: {  	[spmem:s8] =	stream.linear.scatter [tilespmem:s20], [sflag:$0x2], $0x2800, $0x38;
	[tilespmem:$0x18980] =	vst v63  }
0x24: {  	_ =	swait.ge [sflag:s21], $0x2800  }
0x25: {  	[sflag:s21] =	ssyncset.done $0x0  }
0x26: {  	[sflag:s21] =	ssyncadd.s32 $0xFFFFD800  }
0x27: {  	[spmem:s9] =	stream.linear.scatter [tilespmem:s20], [sflag:$0x2], $0x2800, $0x38;
	[tilespmem:$0x18980] =	vst v63  }
0x28: {  	_ =	swait.ge [sflag:s21], $0x2800  }
0x29: {  	[sflag:s21] =	ssyncset.done $0x0  }
0x2a: {  	[sflag:s21] =	ssyncadd.s32 $0xFFFFD800  }
0x2b: {  	[spmem:s10] =	stream.linear.scatter [tilespmem:s20], [sflag:$0x2], $0x2800, $0x38;
	[tilespmem:$0x18980] =	vst v63  }
0x2c: {  	_ =	swait.ge [sflag:s21], $0x2800  }
0x2d: {  	[sflag:s21] =	ssyncset.done $0x0  }
0x2e: {  	[sflag:s21] =	ssyncadd.s32 $0xFFFFD800  }
0x2f: {  	[spmem:s11] =	stream.linear.scatter [tilespmem:s20], [sflag:$0x2], $0x2800, $0x38;
	[tilespmem:$0x18980] =	vst v63  }
0x30: {  	_ =	swait.ge [sflag:s21], $0x2800  }
0x31: {  	[sflag:s21] =	ssyncset.done $0x0  }
0x32: {  	[sflag:s21] =	ssyncadd.s32 $0xFFFFD800  }
0x33: {  	[spmem:s12] =	stream.linear.scatter [tilespmem:s20], [sflag:$0x2], $0x2800, $0x38;
	[tilespmem:$0x18980] =	vst v63  }
0x34: {  	_ =	swait.ge [sflag:s21], $0x2800  }
0x35: {  	[sflag:s21] =	ssyncset.done $0x0  }
0x36: {  	[sflag:s21] =	ssyncadd.s32 $0xFFFFD800  }
0x37: {  	[spmem:s13] =	stream.linear.scatter [tilespmem:s20], [sflag:$0x2], $0x2800, $0x38;
	[tilespmem:$0x18980] =	vst v63  }
0x38: {  	_ =	swait.ge [sflag:s21], $0x2800  }
0x39: {  	[sflag:s21] =	ssyncset.done $0x0  }
0x3a: {  	[sflag:s21] =	ssyncadd.s32 $0xFFFFD800  }
0x3b: {  	[spmem:s14] =	stream.linear.scatter [tilespmem:s20], [sflag:$0x2], $0x2800, $0x38;
	[tilespmem:$0x18980] =	vst v63  }
0x3c: {  	_ =	swait.ge [sflag:s21], $0x2800  }
0x3d: {  	[sflag:s21] =	ssyncset.done $0x0  }
0x3e: {  	[sflag:s21] =	ssyncadd.s32 $0xFFFFD800  }
0x3f: {  	[spmem:s15] =	stream.linear.scatter [tilespmem:s20], [sflag:$0x2], $0x2800, $0x38;
	[tilespmem:$0x18980] =	vst v63  }
0x40: {  	_ =	swait.ge [sflag:s21], $0x2800  }
0x41: {  	[sflag:s21] =	ssyncset.done $0x0  }
0x42: {  	[sflag:s21] =	ssyncadd.s32 $0xFFFFD800  }
0x43: {  	s28 =	simm.s32 $0x0;
	s29 =	simm.s32 $0x0;
	[bflag:$0x0] =	sbarrier.arrive $0xFFFF  }
.LBB2_4:
0x44: {  	s30 =	smul.u32 $0x50, s29;
	_ =	sdelay $0x1  }
0x45: {  	s30 =	sadd.s32 s16, s30  }
0x46: {  	s31 =	sshrl.u32 s30, $0x3  }
0x47: {  	s0 =	sadd.s32 s5, s31  }
0x48: {  	[tilespmem:s28], [sflag:$0x2] =	stream.linear.gather [hbm4b:s0+s28], $0x50, $0x38;
	[tilespmem:$0x18980] =	vst v63  }
0x49: {  	_ =	swait.ge [sflag:s21], $0x50  }
0x4a: {  	[sflag:s21] =	ssyncset.done $0x0  }
0x4b: {  	s0 =	sadd.s32 s6, s31;
	[sflag:s21] =	ssyncadd.s32 $0xFFFFFFB0  }
0x4c: {  	[tilespmem:s22], [sflag:$0x2] =	stream.linear.gather [hbm4b:s0+s28], $0x50, $0x38;
	[tilespmem:$0x18980] =	vst v63  }
0x4d: {  	_ =	swait.ge [sflag:s21], $0x50  }
0x4e: {  	[sflag:s21] =	ssyncset.done $0x0  }
0x4f: {  	[sflag:s21] =	ssyncadd.s32 $0xFFFFFFB0  }
0x50: {  	[tilespmem:s20], [sflag:$0x1] =	stream.indirect.gather [hbm4b:s1+s23], $0x80, s28, s23, $0xb8;
	[tilespmem:$0x18980] =	vst v63  }
0x51: {  	_ =	swait.ge [sflag:s24], $0x2800  }
0x52: {  	s0 =	sshll.u32 s30, $0x4;
	[sflag:s24] =	ssyncset.done $0x0  }
0x53: {  	s0 =	sadd.s32 s7, s0;
	[sflag:s24] =	ssyncadd.s32 $0xFFFFD800  }
0x54: {  	[tilespmem:s26], [sflag:$0x2] =	stream.linear.gather [hbm4b:s0+s28], $0x2800, $0x38;
	[tilespmem:$0x18980] =	vst v63  }
0x55: {  	_ =	swait.ge [sflag:s21], $0x2800  }
0x56: {  	[sflag:s21] =	ssyncset.done $0x0  }
0x57: {  	s30 =	simm.s32 $0x0;
	[sflag:s21] =	ssyncadd.s32 $0xFFFFD800  }
0x58: {  	v7 =	vld [tilespmem:s30+$0x2900]  }
0x59: {  	v12 =	vld [tilespmem:s30+$0x2910]  }
0x5a: {  	v6 =	vld [tilespmem:s30+$0x2920]  }
0x5b: {  	v5 =	vld [tilespmem:s30+$0x2930]  }
0x5c: {  	v4 =	vld [tilespmem:s30+$0x2940]  }
0x5d: {  	v3 =	vld [tilespmem:s30+$0x2950]  }
0x5e: {  	v2 =	vld [tilespmem:s30+$0x2960]  }
0x5f: {  	v1 =	vld [tilespmem:s30+$0x2970]  }
0x60: {  	v13 =	vld [tilespmem:s30+$0x100]  }
0x61: {  	v14 =	vld [tilespmem:s30+$0x110]  }
0x62: {  	v11 =	vld [tilespmem:s30+$0x120]  }
0x63: {  	v10 =	vld [tilespmem:s30+$0x130]  }
0x64: {  	v9 =	vld [tilespmem:s30+$0x140]  }
0x65: {  	v8 =	vld [tilespmem:s30+$0x150];
	v13 =	vadd.f32 v7, v13  }
0x66: {  	s31 =	simm.s32 $0x200;
	v12 =	vadd.f32 v12, v14;
	v7 =	vld [tilespmem:s30+$0x160]  }
.LBB2_5:
0x67: {  	s0 =	sshra.s32 s31, $0x2;
	p1 =	sne.s32 s31, $0x9E00;
	v13 =	vmax.f32 v13, $0.0e+00;
	v6 =	vadd.f32 v6, v11;
	v11 =	vld [tilespmem:s30+$0x170]  }
0x68: {  	v14 =	vld [tilespmem:s0+$0x2900];
	[tilespmem:s30+$0x100] =	vst v13;
	v12 =	vmax.f32 v12, $0.0e+00;
	v5 =	vadd.f32 v5, v10  }
0x69: {  	v15 =	vld [tilespmem:s0+$0x2910];
	[tilespmem:s30+$0x110] =	vst v12;
	v10 =	vmax.f32 v6, $0.0e+00;
	v4 =	vadd.f32 v4, v9  }
0x6a: {  	v6 =	vld [tilespmem:s0+$0x2920];
	[tilespmem:s30+$0x120] =	vst v10;
	v9 =	vmax.f32 v5, $0.0e+00;
	v3 =	vadd.f32 v3, v8  }
0x6b: {  	v5 =	vld [tilespmem:s0+$0x2930];
	[tilespmem:s30+$0x130] =	vst v9;
	v8 =	vmax.f32 v4, $0.0e+00;
	v2 =	vadd.f32 v2, v7  }
0x6c: {  	v4 =	vld [tilespmem:s0+$0x2940];
	[tilespmem:s30+$0x140] =	vst v8;
	v7 =	vmax.f32 v3, $0.0e+00;
	v1 =	vadd.f32 v1, v11  }
0x6d: {  	v3 =	vld [tilespmem:s0+$0x2950];
	[tilespmem:s30+$0x150] =	vst v7;
	v7 =	vmax.f32 v2, $0.0e+00  }
0x6e: {  	v2 =	vld [tilespmem:s0+$0x2960];
	[tilespmem:s30+$0x160] =	vst v7;
	v7 =	vmax.f32 v1, $0.0e+00  }
0x6f: {  	v1 =	vld [tilespmem:s0+$0x2970];
	[tilespmem:s30+$0x170] =	vst v7;
	s30 =	smov.u32 s0  }
0x70: {  	v7 =	vld [tilespmem:s30+$0x100]  }
0x71: {  	v12 =	vld [tilespmem:s30+$0x110]  }
.Ltmp1:
0x72: {  	v11 =	vld [tilespmem:s30+$0x120];
	(pc) =	sbr.rel @p1 .LBB2_5-.Ltmp1, $4  }
0x73: {  	v10 =	vld [tilespmem:s30+$0x130]  }
0x74: {  	v9 =	vld [tilespmem:s30+$0x140]  }
0x75: {  	v13 =	vadd.f32 v14, v7;
	v8 =	vld [tilespmem:s30+$0x150]  }
0x76: {  	s31 =	sadd.s32 $0x200, s31;
	v12 =	vadd.f32 v15, v12;
	v7 =	vld [tilespmem:s30+$0x160]  }
0x77: {  	v13 =	vmax.f32 v13, $0.0e+00;
	v6 =	vadd.f32 v6, v11;
	v63 =	vld [tilespmem:s30+$0x170]  }
0x78: {  	[tilespmem:s30+$0x100] =	vst v13;
	v12 =	vmax.f32 v12, $0.0e+00;
	v5 =	vadd.f32 v5, v10  }
0x79: {  	[tilespmem:s30+$0x110] =	vst v12;
	v6 =	vmax.f32 v6, $0.0e+00;
	v4 =	vadd.f32 v4, v9  }
0x7a: {  	[tilespmem:s30+$0x120] =	vst v6;
	v5 =	vmax.f32 v5, $0.0e+00;
	v3 =	vadd.f32 v3, v8  }
0x7b: {  	[tilespmem:s30+$0x130] =	vst v5;
	v4 =	vmax.f32 v4, $0.0e+00;
	v2 =	vadd.f32 v2, v7  }
0x7c: {  	[tilespmem:s30+$0x140] =	vst v4;
	v3 =	vmax.f32 v3, $0.0e+00;
	v1 =	vadd.f32 v1, v63  }
0x7d: {  	s29 =	sadd.s32 $0x1, s29;
	[tilespmem:s30+$0x150] =	vst v3;
	v2 =	vmax.f32 v2, $0.0e+00  }
0x7e: {  	p1 =	sne.s32 s29, $0x7D;
	[tilespmem:s30+$0x160] =	vst v2;
	v1 =	vmax.f32 v1, $0.0e+00  }
.Ltmp2:
0x7f: {  	[tilespmem:s30+$0x170] =	vst v1;
	(pc) =	sbr.rel @p1 .LBB2_4-.Ltmp2, $4  }
0x80: {  	[spmem:s2] =	stream.indirect.scatter.add.f32 [tilespmem:s20], [sflag:$0x2], $0x80, s22, s23, $0xb8;
	[tilespmem:$0x18980] =	vst v63  }
0x81: {  	_ =	swait.ge [sflag:s21], $0x2800  }
0x82: {  	[sflag:s21] =	ssyncset.done $0x0  }
0x83: {  	[sflag:s21] =	ssyncadd.s32 $0xFFFFD800  }
0x84: {  	[bflag:$0x0] =	sbarrier.arrive $0xFFFF;
	s0 =	simm.s32 @p0 $0x1FC2  }
0x85: {  	[hbm:s18], [sflag:s0] =	dma.local @p0 [spmem:s25], $0x2800  }
0x86: {  	s0 =	simm.s32 @p0 $0x2  }
0x87: {  	s4 =	sadd.s32 $0x1, s4;
	_ =	swait.ge @p0 [sflag:s0], $0x2800  }
0x88: {  	s28 =	sshll.u32 @!p0 s3, $0x6;
	p1 =	sne.s32 s4, s19;
	[sflag:s0] =	ssyncset.done @p0 $0x0  }
0x89: {  	[sflag:s0] =	ssyncadd.s32 @p0 $0xFFFFD800;
	s0 =	sor.u32 @!p0 $0x1C02, s28;
	s28 =	sshrl.u32 @!p0 s8, $0x3  }
0x8a: {  	[hbm:s17], [sflag:s0] =	dma.local @!p0 [spmem:s28], $0x2700  }
.Ltmp3:
0x8b: {  	_ = 	snop;
	(pc) =	sbr.rel @p1 .LBB2_1-.Ltmp3, $4  }
0x8c: {  	s0 =	simm.s32 @!p0 $0x2  }
0x8d: {  	_ =	swait.ge @!p0 [sflag:s0], $0x2700  }
0x8e: {  	[sflag:s0] =	ssyncset.done @!p0 $0x0  }
0x8f: {  	[sflag:s0] =	ssyncadd.s32 @!p0 $0xFFFFD900  }
0x90: {  	_ =	sfence.sel $0x180000  }
0x91: {  	[bflag:$0x0] =	sbarrier.arrive $0xFFFF  }
0x92: {  	_ =	strace $0x9000004A  }
0x93: {  	[bflag:$0x2] =	sbarrier.arrive $0xFFFF  }
0x94: {  	p0 =	sne.s32 s3, $0x0;
	s0 =	rddreg [dreg:$0x3]  }
0x95: {  	s0 =	sadd.s32 @!p0 $0x100000, s0  }
0x96: {  	[sflag:s0] =	ssyncadd.tile.s32 @!p0 $0x1;
	_ =	shalt  }
.Lfunc_end2:
_tile_overlayer_lowered:
.L_overlay_start_2:
0x97: {  	(tag) =	ssettag $0x2  }
0x98: {  	s0 =	rddreg [dreg:$0x0];
	s2 =	stileid.u32  }
0x99: {  	s1 =	rddreg [dreg:$0x1];
	p0 =	sne.s32 s2, $0x0  }
0x9a: {  	s3 =	rddreg [dreg:$0x2];
	[bflag:$0x3] =	sbarrier.arrive $0xFFFF;
	s2 =	simm.s32 @!p0 $0x1C02  }
0x9b: {  	[timem:s3], [sflag:s2] =	dma.local @!p0 [hbm:s0], s1  }
0x9c: {  	s0 =	simm.s32 @!p0 $0x2  }
0x9d: {  	_ =	swait.ge @!p0 [sflag:s0], s1  }
0x9e: {  	s1 =	ssub.s32 @!p0 $0x0, s1;
	[sflag:s0] =	ssyncset.done @!p0 $0x0  }
0x9f: {  	[sflag:s0] =	ssyncadd.s32 @!p0 s1  }
0xa0: {  	[bflag:$0x3] =	sbarrier.arrive $0xFFFF  }
0xa1: {  	_ =	shalt  }

// kernel: kernel.23.cloned.1.call-start
scs
__scs_entry_jumppad:
0x0: {  	(pc) =	sbr.rel $0x88, $3  }
0x1: {  	(tag) =	ssettag $0x0;
	lr =	simm.s32 $0x1  }
0x2: {  	[smem:$0x3F86] =	sst lr;
	_ =	strace $0xD0000000  }
0x3: {  	_ = 	snop  }
0x4: {  	_ = 	snop  }
0x5: {  	_ = 	snop  }
0x6: {  	_ = 	snop  }
0x7: {  	_ = 	snop  }
__scs_overlays_trampoline_lowered:
0x8: {  	[smem:$0x3F95] =	sst s0  }
0x9: {  	[smem:$0x3F96] =	sst s1  }
0xa: {  	[smem:$0x3F97] =	sst s2  }
0xb: {  	[smem:$0x3F98] =	sst s3  }
0xc: {  	[smem:$0x3F99] =	sst s4  }
0xd: {  	[smem:$0x3F9A] =	sst s5  }
0xe: {  	[smem:$0x3F9B] =	sst s6  }
0xf: {  	[smem:$0x3F9C] =	sst s7  }
0x10: {  	[smem:$0x3F9D] =	sst s8  }
0x11: {  	[smem:$0x3F9E] =	sst s9;
	s0 =	simm.s32 @!p0 $0x0  }
0x12: {  	s1 =	sld [smem:$0x3F84];
	s0 =	simm.s32 @p0 $0x1  }
0x13: {  	[smem:$0x3F9F] =	sst s0;
	s0 =	simm.s32 @!p1 $0x0  }
0x14: {  	s2 =	sld [smem:$0x3F83];
	s0 =	simm.s32 @p1 $0x1  }
0x15: {  	[smem:$0x3FA0] =	sst s0;
	s0 =	simm.s32 @!p2 $0x0  }
0x16: {  	s3 =	sld [smem:$0x3FDB];
	s0 =	simm.s32 @p2 $0x1  }
0x17: {  	s4 =	simm.s32 $0x1BF5;
	[smem:$0x3FA2] =	sst s0  }
0x18: {  	s0 =	sld [smem:$0x3F85];
	_ =	swait.ge [sflag:s4], $0x0  }
0x19: {  	s7 =	sld [smem:$0x3F86]  }
0x1a: {  	s8 =	sadd.s32 $0xFFFFE003, lr  }
0x1b: {  	s9 =	sadd.s32 $0xFFFFFEF7, lr;
	s5 =	simm.s32 $0xFFFFFFFF;
	p2 =	slt.u32 s8, $0xFFFFF086  }
0x1c: {  	p1 =	slt.u32 s9, $0xF7A;
	s5 =	simm.s32 @!p2 $0x0  }
0x1d: {  	s5 =	simm.s32 @p1 $0x1;
	p0 =	seq.s32 s7, s2  }
0x1e: {  	s7 =	smul.u32 @!p0 $0xF7A, s2;
	p2 =	seq.s32 @!p0 s5, $0x0  }
0x1f: {  	s9 =	smul.u32 $0xF7A, s1;
	s8 =	simm.s32 @!p0 $0x1BF5;
	p2 =	por !p2, p0  }
0x20: {  	[sflag:s8] =	ssyncset.s32 @!p0 $0xFFFFF086;
	s6 =	sadd.s32 @!p0 s3, s7;
	s7 =	simm.s32 @!p0 $0x108  }
0x21: {  	s3 =	sadd.s32 s3, s9;
	s6 =	sadd.s32 @!p0 $0x88, s6;
	s7 =	simm.s32 @p2 $0x1082  }
0x22: {  	[simem:s7], [sflag:s8] =	dma.local @!p0 [hbm:s6], $0xF7A  }
0x23: {  	s9 =	sor.u32 $0xD0000000, s2;
	s6 =	simm.s32 $0x108;
	_ =	swait.ge @!p0 [sflag:s8], $0x0  }
0x24: {  	s3 =	sadd.s32 $0x88, s3;
	s6 =	simm.s32 @!p1 $0x1082;
	[sflag:s4] =	ssyncset.s32 $0xFFFFF086  }
0x25: {  	[simem:s6], [sflag:s4] =	dma.local [hbm:s3], $0xF7A  }
0x26: {  	[smem:$0x3F86] =	sst s1;
	(tag) =	ssettag s2;
	_ =	strace s9  }
0x27: {  	s1 =	sld [smem:$0x3F96]  }
0x28: {  	s2 =	sld [smem:$0x3F97]  }
0x29: {  	s4 =	sld [smem:$0x3F99]  }
0x2a: {  	p0 =	seq.s32 s5, $0x0;
	s5 =	sld [smem:$0x3F9A]  }
0x2b: {  	s6 =	sld [smem:$0x3F9B]  }
0x2c: {  	s7 =	sld [smem:$0x3F9C]  }
0x2d: {  	s3 =	simm.s32 $0x108;
	s8 =	sld [smem:$0x3F9D]  }
0x2e: {  	s3 =	simm.s32 @!p0 $0x1082;
	s9 =	sld [smem:$0x3F9E]  }
0x2f: {  	lr =	sadd.s32 s0, s3;
	s0 =	sld [smem:$0x3F95]  }
0x30: {  	s3 =	sld [smem:$0x3F98]  }
0x31: {  	[smem:$0x3FA1] =	sst s10  }
0x32: {  	s10 =	sld [smem:$0x3F9F];
	_ =	sdelay $0x3  }
0x33: {  	p0 =	seq.s32 s10, $0x1;
	s10 =	sld [smem:$0x3FA1];
	_ =	sdelay $0x3  }
0x34: {  	[smem:$0x3FA1] =	sst s10  }
0x35: {  	s10 =	sld [smem:$0x3FA0];
	_ =	sdelay $0x3  }
0x36: {  	p1 =	seq.s32 s10, $0x1;
	s10 =	sld [smem:$0x3FA1];
	_ =	sdelay $0x3  }
0x37: {  	[smem:$0x3FA1] =	sst s10  }
0x38: {  	s10 =	sld [smem:$0x3FA2]  }
0x39: {  	_ = 	snop;
	(pc) =	sbr.ind lr, $3  }
0x3a: {  	_ = 	snop  }
0x3b: {  	_ = 	snop  }
0x3c: {  	p2 =	seq.s32 s10, $0x1;
	s10 =	sld [smem:$0x3FA1]  }
0x3d: {  	_ =	shalt  }
0x3e: {  	_ =	shalt  }
0x3f: {  	_ =	shalt  }
0x40: {  	_ =	shalt  }
0x41: {  	_ =	shalt  }
0x42: {  	_ =	shalt  }
0x43: {  	_ =	shalt  }
0x44: {  	_ =	shalt  }
0x45: {  	_ =	shalt  }
0x46: {  	_ =	shalt  }
0x47: {  	_ =	shalt  }
0x48: {  	_ =	shalt  }
0x49: {  	_ =	shalt  }
0x4a: {  	_ =	shalt  }
0x4b: {  	_ =	shalt  }
0x4c: {  	_ =	shalt  }
0x4d: {  	_ =	shalt  }
0x4e: {  	_ =	shalt  }
0x4f: {  	_ =	shalt  }
0x50: {  	_ =	shalt  }
0x51: {  	_ =	shalt  }
0x52: {  	_ =	shalt  }
0x53: {  	_ =	shalt  }
0x54: {  	_ =	shalt  }
0x55: {  	_ =	shalt  }
0x56: {  	_ =	shalt  }
0x57: {  	_ =	shalt  }
0x58: {  	_ =	shalt  }
0x59: {  	_ =	shalt  }
0x5a: {  	_ =	shalt  }
0x5b: {  	_ =	shalt  }
0x5c: {  	_ =	shalt  }
0x5d: {  	_ =	shalt  }
0x5e: {  	_ =	shalt  }
0x5f: {  	_ =	shalt  }
0x60: {  	_ =	shalt  }
0x61: {  	_ =	shalt  }
0x62: {  	_ =	shalt  }
0x63: {  	_ =	shalt  }
0x64: {  	_ =	shalt  }
0x65: {  	_ =	shalt  }
0x66: {  	_ =	shalt  }
0x67: {  	_ =	shalt  }
0x68: {  	_ =	shalt  }
0x69: {  	_ =	shalt  }
0x6a: {  	_ =	shalt  }
0x6b: {  	_ =	shalt  }
0x6c: {  	_ =	shalt  }
0x6d: {  	_ =	shalt  }
0x6e: {  	_ =	shalt  }
0x6f: {  	_ =	shalt  }
0x70: {  	_ =	shalt  }
0x71: {  	_ =	shalt  }
0x72: {  	_ =	shalt  }
0x73: {  	_ =	shalt  }
0x74: {  	_ =	shalt  }
0x75: {  	_ =	shalt  }
0x76: {  	_ =	shalt  }
0x77: {  	_ =	shalt  }
0x78: {  	_ =	shalt  }
0x79: {  	_ =	shalt  }
0x7a: {  	_ =	shalt  }
0x7b: {  	_ =	shalt  }
0x7c: {  	_ =	shalt  }
0x7d: {  	_ =	shalt  }
0x7e: {  	_ =	shalt  }
0x7f: {  	_ =	shalt  }
0x80: {  	_ =	shalt  }
0x81: {  	_ =	shalt  }
0x82: {  	_ =	shalt  }
0x83: {  	_ =	shalt  }
0x84: {  	_ =	shalt  }
0x85: {  	_ =	shalt  }
0x86: {  	_ =	shalt  }
0x87: {  	_ =	shalt  }
.Lfunc_end0:
.L_simem_size_0:
called_computation.2_lowered:
.L_overlay_start_0:
0x88: {  	s2 =	sld [smem:$0x3FD9]  }
0x89: {  	s3 =	sld [smem:$0x3FFE];
	_ =	sdelay $0x1  }
0x8a: {  	s1 =	srdreg.scid  }
0x8b: {  	s0 =	sand.u32 $0x1, s1  }
0x8c: {  	s14 =	sshll.u32 s0, $0xA;
	s2 =	sadd.s32 s3, s2  }
0x8d: {  	s2 =	sadd.s32 s2, s14  }
0x8e: {  	[smem:$0x3FAD] =	sst s2  }
0x8f: {  	_ = 	snop  }
0x90: {  	s2 =	sld [smem:$0x3FD0];
	_ =	sdelay $0x2  }
0x91: {  	s15 =	simm.s32 $0xA;
	s4 =	simm.s32 $0x10  }
0x92: {  	[smem:s4], [sflag:s15] =	dma.local [hbm:s2], $0x1  }
0x93: {  	_ =	swait.eq [sflag:s15], $0x1  }
0x94: {  	[sflag:s15] =	ssyncset.done $0x0  }
0x95: {  	[sflag:s15] =	ssyncadd.s32 $0xFFFFFFFF  }
0x96: {  	s16 =	sld [smem:$0x11];
	(tm) =	ssettm $0x1  }
0x97: {  	s17 =	sld [smem:$0x3FFB];
	_ =	sdelay $0x3  }
0x98: {  	_ =	strace s17  }
0x99: {  	s3 =	sld [smem:$0x3FFC];
	_ =	sdelay $0x3  }
0x9a: {  	_ =	strace s3  }
0x9b: {  	s3 =	sld [smem:$0x3FFD];
	_ =	sdelay $0x3  }
0x9c: {  	_ =	strace s3  }
0x9d: {  	_ =	strace $0x8FFFFFFF  }
0x9e: {  	s18 =	sld [smem:$0x3FDB];
	_ =	sdelay $0x1  }
0x9f: {  	s19 =	simm.s32 $_scs_section_size  }
0xa0: {  	s5 =	simm.s32 $_size__tile_overlayer_lowered;
	s6 =	simm.s32 $_tile_overlayer_lowered  }
0xa1: {  	s22 =	simm.s32 $0x1BFF;
	s21 =	sshll.u32 s6, $0x1;
	s3 =	sadd.s32 s19, s18  }
0xa2: {  	s7 =	simm.s32 $0x0;
	s20 =	sshll.u32 s5, $0x1;
	s5 =	sadd.s32 s21, s3  }
0xa3: {  	[timem:s7], [sflag:s22] =	dma.local [hbm:s5], s20  }
0xa4: {  	_ =	swait.ge [sflag:s22], s20  }
0xa5: {  	s4 =	ssub.s32 $0x0, s20;
	[sflag:s22] =	ssyncset.done $0x0  }
0xa6: {  	[sflag:s22] =	ssyncadd.s32 s4;
	_ =	sdelay $0x1  }
0xa7: {  	s23 =	simm.s32 $0x1B8B  }
0xa8: {  	_ =	swait.ge [sflag:s23], $0x1  }
0xa9: {  	[sflag:s23] =	ssyncset.done $0x0  }
0xaa: {  	s25 =	simm.s32 $0x1B8E;
	s24 =	sld [smem:$0x3FFE];
	[sflag:s23] =	ssyncadd.s32 $0xFFFFFFFF  }
0xab: {  	s26 =	simm.s32 $execute0_lowered;
	[smem:$0x3FD2] =	sst s25  }
0xac: {  	s5 =	sshll.u32 s26, $0x1;
	_ =	strace $0x8000004C;
	[dreg:$0x1] =	wrdreg $0xFFFFFFFF  }
0xad: {  	s28 =	simm.s32 $_size_execute0_lowered;
	s3 =	sadd.s32 s3, s5;
	[dreg:$0x0] =	wrdreg $0x0  }
0xae: {  	s5 =	sshll.u32 s28, $0x1;
	[dreg:$0x2] =	wrdreg s3  }
0xaf: {  	[dreg:$0x3] =	wrdreg s5  }
0xb0: {  	[dreg:$0x4] =	wrdreg $0xC0  }
0xb1: {  	_ =	task [dreg:s7], $0x5FFFF  }
0xb2: {  	[dreg:$0x1] =	wrdreg $0xFFFFFFFF  }
0xb3: {  	[dreg:$0x0] =	wrdreg $0x60  }
0xb4: {  	[dreg:$0x2] =	wrdreg s16  }
0xb5: {  	[dreg:$0x3] =	wrdreg s24  }
0xb6: {  	[dreg:$0x4] =	wrdreg $0x51000  }
0xb7: {  	[dreg:$0x5] =	wrdreg $0x9  }
0xb8: {  	_ =	task.clear_ibuf [dreg:s7], $0x6FFFF;
	_ =	strace $0x9000004C  }
0xb9: {  	s29 =	simm.s32 $0x9;
	_ =	strace $0x8000004E  }
0xba: {  	_ =	swait.ge [sflag:s29], $0x1  }
0xbb: {  	[sflag:s29] =	ssyncadd.s32 $0xFFFFFFFF  }
0xbc: {  	_ =	strace $0x9000004E  }
0xbd: {  	_ =	sfence  }
0xbe: {  	s30 =	sld [smem:$0x0];
	_ =	sdelay $0x2  }
0xbf: {  	s31 =	sshll.u32 s1, $0xD;
	s1 =	sshrl.u32 s1, $0x2  }
0xc0: {  	s3 =	sand.u32 $0x4000, s31;
	s1 =	sadd.s32 s1, s30  }
0xc1: {  	s0 =	sor.u32 s3, s0;
	s1 =	sshll.u32 s1, $0x11  }
0xc2: {  	s0 =	sor.u32 s1, s0  }
0xc3: {  	s0 =	sadd.s32 $0x8F2B, s0  }
0xc4: {  	[sflag:s0] =	ssyncadd.remote.s32 $0x1  }
0xc5: {  	_ =	sfence.sel $0xFFFF  }
0xc6: {  	[dreg:$0x0] =	wrdreg $0xFFFFFFFF;
	(pc) =	sbr.abs _section_cstart, $3  }
0xc7: {  	[dreg:$0x1] =	wrdreg $0xFFFFFFFF  }
0xc8: {  	_ =	task.clear_ibuf [dreg:s7], $0x2FFFF;
	_ =	strace $0x9FFFFFFF  }
0xc9: {  	(tm) =	ssettm $0x7FFFFFFF  }
tec
execute0_lowered:
.L_overlay_start_1:
0x0: {  	(tag) =	ssettag $0x1  }
0x1: {  	s1 =	rddreg [dreg:$0x0]  }
0x2: {  	s8 =	rddreg [dreg:$0x1]  }
0x3: {  	s2 =	rddreg [dreg:$0x2];
	s4 =	simm.s32 $0x0;
	s6 =	srdreg.scid  }
0x4: {  	s3 =	stileid.u32;
	s22 =	simm.s32 $0x80;
	s23 =	simm.s32 $0x50  }
0x5: {  	s26 =	simm.s32 $0x2900;
	[smem:$0x7FF] =	sst s4;
	s5 =	sadd.s32 $0x4F5400, s8  }
0x6: {  	s14 =	sand.u32 $0x1, s6;
	s9 =	smul.u32 $0x4E000, s3;
	s6 =	sadd.s32 $0x4EB600, s8  }
0x7: {  	s24 =	simm.s32 $0x1;
	s7 =	sadd.s32 $0x54D600, s8;
	s17 =	sadd.s32 $0x4FF400, s8  }
0x8: {  	s18 =	smul.u32 $0x2700, s3;
	s25 =	sadd.s32 $0x124800, s2;
	p0 =	seq.s32 s3, $0xF  }
0x9: {  	_ =	strace $0x8000004D;
	s10 =	ssub.s32 $0x2, s14;
	s20 =	smul.u32 $0x138800, s14  }
0xa: {  	s31 =	sshll.u32 s14, $0x4;
	s21 =	smul.u32 $0x27100, s14;
	s25 =	sshrl.u32 @p0 s25, $0x3  }
0xb: {  	s30 =	sshrl.u32 s10, $0x1;
	s9 =	sshrl.u32 s9, $0x2;
	s16 =	sor.u32 s3, s31  }
0xc: {  	s19 =	ssub.s32 s10, s30;
	s8 =	sadd.s32 s9, s2;
	s20 =	sshrl.u32 s20, $0x3  }
0xd: {  	s16 =	smul.u32 $0x2710, s16;
	s18 =	sadd.s32 s18, s21;
	s21 =	simm.s32 $0x2  }
0xe: {  	s9 =	sadd.s32 $0x2800, s8;
	s10 =	sadd.s32 $0x5000, s8;
	s11 =	sadd.s32 $0x7800, s8  }
0xf: {  	s12 =	sadd.s32 $0xA000, s8;
	s13 =	sadd.s32 $0xC800, s8;
	s14 =	sadd.s32 $0xF000, s8  }
0x10: {  	s15 =	sadd.s32 $0x11800, s8;
	s20 =	sadd.s32 s17, s20;
	s17 =	sadd.s32 s17, s18  }
0x11: {  	v0 =	vimm.f32 $0.0e+00;
	s19 =	smax.u32 s19, $0x1;
	s18 =	sadd.s32 $0x24900, s20;
	s20 =	simm.s32 $0x100  }
.LBB2_1:
0x12: {  	s28 =	simm.s32 $0x0;
	s29 =	simm.s32 $0x200  }
.LBB2_2:
0x13: {  	p1 =	sne.s32 s29, $0x9E00;
	[tilespmem:s28+$0x170] =	vst v0  }
0x14: {  	[tilespmem:s28+$0x100] =	vst v0  }
0x15: {  	[tilespmem:s28+$0x110] =	vst v0  }
.Ltmp0:
0x16: {  	[tilespmem:s28+$0x120] =	vst v0;
	(pc) =	sbr.rel @p1 .LBB2_2-.Ltmp0, $4  }
0x17: {  	[tilespmem:s28+$0x130] =	vst v0  }
0x18: {  	[tilespmem:s28+$0x140] =	vst v0  }
0x19: {  	[tilespmem:s28+$0x150] =	vst v0  }
0x1a: {  	[tilespmem:s28+$0x160] =	vst v0;
	s28 =	sshra.s32 s29, $0x2;
	s29 =	sadd.s32 $0x200, s29  }
0x1b: {  	[tilespmem:s28+$0x170] =	vst v0  }
0x1c: {  	[tilespmem:s28+$0x100] =	vst v0  }
0x1d: {  	[tilespmem:s28+$0x110] =	vst v0  }
0x1e: {  	[tilespmem:s28+$0x120] =	vst v0  }
0x1f: {  	[tilespmem:s28+$0x130] =	vst v0  }
0x20: {  	[tilespmem:s28+$0x140] =	vst v0  }
0x21: {  	[tilespmem:s28+$0x150] =	vst v0  }
0x22: {  	[tilespmem:s28+$0x160] =	vst v0  }
0x23: {  	[spmem:s8] =	stream.linear.scatter [tilespmem:s20], [sflag:$0x2], $0x2800, $0x38;
	[tilespmem:$0x18980] =	vst v63  }
0x24: {  	_ =	swait.ge [sflag:s21], $0x2800  }
0x25: {  	[sflag:s21] =	ssyncset.done $0x0  }
0x26: {  	[sflag:s21] =	ssyncadd.s32 $0xFFFFD800  }
0x27: {  	[spmem:s9] =	stream.linear.scatter [tilespmem:s20], [sflag:$0x2], $0x2800, $0x38;
	[tilespmem:$0x18980] =	vst v63  }
0x28: {  	_ =	swait.ge [sflag:s21], $0x2800  }
0x29: {  	[sflag:s21] =	ssyncset.done $0x0  }
0x2a: {  	[sflag:s21] =	ssyncadd.s32 $0xFFFFD800  }
0x2b: {  	[spmem:s10] =	stream.linear.scatter [tilespmem:s20], [sflag:$0x2], $0x2800, $0x38;
	[tilespmem:$0x18980] =	vst v63  }
0x2c: {  	_ =	swait.ge [sflag:s21], $0x2800  }
0x2d: {  	[sflag:s21] =	ssyncset.done $0x0  }
0x2e: {  	[sflag:s21] =	ssyncadd.s32 $0xFFFFD800  }
0x2f: {  	[spmem:s11] =	stream.linear.scatter [tilespmem:s20], [sflag:$0x2], $0x2800, $0x38;
	[tilespmem:$0x18980] =	vst v63  }
0x30: {  	_ =	swait.ge [sflag:s21], $0x2800  }
0x31: {  	[sflag:s21] =	ssyncset.done $0x0  }
0x32: {  	[sflag:s21] =	ssyncadd.s32 $0xFFFFD800  }
0x33: {  	[spmem:s12] =	stream.linear.scatter [tilespmem:s20], [sflag:$0x2], $0x2800, $0x38;
	[tilespmem:$0x18980] =	vst v63  }
0x34: {  	_ =	swait.ge [sflag:s21], $0x2800  }
0x35: {  	[sflag:s21] =	ssyncset.done $0x0  }
0x36: {  	[sflag:s21] =	ssyncadd.s32 $0xFFFFD800  }
0x37: {  	[spmem:s13] =	stream.linear.scatter [tilespmem:s20], [sflag:$0x2], $0x2800, $0x38;
	[tilespmem:$0x18980] =	vst v63  }
0x38: {  	_ =	swait.ge [sflag:s21], $0x2800  }
0x39: {  	[sflag:s21] =	ssyncset.done $0x0  }
0x3a: {  	[sflag:s21] =	ssyncadd.s32 $0xFFFFD800  }
0x3b: {  	[spmem:s14] =	stream.linear.scatter [tilespmem:s20], [sflag:$0x2], $0x2800, $0x38;
	[tilespmem:$0x18980] =	vst v63  }
0x3c: {  	_ =	swait.ge [sflag:s21], $0x2800  }
0x3d: {  	[sflag:s21] =	ssyncset.done $0x0  }
0x3e: {  	[sflag:s21] =	ssyncadd.s32 $0xFFFFD800  }
0x3f: {  	[spmem:s15] =	stream.linear.scatter [tilespmem:s20], [sflag:$0x2], $0x2800, $0x38;
	[tilespmem:$0x18980] =	vst v63  }
0x40: {  	_ =	swait.ge [sflag:s21], $0x2800  }
0x41: {  	[sflag:s21] =	ssyncset.done $0x0  }
0x42: {  	[sflag:s21] =	ssyncadd.s32 $0xFFFFD800  }
0x43: {  	s28 =	simm.s32 $0x0;
	s29 =	simm.s32 $0x0;
	[bflag:$0x0] =	sbarrier.arrive $0xFFFF  }
.LBB2_4:
0x44: {  	s30 =	smul.u32 $0x50, s29;
	_ =	sdelay $0x1  }
0x45: {  	s30 =	sadd.s32 s16, s30  }
0x46: {  	s31 =	sshrl.u32 s30, $0x3  }
0x47: {  	s0 =	sadd.s32 s5, s31  }
0x48: {  	[tilespmem:s28], [sflag:$0x2] =	stream.linear.gather [hbm4b:s0+s28], $0x50, $0x38;
	[tilespmem:$0x18980] =	vst v63  }
0x49: {  	_ =	swait.ge [sflag:s21], $0x50  }
0x4a: {  	[sflag:s21] =	ssyncset.done $0x0  }
0x4b: {  	s0 =	sadd.s32 s6, s31;
	[sflag:s21] =	ssyncadd.s32 $0xFFFFFFB0  }
0x4c: {  	[tilespmem:s22], [sflag:$0x2] =	stream.linear.gather [hbm4b:s0+s28], $0x50, $0x38;
	[tilespmem:$0x18980] =	vst v63  }
0x4d: {  	_ =	swait.ge [sflag:s21], $0x50  }
0x4e: {  	[sflag:s21] =	ssyncset.done $0x0  }
0x4f: {  	[sflag:s21] =	ssyncadd.s32 $0xFFFFFFB0  }
0x50: {  	[tilespmem:s20], [sflag:$0x1] =	stream.indirect.gather [hbm4b:s1+s23], $0x80, s28, s23, $0xb8;
	[tilespmem:$0x18980] =	vst v63  }
0x51: {  	_ =	swait.ge [sflag:s24], $0x2800  }
0x52: {  	s0 =	sshll.u32 s30, $0x4;
	[sflag:s24] =	ssyncset.done $0x0  }
0x53: {  	s0 =	sadd.s32 s7, s0;
	[sflag:s24] =	ssyncadd.s32 $0xFFFFD800  }
0x54: {  	[tilespmem:s26], [sflag:$0x2] =	stream.linear.gather [hbm4b:s0+s28], $0x2800, $0x38;
	[tilespmem:$0x18980] =	vst v63  }
0x55: {  	_ =	swait.ge [sflag:s21], $0x2800  }
0x56: {  	[sflag:s21] =	ssyncset.done $0x0  }
0x57: {  	s30 =	simm.s32 $0x0;
	[sflag:s21] =	ssyncadd.s32 $0xFFFFD800  }
0x58: {  	v7 =	vld [tilespmem:s30+$0x2900]  }
0x59: {  	v12 =	vld [tilespmem:s30+$0x2910]  }
0x5a: {  	v6 =	vld [tilespmem:s30+$0x2920]  }
0x5b: {  	v5 =	vld [tilespmem:s30+$0x2930]  }
0x5c: {  	v4 =	vld [tilespmem:s30+$0x2940]  }
0x5d: {  	v3 =	vld [tilespmem:s30+$0x2950]  }
0x5e: {  	v2 =	vld [tilespmem:s30+$0x2960]  }
0x5f: {  	v1 =	vld [tilespmem:s30+$0x2970]  }
0x60: {  	v13 =	vld [tilespmem:s30+$0x100]  }
0x61: {  	v14 =	vld [tilespmem:s30+$0x110]  }
0x62: {  	v11 =	vld [tilespmem:s30+$0x120]  }
0x63: {  	v10 =	vld [tilespmem:s30+$0x130]  }
0x64: {  	v9 =	vld [tilespmem:s30+$0x140]  }
0x65: {  	v8 =	vld [tilespmem:s30+$0x150];
	v13 =	vadd.f32 v7, v13  }
0x66: {  	s31 =	simm.s32 $0x200;
	v12 =	vadd.f32 v12, v14;
	v7 =	vld [tilespmem:s30+$0x160]  }
.LBB2_5:
0x67: {  	s0 =	sshra.s32 s31, $0x2;
	p1 =	sne.s32 s31, $0x9E00;
	v13 =	vmax.f32 v13, $0.0e+00;
	v6 =	vadd.f32 v6, v11;
	v11 =	vld [tilespmem:s30+$0x170]  }
0x68: {  	v14 =	vld [tilespmem:s0+$0x2900];
	[tilespmem:s30+$0x100] =	vst v13;
	v12 =	vmax.f32 v12, $0.0e+00;
	v5 =	vadd.f32 v5, v10  }
0x69: {  	v15 =	vld [tilespmem:s0+$0x2910];
	[tilespmem:s30+$0x110] =	vst v12;
	v10 =	vmax.f32 v6, $0.0e+00;
	v4 =	vadd.f32 v4, v9  }
0x6a: {  	v6 =	vld [tilespmem:s0+$0x2920];
	[tilespmem:s30+$0x120] =	vst v10;
	v9 =	vmax.f32 v5, $0.0e+00;
	v3 =	vadd.f32 v3, v8  }
0x6b: {  	v5 =	vld [tilespmem:s0+$0x2930];
	[tilespmem:s30+$0x130] =	vst v9;
	v8 =	vmax.f32 v4, $0.0e+00;
	v2 =	vadd.f32 v2, v7  }
0x6c: {  	v4 =	vld [tilespmem:s0+$0x2940];
	[tilespmem:s30+$0x140] =	vst v8;
	v7 =	vmax.f32 v3, $0.0e+00;
	v1 =	vadd.f32 v1, v11  }
0x6d: {  	v3 =	vld [tilespmem:s0+$0x2950];
	[tilespmem:s30+$0x150] =	vst v7;
	v7 =	vmax.f32 v2, $0.0e+00  }
0x6e: {  	v2 =	vld [tilespmem:s0+$0x2960];
	[tilespmem:s30+$0x160] =	vst v7;
	v7 =	vmax.f32 v1, $0.0e+00  }
0x6f: {  	v1 =	vld [tilespmem:s0+$0x2970];
	[tilespmem:s30+$0x170] =	vst v7;
	s30 =	smov.u32 s0  }
0x70: {  	v7 =	vld [tilespmem:s30+$0x100]  }
0x71: {  	v12 =	vld [tilespmem:s30+$0x110]  }
.Ltmp1:
0x72: {  	v11 =	vld [tilespmem:s30+$0x120];
	(pc) =	sbr.rel @p1 .LBB2_5-.Ltmp1, $4  }
0x73: {  	v10 =	vld [tilespmem:s30+$0x130]  }
0x74: {  	v9 =	vld [tilespmem:s30+$0x140]  }
0x75: {  	v13 =	vadd.f32 v14, v7;
	v8 =	vld [tilespmem:s30+$0x150]  }
0x76: {  	s31 =	sadd.s32 $0x200, s31;
	v12 =	vadd.f32 v15, v12;
	v7 =	vld [tilespmem:s30+$0x160]  }
0x77: {  	v13 =	vmax.f32 v13, $0.0e+00;
	v6 =	vadd.f32 v6, v11;
	v63 =	vld [tilespmem:s30+$0x170]  }
0x78: {  	[tilespmem:s30+$0x100] =	vst v13;
	v12 =	vmax.f32 v12, $0.0e+00;
	v5 =	vadd.f32 v5, v10  }
0x79: {  	[tilespmem:s30+$0x110] =	vst v12;
	v6 =	vmax.f32 v6, $0.0e+00;
	v4 =	vadd.f32 v4, v9  }
0x7a: {  	[tilespmem:s30+$0x120] =	vst v6;
	v5 =	vmax.f32 v5, $0.0e+00;
	v3 =	vadd.f32 v3, v8  }
0x7b: {  	[tilespmem:s30+$0x130] =	vst v5;
	v4 =	vmax.f32 v4, $0.0e+00;
	v2 =	vadd.f32 v2, v7  }
0x7c: {  	[tilespmem:s30+$0x140] =	vst v4;
	v3 =	vmax.f32 v3, $0.0e+00;
	v1 =	vadd.f32 v1, v63  }
0x7d: {  	s29 =	sadd.s32 $0x1, s29;
	[tilespmem:s30+$0x150] =	vst v3;
	v2 =	vmax.f32 v2, $0.0e+00  }
0x7e: {  	p1 =	sne.s32 s29, $0x7D;
	[tilespmem:s30+$0x160] =	vst v2;
	v1 =	vmax.f32 v1, $0.0e+00  }
.Ltmp2:
0x7f: {  	[tilespmem:s30+$0x170] =	vst v1;
	(pc) =	sbr.rel @p1 .LBB2_4-.Ltmp2, $4  }
0x80: {  	[spmem:s2] =	stream.indirect.scatter.add.f32 [tilespmem:s20], [sflag:$0x2], $0x80, s22, s23, $0xb8;
	[tilespmem:$0x18980] =	vst v63  }
0x81: {  	_ =	swait.ge [sflag:s21], $0x2800  }
0x82: {  	[sflag:s21] =	ssyncset.done $0x0  }
0x83: {  	[sflag:s21] =	ssyncadd.s32 $0xFFFFD800  }
0x84: {  	[bflag:$0x0] =	sbarrier.arrive $0xFFFF;
	s0 =	simm.s32 @p0 $0x1FC2  }
0x85: {  	[hbm:s18], [sflag:s0] =	dma.local @p0 [spmem:s25], $0x2800  }
0x86: {  	s0 =	simm.s32 @p0 $0x2  }
0x87: {  	s4 =	sadd.s32 $0x1, s4;
	_ =	swait.ge @p0 [sflag:s0], $0x2800  }
0x88: {  	s28 =	sshll.u32 @!p0 s3, $0x6;
	p1 =	sne.s32 s4, s19;
	[sflag:s0] =	ssyncset.done @p0 $0x0  }
0x89: {  	[sflag:s0] =	ssyncadd.s32 @p0 $0xFFFFD800;
	s0 =	sor.u32 @!p0 $0x1C02, s28;
	s28 =	sshrl.u32 @!p0 s8, $0x3  }
0x8a: {  	[hbm:s17], [sflag:s0] =	dma.local @!p0 [spmem:s28], $0x2700  }
.Ltmp3:
0x8b: {  	_ = 	snop;
	(pc) =	sbr.rel @p1 .LBB2_1-.Ltmp3, $4  }
0x8c: {  	s0 =	simm.s32 @!p0 $0x2  }
0x8d: {  	_ =	swait.ge @!p0 [sflag:s0], $0x2700  }
0x8e: {  	[sflag:s0] =	ssyncset.done @!p0 $0x0  }
0x8f: {  	[sflag:s0] =	ssyncadd.s32 @!p0 $0xFFFFD900  }
0x90: {  	_ =	sfence.sel $0x180000  }
0x91: {  	[bflag:$0x0] =	sbarrier.arrive $0xFFFF  }
0x92: {  	_ =	strace $0x9000004D  }
0x93: {  	[bflag:$0x2] =	sbarrier.arrive $0xFFFF  }
0x94: {  	p0 =	sne.s32 s3, $0x0;
	s0 =	rddreg [dreg:$0x3]  }
0x95: {  	s0 =	sadd.s32 @!p0 $0x100000, s0  }
0x96: {  	[sflag:s0] =	ssyncadd.tile.s32 @!p0 $0x1;
	_ =	shalt  }
.Lfunc_end2:
_tile_overlayer_lowered:
.L_overlay_start_2:
0x97: {  	(tag) =	ssettag $0x2  }
0x98: {  	s0 =	rddreg [dreg:$0x0];
	s2 =	stileid.u32  }
0x99: {  	s1 =	rddreg [dreg:$0x1];
	p0 =	sne.s32 s2, $0x0  }
0x9a: {  	s3 =	rddreg [dreg:$0x2];
	[bflag:$0x3] =	sbarrier.arrive $0xFFFF;
	s2 =	simm.s32 @!p0 $0x1C02  }
0x9b: {  	[timem:s3], [sflag:s2] =	dma.local @!p0 [hbm:s0], s1  }
0x9c: {  	s0 =	simm.s32 @!p0 $0x2  }
0x9d: {  	_ =	swait.ge @!p0 [sflag:s0], s1  }
0x9e: {  	s1 =	ssub.s32 @!p0 $0x0, s1;
	[sflag:s0] =	ssyncset.done @!p0 $0x0  }
0x9f: {  	[sflag:s0] =	ssyncadd.s32 @!p0 s1  }
0xa0: {  	[bflag:$0x3] =	sbarrier.arrive $0xFFFF  }
0xa1: {  	_ =	shalt  }

// kernel: kernel.26.cloned.1.call-start
scs
__scs_entry_jumppad:
0x0: {  	(pc) =	sbr.rel $0x88, $3  }
0x1: {  	(tag) =	ssettag $0x0;
	lr =	simm.s32 $0x1  }
0x2: {  	[smem:$0x3F86] =	sst lr;
	_ =	strace $0xD0000000  }
0x3: {  	_ = 	snop  }
0x4: {  	_ = 	snop  }
0x5: {  	_ = 	snop  }
0x6: {  	_ = 	snop  }
0x7: {  	_ = 	snop  }
__scs_overlays_trampoline_lowered:
0x8: {  	[smem:$0x3F95] =	sst s0  }
0x9: {  	[smem:$0x3F96] =	sst s1  }
0xa: {  	[smem:$0x3F97] =	sst s2  }
0xb: {  	[smem:$0x3F98] =	sst s3  }
0xc: {  	[smem:$0x3F99] =	sst s4  }
0xd: {  	[smem:$0x3F9A] =	sst s5  }
0xe: {  	[smem:$0x3F9B] =	sst s6  }
0xf: {  	[smem:$0x3F9C] =	sst s7  }
0x10: {  	[smem:$0x3F9D] =	sst s8  }
0x11: {  	[smem:$0x3F9E] =	sst s9;
	s0 =	simm.s32 @!p0 $0x0  }
0x12: {  	s1 =	sld [smem:$0x3F84];
	s0 =	simm.s32 @p0 $0x1  }
0x13: {  	[smem:$0x3F9F] =	sst s0;
	s0 =	simm.s32 @!p1 $0x0  }
0x14: {  	s2 =	sld [smem:$0x3F83];
	s0 =	simm.s32 @p1 $0x1  }
0x15: {  	[smem:$0x3FA0] =	sst s0;
	s0 =	simm.s32 @!p2 $0x0  }
0x16: {  	s3 =	sld [smem:$0x3FDB];
	s0 =	simm.s32 @p2 $0x1  }
0x17: {  	s4 =	simm.s32 $0x1BF5;
	[smem:$0x3FA2] =	sst s0  }
0x18: {  	s0 =	sld [smem:$0x3F85];
	_ =	swait.ge [sflag:s4], $0x0  }
0x19: {  	s7 =	sld [smem:$0x3F86]  }
0x1a: {  	s8 =	sadd.s32 $0xFFFFE003, lr  }
0x1b: {  	s9 =	sadd.s32 $0xFFFFFEF7, lr;
	s5 =	simm.s32 $0xFFFFFFFF;
	p2 =	slt.u32 s8, $0xFFFFF086  }
0x1c: {  	p1 =	slt.u32 s9, $0xF7A;
	s5 =	simm.s32 @!p2 $0x0  }
0x1d: {  	s5 =	simm.s32 @p1 $0x1;
	p0 =	seq.s32 s7, s2  }
0x1e: {  	s7 =	smul.u32 @!p0 $0xF7A, s2;
	p2 =	seq.s32 @!p0 s5, $0x0  }
0x1f: {  	s9 =	smul.u32 $0xF7A, s1;
	s8 =	simm.s32 @!p0 $0x1BF5;
	p2 =	por !p2, p0  }
0x20: {  	[sflag:s8] =	ssyncset.s32 @!p0 $0xFFFFF086;
	s6 =	sadd.s32 @!p0 s3, s7;
	s7 =	simm.s32 @!p0 $0x108  }
0x21: {  	s3 =	sadd.s32 s3, s9;
	s6 =	sadd.s32 @!p0 $0x88, s6;
	s7 =	simm.s32 @p2 $0x1082  }
0x22: {  	[simem:s7], [sflag:s8] =	dma.local @!p0 [hbm:s6], $0xF7A  }
0x23: {  	s9 =	sor.u32 $0xD0000000, s2;
	s6 =	simm.s32 $0x108;
	_ =	swait.ge @!p0 [sflag:s8], $0x0  }
0x24: {  	s3 =	sadd.s32 $0x88, s3;
	s6 =	simm.s32 @!p1 $0x1082;
	[sflag:s4] =	ssyncset.s32 $0xFFFFF086  }
0x25: {  	[simem:s6], [sflag:s4] =	dma.local [hbm:s3], $0xF7A  }
0x26: {  	[smem:$0x3F86] =	sst s1;
	(tag) =	ssettag s2;
	_ =	strace s9  }
0x27: {  	s1 =	sld [smem:$0x3F96]  }
0x28: {  	s2 =	sld [smem:$0x3F97]  }
0x29: {  	s4 =	sld [smem:$0x3F99]  }
0x2a: {  	p0 =	seq.s32 s5, $0x0;
	s5 =	sld [smem:$0x3F9A]  }
0x2b: {  	s6 =	sld [smem:$0x3F9B]  }
0x2c: {  	s7 =	sld [smem:$0x3F9C]  }
0x2d: {  	s3 =	simm.s32 $0x108;
	s8 =	sld [smem:$0x3F9D]  }
0x2e: {  	s3 =	simm.s32 @!p0 $0x1082;
	s9 =	sld [smem:$0x3F9E]  }
0x2f: {  	lr =	sadd.s32 s0, s3;
	s0 =	sld [smem:$0x3F95]  }
0x30: {  	s3 =	sld [smem:$0x3F98]  }
0x31: {  	[smem:$0x3FA1] =	sst s10  }
0x32: {  	s10 =	sld [smem:$0x3F9F];
	_ =	sdelay $0x3  }
0x33: {  	p0 =	seq.s32 s10, $0x1;
	s10 =	sld [smem:$0x3FA1];
	_ =	sdelay $0x3  }
0x34: {  	[smem:$0x3FA1] =	sst s10  }
0x35: {  	s10 =	sld [smem:$0x3FA0];
	_ =	sdelay $0x3  }
0x36: {  	p1 =	seq.s32 s10, $0x1;
	s10 =	sld [smem:$0x3FA1];
	_ =	sdelay $0x3  }
0x37: {  	[smem:$0x3FA1] =	sst s10  }
0x38: {  	s10 =	sld [smem:$0x3FA2]  }
0x39: {  	_ = 	snop;
	(pc) =	sbr.ind lr, $3  }
0x3a: {  	_ = 	snop  }
0x3b: {  	_ = 	snop  }
0x3c: {  	p2 =	seq.s32 s10, $0x1;
	s10 =	sld [smem:$0x3FA1]  }
0x3d: {  	_ =	shalt  }
0x3e: {  	_ =	shalt  }
0x3f: {  	_ =	shalt  }
0x40: {  	_ =	shalt  }
0x41: {  	_ =	shalt  }
0x42: {  	_ =	shalt  }
0x43: {  	_ =	shalt  }
0x44: {  	_ =	shalt  }
0x45: {  	_ =	shalt  }
0x46: {  	_ =	shalt  }
0x47: {  	_ =	shalt  }
0x48: {  	_ =	shalt  }
0x49: {  	_ =	shalt  }
0x4a: {  	_ =	shalt  }
0x4b: {  	_ =	shalt  }
0x4c: {  	_ =	shalt  }
0x4d: {  	_ =	shalt  }
0x4e: {  	_ =	shalt  }
0x4f: {  	_ =	shalt  }
0x50: {  	_ =	shalt  }
0x51: {  	_ =	shalt  }
0x52: {  	_ =	shalt  }
0x53: {  	_ =	shalt  }
0x54: {  	_ =	shalt  }
0x55: {  	_ =	shalt  }
0x56: {  	_ =	shalt  }
0x57: {  	_ =	shalt  }
0x58: {  	_ =	shalt  }
0x59: {  	_ =	shalt  }
0x5a: {  	_ =	shalt  }
0x5b: {  	_ =	shalt  }
0x5c: {  	_ =	shalt  }
0x5d: {  	_ =	shalt  }
0x5e: {  	_ =	shalt  }
0x5f: {  	_ =	shalt  }
0x60: {  	_ =	shalt  }
0x61: {  	_ =	shalt  }
0x62: {  	_ =	shalt  }
0x63: {  	_ =	shalt  }
0x64: {  	_ =	shalt  }
0x65: {  	_ =	shalt  }
0x66: {  	_ =	shalt  }
0x67: {  	_ =	shalt  }
0x68: {  	_ =	shalt  }
0x69: {  	_ =	shalt  }
0x6a: {  	_ =	shalt  }
0x6b: {  	_ =	shalt  }
0x6c: {  	_ =	shalt  }
0x6d: {  	_ =	shalt  }
0x6e: {  	_ =	shalt  }
0x6f: {  	_ =	shalt  }
0x70: {  	_ =	shalt  }
0x71: {  	_ =	shalt  }
0x72: {  	_ =	shalt  }
0x73: {  	_ =	shalt  }
0x74: {  	_ =	shalt  }
0x75: {  	_ =	shalt  }
0x76: {  	_ =	shalt  }
0x77: {  	_ =	shalt  }
0x78: {  	_ =	shalt  }
0x79: {  	_ =	shalt  }
0x7a: {  	_ =	shalt  }
0x7b: {  	_ =	shalt  }
0x7c: {  	_ =	shalt  }
0x7d: {  	_ =	shalt  }
0x7e: {  	_ =	shalt  }
0x7f: {  	_ =	shalt  }
0x80: {  	_ =	shalt  }
0x81: {  	_ =	shalt  }
0x82: {  	_ =	shalt  }
0x83: {  	_ =	shalt  }
0x84: {  	_ =	shalt  }
0x85: {  	_ =	shalt  }
0x86: {  	_ =	shalt  }
0x87: {  	_ =	shalt  }
.Lfunc_end0:
.L_simem_size_0:
called_computation.3_lowered:
.L_overlay_start_0:
0x88: {  	s2 =	sld [smem:$0x3FD9]  }
0x89: {  	s3 =	sld [smem:$0x3FFE];
	_ =	sdelay $0x1  }
0x8a: {  	s1 =	srdreg.scid  }
0x8b: {  	s0 =	sand.u32 $0x1, s1  }
0x8c: {  	s14 =	sshll.u32 s0, $0xA;
	s2 =	sadd.s32 s3, s2  }
0x8d: {  	s2 =	sadd.s32 s2, s14  }
0x8e: {  	[smem:$0x3FAD] =	sst s2  }
0x8f: {  	_ = 	snop  }
0x90: {  	s2 =	sld [smem:$0x3FD0];
	_ =	sdelay $0x2  }
0x91: {  	s15 =	simm.s32 $0xA;
	s4 =	simm.s32 $0x10  }
0x92: {  	[smem:s4], [sflag:s15] =	dma.local [hbm:s2], $0x1  }
0x93: {  	_ =	swait.eq [sflag:s15], $0x1  }
0x94: {  	[sflag:s15] =	ssyncset.done $0x0  }
0x95: {  	[sflag:s15] =	ssyncadd.s32 $0xFFFFFFFF  }
0x96: {  	s16 =	sld [smem:$0x11];
	(tm) =	ssettm $0x1  }
0x97: {  	s17 =	sld [smem:$0x3FFB];
	_ =	sdelay $0x3  }
0x98: {  	_ =	strace s17  }
0x99: {  	s3 =	sld [smem:$0x3FFC];
	_ =	sdelay $0x3  }
0x9a: {  	_ =	strace s3  }
0x9b: {  	s3 =	sld [smem:$0x3FFD];
	_ =	sdelay $0x3  }
0x9c: {  	_ =	strace s3  }
0x9d: {  	_ =	strace $0x8FFFFFFF  }
0x9e: {  	s18 =	sld [smem:$0x3FDB];
	_ =	sdelay $0x1  }
0x9f: {  	s19 =	simm.s32 $_scs_section_size  }
0xa0: {  	s5 =	simm.s32 $_size__tile_overlayer_lowered;
	s6 =	simm.s32 $_tile_overlayer_lowered  }
0xa1: {  	s22 =	simm.s32 $0x1BFF;
	s21 =	sshll.u32 s6, $0x1;
	s3 =	sadd.s32 s19, s18  }
0xa2: {  	s7 =	simm.s32 $0x0;
	s20 =	sshll.u32 s5, $0x1;
	s5 =	sadd.s32 s21, s3  }
0xa3: {  	[timem:s7], [sflag:s22] =	dma.local [hbm:s5], s20  }
0xa4: {  	_ =	swait.ge [sflag:s22], s20  }
0xa5: {  	s4 =	ssub.s32 $0x0, s20;
	[sflag:s22] =	ssyncset.done $0x0  }
0xa6: {  	[sflag:s22] =	ssyncadd.s32 s4;
	_ =	sdelay $0x1  }
0xa7: {  	s23 =	simm.s32 $0x1B8B  }
0xa8: {  	_ =	swait.ge [sflag:s23], $0x1  }
0xa9: {  	[sflag:s23] =	ssyncset.done $0x0  }
0xaa: {  	s25 =	simm.s32 $0x1B8E;
	s24 =	sld [smem:$0x3FFE];
	[sflag:s23] =	ssyncadd.s32 $0xFFFFFFFF  }
0xab: {  	s26 =	simm.s32 $execute0_lowered;
	[smem:$0x3FD2] =	sst s25  }
0xac: {  	s5 =	sshll.u32 s26, $0x1;
	_ =	strace $0x8000004F;
	[dreg:$0x1] =	wrdreg $0xFFFFFFFF  }
0xad: {  	s28 =	simm.s32 $_size_execute0_lowered;
	s3 =	sadd.s32 s3, s5;
	[dreg:$0x0] =	wrdreg $0x0  }
0xae: {  	s5 =	sshll.u32 s28, $0x1;
	[dreg:$0x2] =	wrdreg s3  }
0xaf: {  	[dreg:$0x3] =	wrdreg s5  }
0xb0: {  	[dreg:$0x4] =	wrdreg $0xC0  }
0xb1: {  	_ =	task [dreg:s7], $0x5FFFF  }
0xb2: {  	[dreg:$0x1] =	wrdreg $0xFFFFFFFF  }
0xb3: {  	[dreg:$0x0] =	wrdreg $0x60  }
0xb4: {  	[dreg:$0x2] =	wrdreg s16  }
0xb5: {  	[dreg:$0x3] =	wrdreg s24  }
0xb6: {  	[dreg:$0x4] =	wrdreg $0x51000  }
0xb7: {  	[dreg:$0x5] =	wrdreg $0x9  }
0xb8: {  	_ =	task.clear_ibuf [dreg:s7], $0x6FFFF;
	_ =	strace $0x9000004F  }
0xb9: {  	s29 =	simm.s32 $0x9;
	_ =	strace $0x80000051  }
0xba: {  	_ =	swait.ge [sflag:s29], $0x1  }
0xbb: {  	[sflag:s29] =	ssyncadd.s32 $0xFFFFFFFF  }
0xbc: {  	_ =	strace $0x90000051  }
0xbd: {  	_ =	sfence  }
0xbe: {  	s30 =	sld [smem:$0x0];
	_ =	sdelay $0x2  }
0xbf: {  	s31 =	sshll.u32 s1, $0xD;
	s1 =	sshrl.u32 s1, $0x2  }
0xc0: {  	s3 =	sand.u32 $0x4000, s31;
	s1 =	sadd.s32 s1, s30  }
0xc1: {  	s0 =	sor.u32 s3, s0;
	s1 =	sshll.u32 s1, $0x11  }
0xc2: {  	s0 =	sor.u32 s1, s0  }
0xc3: {  	s0 =	sadd.s32 $0x8F2B, s0  }
0xc4: {  	[sflag:s0] =	ssyncadd.remote.s32 $0x1  }
0xc5: {  	_ =	sfence.sel $0xFFFF  }
0xc6: {  	[dreg:$0x0] =	wrdreg $0xFFFFFFFF;
	(pc) =	sbr.abs _section_cstart, $3  }
0xc7: {  	[dreg:$0x1] =	wrdreg $0xFFFFFFFF  }
0xc8: {  	_ =	task.clear_ibuf [dreg:s7], $0x2FFFF;
	_ =	strace $0x9FFFFFFF  }
0xc9: {  	(tm) =	ssettm $0x7FFFFFFF  }
tec
execute0_lowered:
.L_overlay_start_1:
0x0: {  	(tag) =	ssettag $0x1  }
0x1: {  	s1 =	rddreg [dreg:$0x0]  }
0x2: {  	s8 =	rddreg [dreg:$0x1]  }
0x3: {  	s2 =	rddreg [dreg:$0x2];
	s4 =	simm.s32 $0x0;
	s6 =	srdreg.scid  }
0x4: {  	s3 =	stileid.u32;
	s22 =	simm.s32 $0x80;
	s23 =	simm.s32 $0x50  }
0x5: {  	s24 =	simm.s32 $0x1;
	s26 =	simm.s32 $0x2900;
	[smem:$0x7FF] =	sst s4  }
0x6: {  	s5 =	sadd.s32 $0x4F5400, s8;
	s14 =	sand.u32 $0x1, s6;
	s6 =	sadd.s32 $0x4EB600, s8  }
0x7: {  	s9 =	smul.u32 $0x4E000, s3;
	s7 =	sadd.s32 $0xA2FE00, s8;
	s17 =	sadd.s32 $0x8E00, s8  }
0x8: {  	s18 =	smul.u32 $0x2700, s3;
	s25 =	sadd.s32 $0x124800, s2;
	p0 =	seq.s32 s3, $0xF  }
0x9: {  	_ =	strace $0x80000050;
	s10 =	ssub.s32 $0x2, s14;
	s20 =	smul.u32 $0x138800, s14  }
0xa: {  	s31 =	sshll.u32 s14, $0x4;
	s21 =	smul.u32 $0x27100, s14;
	s25 =	sshrl.u32 @p0 s25, $0x3  }
0xb: {  	s30 =	sshrl.u32 s10, $0x1;
	s9 =	sshrl.u32 s9, $0x2;
	s16 =	sor.u32 s3, s31  }
0xc: {  	s19 =	ssub.s32 s10, s30;
	s8 =	sadd.s32 s9, s2;
	s20 =	sshrl.u32 s20, $0x3  }
0xd: {  	s16 =	smul.u32 $0x2710, s16;
	s18 =	sadd.s32 s18, s21;
	s21 =	simm.s32 $0x2  }
0xe: {  	s9 =	sadd.s32 $0x2800, s8;
	s10 =	sadd.s32 $0x5000, s8;
	s11 =	sadd.s32 $0x7800, s8  }
0xf: {  	s12 =	sadd.s32 $0xA000, s8;
	s13 =	sadd.s32 $0xC800, s8;
	s14 =	sadd.s32 $0xF000, s8  }
0x10: {  	s15 =	sadd.s32 $0x11800, s8;
	s20 =	sadd.s32 s17, s20;
	s17 =	sadd.s32 s17, s18  }
0x11: {  	v0 =	vimm.f32 $0.0e+00;
	s19 =	smax.u32 s19, $0x1;
	s18 =	sadd.s32 $0x24900, s20;
	s20 =	simm.s32 $0x100  }
.LBB2_1:
0x12: {  	s28 =	simm.s32 $0x0;
	s29 =	simm.s32 $0x200  }
.LBB2_2:
0x13: {  	p1 =	sne.s32 s29, $0x9E00;
	[tilespmem:s28+$0x170] =	vst v0  }
0x14: {  	[tilespmem:s28+$0x100] =	vst v0  }
0x15: {  	[tilespmem:s28+$0x110] =	vst v0  }
.Ltmp0:
0x16: {  	[tilespmem:s28+$0x120] =	vst v0;
	(pc) =	sbr.rel @p1 .LBB2_2-.Ltmp0, $4  }
0x17: {  	[tilespmem:s28+$0x130] =	vst v0  }
0x18: {  	[tilespmem:s28+$0x140] =	vst v0  }
0x19: {  	[tilespmem:s28+$0x150] =	vst v0  }
0x1a: {  	[tilespmem:s28+$0x160] =	vst v0;
	s28 =	sshra.s32 s29, $0x2;
	s29 =	sadd.s32 $0x200, s29  }
0x1b: {  	[tilespmem:s28+$0x170] =	vst v0  }
0x1c: {  	[tilespmem:s28+$0x100] =	vst v0  }
0x1d: {  	[tilespmem:s28+$0x110] =	vst v0  }
0x1e: {  	[tilespmem:s28+$0x120] =	vst v0  }
0x1f: {  	[tilespmem:s28+$0x130] =	vst v0  }
0x20: {  	[tilespmem:s28+$0x140] =	vst v0  }
0x21: {  	[tilespmem:s28+$0x150] =	vst v0  }
0x22: {  	[tilespmem:s28+$0x160] =	vst v0  }
0x23: {  	[spmem:s8] =	stream.linear.scatter [tilespmem:s20], [sflag:$0x2], $0x2800, $0x38;
	[tilespmem:$0x18980] =	vst v63  }
0x24: {  	_ =	swait.ge [sflag:s21], $0x2800  }
0x25: {  	[sflag:s21] =	ssyncset.done $0x0  }
0x26: {  	[sflag:s21] =	ssyncadd.s32 $0xFFFFD800  }
0x27: {  	[spmem:s9] =	stream.linear.scatter [tilespmem:s20], [sflag:$0x2], $0x2800, $0x38;
	[tilespmem:$0x18980] =	vst v63  }
0x28: {  	_ =	swait.ge [sflag:s21], $0x2800  }
0x29: {  	[sflag:s21] =	ssyncset.done $0x0  }
0x2a: {  	[sflag:s21] =	ssyncadd.s32 $0xFFFFD800  }
0x2b: {  	[spmem:s10] =	stream.linear.scatter [tilespmem:s20], [sflag:$0x2], $0x2800, $0x38;
	[tilespmem:$0x18980] =	vst v63  }
0x2c: {  	_ =	swait.ge [sflag:s21], $0x2800  }
0x2d: {  	[sflag:s21] =	ssyncset.done $0x0  }
0x2e: {  	[sflag:s21] =	ssyncadd.s32 $0xFFFFD800  }
0x2f: {  	[spmem:s11] =	stream.linear.scatter [tilespmem:s20], [sflag:$0x2], $0x2800, $0x38;
	[tilespmem:$0x18980] =	vst v63  }
0x30: {  	_ =	swait.ge [sflag:s21], $0x2800  }
0x31: {  	[sflag:s21] =	ssyncset.done $0x0  }
0x32: {  	[sflag:s21] =	ssyncadd.s32 $0xFFFFD800  }
0x33: {  	[spmem:s12] =	stream.linear.scatter [tilespmem:s20], [sflag:$0x2], $0x2800, $0x38;
	[tilespmem:$0x18980] =	vst v63  }
0x34: {  	_ =	swait.ge [sflag:s21], $0x2800  }
0x35: {  	[sflag:s21] =	ssyncset.done $0x0  }
0x36: {  	[sflag:s21] =	ssyncadd.s32 $0xFFFFD800  }
0x37: {  	[spmem:s13] =	stream.linear.scatter [tilespmem:s20], [sflag:$0x2], $0x2800, $0x38;
	[tilespmem:$0x18980] =	vst v63  }
0x38: {  	_ =	swait.ge [sflag:s21], $0x2800  }
0x39: {  	[sflag:s21] =	ssyncset.done $0x0  }
0x3a: {  	[sflag:s21] =	ssyncadd.s32 $0xFFFFD800  }
0x3b: {  	[spmem:s14] =	stream.linear.scatter [tilespmem:s20], [sflag:$0x2], $0x2800, $0x38;
	[tilespmem:$0x18980] =	vst v63  }
0x3c: {  	_ =	swait.ge [sflag:s21], $0x2800  }
0x3d: {  	[sflag:s21] =	ssyncset.done $0x0  }
0x3e: {  	[sflag:s21] =	ssyncadd.s32 $0xFFFFD800  }
0x3f: {  	[spmem:s15] =	stream.linear.scatter [tilespmem:s20], [sflag:$0x2], $0x2800, $0x38;
	[tilespmem:$0x18980] =	vst v63  }
0x40: {  	_ =	swait.ge [sflag:s21], $0x2800  }
0x41: {  	[sflag:s21] =	ssyncset.done $0x0  }
0x42: {  	[sflag:s21] =	ssyncadd.s32 $0xFFFFD800  }
0x43: {  	s28 =	simm.s32 $0x0;
	s29 =	simm.s32 $0x0;
	[bflag:$0x0] =	sbarrier.arrive $0xFFFF  }
.LBB2_4:
0x44: {  	s30 =	smul.u32 $0x50, s29;
	_ =	sdelay $0x1  }
0x45: {  	s30 =	sadd.s32 s16, s30  }
0x46: {  	s31 =	sshrl.u32 s30, $0x3  }
0x47: {  	s0 =	sadd.s32 s5, s31  }
0x48: {  	[tilespmem:s28], [sflag:$0x2] =	stream.linear.gather [hbm4b:s0+s28], $0x50, $0x38;
	[tilespmem:$0x18980] =	vst v63  }
0x49: {  	_ =	swait.ge [sflag:s21], $0x50  }
0x4a: {  	[sflag:s21] =	ssyncset.done $0x0  }
0x4b: {  	s0 =	sadd.s32 s6, s31;
	[sflag:s21] =	ssyncadd.s32 $0xFFFFFFB0  }
0x4c: {  	[tilespmem:s22], [sflag:$0x2] =	stream.linear.gather [hbm4b:s0+s28], $0x50, $0x38;
	[tilespmem:$0x18980] =	vst v63  }
0x4d: {  	_ =	swait.ge [sflag:s21], $0x50  }
0x4e: {  	[sflag:s21] =	ssyncset.done $0x0  }
0x4f: {  	[sflag:s21] =	ssyncadd.s32 $0xFFFFFFB0  }
0x50: {  	[tilespmem:s20], [sflag:$0x1] =	stream.indirect.gather [hbm4b:s1+s23], $0x80, s28, s23, $0xb8;
	[tilespmem:$0x18980] =	vst v63  }
0x51: {  	_ =	swait.ge [sflag:s24], $0x2800  }
0x52: {  	s0 =	sshll.u32 s30, $0x4;
	[sflag:s24] =	ssyncset.done $0x0  }
0x53: {  	s0 =	sadd.s32 s7, s0;
	[sflag:s24] =	ssyncadd.s32 $0xFFFFD800  }
0x54: {  	[tilespmem:s26], [sflag:$0x2] =	stream.linear.gather [hbm4b:s0+s28], $0x2800, $0x38;
	[tilespmem:$0x18980] =	vst v63  }
0x55: {  	_ =	swait.ge [sflag:s21], $0x2800  }
0x56: {  	[sflag:s21] =	ssyncset.done $0x0  }
0x57: {  	s30 =	simm.s32 $0x0;
	[sflag:s21] =	ssyncadd.s32 $0xFFFFD800  }
0x58: {  	v7 =	vld [tilespmem:s30+$0x2900]  }
0x59: {  	v12 =	vld [tilespmem:s30+$0x2910]  }
0x5a: {  	v6 =	vld [tilespmem:s30+$0x2920]  }
0x5b: {  	v5 =	vld [tilespmem:s30+$0x2930]  }
0x5c: {  	v4 =	vld [tilespmem:s30+$0x2940]  }
0x5d: {  	v3 =	vld [tilespmem:s30+$0x2950]  }
0x5e: {  	v2 =	vld [tilespmem:s30+$0x2960]  }
0x5f: {  	v1 =	vld [tilespmem:s30+$0x2970]  }
0x60: {  	v13 =	vld [tilespmem:s30+$0x100]  }
0x61: {  	v14 =	vld [tilespmem:s30+$0x110]  }
0x62: {  	v11 =	vld [tilespmem:s30+$0x120]  }
0x63: {  	v10 =	vld [tilespmem:s30+$0x130]  }
0x64: {  	v9 =	vld [tilespmem:s30+$0x140]  }
0x65: {  	v8 =	vld [tilespmem:s30+$0x150];
	v13 =	vadd.f32 v7, v13  }
0x66: {  	s31 =	simm.s32 $0x200;
	v12 =	vadd.f32 v12, v14;
	v7 =	vld [tilespmem:s30+$0x160]  }
.LBB2_5:
0x67: {  	s0 =	sshra.s32 s31, $0x2;
	p1 =	sne.s32 s31, $0x9E00;
	v13 =	vmax.f32 v13, $0.0e+00;
	v6 =	vadd.f32 v6, v11;
	v11 =	vld [tilespmem:s30+$0x170]  }
0x68: {  	v14 =	vld [tilespmem:s0+$0x2900];
	[tilespmem:s30+$0x100] =	vst v13;
	v12 =	vmax.f32 v12, $0.0e+00;
	v5 =	vadd.f32 v5, v10  }
0x69: {  	v15 =	vld [tilespmem:s0+$0x2910];
	[tilespmem:s30+$0x110] =	vst v12;
	v10 =	vmax.f32 v6, $0.0e+00;
	v4 =	vadd.f32 v4, v9  }
0x6a: {  	v6 =	vld [tilespmem:s0+$0x2920];
	[tilespmem:s30+$0x120] =	vst v10;
	v9 =	vmax.f32 v5, $0.0e+00;
	v3 =	vadd.f32 v3, v8  }
0x6b: {  	v5 =	vld [tilespmem:s0+$0x2930];
	[tilespmem:s30+$0x130] =	vst v9;
	v8 =	vmax.f32 v4, $0.0e+00;
	v2 =	vadd.f32 v2, v7  }
0x6c: {  	v4 =	vld [tilespmem:s0+$0x2940];
	[tilespmem:s30+$0x140] =	vst v8;
	v7 =	vmax.f32 v3, $0.0e+00;
	v1 =	vadd.f32 v1, v11  }
0x6d: {  	v3 =	vld [tilespmem:s0+$0x2950];
	[tilespmem:s30+$0x150] =	vst v7;
	v7 =	vmax.f32 v2, $0.0e+00  }
0x6e: {  	v2 =	vld [tilespmem:s0+$0x2960];
	[tilespmem:s30+$0x160] =	vst v7;
	v7 =	vmax.f32 v1, $0.0e+00  }
0x6f: {  	v1 =	vld [tilespmem:s0+$0x2970];
	[tilespmem:s30+$0x170] =	vst v7;
	s30 =	smov.u32 s0  }
0x70: {  	v7 =	vld [tilespmem:s30+$0x100]  }
0x71: {  	v12 =	vld [tilespmem:s30+$0x110]  }
.Ltmp1:
0x72: {  	v11 =	vld [tilespmem:s30+$0x120];
	(pc) =	sbr.rel @p1 .LBB2_5-.Ltmp1, $4  }
0x73: {  	v10 =	vld [tilespmem:s30+$0x130]  }
0x74: {  	v9 =	vld [tilespmem:s30+$0x140]  }
0x75: {  	v13 =	vadd.f32 v14, v7;
	v8 =	vld [tilespmem:s30+$0x150]  }
0x76: {  	s31 =	sadd.s32 $0x200, s31;
	v12 =	vadd.f32 v15, v12;
	v7 =	vld [tilespmem:s30+$0x160]  }
0x77: {  	v13 =	vmax.f32 v13, $0.0e+00;
	v6 =	vadd.f32 v6, v11;
	v63 =	vld [tilespmem:s30+$0x170]  }
0x78: {  	[tilespmem:s30+$0x100] =	vst v13;
	v12 =	vmax.f32 v12, $0.0e+00;
	v5 =	vadd.f32 v5, v10  }
0x79: {  	[tilespmem:s30+$0x110] =	vst v12;
	v6 =	vmax.f32 v6, $0.0e+00;
	v4 =	vadd.f32 v4, v9  }
0x7a: {  	[tilespmem:s30+$0x120] =	vst v6;
	v5 =	vmax.f32 v5, $0.0e+00;
	v3 =	vadd.f32 v3, v8  }
0x7b: {  	[tilespmem:s30+$0x130] =	vst v5;
	v4 =	vmax.f32 v4, $0.0e+00;
	v2 =	vadd.f32 v2, v7  }
0x7c: {  	[tilespmem:s30+$0x140] =	vst v4;
	v3 =	vmax.f32 v3, $0.0e+00;
	v1 =	vadd.f32 v1, v63  }
0x7d: {  	s29 =	sadd.s32 $0x1, s29;
	[tilespmem:s30+$0x150] =	vst v3;
	v2 =	vmax.f32 v2, $0.0e+00  }
0x7e: {  	p1 =	sne.s32 s29, $0x7D;
	[tilespmem:s30+$0x160] =	vst v2;
	v1 =	vmax.f32 v1, $0.0e+00  }
.Ltmp2:
0x7f: {  	[tilespmem:s30+$0x170] =	vst v1;
	(pc) =	sbr.rel @p1 .LBB2_4-.Ltmp2, $4  }
0x80: {  	[spmem:s2] =	stream.indirect.scatter.add.f32 [tilespmem:s20], [sflag:$0x2], $0x80, s22, s23, $0xb8;
	[tilespmem:$0x18980] =	vst v63  }
0x81: {  	_ =	swait.ge [sflag:s21], $0x2800  }
0x82: {  	[sflag:s21] =	ssyncset.done $0x0  }
0x83: {  	[sflag:s21] =	ssyncadd.s32 $0xFFFFD800  }
0x84: {  	[bflag:$0x0] =	sbarrier.arrive $0xFFFF;
	s0 =	simm.s32 @p0 $0x1FC2  }
0x85: {  	[hbm:s18], [sflag:s0] =	dma.local @p0 [spmem:s25], $0x2800  }
0x86: {  	s0 =	simm.s32 @p0 $0x2  }
0x87: {  	s4 =	sadd.s32 $0x1, s4;
	_ =	swait.ge @p0 [sflag:s0], $0x2800  }
0x88: {  	s28 =	sshll.u32 @!p0 s3, $0x6;
	p1 =	sne.s32 s4, s19;
	[sflag:s0] =	ssyncset.done @p0 $0x0  }
0x89: {  	[sflag:s0] =	ssyncadd.s32 @p0 $0xFFFFD800;
	s0 =	sor.u32 @!p0 $0x1C02, s28;
	s28 =	sshrl.u32 @!p0 s8, $0x3  }
0x8a: {  	[hbm:s17], [sflag:s0] =	dma.local @!p0 [spmem:s28], $0x2700  }
.Ltmp3:
0x8b: {  	_ = 	snop;
	(pc) =	sbr.rel @p1 .LBB2_1-.Ltmp3, $4  }
0x8c: {  	s0 =	simm.s32 @!p0 $0x2  }
0x8d: {  	_ =	swait.ge @!p0 [sflag:s0], $0x2700  }
0x8e: {  	[sflag:s0] =	ssyncset.done @!p0 $0x0  }
0x8f: {  	[sflag:s0] =	ssyncadd.s32 @!p0 $0xFFFFD900  }
0x90: {  	_ =	sfence.sel $0x180000  }
0x91: {  	[bflag:$0x0] =	sbarrier.arrive $0xFFFF  }
0x92: {  	_ =	strace $0x90000050  }
0x93: {  	[bflag:$0x2] =	sbarrier.arrive $0xFFFF  }
0x94: {  	p0 =	sne.s32 s3, $0x0;
	s0 =	rddreg [dreg:$0x3]  }
0x95: {  	s0 =	sadd.s32 @!p0 $0x100000, s0  }
0x96: {  	[sflag:s0] =	ssyncadd.tile.s32 @!p0 $0x1;
	_ =	shalt  }
.Lfunc_end2:
_tile_overlayer_lowered:
.L_overlay_start_2:
0x97: {  	(tag) =	ssettag $0x2  }
0x98: {  	s0 =	rddreg [dreg:$0x0];
	s2 =	stileid.u32  }
0x99: {  	s1 =	rddreg [dreg:$0x1];
	p0 =	sne.s32 s2, $0x0  }
0x9a: {  	s3 =	rddreg [dreg:$0x2];
	[bflag:$0x3] =	sbarrier.arrive $0xFFFF;
	s2 =	simm.s32 @!p0 $0x1C02  }
0x9b: {  	[timem:s3], [sflag:s2] =	dma.local @!p0 [hbm:s0], s1  }
0x9c: {  	s0 =	simm.s32 @!p0 $0x2  }
0x9d: {  	_ =	swait.ge @!p0 [sflag:s0], s1  }
0x9e: {  	s1 =	ssub.s32 @!p0 $0x0, s1;
	[sflag:s0] =	ssyncset.done @!p0 $0x0  }
0x9f: {  	[sflag:s0] =	ssyncadd.s32 @!p0 s1  }
0xa0: {  	[bflag:$0x3] =	sbarrier.arrive $0xFFFF  }
0xa1: {  	_ =	shalt  }

// kernel: kernel.29.cloned.1.call-start
scs
__scs_entry_jumppad:
0x0: {  	(pc) =	sbr.rel $0x88, $3  }
0x1: {  	(tag) =	ssettag $0x0;
	lr =	simm.s32 $0x1  }
0x2: {  	[smem:$0x3F86] =	sst lr;
	_ =	strace $0xD0000000  }
0x3: {  	_ = 	snop  }
0x4: {  	_ = 	snop  }
0x5: {  	_ = 	snop  }
0x6: {  	_ = 	snop  }
0x7: {  	_ = 	snop  }
__scs_overlays_trampoline_lowered:
0x8: {  	[smem:$0x3F95] =	sst s0  }
0x9: {  	[smem:$0x3F96] =	sst s1  }
0xa: {  	[smem:$0x3F97] =	sst s2  }
0xb: {  	[smem:$0x3F98] =	sst s3  }
0xc: {  	[smem:$0x3F99] =	sst s4  }
0xd: {  	[smem:$0x3F9A] =	sst s5  }
0xe: {  	[smem:$0x3F9B] =	sst s6  }
0xf: {  	[smem:$0x3F9C] =	sst s7  }
0x10: {  	[smem:$0x3F9D] =	sst s8  }
0x11: {  	[smem:$0x3F9E] =	sst s9;
	s0 =	simm.s32 @!p0 $0x0  }
0x12: {  	s1 =	sld [smem:$0x3F84];
	s0 =	simm.s32 @p0 $0x1  }
0x13: {  	[smem:$0x3F9F] =	sst s0;
	s0 =	simm.s32 @!p1 $0x0  }
0x14: {  	s2 =	sld [smem:$0x3F83];
	s0 =	simm.s32 @p1 $0x1  }
0x15: {  	[smem:$0x3FA0] =	sst s0;
	s0 =	simm.s32 @!p2 $0x0  }
0x16: {  	s3 =	sld [smem:$0x3FDB];
	s0 =	simm.s32 @p2 $0x1  }
0x17: {  	s4 =	simm.s32 $0x1BF5;
	[smem:$0x3FA2] =	sst s0  }
0x18: {  	s0 =	sld [smem:$0x3F85];
	_ =	swait.ge [sflag:s4], $0x0  }
0x19: {  	s7 =	sld [smem:$0x3F86]  }
0x1a: {  	s8 =	sadd.s32 $0xFFFFE003, lr  }
0x1b: {  	s9 =	sadd.s32 $0xFFFFFEF7, lr;
	s5 =	simm.s32 $0xFFFFFFFF;
	p2 =	slt.u32 s8, $0xFFFFF086  }
0x1c: {  	p1 =	slt.u32 s9, $0xF7A;
	s5 =	simm.s32 @!p2 $0x0  }
0x1d: {  	s5 =	simm.s32 @p1 $0x1;
	p0 =	seq.s32 s7, s2  }
0x1e: {  	s7 =	smul.u32 @!p0 $0xF7A, s2;
	p2 =	seq.s32 @!p0 s5, $0x0  }
0x1f: {  	s9 =	smul.u32 $0xF7A, s1;
	s8 =	simm.s32 @!p0 $0x1BF5;
	p2 =	por !p2, p0  }
0x20: {  	[sflag:s8] =	ssyncset.s32 @!p0 $0xFFFFF086;
	s6 =	sadd.s32 @!p0 s3, s7;
	s7 =	simm.s32 @!p0 $0x108  }
0x21: {  	s3 =	sadd.s32 s3, s9;
	s6 =	sadd.s32 @!p0 $0x88, s6;
	s7 =	simm.s32 @p2 $0x1082  }
0x22: {  	[simem:s7], [sflag:s8] =	dma.local @!p0 [hbm:s6], $0xF7A  }
0x23: {  	s9 =	sor.u32 $0xD0000000, s2;
	s6 =	simm.s32 $0x108;
	_ =	swait.ge @!p0 [sflag:s8], $0x0  }
0x24: {  	s3 =	sadd.s32 $0x88, s3;
	s6 =	simm.s32 @!p1 $0x1082;
	[sflag:s4] =	ssyncset.s32 $0xFFFFF086  }
0x25: {  	[simem:s6], [sflag:s4] =	dma.local [hbm:s3], $0xF7A  }
0x26: {  	[smem:$0x3F86] =	sst s1;
	(tag) =	ssettag s2;
	_ =	strace s9  }
0x27: {  	s1 =	sld [smem:$0x3F96]  }
0x28: {  	s2 =	sld [smem:$0x3F97]  }
0x29: {  	s4 =	sld [smem:$0x3F99]  }
0x2a: {  	p0 =	seq.s32 s5, $0x0;
	s5 =	sld [smem:$0x3F9A]  }
0x2b: {  	s6 =	sld [smem:$0x3F9B]  }
0x2c: {  	s7 =	sld [smem:$0x3F9C]  }
0x2d: {  	s3 =	simm.s32 $0x108;
	s8 =	sld [smem:$0x3F9D]  }
0x2e: {  	s3 =	simm.s32 @!p0 $0x1082;
	s9 =	sld [smem:$0x3F9E]  }
0x2f: {  	lr =	sadd.s32 s0, s3;
	s0 =	sld [smem:$0x3F95]  }
0x30: {  	s3 =	sld [smem:$0x3F98]  }
0x31: {  	[smem:$0x3FA1] =	sst s10  }
0x32: {  	s10 =	sld [smem:$0x3F9F];
	_ =	sdelay $0x3  }
0x33: {  	p0 =	seq.s32 s10, $0x1;
	s10 =	sld [smem:$0x3FA1];
	_ =	sdelay $0x3  }
0x34: {  	[smem:$0x3FA1] =	sst s10  }
0x35: {  	s10 =	sld [smem:$0x3FA0];
	_ =	sdelay $0x3  }
0x36: {  	p1 =	seq.s32 s10, $0x1;
	s10 =	sld [smem:$0x3FA1];
	_ =	sdelay $0x3  }
0x37: {  	[smem:$0x3FA1] =	sst s10  }
0x38: {  	s10 =	sld [smem:$0x3FA2]  }
0x39: {  	_ = 	snop;
	(pc) =	sbr.ind lr, $3  }
0x3a: {  	_ = 	snop  }
0x3b: {  	_ = 	snop  }
0x3c: {  	p2 =	seq.s32 s10, $0x1;
	s10 =	sld [smem:$0x3FA1]  }
0x3d: {  	_ =	shalt  }
0x3e: {  	_ =	shalt  }
0x3f: {  	_ =	shalt  }
0x40: {  	_ =	shalt  }
0x41: {  	_ =	shalt  }
0x42: {  	_ =	shalt  }
0x43: {  	_ =	shalt  }
0x44: {  	_ =	shalt  }
0x45: {  	_ =	shalt  }
0x46: {  	_ =	shalt  }
0x47: {  	_ =	shalt  }
0x48: {  	_ =	shalt  }
0x49: {  	_ =	shalt  }
0x4a: {  	_ =	shalt  }
0x4b: {  	_ =	shalt  }
0x4c: {  	_ =	shalt  }
0x4d: {  	_ =	shalt  }
0x4e: {  	_ =	shalt  }
0x4f: {  	_ =	shalt  }
0x50: {  	_ =	shalt  }
0x51: {  	_ =	shalt  }
0x52: {  	_ =	shalt  }
0x53: {  	_ =	shalt  }
0x54: {  	_ =	shalt  }
0x55: {  	_ =	shalt  }
0x56: {  	_ =	shalt  }
0x57: {  	_ =	shalt  }
0x58: {  	_ =	shalt  }
0x59: {  	_ =	shalt  }
0x5a: {  	_ =	shalt  }
0x5b: {  	_ =	shalt  }
0x5c: {  	_ =	shalt  }
0x5d: {  	_ =	shalt  }
0x5e: {  	_ =	shalt  }
0x5f: {  	_ =	shalt  }
0x60: {  	_ =	shalt  }
0x61: {  	_ =	shalt  }
0x62: {  	_ =	shalt  }
0x63: {  	_ =	shalt  }
0x64: {  	_ =	shalt  }
0x65: {  	_ =	shalt  }
0x66: {  	_ =	shalt  }
0x67: {  	_ =	shalt  }
0x68: {  	_ =	shalt  }
0x69: {  	_ =	shalt  }
0x6a: {  	_ =	shalt  }
0x6b: {  	_ =	shalt  }
0x6c: {  	_ =	shalt  }
0x6d: {  	_ =	shalt  }
0x6e: {  	_ =	shalt  }
0x6f: {  	_ =	shalt  }
0x70: {  	_ =	shalt  }
0x71: {  	_ =	shalt  }
0x72: {  	_ =	shalt  }
0x73: {  	_ =	shalt  }
0x74: {  	_ =	shalt  }
0x75: {  	_ =	shalt  }
0x76: {  	_ =	shalt  }
0x77: {  	_ =	shalt  }
0x78: {  	_ =	shalt  }
0x79: {  	_ =	shalt  }
0x7a: {  	_ =	shalt  }
0x7b: {  	_ =	shalt  }
0x7c: {  	_ =	shalt  }
0x7d: {  	_ =	shalt  }
0x7e: {  	_ =	shalt  }
0x7f: {  	_ =	shalt  }
0x80: {  	_ =	shalt  }
0x81: {  	_ =	shalt  }
0x82: {  	_ =	shalt  }
0x83: {  	_ =	shalt  }
0x84: {  	_ =	shalt  }
0x85: {  	_ =	shalt  }
0x86: {  	_ =	shalt  }
0x87: {  	_ =	shalt  }
.Lfunc_end0:
.L_simem_size_0:
called_computation.4_lowered:
.L_overlay_start_0:
0x88: {  	s2 =	sld [smem:$0x3FD9]  }
0x89: {  	s3 =	sld [smem:$0x3FFE];
	_ =	sdelay $0x1  }
0x8a: {  	s1 =	srdreg.scid  }
0x8b: {  	s0 =	sand.u32 $0x1, s1  }
0x8c: {  	s14 =	sshll.u32 s0, $0xA;
	s2 =	sadd.s32 s3, s2  }
0x8d: {  	s2 =	sadd.s32 s2, s14  }
0x8e: {  	[smem:$0x3FAD] =	sst s2  }
0x8f: {  	_ = 	snop  }
0x90: {  	s2 =	sld [smem:$0x3FD0];
	_ =	sdelay $0x1  }
0x91: {  	s15 =	sld [smem:$0x3FC5]  }
0x92: {  	s5 =	simm.s32 $0xA;
	s6 =	simm.s32 $0x10;
	s4 =	sld [smem:$0x3FC4]  }
0x93: {  	[smem:s6], [sflag:s5] =	dma.local [hbm:s2], $0x1  }
0x94: {  	_ =	swait.eq [sflag:s5], $0x1  }
0x95: {  	[sflag:s5] =	ssyncset.done $0x0  }
0x96: {  	[sflag:s5] =	ssyncadd.s32 $0xFFFFFFFF  }
0x97: {  	s16 =	sld [smem:$0x11];
	(tm) =	ssettm $0x1  }
0x98: {  	s17 =	sld [smem:$0x3FFB];
	_ =	sdelay $0x3  }
0x99: {  	_ =	strace s17  }
0x9a: {  	s5 =	sld [smem:$0x3FFC];
	_ =	sdelay $0x3  }
0x9b: {  	_ =	strace s5  }
0x9c: {  	s5 =	sld [smem:$0x3FFD];
	_ =	sdelay $0x3  }
0x9d: {  	_ =	strace s5  }
0x9e: {  	_ =	strace $0x8FFFFFFF  }
0x9f: {  	s18 =	sld [smem:$0x3FDB];
	_ =	sdelay $0x1  }
0xa0: {  	s19 =	simm.s32 $_scs_section_size  }
0xa1: {  	s7 =	simm.s32 $_size__tile_overlayer_lowered;
	s8 =	simm.s32 $_tile_overlayer_lowered  }
0xa2: {  	s22 =	simm.s32 $0x1BFF;
	s21 =	sshll.u32 s8, $0x1;
	s5 =	sadd.s32 s19, s18  }
0xa3: {  	s9 =	simm.s32 $0x0;
	s20 =	sshll.u32 s7, $0x1;
	s7 =	sadd.s32 s21, s5  }
0xa4: {  	[timem:s9], [sflag:s22] =	dma.local [hbm:s7], s20  }
0xa5: {  	_ =	swait.ge [sflag:s22], s20  }
0xa6: {  	s6 =	ssub.s32 $0x0, s20;
	[sflag:s22] =	ssyncset.done $0x0  }
0xa7: {  	[sflag:s22] =	ssyncadd.s32 s6;
	_ =	sdelay $0x1  }
0xa8: {  	s23 =	simm.s32 $0x1B8B  }
0xa9: {  	_ =	swait.ge [sflag:s23], $0x1  }
0xaa: {  	[sflag:s23] =	ssyncset.done $0x0  }
0xab: {  	s25 =	simm.s32 $0x1B8E;
	s24 =	sld [smem:$0x3FFE];
	[sflag:s23] =	ssyncadd.s32 $0xFFFFFFFF  }
0xac: {  	s26 =	simm.s32 $execute0_lowered;
	[smem:$0x3FD2] =	sst s25  }
0xad: {  	s7 =	sshll.u32 s26, $0x1;
	_ =	strace $0x80000052;
	[dreg:$0x1] =	wrdreg $0xFFFFFFFF  }
0xae: {  	s28 =	simm.s32 $_size_execute0_lowered;
	s5 =	sadd.s32 s5, s7;
	[dreg:$0x0] =	wrdreg $0x0  }
0xaf: {  	s7 =	sshll.u32 s28, $0x1;
	[dreg:$0x2] =	wrdreg s5  }
0xb0: {  	[dreg:$0x3] =	wrdreg s7  }
0xb1: {  	[dreg:$0x4] =	wrdreg $0xC0  }
0xb2: {  	_ =	task [dreg:s9], $0x5FFFF  }
0xb3: {  	[dreg:$0x1] =	wrdreg $0xFFFFFFFF  }
0xb4: {  	[dreg:$0x0] =	wrdreg $0x60  }
0xb5: {  	[dreg:$0x2] =	wrdreg s16  }
0xb6: {  	[dreg:$0x3] =	wrdreg s15  }
0xb7: {  	[dreg:$0x4] =	wrdreg s4  }
0xb8: {  	[dreg:$0x5] =	wrdreg s24  }
0xb9: {  	[dreg:$0x6] =	wrdreg $0x29800  }
0xba: {  	[dreg:$0x7] =	wrdreg $0x9  }
0xbb: {  	_ =	task.clear_ibuf [dreg:s9], $0x8FFFF;
	_ =	strace $0x90000052  }
0xbc: {  	s29 =	simm.s32 $0x9;
	_ =	strace $0x80000054  }
0xbd: {  	_ =	swait.ge [sflag:s29], $0x1  }
0xbe: {  	[sflag:s29] =	ssyncadd.s32 $0xFFFFFFFF  }
0xbf: {  	_ =	strace $0x90000054  }
0xc0: {  	_ =	sfence  }
0xc1: {  	s30 =	sld [smem:$0x0];
	_ =	sdelay $0x2  }
0xc2: {  	s31 =	sshll.u32 s1, $0xD;
	s1 =	sshrl.u32 s1, $0x2  }
0xc3: {  	s3 =	sand.u32 $0x4000, s31;
	s1 =	sadd.s32 s1, s30  }
0xc4: {  	s0 =	sor.u32 s3, s0;
	s1 =	sshll.u32 s1, $0x11  }
0xc5: {  	s0 =	sor.u32 s1, s0  }
0xc6: {  	s0 =	sadd.s32 $0x8F2B, s0  }
0xc7: {  	[sflag:s0] =	ssyncadd.remote.s32 $0x1  }
0xc8: {  	_ =	sfence.sel $0xFFFF  }
0xc9: {  	[dreg:$0x0] =	wrdreg $0xFFFFFFFF;
	(pc) =	sbr.abs _section_cstart, $3  }
0xca: {  	[dreg:$0x1] =	wrdreg $0xFFFFFFFF  }
0xcb: {  	_ =	task.clear_ibuf [dreg:s9], $0x2FFFF;
	_ =	strace $0x9FFFFFFF  }
0xcc: {  	(tm) =	ssettm $0x7FFFFFFF  }
0xcd: {  	_ =	shalt  }
tec
execute0_lowered:
.L_overlay_start_1:
0x0: {  	(tag) =	ssettag $0x1  }
0x1: {  	s1 =	rddreg [dreg:$0x0]  }
0x2: {  	s0 =	rddreg [dreg:$0x1]  }
0x3: {  	s3 =	rddreg [dreg:$0x2]  }
0x4: {  	s5 =	rddreg [dreg:$0x3]  }
0x5: {  	s2 =	rddreg [dreg:$0x4];
	s6 =	srdreg.scid  }
0x6: {  	s4 =	simm.s32 $0x0;
	s13 =	stileid.u32;
	s28 =	simm.s32 $0x1  }
0x7: {  	s29 =	simm.s32 $0x880;
	s30 =	simm.s32 $0x40;
	s31 =	simm.s32 $0x900  }
0x8: {  	s10 =	sand.u32 $0x1, s6;
	[smem:$0x7FF] =	sst s4;
	s20 =	sadd.s32 $0xF12C00, s5  }
0x9: {  	s21 =	sadd.s32 $0xF12600, s5;
	s7 =	smul.u32 $0x5000, s13;
	s15 =	sshll.u32 s13, $0x9  }
0xa: {  	s23 =	sshll.u32 s13, $0xC;
	s6 =	sshll.u32 s10, $0x4;
	_ =	strace $0x80000053  }
0xb: {  	s11 =	ssub.s32 $0x2, s10;
	s22 =	sshll.u32 s10, $0xD;
	s8 =	sor.u32 s13, s6  }
0xc: {  	s16 =	sshrl.u32 s11, $0x1;
	s7 =	sshrl.u32 s7, $0x2;
	s6 =	sshll.u32 s8, $0x8  }
0xd: {  	s12 =	ssub.s32 s11, s16;
	s17 =	sadd.s32 s7, s2;
	s18 =	sshll.u32 s8, $0x1  }
0xe: {  	s19 =	smul.u32 $0x140, s8;
	s9 =	sadd.s32 s6, s5;
	s5 =	sadd.s32 s15, s5  }
0xf: {  	[dreg:$0x6] =	wrdreg s17;
	s6 =	sadd.s32 s0, s18;
	s8 =	sadd.s32 s3, s18  }
0x10: {  	s12 =	smax.u32 s12, $0x1;
	s7 =	sadd.s32 $0xCE00, s9;
	s9 =	sadd.s32 $0xEE00, s9  }
0x11: {  	s3 =	sadd.s32 s22, s5;
	s0 =	sshrl.u32 s19, $0x3;
	s5 =	sadd.s32 s23, s2  }
0x12: {  	s22 =	simm.s32 $0x980;
	s23 =	simm.s32 $0x2;
	s10 =	sadd.s32 $0x8E00, s3  }
0x13: {  	s11 =	sadd.s32 s20, s0;
	s13 =	sadd.s32 s21, s0;
	s24 =	sadd.s32 $0x8, s0  }
0x14: {  	s25 =	sadd.s32 $0x10, s0;
	s26 =	sadd.s32 $0x18, s0;
	s0 =	sadd.s32 $0x20, s0  }
0x15: {  	s14 =	sadd.s32 s20, s24;
	s15 =	sadd.s32 s21, s24;
	s16 =	sadd.s32 s20, s25  }
0x16: {  	s17 =	sadd.s32 s21, s25;
	s18 =	sadd.s32 s20, s26;
	s19 =	sadd.s32 s21, s26  }
0x17: {  	s20 =	sadd.s32 s20, s0;
	s21 =	sadd.s32 s21, s0;
	s24 =	simm.s32 $0x10  }
0x18: {  	v0 =	vimm.f32 $0.0e+00;
	s25 =	sshrl.u32 s5, $0x3;
	s26 =	simm.s32 $0x80;
	s0 =	simm.s32 $0x0  }
.LBB2_1:
0x19: {  	s3 =	simm.s32 $0x0;
	s5 =	simm.s32 $0x200  }
.LBB2_2:
0x1a: {  	p0 =	sne.s32 s5, $0x7E00;
	[tilespmem:s3+$0x9F0] =	vst v0  }
0x1b: {  	[tilespmem:s3+$0x980] =	vst v0  }
0x1c: {  	[tilespmem:s3+$0x990] =	vst v0  }
.Ltmp0:
0x1d: {  	[tilespmem:s3+$0x9A0] =	vst v0;
	(pc) =	sbr.rel @p0 .LBB2_2-.Ltmp0, $4  }
0x1e: {  	[tilespmem:s3+$0x9B0] =	vst v0  }
0x1f: {  	[tilespmem:s3+$0x9C0] =	vst v0  }
0x20: {  	[tilespmem:s3+$0x9D0] =	vst v0  }
0x21: {  	[tilespmem:s3+$0x9E0] =	vst v0;
	s3 =	sshra.s32 s5, $0x2;
	s5 =	sadd.s32 $0x200, s5  }
0x22: {  	[tilespmem:s3+$0x9F0] =	vst v0  }
0x23: {  	[tilespmem:s3+$0x980] =	vst v0  }
0x24: {  	[tilespmem:s3+$0x990] =	vst v0  }
0x25: {  	[tilespmem:s3+$0x9A0] =	vst v0  }
0x26: {  	[tilespmem:s3+$0x9B0] =	vst v0  }
0x27: {  	[tilespmem:s3+$0x9C0] =	vst v0  }
0x28: {  	[tilespmem:s3+$0x9D0] =	vst v0  }
0x29: {  	[tilespmem:s3+$0x9E0] =	vst v0;
	s5 =	rddreg [dreg:$0x6]  }
0x2a: {  	[spmem:s5] =	stream.linear.scatter [tilespmem:s22], [sflag:$0x2], $0x1400, $0x38;
	[tilespmem:$0x3D80] =	vst v63  }
0x2b: {  	_ =	swait.ge [sflag:s23], $0x1400  }
0x2c: {  	[sflag:s23] =	ssyncset.done $0x0  }
0x2d: {  	[sflag:s23] =	ssyncadd.s32 $0xFFFFEC00  }
0x2e: {  	[bflag:$0x0] =	sbarrier.arrive $0xFFFF  }
0x2f: {  	[tilespmem:s4], [sflag:$0x2] =	stream.linear.gather [hbm4b:s6+s4], $0x10, $0x38;
	[tilespmem:$0x3D80] =	vst v63  }
0x30: {  	_ =	swait.ge [sflag:s23], $0x10  }
0x31: {  	[sflag:s23] =	ssyncset.done $0x0  }
0x32: {  	[sflag:s23] =	ssyncadd.s32 $0xFFFFFFF0  }
0x33: {  	[tilespmem:s26], [sflag:$0x1] =	stream.indirect.gather [hbm4b:s1+s24], $0x80, s4, s24, $0xb8;
	[tilespmem:$0x3D80] =	vst v63  }
0x34: {  	_ =	swait.ge [sflag:s28], $0x800  }
0x35: {  	[sflag:s28] =	ssyncset.done $0x0  }
0x36: {  	[sflag:s28] =	ssyncadd.s32 $0xFFFFF800  }
0x37: {  	[hbm4b:s7+s4] =	stream.linear.scatter [tilespmem:s26], [sflag:$0x2], $0x800, $0x38;
	[tilespmem:$0x3D80] =	vst v63  }
0x38: {  	_ =	swait.ge [sflag:s23], $0x800  }
0x39: {  	[sflag:s23] =	ssyncset.done $0x0  }
0x3a: {  	[sflag:s23] =	ssyncadd.s32 $0xFFFFF800  }
0x3b: {  	[tilespmem:s4], [sflag:$0x2] =	stream.linear.gather [hbm4b:s8+s4], $0x10, $0x38;
	[tilespmem:$0x3D80] =	vst v63  }
0x3c: {  	_ =	swait.ge [sflag:s23], $0x10  }
0x3d: {  	[sflag:s23] =	ssyncset.done $0x0  }
0x3e: {  	[sflag:s23] =	ssyncadd.s32 $0xFFFFFFF0  }
0x3f: {  	[tilespmem:s26], [sflag:$0x1] =	stream.indirect.gather [hbm4b:s1+s24], $0x80, s4, s24, $0xb8;
	[tilespmem:$0x3D80] =	vst v63  }
0x40: {  	_ =	swait.ge [sflag:s28], $0x800  }
0x41: {  	[sflag:s28] =	ssyncset.done $0x0  }
0x42: {  	[sflag:s28] =	ssyncadd.s32 $0xFFFFF800  }
0x43: {  	[hbm4b:s9+s4] =	stream.linear.scatter [tilespmem:s26], [sflag:$0x2], $0x800, $0x38;
	[tilespmem:$0x3D80] =	vst v63  }
0x44: {  	_ =	swait.ge [sflag:s23], $0x800  }
0x45: {  	[sflag:s23] =	ssyncset.done $0x0  }
0x46: {  	[sflag:s23] =	ssyncadd.s32 $0xFFFFF800  }
0x47: {  	[tilespmem:s29], [sflag:$0x2] =	stream.linear.gather [hbm4b:s11+s4], $0x40, $0x38;
	[tilespmem:$0x3D80] =	vst v63  }
0x48: {  	_ =	swait.ge [sflag:s23], $0x40  }
0x49: {  	[sflag:s23] =	ssyncset.done $0x0  }
0x4a: {  	[sflag:s23] =	ssyncadd.s32 $0xFFFFFFC0  }
0x4b: {  	[tilespmem:s22], [sflag:$0x1] =	stream.indirect.gather [hbm4b:s1+s30], $0x80, s29, s30, $0xb8;
	[tilespmem:$0x3D80] =	vst v63  }
0x4c: {  	_ =	swait.ge [sflag:s28], $0x2000  }
0x4d: {  	[sflag:s28] =	ssyncset.done $0x0  }
0x4e: {  	[sflag:s28] =	ssyncadd.s32 $0xFFFFE000  }
0x4f: {  	[tilespmem:s31], [sflag:$0x2] =	stream.linear.gather [hbm4b:s13+s4], $0x40, $0x38;
	[tilespmem:$0x3D80] =	vst v63  }
0x50: {  	_ =	swait.ge [sflag:s23], $0x40  }
0x51: {  	[sflag:s23] =	ssyncset.done $0x0  }
0x52: {  	[sflag:s23] =	ssyncadd.s32 $0xFFFFFFC0  }
0x53: {  	[spmem:s2] =	stream.indirect.scatter.add.f32 [tilespmem:s22], [sflag:$0x2], $0x80, s31, s30, $0xb8;
	[tilespmem:$0x3D80] =	vst v63  }
0x54: {  	_ =	swait.ge [sflag:s23], $0x2000  }
0x55: {  	[sflag:s23] =	ssyncset.done $0x0  }
0x56: {  	[sflag:s23] =	ssyncadd.s32 $0xFFFFE000  }
0x57: {  	[tilespmem:s29], [sflag:$0x2] =	stream.linear.gather [hbm4b:s14+s4], $0x40, $0x38;
	[tilespmem:$0x3D80] =	vst v63  }
0x58: {  	_ =	swait.ge [sflag:s23], $0x40  }
0x59: {  	[sflag:s23] =	ssyncset.done $0x0  }
0x5a: {  	[sflag:s23] =	ssyncadd.s32 $0xFFFFFFC0  }
0x5b: {  	[tilespmem:s22], [sflag:$0x1] =	stream.indirect.gather [hbm4b:s1+s30], $0x80, s29, s30, $0xb8;
	[tilespmem:$0x3D80] =	vst v63  }
0x5c: {  	_ =	swait.ge [sflag:s28], $0x2000  }
0x5d: {  	[sflag:s28] =	ssyncset.done $0x0  }
0x5e: {  	[sflag:s28] =	ssyncadd.s32 $0xFFFFE000  }
0x5f: {  	[tilespmem:s31], [sflag:$0x2] =	stream.linear.gather [hbm4b:s15+s4], $0x40, $0x38;
	[tilespmem:$0x3D80] =	vst v63  }
0x60: {  	_ =	swait.ge [sflag:s23], $0x40  }
0x61: {  	[sflag:s23] =	ssyncset.done $0x0  }
0x62: {  	[sflag:s23] =	ssyncadd.s32 $0xFFFFFFC0  }
0x63: {  	[spmem:s2] =	stream.indirect.scatter.add.f32 [tilespmem:s22], [sflag:$0x2], $0x80, s31, s30, $0xb8;
	[tilespmem:$0x3D80] =	vst v63  }
0x64: {  	_ =	swait.ge [sflag:s23], $0x2000  }
0x65: {  	[sflag:s23] =	ssyncset.done $0x0  }
0x66: {  	[sflag:s23] =	ssyncadd.s32 $0xFFFFE000  }
0x67: {  	[tilespmem:s29], [sflag:$0x2] =	stream.linear.gather [hbm4b:s16+s4], $0x40, $0x38;
	[tilespmem:$0x3D80] =	vst v63  }
0x68: {  	_ =	swait.ge [sflag:s23], $0x40  }
0x69: {  	[sflag:s23] =	ssyncset.done $0x0  }
0x6a: {  	[sflag:s23] =	ssyncadd.s32 $0xFFFFFFC0  }
0x6b: {  	[tilespmem:s22], [sflag:$0x1] =	stream.indirect.gather [hbm4b:s1+s30], $0x80, s29, s30, $0xb8;
	[tilespmem:$0x3D80] =	vst v63  }
0x6c: {  	_ =	swait.ge [sflag:s28], $0x2000  }
0x6d: {  	[sflag:s28] =	ssyncset.done $0x0  }
0x6e: {  	[sflag:s28] =	ssyncadd.s32 $0xFFFFE000  }
0x6f: {  	[tilespmem:s31], [sflag:$0x2] =	stream.linear.gather [hbm4b:s17+s4], $0x40, $0x38;
	[tilespmem:$0x3D80] =	vst v63  }
0x70: {  	_ =	swait.ge [sflag:s23], $0x40  }
0x71: {  	[sflag:s23] =	ssyncset.done $0x0  }
0x72: {  	[sflag:s23] =	ssyncadd.s32 $0xFFFFFFC0  }
0x73: {  	[spmem:s2] =	stream.indirect.scatter.add.f32 [tilespmem:s22], [sflag:$0x2], $0x80, s31, s30, $0xb8;
	[tilespmem:$0x3D80] =	vst v63  }
0x74: {  	_ =	swait.ge [sflag:s23], $0x2000  }
0x75: {  	[sflag:s23] =	ssyncset.done $0x0  }
0x76: {  	[sflag:s23] =	ssyncadd.s32 $0xFFFFE000  }
0x77: {  	[tilespmem:s29], [sflag:$0x2] =	stream.linear.gather [hbm4b:s18+s4], $0x40, $0x38;
	[tilespmem:$0x3D80] =	vst v63  }
0x78: {  	_ =	swait.ge [sflag:s23], $0x40  }
0x79: {  	[sflag:s23] =	ssyncset.done $0x0  }
0x7a: {  	[sflag:s23] =	ssyncadd.s32 $0xFFFFFFC0  }
0x7b: {  	[tilespmem:s22], [sflag:$0x1] =	stream.indirect.gather [hbm4b:s1+s30], $0x80, s29, s30, $0xb8;
	[tilespmem:$0x3D80] =	vst v63  }
0x7c: {  	_ =	swait.ge [sflag:s28], $0x2000  }
0x7d: {  	[sflag:s28] =	ssyncset.done $0x0  }
0x7e: {  	[sflag:s28] =	ssyncadd.s32 $0xFFFFE000  }
0x7f: {  	[tilespmem:s31], [sflag:$0x2] =	stream.linear.gather [hbm4b:s19+s4], $0x40, $0x38;
	[tilespmem:$0x3D80] =	vst v63  }
0x80: {  	_ =	swait.ge [sflag:s23], $0x40  }
0x81: {  	[sflag:s23] =	ssyncset.done $0x0  }
0x82: {  	[sflag:s23] =	ssyncadd.s32 $0xFFFFFFC0  }
0x83: {  	[spmem:s2] =	stream.indirect.scatter.add.f32 [tilespmem:s22], [sflag:$0x2], $0x80, s31, s30, $0xb8;
	[tilespmem:$0x3D80] =	vst v63  }
0x84: {  	_ =	swait.ge [sflag:s23], $0x2000  }
0x85: {  	[sflag:s23] =	ssyncset.done $0x0  }
0x86: {  	[sflag:s23] =	ssyncadd.s32 $0xFFFFE000  }
0x87: {  	[tilespmem:s29], [sflag:$0x2] =	stream.linear.gather [hbm4b:s20+s4], $0x40, $0x38;
	[tilespmem:$0x3D80] =	vst v63  }
0x88: {  	_ =	swait.ge [sflag:s23], $0x40  }
0x89: {  	[sflag:s23] =	ssyncset.done $0x0  }
0x8a: {  	[sflag:s23] =	ssyncadd.s32 $0xFFFFFFC0  }
0x8b: {  	[tilespmem:s22], [sflag:$0x1] =	stream.indirect.gather [hbm4b:s1+s30], $0x80, s29, s30, $0xb8;
	[tilespmem:$0x3D80] =	vst v63  }
0x8c: {  	_ =	swait.ge [sflag:s28], $0x2000  }
0x8d: {  	[sflag:s28] =	ssyncset.done $0x0  }
0x8e: {  	[sflag:s28] =	ssyncadd.s32 $0xFFFFE000  }
0x8f: {  	[tilespmem:s31], [sflag:$0x2] =	stream.linear.gather [hbm4b:s21+s4], $0x40, $0x38;
	[tilespmem:$0x3D80] =	vst v63  }
0x90: {  	_ =	swait.ge [sflag:s23], $0x40  }
0x91: {  	[sflag:s23] =	ssyncset.done $0x0  }
0x92: {  	[sflag:s23] =	ssyncadd.s32 $0xFFFFFFC0  }
0x93: {  	[spmem:s2] =	stream.indirect.scatter.add.f32 [tilespmem:s22], [sflag:$0x2], $0x80, s31, s30, $0xb8;
	[tilespmem:$0x3D80] =	vst v63  }
0x94: {  	_ =	swait.ge [sflag:s23], $0x2000  }
0x95: {  	s0 =	sadd.s32 $0x1, s0;
	s5 =	stileid.u32;
	[sflag:s23] =	ssyncset.done $0x0  }
0x96: {  	p0 =	sne.s32 s0, s12;
	s3 =	sshll.u32 s5, $0x6;
	[sflag:s23] =	ssyncadd.s32 $0xFFFFE000  }
.Ltmp1:
0x97: {  	s3 =	sor.u32 $0x1C02, s3;
	[bflag:$0x0] =	sbarrier.arrive $0xFFFF;
	(pc) =	sbr.rel @p0 .LBB2_1-.Ltmp1, $4  }
0x98: {  	[hbm:s10], [sflag:s3] =	dma.local [spmem:s25], $0x200  }
0x99: {  	_ =	swait.ge [sflag:s23], $0x200  }
0x9a: {  	[sflag:s23] =	ssyncset.done $0x0  }
0x9b: {  	[sflag:s23] =	ssyncadd.s32 $0xFFFFFE00  }
0x9c: {  	_ =	sfence.sel $0x180000  }
0x9d: {  	[bflag:$0x0] =	sbarrier.arrive $0xFFFF  }
0x9e: {  	_ =	strace $0x90000053  }
0x9f: {  	s0 =	stileid.u32;
	[bflag:$0x2] =	sbarrier.arrive $0xFFFF  }
0xa0: {  	p0 =	sne.s32 s0, $0x0;
	s0 =	rddreg [dreg:$0x5]  }
0xa1: {  	s0 =	sadd.s32 @!p0 $0x100000, s0  }
0xa2: {  	[sflag:s0] =	ssyncadd.tile.s32 @!p0 $0x1;
	_ =	shalt  }
.Lfunc_end2:
_tile_overlayer_lowered:
.L_overlay_start_2:
0xa3: {  	(tag) =	ssettag $0x2  }
0xa4: {  	s0 =	rddreg [dreg:$0x0];
	s2 =	stileid.u32  }
0xa5: {  	s1 =	rddreg [dreg:$0x1];
	p0 =	sne.s32 s2, $0x0  }
0xa6: {  	s3 =	rddreg [dreg:$0x2];
	[bflag:$0x3] =	sbarrier.arrive $0xFFFF;
	s2 =	simm.s32 @!p0 $0x1C02  }
0xa7: {  	[timem:s3], [sflag:s2] =	dma.local @!p0 [hbm:s0], s1  }
0xa8: {  	s0 =	simm.s32 @!p0 $0x2  }
0xa9: {  	_ =	swait.ge @!p0 [sflag:s0], s1  }
0xaa: {  	s1 =	ssub.s32 @!p0 $0x0, s1;
	[sflag:s0] =	ssyncset.done @!p0 $0x0  }
0xab: {  	[sflag:s0] =	ssyncadd.s32 @!p0 s1  }
0xac: {  	[bflag:$0x3] =	sbarrier.arrive $0xFFFF  }
0xad: {  	_ =	shalt  }

</sc_bundles>
